<compile_context>
chip_gen: v7x
topology: tpu7x:2x2x1
jax: 0.10.2.dev20260603
libtpu: 0.0.44.dev20260713+nightly
codegen_flags: <defaults>
</compile_context>

<pallas_src>
import functools

import jax
import jax.numpy as jnp
from jax import lax
from jax.experimental import pallas as pl
from jax.experimental.pallas import tpu as pltpu
from jax.experimental.pallas import tpu_sc as plsc

N = 10000
NPAD = 10240
E = 320000
EPAD = 327680
NW = 32
EB = 80
LB = 128
D_IN = 128
DH = 35
DHP = 48
DO = 2
DOP = 16
RB = 2048
NSLICE = NPAD // 16


def _mesh():
    return plsc.VectorSubcoreMesh(core_axis_name="c", subcore_axis_name="s")


_SC_PARAMS = pltpu.CompilerParams(use_tc_tiling_on_sc=False,
                                  needs_layout_passes=False)


def _deg_body(dst_hbm, out_hbm, idx_v, ones_v, zbuf_v, deg_sh, dsem):
    cid = lax.axis_index("c")
    sid = lax.axis_index("s")
    tile = cid * 16 + sid

    def zb(i, _):
        zbuf_v[pl.ds(i * 16, 16)] = jnp.zeros((16,), jnp.float32)
        return 0

    lax.fori_loop(0, NSLICE // 16, zb, 0)

    def ob(i, _):
        ones_v[pl.ds(i * 16, 16)] = jnp.ones((16,), jnp.float32)
        return 0

    lax.fori_loop(0, LB // 16, ob, 0)
    pltpu.sync_copy(zbuf_v, deg_sh.at[pl.ds(sid * NSLICE, NSLICE)])
    plsc.subcore_barrier()
    pltpu.sync_copy(dst_hbm.at[tile], idx_v)

    def chunk(c, _):
        def fire(j, _):
            pltpu.async_copy(ones_v, deg_sh.at[idx_v.at[c * 40 + j]],
                             dsem, add=True)
            return 0

        lax.fori_loop(0, 40, fire, 0)

        def drain(j, _):
            pltpu.make_async_copy(ones_v, deg_sh.at[idx_v.at[0]],
                                  dsem).wait()
            return 0

        lax.fori_loop(0, 40, drain, 0)
        return 0

    lax.fori_loop(0, EB // 40, chunk, 0)
    plsc.subcore_barrier()
    pltpu.sync_copy(deg_sh.at[pl.ds(sid * NSLICE, NSLICE)],
                    out_hbm.at[cid, pl.ds(sid * NSLICE, NSLICE)])


def _make_deg():
    return functools.partial(
        pl.kernel,
        out_type=jax.ShapeDtypeStruct((2, NPAD), jnp.float32),
        mesh=_mesh(),
        scratch_types=[
            pltpu.VMEM((EB, LB), jnp.int32),
            pltpu.VMEM((LB,), jnp.float32),
            pltpu.VMEM((NSLICE,), jnp.float32),
            pltpu.VMEM_SHARED((NPAD,), jnp.float32),
            pltpu.SemaphoreType.DMA,
        ],
        compiler_params=_SC_PARAMS,
    )(_deg_body)


def _make_msg(width, fuse_deg, stage_tab=True, nbuf=4):
    niter = EB // nbuf

    def body(*args):
        sems = args[len(args) - 2 * nbuf:]
        gsem = sems[:nbuf]
        ssem = sems[nbuf:]
        if fuse_deg:
            (rows_hbm, src_hbm, dst_hbm, degp_hbm, out_hbm, dinv_hbm,
             sidx, didx, rows, zbuf, degv, degv2, dv, rv,
             tab, acc) = args[:16]
        elif stage_tab:
            (rows_hbm, src_hbm, dst_hbm, out_hbm,
             sidx, didx, rows, zbuf,
             tab, acc) = args[:10]
        else:
            (rows_hbm, src_hbm, dst_hbm, out_hbm,
             sidx, didx, rows, zbuf,
             acc) = args[:9]
            tab = rows_hbm
        cid = lax.axis_index("c")
        sid = lax.axis_index("s")
        tile = cid * 16 + sid

        def zb(i, _):
            for k in range(width // 16):
                zbuf[i, pl.ds(k * 16, 16)] = jnp.zeros((16,), jnp.float32)
            return 0

        lax.fori_loop(0, LB, zb, 0)
        for r in range(NSLICE // LB):
            pltpu.sync_copy(zbuf,
                            acc.at[pl.ds(sid * NSLICE + r * LB, LB)])

        if fuse_deg:
            pltpu.sync_copy(degp_hbm.at[0, pl.ds(sid * NSLICE, NSLICE)],
                            degv)
            pltpu.sync_copy(degp_hbm.at[1, pl.ds(sid * NSLICE, NSLICE)],
                            degv2)

            def nwt(i, _):
                d = (degv[pl.ds(i * 16, 16)] + degv2[pl.ds(i * 16, 16)]
                     + 1.0)
                ib = plsc.bitcast(d, jnp.int32)
                y = plsc.bitcast(jnp.int32(0x5F3759DF) - (ib >> 1),
                                 jnp.float32)
                for _u in range(3):
                    y = y * (1.5 - 0.5 * d * y * y)
                dv[pl.ds(i * 16, 16)] = y
                return 0

            lax.fori_loop(0, NSLICE // 16, nwt, 0)
            pltpu.sync_copy(dv, dinv_hbm.at[cid,
                                            pl.ds(sid * NSLICE, NSLICE)])

            def schunk(c, _):
                base = sid * NSLICE + c * LB
                pltpu.sync_copy(rows_hbm.at[pl.ds(base, LB)], rv)

                def srow(r, _):
                    dvec = plsc.load_gather(
                        dv, [jnp.full((16,), c * LB + r, jnp.int32)])
                    for k in range(width // 16):
                        rv[r, pl.ds(k * 16, 16)] = (
                            rv[r, pl.ds(k * 16, 16)] * dvec)
                    return 0

                lax.fori_loop(0, LB, srow, 0)
                pltpu.sync_copy(rv, tab.at[pl.ds(base, LB)])
                return 0

            lax.fori_loop(0, NSLICE // LB, schunk, 0)
        elif stage_tab:
            pltpu.sync_copy(rows_hbm.at[pl.ds(sid * NSLICE, NSLICE)],
                            tab.at[pl.ds(sid * NSLICE, NSLICE)])
        plsc.subcore_barrier()

        pltpu.sync_copy(src_hbm.at[tile], sidx)
        pltpu.sync_copy(dst_hbm.at[tile], didx)

        def g_start(b, jj):
            pltpu.async_copy(tab.at[sidx.at[jj]], rows.at[b], gsem[b])

        def g_wait(b, jj):
            pltpu.make_async_copy(tab.at[sidx.at[jj]], rows.at[b],
                                  gsem[b]).wait()

        def s_start(b, jj):
            pltpu.async_copy(rows.at[b], acc.at[didx.at[jj]], ssem[b],
                             add=True)

        def s_wait(b, jj):
            pltpu.make_async_copy(rows.at[b], acc.at[didx.at[jj]],
                                  ssem[b]).wait()

        for b in range(nbuf):
            g_start(b, b)

        def it(i, _):
            for b in range(nbuf):
                g_wait(b, i * nbuf + b)
                s_start(b, i * nbuf + b)

            @pl.when(i < niter - 1)
            def _():
                for b in range(nbuf):
                    s_wait(b, i * nbuf + b)
                    g_start(b, (i + 1) * nbuf + b)

            return 0

        lax.fori_loop(0, niter, it, 0)
        for b in range(nbuf):
            s_wait(b, b)
        plsc.subcore_barrier()
        pltpu.sync_copy(acc.at[pl.ds(sid * NSLICE, NSLICE)],
                        out_hbm.at[cid, pl.ds(sid * NSLICE, NSLICE)])

    if fuse_deg:
        out_type = [
            jax.ShapeDtypeStruct((2, NPAD, width), jnp.float32),
            jax.ShapeDtypeStruct((2, NPAD), jnp.float32),
        ]
        scratch = [
            pltpu.VMEM((EB, LB), jnp.int32),
            pltpu.VMEM((EB, LB), jnp.int32),
            pltpu.VMEM((nbuf, LB, width), jnp.float32),
            pltpu.VMEM((LB, width), jnp.float32),
            pltpu.VMEM((NSLICE,), jnp.float32),
            pltpu.VMEM((NSLICE,), jnp.float32),
            pltpu.VMEM((NSLICE,), jnp.float32),
            pltpu.VMEM((LB, width), jnp.float32),
            pltpu.VMEM_SHARED((NPAD, width), jnp.float32),
            pltpu.VMEM_SHARED((NPAD, width), jnp.float32),
        ] + [pltpu.SemaphoreType.DMA] * (2 * nbuf)
    else:
        out_type = jax.ShapeDtypeStruct((2, NPAD, width), jnp.float32)
        scratch = [
            pltpu.VMEM((EB, LB), jnp.int32),
            pltpu.VMEM((EB, LB), jnp.int32),
            pltpu.VMEM((nbuf, LB, width), jnp.float32),
            pltpu.VMEM((LB, width), jnp.float32),
        ] + ([pltpu.VMEM_SHARED((NPAD, width), jnp.float32)]
             if stage_tab else []) + [
            pltpu.VMEM_SHARED((NPAD, width), jnp.float32),
        ] + [pltpu.SemaphoreType.DMA] * (2 * nbuf)
    return functools.partial(
        pl.kernel,
        out_type=out_type,
        mesh=_mesh(),
        scratch_types=scratch,
        compiler_params=_SC_PARAMS,
    )(body)


def _tc_b(x_ref, w1_ref, h_ref):
    h_ref[...] = jnp.dot(x_ref[...], w1_ref[...],
                         preferred_element_type=jnp.float32)


def _tc_d(p_ref, h1_ref, dinv_ref, b1_ref, w2_ref, gs_ref):
    p = p_ref[...]
    dinv = dinv_ref[...]
    s = p[0] + p[1] + h1_ref[...] * dinv
    out1 = s * dinv + b1_ref[...]
    h2 = jnp.maximum(out1, 0.0)
    g = jnp.dot(h2, w2_ref[...], preferred_element_type=jnp.float32)
    gs_ref[...] = g * dinv


def _tc_f(q_ref, gs_ref, dinv_ref, b2_ref, out_ref):
    q = q_ref[...]
    out2 = (q[0] + q[1] + gs_ref[...]) * dinv_ref[...] + b2_ref[...]
    a = out2[:, 0:1]
    b = out2[:, 1:2]
    m = jnp.maximum(a, b)
    lse = m + jnp.log(jnp.exp(a - m) + jnp.exp(b - m))
    out_ref[...] = out2[:, 0:2] - lse


def kernel(x, edge_index, W1, b1, W2, b2):
    src = edge_index[0].astype(jnp.int32)
    dst = edge_index[1].astype(jnp.int32)
    pad = jnp.full((EPAD - E,), NPAD - 1, jnp.int32)
    src3 = jnp.concatenate([src, pad]).reshape(NW, EB, LB)
    dst3 = jnp.concatenate([dst, pad]).reshape(NW, EB, LB)
    xp = jnp.pad(x, ((0, NPAD - N), (0, 0)))
    W1p = jnp.pad(W1, ((0, 0), (0, DHP - DH)))
    b1p = jnp.pad(b1, (0, DHP - DH)).reshape(1, DHP)
    W2p = jnp.pad(W2, ((0, DHP - DH), (0, DOP - DO)))
    b2p = jnp.pad(b2, (0, DOP - DO)).reshape(1, DOP)

    degp = _make_deg()(dst3)
    grid = NPAD // RB
    h1 = pl.pallas_call(
        _tc_b,
        grid=(grid,),
        in_specs=[
            pl.BlockSpec((RB, D_IN), lambda i: (i, 0)),
            pl.BlockSpec((D_IN, DHP), lambda i: (0, 0)),
        ],
        out_specs=pl.BlockSpec((RB, DHP), lambda i: (i, 0)),
        out_shape=jax.ShapeDtypeStruct((NPAD, DHP), jnp.float32),
    )(xp, W1p)

    p1, dinv2 = _make_msg(DHP, True, nbuf=5)(h1, src3, dst3, degp)
    dinv = dinv2[0].reshape(NPAD, 1)

    gs = pl.pallas_call(
        _tc_d,
        grid=(grid,),
        in_specs=[
            pl.BlockSpec((2, RB, DHP), lambda i: (0, i, 0)),
            pl.BlockSpec((RB, DHP), lambda i: (i, 0)),
            pl.BlockSpec((RB, 1), lambda i: (i, 0)),
            pl.BlockSpec((1, DHP), lambda i: (0, 0)),
            pl.BlockSpec((DHP, DOP), lambda i: (0, 0)),
        ],
        out_specs=pl.BlockSpec((RB, DOP), lambda i: (i, 0)),
        out_shape=jax.ShapeDtypeStruct((NPAD, DOP), jnp.float32),
    )(p1, h1, dinv, b1p, W2p)

    p2 = _make_msg(DOP, False, stage_tab=True, nbuf=8)(gs, src3, dst3)

    out = pl.pallas_call(
        _tc_f,
        grid=(grid,),
        in_specs=[
            pl.BlockSpec((2, RB, DOP), lambda i: (0, i, 0)),
            pl.BlockSpec((RB, DOP), lambda i: (i, 0)),
            pl.BlockSpec((RB, 1), lambda i: (i, 0)),
            pl.BlockSpec((1, DOP), lambda i: (0, 0)),
        ],
        out_specs=pl.BlockSpec((RB, DO), lambda i: (i, 0)),
        out_shape=jax.ShapeDtypeStruct((NPAD, DO), jnp.float32),
    )(p2, gs, dinv, b2p)

    return out[:N]

# --- scband reference (transcript-rebuilt; emitter-appended) ---
"""Pipeline reference for scband-method-gcn-10393820856553 (READ-ONLY COPY).

The authoritative reference and input builder live on the scoring server;
editing this copy changes nothing except your own understanding.
"""

import jax, jax.numpy as jnp
import numpy as np

N_NODES = 10000
N_EDGES = 320000
D_IN = 128
D_HID = 35
D_OUT = 2


def _gcn_conv(x, edge_index, W, b):
    num_nodes = x.shape[0]
    src = edge_index[0]
    dst = edge_index[1]
    # add self-loops (GCNConv default)
    loop = jnp.arange(num_nodes, dtype=src.dtype)
    src = jnp.concatenate([src, loop])
    dst = jnp.concatenate([dst, loop])
    # symmetric normalization D^{-1/2} A_hat D^{-1/2}
    deg = jnp.zeros((num_nodes,), dtype=x.dtype).at[dst].add(1.0)
    dinv = jnp.where(deg > 0, deg ** -0.5, 0.0)
    norm = dinv[src] * dinv[dst]
    h = x @ W
    msg = h[src] * norm[:, None]
    out = jnp.zeros((num_nodes, W.shape[1]), dtype=x.dtype).at[dst].add(msg)
    return out + b


def setup_inputs(seed: int = 0) -> dict:
    key = jax.random.key(seed)
    k1, k2, k3, k4, k5 = jax.random.split(key, 5)
    x = jax.random.normal(k1, (N_NODES, D_IN), dtype=jnp.float32)
    edge_index = jax.random.randint(k2, (2, N_EDGES), 0, N_NODES, dtype=jnp.int64)
    s1 = (1.0 / D_IN) ** 0.5
    s2 = (1.0 / D_HID) ** 0.5
    W1 = jax.random.uniform(k3, (D_IN, D_HID), minval=-s1, maxval=s1, dtype=jnp.float32)
    b1 = jnp.zeros((D_HID,), dtype=jnp.float32)
    W2 = jax.random.uniform(k4, (D_HID, D_OUT), minval=-s2, maxval=s2, dtype=jnp.float32)
    b2 = jnp.zeros((D_OUT,), dtype=jnp.float32)
    return {"x": x, "edge_index": edge_index, "W1": W1, "b1": b1, "W2": W2, "b2": b2}


def reference(x, edge_index, W1, b1, W2, b2):
    h = _gcn_conv(x, edge_index, W1, b1)
    h = jax.nn.relu(h)
    # dropout is identity in eval mode
    out = _gcn_conv(h, edge_index, W2, b2)
    return jax.nn.log_softmax(out, axis=1)

if __name__ == "__main__":
    import jax
    _d = setup_inputs()
    print(jax.jit(kernel)(*tuple(_d.values())))

</pallas_src>

<mosaic_0001>
#map = affine_map<(d0, d1) -> (0, 0)>
#map1 = affine_map<(d0, d1) -> (0, 0, 0)>
module attributes {stable_mosaic.version = 14 : i64} {
  func.func @body(%arg0: i32, %arg1: i32, %arg2: memref<10240x16xf32, #tpu.memory_space<hbm>>, %arg3: memref<32x80x128xi32, #tpu.memory_space<hbm>>, %arg4: memref<32x80x128xi32, #tpu.memory_space<hbm>>, %arg5: memref<2x10240x16xf32, #tpu.memory_space<hbm>>, %arg6: memref<80x128xi32, #tpu.memory_space<vmem>>, %arg7: memref<80x128xi32, #tpu.memory_space<vmem>>, %arg8: memref<8x128x16xf32, #tpu.memory_space<vmem>>, %arg9: memref<128x16xf32, #tpu.memory_space<vmem>>, %arg10: memref<10240x16xf32, #tpu.memory_space<vmem_shared>>, %arg11: memref<10240x16xf32, #tpu.memory_space<vmem_shared>>, %arg12: memref<!tpu.dma_semaphore, #tpu.memory_space<semaphore_mem>>, %arg13: memref<!tpu.dma_semaphore, #tpu.memory_space<semaphore_mem>>, %arg14: memref<!tpu.dma_semaphore, #tpu.memory_space<semaphore_mem>>, %arg15: memref<!tpu.dma_semaphore, #tpu.memory_space<semaphore_mem>>, %arg16: memref<!tpu.dma_semaphore, #tpu.memory_space<semaphore_mem>>, %arg17: memref<!tpu.dma_semaphore, #tpu.memory_space<semaphore_mem>>, %arg18: memref<!tpu.dma_semaphore, #tpu.memory_space<semaphore_mem>>, %arg19: memref<!tpu.dma_semaphore, #tpu.memory_space<semaphore_mem>>, %arg20: memref<!tpu.dma_semaphore, #tpu.memory_space<semaphore_mem>>, %arg21: memref<!tpu.dma_semaphore, #tpu.memory_space<semaphore_mem>>, %arg22: memref<!tpu.dma_semaphore, #tpu.memory_space<semaphore_mem>>, %arg23: memref<!tpu.dma_semaphore, #tpu.memory_space<semaphore_mem>>, %arg24: memref<!tpu.dma_semaphore, #tpu.memory_space<semaphore_mem>>, %arg25: memref<!tpu.dma_semaphore, #tpu.memory_space<semaphore_mem>>, %arg26: memref<!tpu.dma_semaphore, #tpu.memory_space<semaphore_mem>>, %arg27: memref<!tpu.dma_semaphore, #tpu.memory_space<semaphore_mem>>) attributes {dimension_semantics = [#tpu.dimension_semantics<core_parallel>, #tpu.dimension_semantics<subcore_parallel>], iteration_bounds = array<i64: 2, 16>, scalar_prefetch = 0 : i64, scratch_operands = 22 : i64, tpu.core_type = #tpu.core_type<sc_vector_subcore>, window_params = [{transform_indices = #map}, {transform_indices = #map1}, {transform_indices = #map1}, {transform_indices = #map1}]} {
    %mul3A = arith.constant 16 : i32
    %mul3A_0 = arith.muli %arg0, %mul3A : i32
    %add3A = arith.addi %mul3A_0, %arg1 : i32
    %scan3A = arith.constant 0 : i32
    %scan3A_1 = arith.constant 0 : i32
    %scan3A_2 = arith.constant 128 : i32
    %scan3A_3 = arith.addi %scan3A_1, %scan3A_2 : i32
    %scan3A_4 = arith.constant 1 : i32
    %scan3A_5 = scf.for %scan3A_233 = %scan3A_1 to %scan3A_3 step %scan3A_4 iter_args(%scan3A_234 = %scan3A) -> (i32)  : i32 {
      %broadcast_in_dim3A = arith.constant 0.000000e+00 : f32
      %broadcast_in_dim3A_235 = vector.broadcast %broadcast_in_dim3A : f32 to vector<16xf32>
      %swap3A = arith.index_cast %scan3A_233 : i32 to index
      %swap3A_236 = arith.constant 0 : index
      %swap3A_237 = tpu.vector_load %arg9[%swap3A, %swap3A_236] {strides = array<i32>} : memref<128x16xf32, #tpu.memory_space<vmem>>, vector<16xf32>,
      tpu.vector_store %arg9[%swap3A, %swap3A_236], %broadcast_in_dim3A_235 {strides = array<i32>} : memref<128x16xf32, #tpu.memory_space<vmem>>, vector<16xf32>,
      %scan3A_238 = arith.constant 0 : i32
      scf.yield %scan3A_238 : i32
    }
    %scan3A_6 = arith.constant 128 : i32
    %mul3A_7 = arith.constant 640 : i32
    %mul3A_8 = arith.muli %arg1, %mul3A_7 : i32
    %add3A_9 = arith.constant 0 : i32
    %add3A_10 = arith.addi %mul3A_8, %add3A_9 : i32
    "tpu.region"() ({
      %run_scoped3A = tpu.sem_alloc : memref<!tpu.dma_semaphore, #tpu.memory_space<semaphore_mem>>
      %dma_start3A_233 = arith.constant 0 : i32
      %dma_start3A_234 = tpu.memref_slice %arg11[%add3A_10, %dma_start3A_233] : memref<10240x16xf32, #tpu.memory_space<vmem_shared>> -> memref<128x16xf32, #tpu.memory_space<vmem_shared>>
      %dma_start3A_235 = arith.constant 0 : i32
      %dma_start3A_236 = tpu.memref_slice %arg11[%add3A_10, %dma_start3A_235] : memref<10240x16xf32, #tpu.memory_space<vmem_shared>> -> memref<128x16xf32, #tpu.memory_space<vmem_shared>>
      tpu.enqueue_dma source(%arg9 : memref<128x16xf32, #tpu.memory_space<vmem>>) target(%dma_start3A_236 : memref<128x16xf32, #tpu.memory_space<vmem_shared>>) target_semaphore(%run_scoped3A : memref<!tpu.dma_semaphore, #tpu.memory_space<semaphore_mem>>)
      %dma_wait3A_237 = arith.constant 0 : i32
      %dma_wait3A_238 = tpu.memref_slice %arg11[%add3A_10, %dma_wait3A_237] : memref<10240x16xf32, #tpu.memory_space<vmem_shared>> -> memref<128x16xf32, #tpu.memory_space<vmem_shared>>
      %dma_wait3A_239 = arith.constant 0 : i32
      %dma_wait3A_240 = tpu.memref_slice %arg11[%add3A_10, %dma_wait3A_239] : memref<10240x16xf32, #tpu.memory_space<vmem_shared>> -> memref<128x16xf32, #tpu.memory_space<vmem_shared>>
      tpu.wait_dma2 semaphore(%run_scoped3A : memref<!tpu.dma_semaphore, #tpu.memory_space<semaphore_mem>>) src(%arg9 : memref<128x16xf32, #tpu.memory_space<vmem>>) dst(%dma_wait3A_240 : memref<128x16xf32, #tpu.memory_space<vmem_shared>>)
      tpu.yield
    }) : () -> ()
    %mul3A_11 = arith.constant 640 : i32
    %mul3A_12 = arith.muli %arg1, %mul3A_11 : i32
    %add3A_13 = arith.constant 128 : i32
    %add3A_14 = arith.addi %mul3A_12, %add3A_13 : i32
    "tpu.region"() ({
      %run_scoped3A = tpu.sem_alloc : memref<!tpu.dma_semaphore, #tpu.memory_space<semaphore_mem>>
      %dma_start3A_233 = arith.constant 0 : i32
      %dma_start3A_234 = tpu.memref_slice %arg11[%add3A_14, %dma_start3A_233] : memref<10240x16xf32, #tpu.memory_space<vmem_shared>> -> memref<128x16xf32, #tpu.memory_space<vmem_shared>>
      %dma_start3A_235 = arith.constant 0 : i32
      %dma_start3A_236 = tpu.memref_slice %arg11[%add3A_14, %dma_start3A_235] : memref<10240x16xf32, #tpu.memory_space<vmem_shared>> -> memref<128x16xf32, #tpu.memory_space<vmem_shared>>
      tpu.enqueue_dma source(%arg9 : memref<128x16xf32, #tpu.memory_space<vmem>>) target(%dma_start3A_236 : memref<128x16xf32, #tpu.memory_space<vmem_shared>>) target_semaphore(%run_scoped3A : memref<!tpu.dma_semaphore, #tpu.memory_space<semaphore_mem>>)
      %dma_wait3A_237 = arith.constant 0 : i32
      %dma_wait3A_238 = tpu.memref_slice %arg11[%add3A_14, %dma_wait3A_237] : memref<10240x16xf32, #tpu.memory_space<vmem_shared>> -> memref<128x16xf32, #tpu.memory_space<vmem_shared>>
      %dma_wait3A_239 = arith.constant 0 : i32
      %dma_wait3A_240 = tpu.memref_slice %arg11[%add3A_14, %dma_wait3A_239] : memref<10240x16xf32, #tpu.memory_space<vmem_shared>> -> memref<128x16xf32, #tpu.memory_space<vmem_shared>>
      tpu.wait_dma2 semaphore(%run_scoped3A : memref<!tpu.dma_semaphore, #tpu.memory_space<semaphore_mem>>) src(%arg9 : memref<128x16xf32, #tpu.memory_space<vmem>>) dst(%dma_wait3A_240 : memref<128x16xf32, #tpu.memory_space<vmem_shared>>)
      tpu.yield
    }) : () -> ()
    %mul3A_15 = arith.constant 640 : i32
    %mul3A_16 = arith.muli %arg1, %mul3A_15 : i32
    %add3A_17 = arith.constant 256 : i32
    %add3A_18 = arith.addi %mul3A_16, %add3A_17 : i32
    "tpu.region"() ({
      %run_scoped3A = tpu.sem_alloc : memref<!tpu.dma_semaphore, #tpu.memory_space<semaphore_mem>>
      %dma_start3A_233 = arith.constant 0 : i32
      %dma_start3A_234 = tpu.memref_slice %arg11[%add3A_18, %dma_start3A_233] : memref<10240x16xf32, #tpu.memory_space<vmem_shared>> -> memref<128x16xf32, #tpu.memory_space<vmem_shared>>
      %dma_start3A_235 = arith.constant 0 : i32
      %dma_start3A_236 = tpu.memref_slice %arg11[%add3A_18, %dma_start3A_235] : memref<10240x16xf32, #tpu.memory_space<vmem_shared>> -> memref<128x16xf32, #tpu.memory_space<vmem_shared>>
      tpu.enqueue_dma source(%arg9 : memref<128x16xf32, #tpu.memory_space<vmem>>) target(%dma_start3A_236 : memref<128x16xf32, #tpu.memory_space<vmem_shared>>) target_semaphore(%run_scoped3A : memref<!tpu.dma_semaphore, #tpu.memory_space<semaphore_mem>>)
      %dma_wait3A_237 = arith.constant 0 : i32
      %dma_wait3A_238 = tpu.memref_slice %arg11[%add3A_18, %dma_wait3A_237] : memref<10240x16xf32, #tpu.memory_space<vmem_shared>> -> memref<128x16xf32, #tpu.memory_space<vmem_shared>>
      %dma_wait3A_239 = arith.constant 0 : i32
      %dma_wait3A_240 = tpu.memref_slice %arg11[%add3A_18, %dma_wait3A_239] : memref<10240x16xf32, #tpu.memory_space<vmem_shared>> -> memref<128x16xf32, #tpu.memory_space<vmem_shared>>
      tpu.wait_dma2 semaphore(%run_scoped3A : memref<!tpu.dma_semaphore, #tpu.memory_space<semaphore_mem>>) src(%arg9 : memref<128x16xf32, #tpu.memory_space<vmem>>) dst(%dma_wait3A_240 : memref<128x16xf32, #tpu.memory_space<vmem_shared>>)
      tpu.yield
    }) : () -> ()
    %mul3A_19 = arith.constant 640 : i32
    %mul3A_20 = arith.muli %arg1, %mul3A_19 : i32
    %add3A_21 = arith.constant 384 : i32
    %add3A_22 = arith.addi %mul3A_20, %add3A_21 : i32
    "tpu.region"() ({
      %run_scoped3A = tpu.sem_alloc : memref<!tpu.dma_semaphore, #tpu.memory_space<semaphore_mem>>
      %dma_start3A_233 = arith.constant 0 : i32
      %dma_start3A_234 = tpu.memref_slice %arg11[%add3A_22, %dma_start3A_233] : memref<10240x16xf32, #tpu.memory_space<vmem_shared>> -> memref<128x16xf32, #tpu.memory_space<vmem_shared>>
      %dma_start3A_235 = arith.constant 0 : i32
      %dma_start3A_236 = tpu.memref_slice %arg11[%add3A_22, %dma_start3A_235] : memref<10240x16xf32, #tpu.memory_space<vmem_shared>> -> memref<128x16xf32, #tpu.memory_space<vmem_shared>>
      tpu.enqueue_dma source(%arg9 : memref<128x16xf32, #tpu.memory_space<vmem>>) target(%dma_start3A_236 : memref<128x16xf32, #tpu.memory_space<vmem_shared>>) target_semaphore(%run_scoped3A : memref<!tpu.dma_semaphore, #tpu.memory_space<semaphore_mem>>)
      %dma_wait3A_237 = arith.constant 0 : i32
      %dma_wait3A_238 = tpu.memref_slice %arg11[%add3A_22, %dma_wait3A_237] : memref<10240x16xf32, #tpu.memory_space<vmem_shared>> -> memref<128x16xf32, #tpu.memory_space<vmem_shared>>
      %dma_wait3A_239 = arith.constant 0 : i32
      %dma_wait3A_240 = tpu.memref_slice %arg11[%add3A_22, %dma_wait3A_239] : memref<10240x16xf32, #tpu.memory_space<vmem_shared>> -> memref<128x16xf32, #tpu.memory_space<vmem_shared>>
      tpu.wait_dma2 semaphore(%run_scoped3A : memref<!tpu.dma_semaphore, #tpu.memory_space<semaphore_mem>>) src(%arg9 : memref<128x16xf32, #tpu.memory_space<vmem>>) dst(%dma_wait3A_240 : memref<128x16xf32, #tpu.memory_space<vmem_shared>>)
      tpu.yield
    }) : () -> ()
    %mul3A_23 = arith.constant 640 : i32
    %mul3A_24 = arith.muli %arg1, %mul3A_23 : i32
    %add3A_25 = arith.constant 512 : i32
    %add3A_26 = arith.addi %mul3A_24, %add3A_25 : i32
    "tpu.region"() ({
      %run_scoped3A = tpu.sem_alloc : memref<!tpu.dma_semaphore, #tpu.memory_space<semaphore_mem>>
      %dma_start3A_233 = arith.constant 0 : i32
      %dma_start3A_234 = tpu.memref_slice %arg11[%add3A_26, %dma_start3A_233] : memref<10240x16xf32, #tpu.memory_space<vmem_shared>> -> memref<128x16xf32, #tpu.memory_space<vmem_shared>>
      %dma_start3A_235 = arith.constant 0 : i32
      %dma_start3A_236 = tpu.memref_slice %arg11[%add3A_26, %dma_start3A_235] : memref<10240x16xf32, #tpu.memory_space<vmem_shared>> -> memref<128x16xf32, #tpu.memory_space<vmem_shared>>
      tpu.enqueue_dma source(%arg9 : memref<128x16xf32, #tpu.memory_space<vmem>>) target(%dma_start3A_236 : memref<128x16xf32, #tpu.memory_space<vmem_shared>>) target_semaphore(%run_scoped3A : memref<!tpu.dma_semaphore, #tpu.memory_space<semaphore_mem>>)
      %dma_wait3A_237 = arith.constant 0 : i32
      %dma_wait3A_238 = tpu.memref_slice %arg11[%add3A_26, %dma_wait3A_237] : memref<10240x16xf32, #tpu.memory_space<vmem_shared>> -> memref<128x16xf32, #tpu.memory_space<vmem_shared>>
      %dma_wait3A_239 = arith.constant 0 : i32
      %dma_wait3A_240 = tpu.memref_slice %arg11[%add3A_26, %dma_wait3A_239] : memref<10240x16xf32, #tpu.memory_space<vmem_shared>> -> memref<128x16xf32, #tpu.memory_space<vmem_shared>>
      tpu.wait_dma2 semaphore(%run_scoped3A : memref<!tpu.dma_semaphore, #tpu.memory_space<semaphore_mem>>) src(%arg9 : memref<128x16xf32, #tpu.memory_space<vmem>>) dst(%dma_wait3A_240 : memref<128x16xf32, #tpu.memory_space<vmem_shared>>)
      tpu.yield
    }) : () -> ()
    %mul3A_27 = arith.constant 640 : i32
    %mul3A_28 = arith.muli %arg1, %mul3A_27 : i32
    %mul3A_29 = arith.constant 640 : i32
    %mul3A_30 = arith.muli %arg1, %mul3A_29 : i32
    "tpu.region"() ({
      %run_scoped3A = tpu.sem_alloc : memref<!tpu.dma_semaphore, #tpu.memory_space<semaphore_mem>>
      %dma_start3A_233 = arith.constant 0 : i32
      %dma_start3A_234 = tpu.memref_slice %arg10[%mul3A_30, %dma_start3A_233] : memref<10240x16xf32, #tpu.memory_space<vmem_shared>> -> memref<640x16xf32, #tpu.memory_space<vmem_shared>>
      %dma_start3A_235 = arith.constant 0 : i32
      %dma_start3A_236 = tpu.memref_slice %arg2[%mul3A_28, %dma_start3A_235] : memref<10240x16xf32, #tpu.memory_space<hbm>> -> memref<640x16xf32, #tpu.memory_space<hbm>>
      tpu.enqueue_dma source(%dma_start3A_236 : memref<640x16xf32, #tpu.memory_space<hbm>>) target(%dma_start3A_234 : memref<640x16xf32, #tpu.memory_space<vmem_shared>>) target_semaphore(%run_scoped3A : memref<!tpu.dma_semaphore, #tpu.memory_space<semaphore_mem>>)
      %dma_wait3A_237 = arith.constant 0 : i32
      %dma_wait3A_238 = tpu.memref_slice %arg10[%mul3A_30, %dma_wait3A_237] : memref<10240x16xf32, #tpu.memory_space<vmem_shared>> -> memref<640x16xf32, #tpu.memory_space<vmem_shared>>
      %dma_wait3A_239 = arith.constant 0 : i32
      %dma_wait3A_240 = tpu.memref_slice %arg2[%mul3A_28, %dma_wait3A_239] : memref<10240x16xf32, #tpu.memory_space<hbm>> -> memref<640x16xf32, #tpu.memory_space<hbm>>
      tpu.wait_dma2 semaphore(%run_scoped3A : memref<!tpu.dma_semaphore, #tpu.memory_space<semaphore_mem>>) src(%dma_wait3A_240 : memref<640x16xf32, #tpu.memory_space<hbm>>) dst(%dma_wait3A_238 : memref<640x16xf32, #tpu.memory_space<vmem_shared>>)
      tpu.yield
    }) : () -> ()
    %barrier3A = arith.constant 0 : index
    tpu.barrier barrier_id(%barrier3A)
    "tpu.region"() ({
      %run_scoped3A = tpu.sem_alloc : memref<!tpu.dma_semaphore, #tpu.memory_space<semaphore_mem>>
      %dma_start3A_233 = arith.constant 0 : i32
      %dma_start3A_234 = arith.constant 0 : i32
      %dma_start3A_235 = tpu.memref_slice %arg3[%add3A, %dma_start3A_233, %dma_start3A_234] : memref<32x80x128xi32, #tpu.memory_space<hbm>> -> memref<1x80x128xi32, #tpu.memory_space<hbm>>
      %dma_start3A_236 = tpu.memref_squeeze %dma_start3A_235 : memref<1x80x128xi32, #tpu.memory_space<hbm>> -> memref<80x128xi32, #tpu.memory_space<hbm>>
      %dma_start3A_237 = arith.constant 0 : i32
      %dma_start3A_238 = arith.constant 0 : i32
      %dma_start3A_239 = tpu.memref_slice %arg3[%add3A, %dma_start3A_237, %dma_start3A_238] : memref<32x80x128xi32, #tpu.memory_space<hbm>> -> memref<1x80x128xi32, #tpu.memory_space<hbm>>
      %dma_start3A_240 = tpu.memref_squeeze %dma_start3A_239 : memref<1x80x128xi32, #tpu.memory_space<hbm>> -> memref<80x128xi32, #tpu.memory_space<hbm>>
      tpu.enqueue_dma source(%dma_start3A_240 : memref<80x128xi32, #tpu.memory_space<hbm>>) target(%arg6 : memref<80x128xi32, #tpu.memory_space<vmem>>) target_semaphore(%run_scoped3A : memref<!tpu.dma_semaphore, #tpu.memory_space<semaphore_mem>>)
      %dma_wait3A_241 = arith.constant 0 : i32
      %dma_wait3A_242 = arith.constant 0 : i32
      %dma_wait3A_243 = tpu.memref_slice %arg3[%add3A, %dma_wait3A_241, %dma_wait3A_242] : memref<32x80x128xi32, #tpu.memory_space<hbm>> -> memref<1x80x128xi32, #tpu.memory_space<hbm>>
      %dma_wait3A_244 = tpu.memref_squeeze %dma_wait3A_243 : memref<1x80x128xi32, #tpu.memory_space<hbm>> -> memref<80x128xi32, #tpu.memory_space<hbm>>
      %dma_wait3A_245 = arith.constant 0 : i32
      %dma_wait3A_246 = arith.constant 0 : i32
      %dma_wait3A_247 = tpu.memref_slice %arg3[%add3A, %dma_wait3A_245, %dma_wait3A_246] : memref<32x80x128xi32, #tpu.memory_space<hbm>> -> memref<1x80x128xi32, #tpu.memory_space<hbm>>
      %dma_wait3A_248 = tpu.memref_squeeze %dma_wait3A_247 : memref<1x80x128xi32, #tpu.memory_space<hbm>> -> memref<80x128xi32, #tpu.memory_space<hbm>>
      tpu.wait_dma2 semaphore(%run_scoped3A : memref<!tpu.dma_semaphore, #tpu.memory_space<semaphore_mem>>) src(%dma_wait3A_248 : memref<80x128xi32, #tpu.memory_space<hbm>>) dst(%arg6 : memref<80x128xi32, #tpu.memory_space<vmem>>)
      tpu.yield
    }) : () -> ()
    "tpu.region"() ({
      %run_scoped3A = tpu.sem_alloc : memref<!tpu.dma_semaphore, #tpu.memory_space<semaphore_mem>>
      %dma_start3A_233 = arith.constant 0 : i32
      %dma_start3A_234 = arith.constant 0 : i32
      %dma_start3A_235 = tpu.memref_slice %arg4[%add3A, %dma_start3A_233, %dma_start3A_234] : memref<32x80x128xi32, #tpu.memory_space<hbm>> -> memref<1x80x128xi32, #tpu.memory_space<hbm>>
      %dma_start3A_236 = tpu.memref_squeeze %dma_start3A_235 : memref<1x80x128xi32, #tpu.memory_space<hbm>> -> memref<80x128xi32, #tpu.memory_space<hbm>>
      %dma_start3A_237 = arith.constant 0 : i32
      %dma_start3A_238 = arith.constant 0 : i32
      %dma_start3A_239 = tpu.memref_slice %arg4[%add3A, %dma_start3A_237, %dma_start3A_238] : memref<32x80x128xi32, #tpu.memory_space<hbm>> -> memref<1x80x128xi32, #tpu.memory_space<hbm>>
      %dma_start3A_240 = tpu.memref_squeeze %dma_start3A_239 : memref<1x80x128xi32, #tpu.memory_space<hbm>> -> memref<80x128xi32, #tpu.memory_space<hbm>>
      tpu.enqueue_dma source(%dma_start3A_240 : memref<80x128xi32, #tpu.memory_space<hbm>>) target(%arg7 : memref<80x128xi32, #tpu.memory_space<vmem>>) target_semaphore(%run_scoped3A : memref<!tpu.dma_semaphore, #tpu.memory_space<semaphore_mem>>)
      %dma_wait3A_241 = arith.constant 0 : i32
      %dma_wait3A_242 = arith.constant 0 : i32
      %dma_wait3A_243 = tpu.memref_slice %arg4[%add3A, %dma_wait3A_241, %dma_wait3A_242] : memref<32x80x128xi32, #tpu.memory_space<hbm>> -> memref<1x80x128xi32, #tpu.memory_space<hbm>>
      %dma_wait3A_244 = tpu.memref_squeeze %dma_wait3A_243 : memref<1x80x128xi32, #tpu.memory_space<hbm>> -> memref<80x128xi32, #tpu.memory_space<hbm>>
      %dma_wait3A_245 = arith.constant 0 : i32
      %dma_wait3A_246 = arith.constant 0 : i32
      %dma_wait3A_247 = tpu.memref_slice %arg4[%add3A, %dma_wait3A_245, %dma_wait3A_246] : memref<32x80x128xi32, #tpu.memory_space<hbm>> -> memref<1x80x128xi32, #tpu.memory_space<hbm>>
      %dma_wait3A_248 = tpu.memref_squeeze %dma_wait3A_247 : memref<1x80x128xi32, #tpu.memory_space<hbm>> -> memref<80x128xi32, #tpu.memory_space<hbm>>
      tpu.wait_dma2 semaphore(%run_scoped3A : memref<!tpu.dma_semaphore, #tpu.memory_space<semaphore_mem>>) src(%dma_wait3A_248 : memref<80x128xi32, #tpu.memory_space<hbm>>) dst(%arg7 : memref<80x128xi32, #tpu.memory_space<vmem>>)
      tpu.yield
    }) : () -> ()
    %dma_start3A = arith.constant 0 : i32
    %dma_start3A_31 = arith.constant 0 : i32
    %dma_start3A_32 = arith.constant 0 : i32
    %dma_start3A_33 = arith.constant 0 : i32
    %dma_start3A_34 = tpu.memref_slice %arg8[%dma_start3A_31, %dma_start3A_32, %dma_start3A_33] : memref<8x128x16xf32, #tpu.memory_space<vmem>> -> memref<1x128x16xf32, #tpu.memory_space<vmem>>
    %dma_start3A_35 = tpu.memref_squeeze %dma_start3A_34 : memref<1x128x16xf32, #tpu.memory_space<vmem>> -> memref<128x16xf32, #tpu.memory_space<vmem>>
    %dma_start3A_36 = arith.constant 0 : i32
    %dma_start3A_37 = tpu.memref_slice %arg6[%dma_start3A, %dma_start3A_36] : memref<80x128xi32, #tpu.memory_space<vmem>> -> memref<1x128xi32, #tpu.memory_space<vmem>>
    %dma_start3A_38 = tpu.memref_squeeze %dma_start3A_37 : memref<1x128xi32, #tpu.memory_space<vmem>> -> memref<128xi32, #tpu.memory_space<vmem>>
    %dma_start3A_39 = arith.constant 0 : i32
    %dma_start3A_40 = arith.constant 0 : i32
    %dma_start3A_41 = tpu.memref_slice %arg10[%dma_start3A_39, %dma_start3A_40] : memref<10240x16xf32, #tpu.memory_space<vmem_shared>> -> memref<10240x16xf32, #tpu.memory_space<vmem_shared>>
    tpu.enqueue_indirect_dma source(%dma_start3A_41 : memref<10240x16xf32, #tpu.memory_space<vmem_shared>>) target(%dma_start3A_35 : memref<128x16xf32, #tpu.memory_space<vmem>>) offsets(%dma_start3A_38 : memref<128xi32, #tpu.memory_space<vmem>>) semaphore(%arg12 : memref<!tpu.dma_semaphore, #tpu.memory_space<semaphore_mem>>)
    %dma_start3A_42 = arith.constant 1 : i32
    %dma_start3A_43 = arith.constant 1 : i32
    %dma_start3A_44 = arith.constant 0 : i32
    %dma_start3A_45 = arith.constant 0 : i32
    %dma_start3A_46 = tpu.memref_slice %arg8[%dma_start3A_43, %dma_start3A_44, %dma_start3A_45] : memref<8x128x16xf32, #tpu.memory_space<vmem>> -> memref<1x128x16xf32, #tpu.memory_space<vmem>>
    %dma_start3A_47 = tpu.memref_squeeze %dma_start3A_46 : memref<1x128x16xf32, #tpu.memory_space<vmem>> -> memref<128x16xf32, #tpu.memory_space<vmem>>
    %dma_start3A_48 = arith.constant 0 : i32
    %dma_start3A_49 = tpu.memref_slice %arg6[%dma_start3A_42, %dma_start3A_48] : memref<80x128xi32, #tpu.memory_space<vmem>> -> memref<1x128xi32, #tpu.memory_space<vmem>>
    %dma_start3A_50 = tpu.memref_squeeze %dma_start3A_49 : memref<1x128xi32, #tpu.memory_space<vmem>> -> memref<128xi32, #tpu.memory_space<vmem>>
    %dma_start3A_51 = arith.constant 0 : i32
    %dma_start3A_52 = arith.constant 0 : i32
    %dma_start3A_53 = tpu.memref_slice %arg10[%dma_start3A_51, %dma_start3A_52] : memref<10240x16xf32, #tpu.memory_space<vmem_shared>> -> memref<10240x16xf32, #tpu.memory_space<vmem_shared>>
    tpu.enqueue_indirect_dma source(%dma_start3A_53 : memref<10240x16xf32, #tpu.memory_space<vmem_shared>>) target(%dma_start3A_47 : memref<128x16xf32, #tpu.memory_space<vmem>>) offsets(%dma_start3A_50 : memref<128xi32, #tpu.memory_space<vmem>>) semaphore(%arg13 : memref<!tpu.dma_semaphore, #tpu.memory_space<semaphore_mem>>)
    %dma_start3A_54 = arith.constant 2 : i32
    %dma_start3A_55 = arith.constant 2 : i32
    %dma_start3A_56 = arith.constant 0 : i32
    %dma_start3A_57 = arith.constant 0 : i32
    %dma_start3A_58 = tpu.memref_slice %arg8[%dma_start3A_55, %dma_start3A_56, %dma_start3A_57] : memref<8x128x16xf32, #tpu.memory_space<vmem>> -> memref<1x128x16xf32, #tpu.memory_space<vmem>>
    %dma_start3A_59 = tpu.memref_squeeze %dma_start3A_58 : memref<1x128x16xf32, #tpu.memory_space<vmem>> -> memref<128x16xf32, #tpu.memory_space<vmem>>
    %dma_start3A_60 = arith.constant 0 : i32
    %dma_start3A_61 = tpu.memref_slice %arg6[%dma_start3A_54, %dma_start3A_60] : memref<80x128xi32, #tpu.memory_space<vmem>> -> memref<1x128xi32, #tpu.memory_space<vmem>>
    %dma_start3A_62 = tpu.memref_squeeze %dma_start3A_61 : memref<1x128xi32, #tpu.memory_space<vmem>> -> memref<128xi32, #tpu.memory_space<vmem>>
    %dma_start3A_63 = arith.constant 0 : i32
    %dma_start3A_64 = arith.constant 0 : i32
    %dma_start3A_65 = tpu.memref_slice %arg10[%dma_start3A_63, %dma_start3A_64] : memref<10240x16xf32, #tpu.memory_space<vmem_shared>> -> memref<10240x16xf32, #tpu.memory_space<vmem_shared>>
    tpu.enqueue_indirect_dma source(%dma_start3A_65 : memref<10240x16xf32, #tpu.memory_space<vmem_shared>>) target(%dma_start3A_59 : memref<128x16xf32, #tpu.memory_space<vmem>>) offsets(%dma_start3A_62 : memref<128xi32, #tpu.memory_space<vmem>>) semaphore(%arg14 : memref<!tpu.dma_semaphore, #tpu.memory_space<semaphore_mem>>)
    %dma_start3A_66 = arith.constant 3 : i32
    %dma_start3A_67 = arith.constant 3 : i32
    %dma_start3A_68 = arith.constant 0 : i32
    %dma_start3A_69 = arith.constant 0 : i32
    %dma_start3A_70 = tpu.memref_slice %arg8[%dma_start3A_67, %dma_start3A_68, %dma_start3A_69] : memref<8x128x16xf32, #tpu.memory_space<vmem>> -> memref<1x128x16xf32, #tpu.memory_space<vmem>>
    %dma_start3A_71 = tpu.memref_squeeze %dma_start3A_70 : memref<1x128x16xf32, #tpu.memory_space<vmem>> -> memref<128x16xf32, #tpu.memory_space<vmem>>
    %dma_start3A_72 = arith.constant 0 : i32
    %dma_start3A_73 = tpu.memref_slice %arg6[%dma_start3A_66, %dma_start3A_72] : memref<80x128xi32, #tpu.memory_space<vmem>> -> memref<1x128xi32, #tpu.memory_space<vmem>>
    %dma_start3A_74 = tpu.memref_squeeze %dma_start3A_73 : memref<1x128xi32, #tpu.memory_space<vmem>> -> memref<128xi32, #tpu.memory_space<vmem>>
    %dma_start3A_75 = arith.constant 0 : i32
    %dma_start3A_76 = arith.constant 0 : i32
    %dma_start3A_77 = tpu.memref_slice %arg10[%dma_start3A_75, %dma_start3A_76] : memref<10240x16xf32, #tpu.memory_space<vmem_shared>> -> memref<10240x16xf32, #tpu.memory_space<vmem_shared>>
    tpu.enqueue_indirect_dma source(%dma_start3A_77 : memref<10240x16xf32, #tpu.memory_space<vmem_shared>>) target(%dma_start3A_71 : memref<128x16xf32, #tpu.memory_space<vmem>>) offsets(%dma_start3A_74 : memref<128xi32, #tpu.memory_space<vmem>>) semaphore(%arg15 : memref<!tpu.dma_semaphore, #tpu.memory_space<semaphore_mem>>)
    %dma_start3A_78 = arith.constant 4 : i32
    %dma_start3A_79 = arith.constant 4 : i32
    %dma_start3A_80 = arith.constant 0 : i32
    %dma_start3A_81 = arith.constant 0 : i32
    %dma_start3A_82 = tpu.memref_slice %arg8[%dma_start3A_79, %dma_start3A_80, %dma_start3A_81] : memref<8x128x16xf32, #tpu.memory_space<vmem>> -> memref<1x128x16xf32, #tpu.memory_space<vmem>>
    %dma_start3A_83 = tpu.memref_squeeze %dma_start3A_82 : memref<1x128x16xf32, #tpu.memory_space<vmem>> -> memref<128x16xf32, #tpu.memory_space<vmem>>
    %dma_start3A_84 = arith.constant 0 : i32
    %dma_start3A_85 = tpu.memref_slice %arg6[%dma_start3A_78, %dma_start3A_84] : memref<80x128xi32, #tpu.memory_space<vmem>> -> memref<1x128xi32, #tpu.memory_space<vmem>>
    %dma_start3A_86 = tpu.memref_squeeze %dma_start3A_85 : memref<1x128xi32, #tpu.memory_space<vmem>> -> memref<128xi32, #tpu.memory_space<vmem>>
    %dma_start3A_87 = arith.constant 0 : i32
    %dma_start3A_88 = arith.constant 0 : i32
    %dma_start3A_89 = tpu.memref_slice %arg10[%dma_start3A_87, %dma_start3A_88] : memref<10240x16xf32, #tpu.memory_space<vmem_shared>> -> memref<10240x16xf32, #tpu.memory_space<vmem_shared>>
    tpu.enqueue_indirect_dma source(%dma_start3A_89 : memref<10240x16xf32, #tpu.memory_space<vmem_shared>>) target(%dma_start3A_83 : memref<128x16xf32, #tpu.memory_space<vmem>>) offsets(%dma_start3A_86 : memref<128xi32, #tpu.memory_space<vmem>>) semaphore(%arg16 : memref<!tpu.dma_semaphore, #tpu.memory_space<semaphore_mem>>)
    %dma_start3A_90 = arith.constant 5 : i32
    %dma_start3A_91 = arith.constant 5 : i32
    %dma_start3A_92 = arith.constant 0 : i32
    %dma_start3A_93 = arith.constant 0 : i32
    %dma_start3A_94 = tpu.memref_slice %arg8[%dma_start3A_91, %dma_start3A_92, %dma_start3A_93] : memref<8x128x16xf32, #tpu.memory_space<vmem>> -> memref<1x128x16xf32, #tpu.memory_space<vmem>>
    %dma_start3A_95 = tpu.memref_squeeze %dma_start3A_94 : memref<1x128x16xf32, #tpu.memory_space<vmem>> -> memref<128x16xf32, #tpu.memory_space<vmem>>
    %dma_start3A_96 = arith.constant 0 : i32
    %dma_start3A_97 = tpu.memref_slice %arg6[%dma_start3A_90, %dma_start3A_96] : memref<80x128xi32, #tpu.memory_space<vmem>> -> memref<1x128xi32, #tpu.memory_space<vmem>>
    %dma_start3A_98 = tpu.memref_squeeze %dma_start3A_97 : memref<1x128xi32, #tpu.memory_space<vmem>> -> memref<128xi32, #tpu.memory_space<vmem>>
    %dma_start3A_99 = arith.constant 0 : i32
    %dma_start3A_100 = arith.constant 0 : i32
    %dma_start3A_101 = tpu.memref_slice %arg10[%dma_start3A_99, %dma_start3A_100] : memref<10240x16xf32, #tpu.memory_space<vmem_shared>> -> memref<10240x16xf32, #tpu.memory_space<vmem_shared>>
    tpu.enqueue_indirect_dma source(%dma_start3A_101 : memref<10240x16xf32, #tpu.memory_space<vmem_shared>>) target(%dma_start3A_95 : memref<128x16xf32, #tpu.memory_space<vmem>>) offsets(%dma_start3A_98 : memref<128xi32, #tpu.memory_space<vmem>>) semaphore(%arg17 : memref<!tpu.dma_semaphore, #tpu.memory_space<semaphore_mem>>)
    %dma_start3A_102 = arith.constant 6 : i32
    %dma_start3A_103 = arith.constant 6 : i32
    %dma_start3A_104 = arith.constant 0 : i32
    %dma_start3A_105 = arith.constant 0 : i32
    %dma_start3A_106 = tpu.memref_slice %arg8[%dma_start3A_103, %dma_start3A_104, %dma_start3A_105] : memref<8x128x16xf32, #tpu.memory_space<vmem>> -> memref<1x128x16xf32, #tpu.memory_space<vmem>>
    %dma_start3A_107 = tpu.memref_squeeze %dma_start3A_106 : memref<1x128x16xf32, #tpu.memory_space<vmem>> -> memref<128x16xf32, #tpu.memory_space<vmem>>
    %dma_start3A_108 = arith.constant 0 : i32
    %dma_start3A_109 = tpu.memref_slice %arg6[%dma_start3A_102, %dma_start3A_108] : memref<80x128xi32, #tpu.memory_space<vmem>> -> memref<1x128xi32, #tpu.memory_space<vmem>>
    %dma_start3A_110 = tpu.memref_squeeze %dma_start3A_109 : memref<1x128xi32, #tpu.memory_space<vmem>> -> memref<128xi32, #tpu.memory_space<vmem>>
    %dma_start3A_111 = arith.constant 0 : i32
    %dma_start3A_112 = arith.constant 0 : i32
    %dma_start3A_113 = tpu.memref_slice %arg10[%dma_start3A_111, %dma_start3A_112] : memref<10240x16xf32, #tpu.memory_space<vmem_shared>> -> memref<10240x16xf32, #tpu.memory_space<vmem_shared>>
    tpu.enqueue_indirect_dma source(%dma_start3A_113 : memref<10240x16xf32, #tpu.memory_space<vmem_shared>>) target(%dma_start3A_107 : memref<128x16xf32, #tpu.memory_space<vmem>>) offsets(%dma_start3A_110 : memref<128xi32, #tpu.memory_space<vmem>>) semaphore(%arg18 : memref<!tpu.dma_semaphore, #tpu.memory_space<semaphore_mem>>)
    %dma_start3A_114 = arith.constant 7 : i32
    %dma_start3A_115 = arith.constant 7 : i32
    %dma_start3A_116 = arith.constant 0 : i32
    %dma_start3A_117 = arith.constant 0 : i32
    %dma_start3A_118 = tpu.memref_slice %arg8[%dma_start3A_115, %dma_start3A_116, %dma_start3A_117] : memref<8x128x16xf32, #tpu.memory_space<vmem>> -> memref<1x128x16xf32, #tpu.memory_space<vmem>>
    %dma_start3A_119 = tpu.memref_squeeze %dma_start3A_118 : memref<1x128x16xf32, #tpu.memory_space<vmem>> -> memref<128x16xf32, #tpu.memory_space<vmem>>
    %dma_start3A_120 = arith.constant 0 : i32
    %dma_start3A_121 = tpu.memref_slice %arg6[%dma_start3A_114, %dma_start3A_120] : memref<80x128xi32, #tpu.memory_space<vmem>> -> memref<1x128xi32, #tpu.memory_space<vmem>>
    %dma_start3A_122 = tpu.memref_squeeze %dma_start3A_121 : memref<1x128xi32, #tpu.memory_space<vmem>> -> memref<128xi32, #tpu.memory_space<vmem>>
    %dma_start3A_123 = arith.constant 0 : i32
    %dma_start3A_124 = arith.constant 0 : i32
    %dma_start3A_125 = tpu.memref_slice %arg10[%dma_start3A_123, %dma_start3A_124] : memref<10240x16xf32, #tpu.memory_space<vmem_shared>> -> memref<10240x16xf32, #tpu.memory_space<vmem_shared>>
    tpu.enqueue_indirect_dma source(%dma_start3A_125 : memref<10240x16xf32, #tpu.memory_space<vmem_shared>>) target(%dma_start3A_119 : memref<128x16xf32, #tpu.memory_space<vmem>>) offsets(%dma_start3A_122 : memref<128xi32, #tpu.memory_space<vmem>>) semaphore(%arg19 : memref<!tpu.dma_semaphore, #tpu.memory_space<semaphore_mem>>)
    %scan3A_126 = arith.constant 0 : i32
    %scan3A_127 = arith.constant 0 : i32
    %scan3A_128 = arith.constant 10 : i32
    %scan3A_129 = arith.addi %scan3A_127, %scan3A_128 : i32
    %scan3A_130 = arith.constant 1 : i32
    %scan3A_131 = scf.for %scan3A_233 = %scan3A_127 to %scan3A_129 step %scan3A_130 iter_args(%scan3A_234 = %scan3A_126) -> (i32)  : i32 {
      %mul3A_235 = arith.constant 8 : i32
      %mul3A_236 = arith.muli %scan3A_233, %mul3A_235 : i32
      %add3A_237 = arith.constant 0 : i32
      %add3A_238 = arith.addi %mul3A_236, %add3A_237 : i32
      %dma_wait3A_239 = arith.constant 0 : i32
      %dma_wait3A_240 = arith.constant 0 : i32
      %dma_wait3A_241 = arith.constant 0 : i32
      %dma_wait3A_242 = tpu.memref_slice %arg8[%dma_wait3A_239, %dma_wait3A_240, %dma_wait3A_241] : memref<8x128x16xf32, #tpu.memory_space<vmem>> -> memref<1x128x16xf32, #tpu.memory_space<vmem>>
      %dma_wait3A_243 = tpu.memref_squeeze %dma_wait3A_242 : memref<1x128x16xf32, #tpu.memory_space<vmem>> -> memref<128x16xf32, #tpu.memory_space<vmem>>
      %dma_wait3A_244 = arith.constant 0 : i32
      %dma_wait3A_245 = tpu.memref_slice %arg6[%add3A_238, %dma_wait3A_244] : memref<80x128xi32, #tpu.memory_space<vmem>> -> memref<1x128xi32, #tpu.memory_space<vmem>>
      %dma_wait3A_246 = tpu.memref_squeeze %dma_wait3A_245 : memref<1x128xi32, #tpu.memory_space<vmem>> -> memref<128xi32, #tpu.memory_space<vmem>>
      %dma_wait3A_247 = arith.constant 0 : i32
      %dma_wait3A_248 = arith.constant 0 : i32
      %dma_wait3A_249 = tpu.memref_slice %arg10[%dma_wait3A_247, %dma_wait3A_248] : memref<10240x16xf32, #tpu.memory_space<vmem_shared>> -> memref<10240x16xf32, #tpu.memory_space<vmem_shared>>
      tpu.wait_indirect_dma semaphore(%arg12 : memref<!tpu.dma_semaphore, #tpu.memory_space<semaphore_mem>>) src(%dma_wait3A_249 : memref<10240x16xf32, #tpu.memory_space<vmem_shared>>) dst(%dma_wait3A_243 : memref<128x16xf32, #tpu.memory_space<vmem>>)
      %mul3A_250 = arith.constant 8 : i32
      %mul3A_251 = arith.muli %scan3A_233, %mul3A_250 : i32
      %add3A_252 = arith.constant 0 : i32
      %add3A_253 = arith.addi %mul3A_251, %add3A_252 : i32
      %dma_start3A_254 = arith.constant 0 : i32
      %dma_start3A_255 = arith.constant 0 : i32
      %dma_start3A_256 = arith.constant 0 : i32
      %dma_start3A_257 = tpu.memref_slice %arg8[%dma_start3A_254, %dma_start3A_255, %dma_start3A_256] : memref<8x128x16xf32, #tpu.memory_space<vmem>> -> memref<1x128x16xf32, #tpu.memory_space<vmem>>
      %dma_start3A_258 = tpu.memref_squeeze %dma_start3A_257 : memref<1x128x16xf32, #tpu.memory_space<vmem>> -> memref<128x16xf32, #tpu.memory_space<vmem>>
      %dma_start3A_259 = arith.constant 0 : i32
      %dma_start3A_260 = tpu.memref_slice %arg7[%add3A_253, %dma_start3A_259] : memref<80x128xi32, #tpu.memory_space<vmem>> -> memref<1x128xi32, #tpu.memory_space<vmem>>
      %dma_start3A_261 = tpu.memref_squeeze %dma_start3A_260 : memref<1x128xi32, #tpu.memory_space<vmem>> -> memref<128xi32, #tpu.memory_space<vmem>>
      %dma_start3A_262 = arith.constant 0 : i32
      %dma_start3A_263 = arith.constant 0 : i32
      %dma_start3A_264 = tpu.memref_slice %arg11[%dma_start3A_262, %dma_start3A_263] : memref<10240x16xf32, #tpu.memory_space<vmem_shared>> -> memref<10240x16xf32, #tpu.memory_space<vmem_shared>>
      tpu.enqueue_indirect_dma source(%dma_start3A_258 : memref<128x16xf32, #tpu.memory_space<vmem>>) target(%dma_start3A_264 : memref<10240x16xf32, #tpu.memory_space<vmem_shared>>) offsets(%dma_start3A_261 : memref<128xi32, #tpu.memory_space<vmem>>) semaphore(%arg20 : memref<!tpu.dma_semaphore, #tpu.memory_space<semaphore_mem>>) {add = true}
      %mul3A_265 = arith.constant 8 : i32
      %mul3A_266 = arith.muli %scan3A_233, %mul3A_265 : i32
      %add3A_267 = arith.constant 1 : i32
      %add3A_268 = arith.addi %mul3A_266, %add3A_267 : i32
      %dma_wait3A_269 = arith.constant 1 : i32
      %dma_wait3A_270 = arith.constant 0 : i32
      %dma_wait3A_271 = arith.constant 0 : i32
      %dma_wait3A_272 = tpu.memref_slice %arg8[%dma_wait3A_269, %dma_wait3A_270, %dma_wait3A_271] : memref<8x128x16xf32, #tpu.memory_space<vmem>> -> memref<1x128x16xf32, #tpu.memory_space<vmem>>
      %dma_wait3A_273 = tpu.memref_squeeze %dma_wait3A_272 : memref<1x128x16xf32, #tpu.memory_space<vmem>> -> memref<128x16xf32, #tpu.memory_space<vmem>>
      %dma_wait3A_274 = arith.constant 0 : i32
      %dma_wait3A_275 = tpu.memref_slice %arg6[%add3A_268, %dma_wait3A_274] : memref<80x128xi32, #tpu.memory_space<vmem>> -> memref<1x128xi32, #tpu.memory_space<vmem>>
      %dma_wait3A_276 = tpu.memref_squeeze %dma_wait3A_275 : memref<1x128xi32, #tpu.memory_space<vmem>> -> memref<128xi32, #tpu.memory_space<vmem>>
      %dma_wait3A_277 = arith.constant 0 : i32
      %dma_wait3A_278 = arith.constant 0 : i32
      %dma_wait3A_279 = tpu.memref_slice %arg10[%dma_wait3A_277, %dma_wait3A_278] : memref<10240x16xf32, #tpu.memory_space<vmem_shared>> -> memref<10240x16xf32, #tpu.memory_space<vmem_shared>>
      tpu.wait_indirect_dma semaphore(%arg13 : memref<!tpu.dma_semaphore, #tpu.memory_space<semaphore_mem>>) src(%dma_wait3A_279 : memref<10240x16xf32, #tpu.memory_space<vmem_shared>>) dst(%dma_wait3A_273 : memref<128x16xf32, #tpu.memory_space<vmem>>)
      %mul3A_280 = arith.constant 8 : i32
      %mul3A_281 = arith.muli %scan3A_233, %mul3A_280 : i32
      %add3A_282 = arith.constant 1 : i32
      %add3A_283 = arith.addi %mul3A_281, %add3A_282 : i32
      %dma_start3A_284 = arith.constant 1 : i32
      %dma_start3A_285 = arith.constant 0 : i32
      %dma_start3A_286 = arith.constant 0 : i32
      %dma_start3A_287 = tpu.memref_slice %arg8[%dma_start3A_284, %dma_start3A_285, %dma_start3A_286] : memref<8x128x16xf32, #tpu.memory_space<vmem>> -> memref<1x128x16xf32, #tpu.memory_space<vmem>>
      %dma_start3A_288 = tpu.memref_squeeze %dma_start3A_287 : memref<1x128x16xf32, #tpu.memory_space<vmem>> -> memref<128x16xf32, #tpu.memory_space<vmem>>
      %dma_start3A_289 = arith.constant 0 : i32
      %dma_start3A_290 = tpu.memref_slice %arg7[%add3A_283, %dma_start3A_289] : memref<80x128xi32, #tpu.memory_space<vmem>> -> memref<1x128xi32, #tpu.memory_space<vmem>>
      %dma_start3A_291 = tpu.memref_squeeze %dma_start3A_290 : memref<1x128xi32, #tpu.memory_space<vmem>> -> memref<128xi32, #tpu.memory_space<vmem>>
      %dma_start3A_292 = arith.constant 0 : i32
      %dma_start3A_293 = arith.constant 0 : i32
      %dma_start3A_294 = tpu.memref_slice %arg11[%dma_start3A_292, %dma_start3A_293] : memref<10240x16xf32, #tpu.memory_space<vmem_shared>> -> memref<10240x16xf32, #tpu.memory_space<vmem_shared>>
      tpu.enqueue_indirect_dma source(%dma_start3A_288 : memref<128x16xf32, #tpu.memory_space<vmem>>) target(%dma_start3A_294 : memref<10240x16xf32, #tpu.memory_space<vmem_shared>>) offsets(%dma_start3A_291 : memref<128xi32, #tpu.memory_space<vmem>>) semaphore(%arg21 : memref<!tpu.dma_semaphore, #tpu.memory_space<semaphore_mem>>) {add = true}
      %mul3A_295 = arith.constant 8 : i32
      %mul3A_296 = arith.muli %scan3A_233, %mul3A_295 : i32
      %add3A_297 = arith.constant 2 : i32
      %add3A_298 = arith.addi %mul3A_296, %add3A_297 : i32
      %dma_wait3A_299 = arith.constant 2 : i32
      %dma_wait3A_300 = arith.constant 0 : i32
      %dma_wait3A_301 = arith.constant 0 : i32
      %dma_wait3A_302 = tpu.memref_slice %arg8[%dma_wait3A_299, %dma_wait3A_300, %dma_wait3A_301] : memref<8x128x16xf32, #tpu.memory_space<vmem>> -> memref<1x128x16xf32, #tpu.memory_space<vmem>>
      %dma_wait3A_303 = tpu.memref_squeeze %dma_wait3A_302 : memref<1x128x16xf32, #tpu.memory_space<vmem>> -> memref<128x16xf32, #tpu.memory_space<vmem>>
      %dma_wait3A_304 = arith.constant 0 : i32
      %dma_wait3A_305 = tpu.memref_slice %arg6[%add3A_298, %dma_wait3A_304] : memref<80x128xi32, #tpu.memory_space<vmem>> -> memref<1x128xi32, #tpu.memory_space<vmem>>
      %dma_wait3A_306 = tpu.memref_squeeze %dma_wait3A_305 : memref<1x128xi32, #tpu.memory_space<vmem>> -> memref<128xi32, #tpu.memory_space<vmem>>
      %dma_wait3A_307 = arith.constant 0 : i32
      %dma_wait3A_308 = arith.constant 0 : i32
      %dma_wait3A_309 = tpu.memref_slice %arg10[%dma_wait3A_307, %dma_wait3A_308] : memref<10240x16xf32, #tpu.memory_space<vmem_shared>> -> memref<10240x16xf32, #tpu.memory_space<vmem_shared>>
      tpu.wait_indirect_dma semaphore(%arg14 : memref<!tpu.dma_semaphore, #tpu.memory_space<semaphore_mem>>) src(%dma_wait3A_309 : memref<10240x16xf32, #tpu.memory_space<vmem_shared>>) dst(%dma_wait3A_303 : memref<128x16xf32, #tpu.memory_space<vmem>>)
      %mul3A_310 = arith.constant 8 : i32
      %mul3A_311 = arith.muli %scan3A_233, %mul3A_310 : i32
      %add3A_312 = arith.constant 2 : i32
      %add3A_313 = arith.addi %mul3A_311, %add3A_312 : i32
      %dma_start3A_314 = arith.constant 2 : i32
      %dma_start3A_315 = arith.constant 0 : i32
      %dma_start3A_316 = arith.constant 0 : i32
      %dma_start3A_317 = tpu.memref_slice %arg8[%dma_start3A_314, %dma_start3A_315, %dma_start3A_316] : memref<8x128x16xf32, #tpu.memory_space<vmem>> -> memref<1x128x16xf32, #tpu.memory_space<vmem>>
      %dma_start3A_318 = tpu.memref_squeeze %dma_start3A_317 : memref<1x128x16xf32, #tpu.memory_space<vmem>> -> memref<128x16xf32, #tpu.memory_space<vmem>>
      %dma_start3A_319 = arith.constant 0 : i32
      %dma_start3A_320 = tpu.memref_slice %arg7[%add3A_313, %dma_start3A_319] : memref<80x128xi32, #tpu.memory_space<vmem>> -> memref<1x128xi32, #tpu.memory_space<vmem>>
      %dma_start3A_321 = tpu.memref_squeeze %dma_start3A_320 : memref<1x128xi32, #tpu.memory_space<vmem>> -> memref<128xi32, #tpu.memory_space<vmem>>
      %dma_start3A_322 = arith.constant 0 : i32
      %dma_start3A_323 = arith.constant 0 : i32
      %dma_start3A_324 = tpu.memref_slice %arg11[%dma_start3A_322, %dma_start3A_323] : memref<10240x16xf32, #tpu.memory_space<vmem_shared>> -> memref<10240x16xf32, #tpu.memory_space<vmem_shared>>
      tpu.enqueue_indirect_dma source(%dma_start3A_318 : memref<128x16xf32, #tpu.memory_space<vmem>>) target(%dma_start3A_324 : memref<10240x16xf32, #tpu.memory_space<vmem_shared>>) offsets(%dma_start3A_321 : memref<128xi32, #tpu.memory_space<vmem>>) semaphore(%arg22 : memref<!tpu.dma_semaphore, #tpu.memory_space<semaphore_mem>>) {add = true}
      %mul3A_325 = arith.constant 8 : i32
      %mul3A_326 = arith.muli %scan3A_233, %mul3A_325 : i32
      %add3A_327 = arith.constant 3 : i32
      %add3A_328 = arith.addi %mul3A_326, %add3A_327 : i32
      %dma_wait3A_329 = arith.constant 3 : i32
      %dma_wait3A_330 = arith.constant 0 : i32
      %dma_wait3A_331 = arith.constant 0 : i32
      %dma_wait3A_332 = tpu.memref_slice %arg8[%dma_wait3A_329, %dma_wait3A_330, %dma_wait3A_331] : memref<8x128x16xf32, #tpu.memory_space<vmem>> -> memref<1x128x16xf32, #tpu.memory_space<vmem>>
      %dma_wait3A_333 = tpu.memref_squeeze %dma_wait3A_332 : memref<1x128x16xf32, #tpu.memory_space<vmem>> -> memref<128x16xf32, #tpu.memory_space<vmem>>
      %dma_wait3A_334 = arith.constant 0 : i32
      %dma_wait3A_335 = tpu.memref_slice %arg6[%add3A_328, %dma_wait3A_334] : memref<80x128xi32, #tpu.memory_space<vmem>> -> memref<1x128xi32, #tpu.memory_space<vmem>>
      %dma_wait3A_336 = tpu.memref_squeeze %dma_wait3A_335 : memref<1x128xi32, #tpu.memory_space<vmem>> -> memref<128xi32, #tpu.memory_space<vmem>>
      %dma_wait3A_337 = arith.constant 0 : i32
      %dma_wait3A_338 = arith.constant 0 : i32
      %dma_wait3A_339 = tpu.memref_slice %arg10[%dma_wait3A_337, %dma_wait3A_338] : memref<10240x16xf32, #tpu.memory_space<vmem_shared>> -> memref<10240x16xf32, #tpu.memory_space<vmem_shared>>
      tpu.wait_indirect_dma semaphore(%arg15 : memref<!tpu.dma_semaphore, #tpu.memory_space<semaphore_mem>>) src(%dma_wait3A_339 : memref<10240x16xf32, #tpu.memory_space<vmem_shared>>) dst(%dma_wait3A_333 : memref<128x16xf32, #tpu.memory_space<vmem>>)
      %mul3A_340 = arith.constant 8 : i32
      %mul3A_341 = arith.muli %scan3A_233, %mul3A_340 : i32
      %add3A_342 = arith.constant 3 : i32
      %add3A_343 = arith.addi %mul3A_341, %add3A_342 : i32
      %dma_start3A_344 = arith.constant 3 : i32
      %dma_start3A_345 = arith.constant 0 : i32
      %dma_start3A_346 = arith.constant 0 : i32
      %dma_start3A_347 = tpu.memref_slice %arg8[%dma_start3A_344, %dma_start3A_345, %dma_start3A_346] : memref<8x128x16xf32, #tpu.memory_space<vmem>> -> memref<1x128x16xf32, #tpu.memory_space<vmem>>
      %dma_start3A_348 = tpu.memref_squeeze %dma_start3A_347 : memref<1x128x16xf32, #tpu.memory_space<vmem>> -> memref<128x16xf32, #tpu.memory_space<vmem>>
      %dma_start3A_349 = arith.constant 0 : i32
      %dma_start3A_350 = tpu.memref_slice %arg7[%add3A_343, %dma_start3A_349] : memref<80x128xi32, #tpu.memory_space<vmem>> -> memref<1x128xi32, #tpu.memory_space<vmem>>
      %dma_start3A_351 = tpu.memref_squeeze %dma_start3A_350 : memref<1x128xi32, #tpu.memory_space<vmem>> -> memref<128xi32, #tpu.memory_space<vmem>>
      %dma_start3A_352 = arith.constant 0 : i32
      %dma_start3A_353 = arith.constant 0 : i32
      %dma_start3A_354 = tpu.memref_slice %arg11[%dma_start3A_352, %dma_start3A_353] : memref<10240x16xf32, #tpu.memory_space<vmem_shared>> -> memref<10240x16xf32, #tpu.memory_space<vmem_shared>>
      tpu.enqueue_indirect_dma source(%dma_start3A_348 : memref<128x16xf32, #tpu.memory_space<vmem>>) target(%dma_start3A_354 : memref<10240x16xf32, #tpu.memory_space<vmem_shared>>) offsets(%dma_start3A_351 : memref<128xi32, #tpu.memory_space<vmem>>) semaphore(%arg23 : memref<!tpu.dma_semaphore, #tpu.memory_space<semaphore_mem>>) {add = true}
      %mul3A_355 = arith.constant 8 : i32
      %mul3A_356 = arith.muli %scan3A_233, %mul3A_355 : i32
      %add3A_357 = arith.constant 4 : i32
      %add3A_358 = arith.addi %mul3A_356, %add3A_357 : i32
      %dma_wait3A_359 = arith.constant 4 : i32
      %dma_wait3A_360 = arith.constant 0 : i32
      %dma_wait3A_361 = arith.constant 0 : i32
      %dma_wait3A_362 = tpu.memref_slice %arg8[%dma_wait3A_359, %dma_wait3A_360, %dma_wait3A_361] : memref<8x128x16xf32, #tpu.memory_space<vmem>> -> memref<1x128x16xf32, #tpu.memory_space<vmem>>
      %dma_wait3A_363 = tpu.memref_squeeze %dma_wait3A_362 : memref<1x128x16xf32, #tpu.memory_space<vmem>> -> memref<128x16xf32, #tpu.memory_space<vmem>>
      %dma_wait3A_364 = arith.constant 0 : i32
      %dma_wait3A_365 = tpu.memref_slice %arg6[%add3A_358, %dma_wait3A_364] : memref<80x128xi32, #tpu.memory_space<vmem>> -> memref<1x128xi32, #tpu.memory_space<vmem>>
      %dma_wait3A_366 = tpu.memref_squeeze %dma_wait3A_365 : memref<1x128xi32, #tpu.memory_space<vmem>> -> memref<128xi32, #tpu.memory_space<vmem>>
      %dma_wait3A_367 = arith.constant 0 : i32
      %dma_wait3A_368 = arith.constant 0 : i32
      %dma_wait3A_369 = tpu.memref_slice %arg10[%dma_wait3A_367, %dma_wait3A_368] : memref<10240x16xf32, #tpu.memory_space<vmem_shared>> -> memref<10240x16xf32, #tpu.memory_space<vmem_shared>>
      tpu.wait_indirect_dma semaphore(%arg16 : memref<!tpu.dma_semaphore, #tpu.memory_space<semaphore_mem>>) src(%dma_wait3A_369 : memref<10240x16xf32, #tpu.memory_space<vmem_shared>>) dst(%dma_wait3A_363 : memref<128x16xf32, #tpu.memory_space<vmem>>)
      %mul3A_370 = arith.constant 8 : i32
      %mul3A_371 = arith.muli %scan3A_233, %mul3A_370 : i32
      %add3A_372 = arith.constant 4 : i32
      %add3A_373 = arith.addi %mul3A_371, %add3A_372 : i32
      %dma_start3A_374 = arith.constant 4 : i32
      %dma_start3A_375 = arith.constant 0 : i32
      %dma_start3A_376 = arith.constant 0 : i32
      %dma_start3A_377 = tpu.memref_slice %arg8[%dma_start3A_374, %dma_start3A_375, %dma_start3A_376] : memref<8x128x16xf32, #tpu.memory_space<vmem>> -> memref<1x128x16xf32, #tpu.memory_space<vmem>>
      %dma_start3A_378 = tpu.memref_squeeze %dma_start3A_377 : memref<1x128x16xf32, #tpu.memory_space<vmem>> -> memref<128x16xf32, #tpu.memory_space<vmem>>
      %dma_start3A_379 = arith.constant 0 : i32
      %dma_start3A_380 = tpu.memref_slice %arg7[%add3A_373, %dma_start3A_379] : memref<80x128xi32, #tpu.memory_space<vmem>> -> memref<1x128xi32, #tpu.memory_space<vmem>>
      %dma_start3A_381 = tpu.memref_squeeze %dma_start3A_380 : memref<1x128xi32, #tpu.memory_space<vmem>> -> memref<128xi32, #tpu.memory_space<vmem>>
      %dma_start3A_382 = arith.constant 0 : i32
      %dma_start3A_383 = arith.constant 0 : i32
      %dma_start3A_384 = tpu.memref_slice %arg11[%dma_start3A_382, %dma_start3A_383] : memref<10240x16xf32, #tpu.memory_space<vmem_shared>> -> memref<10240x16xf32, #tpu.memory_space<vmem_shared>>
      tpu.enqueue_indirect_dma source(%dma_start3A_378 : memref<128x16xf32, #tpu.memory_space<vmem>>) target(%dma_start3A_384 : memref<10240x16xf32, #tpu.memory_space<vmem_shared>>) offsets(%dma_start3A_381 : memref<128xi32, #tpu.memory_space<vmem>>) semaphore(%arg24 : memref<!tpu.dma_semaphore, #tpu.memory_space<semaphore_mem>>) {add = true}
      %mul3A_385 = arith.constant 8 : i32
      %mul3A_386 = arith.muli %scan3A_233, %mul3A_385 : i32
      %add3A_387 = arith.constant 5 : i32
      %add3A_388 = arith.addi %mul3A_386, %add3A_387 : i32
      %dma_wait3A_389 = arith.constant 5 : i32
      %dma_wait3A_390 = arith.constant 0 : i32
      %dma_wait3A_391 = arith.constant 0 : i32
      %dma_wait3A_392 = tpu.memref_slice %arg8[%dma_wait3A_389, %dma_wait3A_390, %dma_wait3A_391] : memref<8x128x16xf32, #tpu.memory_space<vmem>> -> memref<1x128x16xf32, #tpu.memory_space<vmem>>
      %dma_wait3A_393 = tpu.memref_squeeze %dma_wait3A_392 : memref<1x128x16xf32, #tpu.memory_space<vmem>> -> memref<128x16xf32, #tpu.memory_space<vmem>>
      %dma_wait3A_394 = arith.constant 0 : i32
      %dma_wait3A_395 = tpu.memref_slice %arg6[%add3A_388, %dma_wait3A_394] : memref<80x128xi32, #tpu.memory_space<vmem>> -> memref<1x128xi32, #tpu.memory_space<vmem>>
      %dma_wait3A_396 = tpu.memref_squeeze %dma_wait3A_395 : memref<1x128xi32, #tpu.memory_space<vmem>> -> memref<128xi32, #tpu.memory_space<vmem>>
      %dma_wait3A_397 = arith.constant 0 : i32
      %dma_wait3A_398 = arith.constant 0 : i32
      %dma_wait3A_399 = tpu.memref_slice %arg10[%dma_wait3A_397, %dma_wait3A_398] : memref<10240x16xf32, #tpu.memory_space<vmem_shared>> -> memref<10240x16xf32, #tpu.memory_space<vmem_shared>>
      tpu.wait_indirect_dma semaphore(%arg17 : memref<!tpu.dma_semaphore, #tpu.memory_space<semaphore_mem>>) src(%dma_wait3A_399 : memref<10240x16xf32, #tpu.memory_space<vmem_shared>>) dst(%dma_wait3A_393 : memref<128x16xf32, #tpu.memory_space<vmem>>)
      %mul3A_400 = arith.constant 8 : i32
      %mul3A_401 = arith.muli %scan3A_233, %mul3A_400 : i32
      %add3A_402 = arith.constant 5 : i32
      %add3A_403 = arith.addi %mul3A_401, %add3A_402 : i32
      %dma_start3A_404 = arith.constant 5 : i32
      %dma_start3A_405 = arith.constant 0 : i32
      %dma_start3A_406 = arith.constant 0 : i32
      %dma_start3A_407 = tpu.memref_slice %arg8[%dma_start3A_404, %dma_start3A_405, %dma_start3A_406] : memref<8x128x16xf32, #tpu.memory_space<vmem>> -> memref<1x128x16xf32, #tpu.memory_space<vmem>>
      %dma_start3A_408 = tpu.memref_squeeze %dma_start3A_407 : memref<1x128x16xf32, #tpu.memory_space<vmem>> -> memref<128x16xf32, #tpu.memory_space<vmem>>
      %dma_start3A_409 = arith.constant 0 : i32
      %dma_start3A_410 = tpu.memref_slice %arg7[%add3A_403, %dma_start3A_409] : memref<80x128xi32, #tpu.memory_space<vmem>> -> memref<1x128xi32, #tpu.memory_space<vmem>>
      %dma_start3A_411 = tpu.memref_squeeze %dma_start3A_410 : memref<1x128xi32, #tpu.memory_space<vmem>> -> memref<128xi32, #tpu.memory_space<vmem>>
      %dma_start3A_412 = arith.constant 0 : i32
      %dma_start3A_413 = arith.constant 0 : i32
      %dma_start3A_414 = tpu.memref_slice %arg11[%dma_start3A_412, %dma_start3A_413] : memref<10240x16xf32, #tpu.memory_space<vmem_shared>> -> memref<10240x16xf32, #tpu.memory_space<vmem_shared>>
      tpu.enqueue_indirect_dma source(%dma_start3A_408 : memref<128x16xf32, #tpu.memory_space<vmem>>) target(%dma_start3A_414 : memref<10240x16xf32, #tpu.memory_space<vmem_shared>>) offsets(%dma_start3A_411 : memref<128xi32, #tpu.memory_space<vmem>>) semaphore(%arg25 : memref<!tpu.dma_semaphore, #tpu.memory_space<semaphore_mem>>) {add = true}
      %mul3A_415 = arith.constant 8 : i32
      %mul3A_416 = arith.muli %scan3A_233, %mul3A_415 : i32
      %add3A_417 = arith.constant 6 : i32
      %add3A_418 = arith.addi %mul3A_416, %add3A_417 : i32
      %dma_wait3A_419 = arith.constant 6 : i32
      %dma_wait3A_420 = arith.constant 0 : i32
      %dma_wait3A_421 = arith.constant 0 : i32
      %dma_wait3A_422 = tpu.memref_slice %arg8[%dma_wait3A_419, %dma_wait3A_420, %dma_wait3A_421] : memref<8x128x16xf32, #tpu.memory_space<vmem>> -> memref<1x128x16xf32, #tpu.memory_space<vmem>>
      %dma_wait3A_423 = tpu.memref_squeeze %dma_wait3A_422 : memref<1x128x16xf32, #tpu.memory_space<vmem>> -> memref<128x16xf32, #tpu.memory_space<vmem>>
      %dma_wait3A_424 = arith.constant 0 : i32
      %dma_wait3A_425 = tpu.memref_slice %arg6[%add3A_418, %dma_wait3A_424] : memref<80x128xi32, #tpu.memory_space<vmem>> -> memref<1x128xi32, #tpu.memory_space<vmem>>
      %dma_wait3A_426 = tpu.memref_squeeze %dma_wait3A_425 : memref<1x128xi32, #tpu.memory_space<vmem>> -> memref<128xi32, #tpu.memory_space<vmem>>
      %dma_wait3A_427 = arith.constant 0 : i32
      %dma_wait3A_428 = arith.constant 0 : i32
      %dma_wait3A_429 = tpu.memref_slice %arg10[%dma_wait3A_427, %dma_wait3A_428] : memref<10240x16xf32, #tpu.memory_space<vmem_shared>> -> memref<10240x16xf32, #tpu.memory_space<vmem_shared>>
      tpu.wait_indirect_dma semaphore(%arg18 : memref<!tpu.dma_semaphore, #tpu.memory_space<semaphore_mem>>) src(%dma_wait3A_429 : memref<10240x16xf32, #tpu.memory_space<vmem_shared>>) dst(%dma_wait3A_423 : memref<128x16xf32, #tpu.memory_space<vmem>>)
      %mul3A_430 = arith.constant 8 : i32
      %mul3A_431 = arith.muli %scan3A_233, %mul3A_430 : i32
      %add3A_432 = arith.constant 6 : i32
      %add3A_433 = arith.addi %mul3A_431, %add3A_432 : i32
      %dma_start3A_434 = arith.constant 6 : i32
      %dma_start3A_435 = arith.constant 0 : i32
      %dma_start3A_436 = arith.constant 0 : i32
      %dma_start3A_437 = tpu.memref_slice %arg8[%dma_start3A_434, %dma_start3A_435, %dma_start3A_436] : memref<8x128x16xf32, #tpu.memory_space<vmem>> -> memref<1x128x16xf32, #tpu.memory_space<vmem>>
      %dma_start3A_438 = tpu.memref_squeeze %dma_start3A_437 : memref<1x128x16xf32, #tpu.memory_space<vmem>> -> memref<128x16xf32, #tpu.memory_space<vmem>>
      %dma_start3A_439 = arith.constant 0 : i32
      %dma_start3A_440 = tpu.memref_slice %arg7[%add3A_433, %dma_start3A_439] : memref<80x128xi32, #tpu.memory_space<vmem>> -> memref<1x128xi32, #tpu.memory_space<vmem>>
      %dma_start3A_441 = tpu.memref_squeeze %dma_start3A_440 : memref<1x128xi32, #tpu.memory_space<vmem>> -> memref<128xi32, #tpu.memory_space<vmem>>
      %dma_start3A_442 = arith.constant 0 : i32
      %dma_start3A_443 = arith.constant 0 : i32
      %dma_start3A_444 = tpu.memref_slice %arg11[%dma_start3A_442, %dma_start3A_443] : memref<10240x16xf32, #tpu.memory_space<vmem_shared>> -> memref<10240x16xf32, #tpu.memory_space<vmem_shared>>
      tpu.enqueue_indirect_dma source(%dma_start3A_438 : memref<128x16xf32, #tpu.memory_space<vmem>>) target(%dma_start3A_444 : memref<10240x16xf32, #tpu.memory_space<vmem_shared>>) offsets(%dma_start3A_441 : memref<128xi32, #tpu.memory_space<vmem>>) semaphore(%arg26 : memref<!tpu.dma_semaphore, #tpu.memory_space<semaphore_mem>>) {add = true}
      %mul3A_445 = arith.constant 8 : i32
      %mul3A_446 = arith.muli %scan3A_233, %mul3A_445 : i32
      %add3A_447 = arith.constant 7 : i32
      %add3A_448 = arith.addi %mul3A_446, %add3A_447 : i32
      %dma_wait3A_449 = arith.constant 7 : i32
      %dma_wait3A_450 = arith.constant 0 : i32
      %dma_wait3A_451 = arith.constant 0 : i32
      %dma_wait3A_452 = tpu.memref_slice %arg8[%dma_wait3A_449, %dma_wait3A_450, %dma_wait3A_451] : memref<8x128x16xf32, #tpu.memory_space<vmem>> -> memref<1x128x16xf32, #tpu.memory_space<vmem>>
      %dma_wait3A_453 = tpu.memref_squeeze %dma_wait3A_452 : memref<1x128x16xf32, #tpu.memory_space<vmem>> -> memref<128x16xf32, #tpu.memory_space<vmem>>
      %dma_wait3A_454 = arith.constant 0 : i32
      %dma_wait3A_455 = tpu.memref_slice %arg6[%add3A_448, %dma_wait3A_454] : memref<80x128xi32, #tpu.memory_space<vmem>> -> memref<1x128xi32, #tpu.memory_space<vmem>>
      %dma_wait3A_456 = tpu.memref_squeeze %dma_wait3A_455 : memref<1x128xi32, #tpu.memory_space<vmem>> -> memref<128xi32, #tpu.memory_space<vmem>>
      %dma_wait3A_457 = arith.constant 0 : i32
      %dma_wait3A_458 = arith.constant 0 : i32
      %dma_wait3A_459 = tpu.memref_slice %arg10[%dma_wait3A_457, %dma_wait3A_458] : memref<10240x16xf32, #tpu.memory_space<vmem_shared>> -> memref<10240x16xf32, #tpu.memory_space<vmem_shared>>
      tpu.wait_indirect_dma semaphore(%arg19 : memref<!tpu.dma_semaphore, #tpu.memory_space<semaphore_mem>>) src(%dma_wait3A_459 : memref<10240x16xf32, #tpu.memory_space<vmem_shared>>) dst(%dma_wait3A_453 : memref<128x16xf32, #tpu.memory_space<vmem>>)
      %mul3A_460 = arith.constant 8 : i32
      %mul3A_461 = arith.muli %scan3A_233, %mul3A_460 : i32
      %add3A_462 = arith.constant 7 : i32
      %add3A_463 = arith.addi %mul3A_461, %add3A_462 : i32
      %dma_start3A_464 = arith.constant 7 : i32
      %dma_start3A_465 = arith.constant 0 : i32
      %dma_start3A_466 = arith.constant 0 : i32
      %dma_start3A_467 = tpu.memref_slice %arg8[%dma_start3A_464, %dma_start3A_465, %dma_start3A_466] : memref<8x128x16xf32, #tpu.memory_space<vmem>> -> memref<1x128x16xf32, #tpu.memory_space<vmem>>
      %dma_start3A_468 = tpu.memref_squeeze %dma_start3A_467 : memref<1x128x16xf32, #tpu.memory_space<vmem>> -> memref<128x16xf32, #tpu.memory_space<vmem>>
      %dma_start3A_469 = arith.constant 0 : i32
      %dma_start3A_470 = tpu.memref_slice %arg7[%add3A_463, %dma_start3A_469] : memref<80x128xi32, #tpu.memory_space<vmem>> -> memref<1x128xi32, #tpu.memory_space<vmem>>
      %dma_start3A_471 = tpu.memref_squeeze %dma_start3A_470 : memref<1x128xi32, #tpu.memory_space<vmem>> -> memref<128xi32, #tpu.memory_space<vmem>>
      %dma_start3A_472 = arith.constant 0 : i32
      %dma_start3A_473 = arith.constant 0 : i32
      %dma_start3A_474 = tpu.memref_slice %arg11[%dma_start3A_472, %dma_start3A_473] : memref<10240x16xf32, #tpu.memory_space<vmem_shared>> -> memref<10240x16xf32, #tpu.memory_space<vmem_shared>>
      tpu.enqueue_indirect_dma source(%dma_start3A_468 : memref<128x16xf32, #tpu.memory_space<vmem>>) target(%dma_start3A_474 : memref<10240x16xf32, #tpu.memory_space<vmem_shared>>) offsets(%dma_start3A_471 : memref<128xi32, #tpu.memory_space<vmem>>) semaphore(%arg27 : memref<!tpu.dma_semaphore, #tpu.memory_space<semaphore_mem>>) {add = true}
      %lt3A = arith.constant 9 : i32
      %lt3A_475 = arith.cmpi slt, %scan3A_233, %lt3A : i32
      %convert_element_type3A = arith.extui %lt3A_475 : i1 to i32
      %cond3A = arith.constant 0 : i32
      %cond3A_476 = arith.cmpi ne, %convert_element_type3A, %cond3A : i32
      scf.if %cond3A_476 {
        %mul3A_478 = arith.constant 8 : i32
        %mul3A_479 = arith.muli %scan3A_233, %mul3A_478 : i32
        %add3A_480 = arith.constant 0 : i32
        %add3A_481 = arith.addi %mul3A_479, %add3A_480 : i32
        %dma_wait3A_482 = arith.constant 0 : i32
        %dma_wait3A_483 = arith.constant 0 : i32
        %dma_wait3A_484 = arith.constant 0 : i32
        %dma_wait3A_485 = tpu.memref_slice %arg8[%dma_wait3A_482, %dma_wait3A_483, %dma_wait3A_484] : memref<8x128x16xf32, #tpu.memory_space<vmem>> -> memref<1x128x16xf32, #tpu.memory_space<vmem>>
        %dma_wait3A_486 = tpu.memref_squeeze %dma_wait3A_485 : memref<1x128x16xf32, #tpu.memory_space<vmem>> -> memref<128x16xf32, #tpu.memory_space<vmem>>
        %dma_wait3A_487 = arith.constant 0 : i32
        %dma_wait3A_488 = tpu.memref_slice %arg7[%add3A_481, %dma_wait3A_487] : memref<80x128xi32, #tpu.memory_space<vmem>> -> memref<1x128xi32, #tpu.memory_space<vmem>>
        %dma_wait3A_489 = tpu.memref_squeeze %dma_wait3A_488 : memref<1x128xi32, #tpu.memory_space<vmem>> -> memref<128xi32, #tpu.memory_space<vmem>>
        %dma_wait3A_490 = arith.constant 0 : i32
        %dma_wait3A_491 = arith.constant 0 : i32
        %dma_wait3A_492 = tpu.memref_slice %arg11[%dma_wait3A_490, %dma_wait3A_491] : memref<10240x16xf32, #tpu.memory_space<vmem_shared>> -> memref<10240x16xf32, #tpu.memory_space<vmem_shared>>
        tpu.wait_indirect_dma semaphore(%arg20 : memref<!tpu.dma_semaphore, #tpu.memory_space<semaphore_mem>>) src(%dma_wait3A_486 : memref<128x16xf32, #tpu.memory_space<vmem>>) dst(%dma_wait3A_492 : memref<10240x16xf32, #tpu.memory_space<vmem_shared>>)
        %add3A_493 = arith.constant 1 : i32
        %add3A_494 = arith.addi %scan3A_233, %add3A_493 : i32
        %mul3A_495 = arith.constant 8 : i32
        %mul3A_496 = arith.muli %add3A_494, %mul3A_495 : i32
        %add3A_497 = arith.constant 0 : i32
        %add3A_498 = arith.addi %mul3A_496, %add3A_497 : i32
        %dma_start3A_499 = arith.constant 0 : i32
        %dma_start3A_500 = arith.constant 0 : i32
        %dma_start3A_501 = arith.constant 0 : i32
        %dma_start3A_502 = tpu.memref_slice %arg8[%dma_start3A_499, %dma_start3A_500, %dma_start3A_501] : memref<8x128x16xf32, #tpu.memory_space<vmem>> -> memref<1x128x16xf32, #tpu.memory_space<vmem>>
        %dma_start3A_503 = tpu.memref_squeeze %dma_start3A_502 : memref<1x128x16xf32, #tpu.memory_space<vmem>> -> memref<128x16xf32, #tpu.memory_space<vmem>>
        %dma_start3A_504 = arith.constant 0 : i32
        %dma_start3A_505 = tpu.memref_slice %arg6[%add3A_498, %dma_start3A_504] : memref<80x128xi32, #tpu.memory_space<vmem>> -> memref<1x128xi32, #tpu.memory_space<vmem>>
        %dma_start3A_506 = tpu.memref_squeeze %dma_start3A_505 : memref<1x128xi32, #tpu.memory_space<vmem>> -> memref<128xi32, #tpu.memory_space<vmem>>
        %dma_start3A_507 = arith.constant 0 : i32
        %dma_start3A_508 = arith.constant 0 : i32
        %dma_start3A_509 = tpu.memref_slice %arg10[%dma_start3A_507, %dma_start3A_508] : memref<10240x16xf32, #tpu.memory_space<vmem_shared>> -> memref<10240x16xf32, #tpu.memory_space<vmem_shared>>
        tpu.enqueue_indirect_dma source(%dma_start3A_509 : memref<10240x16xf32, #tpu.memory_space<vmem_shared>>) target(%dma_start3A_503 : memref<128x16xf32, #tpu.memory_space<vmem>>) offsets(%dma_start3A_506 : memref<128xi32, #tpu.memory_space<vmem>>) semaphore(%arg12 : memref<!tpu.dma_semaphore, #tpu.memory_space<semaphore_mem>>)
        %mul3A_510 = arith.constant 8 : i32
        %mul3A_511 = arith.muli %scan3A_233, %mul3A_510 : i32
        %add3A_512 = arith.constant 1 : i32
        %add3A_513 = arith.addi %mul3A_511, %add3A_512 : i32
        %dma_wait3A_514 = arith.constant 1 : i32
        %dma_wait3A_515 = arith.constant 0 : i32
        %dma_wait3A_516 = arith.constant 0 : i32
        %dma_wait3A_517 = tpu.memref_slice %arg8[%dma_wait3A_514, %dma_wait3A_515, %dma_wait3A_516] : memref<8x128x16xf32, #tpu.memory_space<vmem>> -> memref<1x128x16xf32, #tpu.memory_space<vmem>>
        %dma_wait3A_518 = tpu.memref_squeeze %dma_wait3A_517 : memref<1x128x16xf32, #tpu.memory_space<vmem>> -> memref<128x16xf32, #tpu.memory_space<vmem>>
        %dma_wait3A_519 = arith.constant 0 : i32
        %dma_wait3A_520 = tpu.memref_slice %arg7[%add3A_513, %dma_wait3A_519] : memref<80x128xi32, #tpu.memory_space<vmem>> -> memref<1x128xi32, #tpu.memory_space<vmem>>
        %dma_wait3A_521 = tpu.memref_squeeze %dma_wait3A_520 : memref<1x128xi32, #tpu.memory_space<vmem>> -> memref<128xi32, #tpu.memory_space<vmem>>
        %dma_wait3A_522 = arith.constant 0 : i32
        %dma_wait3A_523 = arith.constant 0 : i32
        %dma_wait3A_524 = tpu.memref_slice %arg11[%dma_wait3A_522, %dma_wait3A_523] : memref<10240x16xf32, #tpu.memory_space<vmem_shared>> -> memref<10240x16xf32, #tpu.memory_space<vmem_shared>>
        tpu.wait_indirect_dma semaphore(%arg21 : memref<!tpu.dma_semaphore, #tpu.memory_space<semaphore_mem>>) src(%dma_wait3A_518 : memref<128x16xf32, #tpu.memory_space<vmem>>) dst(%dma_wait3A_524 : memref<10240x16xf32, #tpu.memory_space<vmem_shared>>)
        %add3A_525 = arith.constant 1 : i32
        %add3A_526 = arith.addi %scan3A_233, %add3A_525 : i32
        %mul3A_527 = arith.constant 8 : i32
        %mul3A_528 = arith.muli %add3A_526, %mul3A_527 : i32
        %add3A_529 = arith.constant 1 : i32
        %add3A_530 = arith.addi %mul3A_528, %add3A_529 : i32
        %dma_start3A_531 = arith.constant 1 : i32
        %dma_start3A_532 = arith.constant 0 : i32
        %dma_start3A_533 = arith.constant 0 : i32
        %dma_start3A_534 = tpu.memref_slice %arg8[%dma_start3A_531, %dma_start3A_532, %dma_start3A_533] : memref<8x128x16xf32, #tpu.memory_space<vmem>> -> memref<1x128x16xf32, #tpu.memory_space<vmem>>
        %dma_start3A_535 = tpu.memref_squeeze %dma_start3A_534 : memref<1x128x16xf32, #tpu.memory_space<vmem>> -> memref<128x16xf32, #tpu.memory_space<vmem>>
        %dma_start3A_536 = arith.constant 0 : i32
        %dma_start3A_537 = tpu.memref_slice %arg6[%add3A_530, %dma_start3A_536] : memref<80x128xi32, #tpu.memory_space<vmem>> -> memref<1x128xi32, #tpu.memory_space<vmem>>
        %dma_start3A_538 = tpu.memref_squeeze %dma_start3A_537 : memref<1x128xi32, #tpu.memory_space<vmem>> -> memref<128xi32, #tpu.memory_space<vmem>>
        %dma_start3A_539 = arith.constant 0 : i32
        %dma_start3A_540 = arith.constant 0 : i32
        %dma_start3A_541 = tpu.memref_slice %arg10[%dma_start3A_539, %dma_start3A_540] : memref<10240x16xf32, #tpu.memory_space<vmem_shared>> -> memref<10240x16xf32, #tpu.memory_space<vmem_shared>>
        tpu.enqueue_indirect_dma source(%dma_start3A_541 : memref<10240x16xf32, #tpu.memory_space<vmem_shared>>) target(%dma_start3A_535 : memref<128x16xf32, #tpu.memory_space<vmem>>) offsets(%dma_start3A_538 : memref<128xi32, #tpu.memory_space<vmem>>) semaphore(%arg13 : memref<!tpu.dma_semaphore, #tpu.memory_space<semaphore_mem>>)
        %mul3A_542 = arith.constant 8 : i32
        %mul3A_543 = arith.muli %scan3A_233, %mul3A_542 : i32
        %add3A_544 = arith.constant 2 : i32
        %add3A_545 = arith.addi %mul3A_543, %add3A_544 : i32
        %dma_wait3A_546 = arith.constant 2 : i32
        %dma_wait3A_547 = arith.constant 0 : i32
        %dma_wait3A_548 = arith.constant 0 : i32
        %dma_wait3A_549 = tpu.memref_slice %arg8[%dma_wait3A_546, %dma_wait3A_547, %dma_wait3A_548] : memref<8x128x16xf32, #tpu.memory_space<vmem>> -> memref<1x128x16xf32, #tpu.memory_space<vmem>>
        %dma_wait3A_550 = tpu.memref_squeeze %dma_wait3A_549 : memref<1x128x16xf32, #tpu.memory_space<vmem>> -> memref<128x16xf32, #tpu.memory_space<vmem>>
        %dma_wait3A_551 = arith.constant 0 : i32
        %dma_wait3A_552 = tpu.memref_slice %arg7[%add3A_545, %dma_wait3A_551] : memref<80x128xi32, #tpu.memory_space<vmem>> -> memref<1x128xi32, #tpu.memory_space<vmem>>
        %dma_wait3A_553 = tpu.memref_squeeze %dma_wait3A_552 : memref<1x128xi32, #tpu.memory_space<vmem>> -> memref<128xi32, #tpu.memory_space<vmem>>
        %dma_wait3A_554 = arith.constant 0 : i32
        %dma_wait3A_555 = arith.constant 0 : i32
        %dma_wait3A_556 = tpu.memref_slice %arg11[%dma_wait3A_554, %dma_wait3A_555] : memref<10240x16xf32, #tpu.memory_space<vmem_shared>> -> memref<10240x16xf32, #tpu.memory_space<vmem_shared>>
        tpu.wait_indirect_dma semaphore(%arg22 : memref<!tpu.dma_semaphore, #tpu.memory_space<semaphore_mem>>) src(%dma_wait3A_550 : memref<128x16xf32, #tpu.memory_space<vmem>>) dst(%dma_wait3A_556 : memref<10240x16xf32, #tpu.memory_space<vmem_shared>>)
        %add3A_557 = arith.constant 1 : i32
        %add3A_558 = arith.addi %scan3A_233, %add3A_557 : i32
        %mul3A_559 = arith.constant 8 : i32
        %mul3A_560 = arith.muli %add3A_558, %mul3A_559 : i32
        %add3A_561 = arith.constant 2 : i32
        %add3A_562 = arith.addi %mul3A_560, %add3A_561 : i32
        %dma_start3A_563 = arith.constant 2 : i32
        %dma_start3A_564 = arith.constant 0 : i32
        %dma_start3A_565 = arith.constant 0 : i32
        %dma_start3A_566 = tpu.memref_slice %arg8[%dma_start3A_563, %dma_start3A_564, %dma_start3A_565] : memref<8x128x16xf32, #tpu.memory_space<vmem>> -> memref<1x128x16xf32, #tpu.memory_space<vmem>>
        %dma_start3A_567 = tpu.memref_squeeze %dma_start3A_566 : memref<1x128x16xf32, #tpu.memory_space<vmem>> -> memref<128x16xf32, #tpu.memory_space<vmem>>
        %dma_start3A_568 = arith.constant 0 : i32
        %dma_start3A_569 = tpu.memref_slice %arg6[%add3A_562, %dma_start3A_568] : memref<80x128xi32, #tpu.memory_space<vmem>> -> memref<1x128xi32, #tpu.memory_space<vmem>>
        %dma_start3A_570 = tpu.memref_squeeze %dma_start3A_569 : memref<1x128xi32, #tpu.memory_space<vmem>> -> memref<128xi32, #tpu.memory_space<vmem>>
        %dma_start3A_571 = arith.constant 0 : i32
        %dma_start3A_572 = arith.constant 0 : i32
        %dma_start3A_573 = tpu.memref_slice %arg10[%dma_start3A_571, %dma_start3A_572] : memref<10240x16xf32, #tpu.memory_space<vmem_shared>> -> memref<10240x16xf32, #tpu.memory_space<vmem_shared>>
        tpu.enqueue_indirect_dma source(%dma_start3A_573 : memref<10240x16xf32, #tpu.memory_space<vmem_shared>>) target(%dma_start3A_567 : memref<128x16xf32, #tpu.memory_space<vmem>>) offsets(%dma_start3A_570 : memref<128xi32, #tpu.memory_space<vmem>>) semaphore(%arg14 : memref<!tpu.dma_semaphore, #tpu.memory_space<semaphore_mem>>)
        %mul3A_574 = arith.constant 8 : i32
        %mul3A_575 = arith.muli %scan3A_233, %mul3A_574 : i32
        %add3A_576 = arith.constant 3 : i32
        %add3A_577 = arith.addi %mul3A_575, %add3A_576 : i32
        %dma_wait3A_578 = arith.constant 3 : i32
        %dma_wait3A_579 = arith.constant 0 : i32
        %dma_wait3A_580 = arith.constant 0 : i32
        %dma_wait3A_581 = tpu.memref_slice %arg8[%dma_wait3A_578, %dma_wait3A_579, %dma_wait3A_580] : memref<8x128x16xf32, #tpu.memory_space<vmem>> -> memref<1x128x16xf32, #tpu.memory_space<vmem>>
        %dma_wait3A_582 = tpu.memref_squeeze %dma_wait3A_581 : memref<1x128x16xf32, #tpu.memory_space<vmem>> -> memref<128x16xf32, #tpu.memory_space<vmem>>
        %dma_wait3A_583 = arith.constant 0 : i32
        %dma_wait3A_584 = tpu.memref_slice %arg7[%add3A_577, %dma_wait3A_583] : memref<80x128xi32, #tpu.memory_space<vmem>> -> memref<1x128xi32, #tpu.memory_space<vmem>>
        %dma_wait3A_585 = tpu.memref_squeeze %dma_wait3A_584 : memref<1x128xi32, #tpu.memory_space<vmem>> -> memref<128xi32, #tpu.memory_space<vmem>>
        %dma_wait3A_586 = arith.constant 0 : i32
        %dma_wait3A_587 = arith.constant 0 : i32
        %dma_wait3A_588 = tpu.memref_slice %arg11[%dma_wait3A_586, %dma_wait3A_587] : memref<10240x16xf32, #tpu.memory_space<vmem_shared>> -> memref<10240x16xf32, #tpu.memory_space<vmem_shared>>
        tpu.wait_indirect_dma semaphore(%arg23 : memref<!tpu.dma_semaphore, #tpu.memory_space<semaphore_mem>>) src(%dma_wait3A_582 : memref<128x16xf32, #tpu.memory_space<vmem>>) dst(%dma_wait3A_588 : memref<10240x16xf32, #tpu.memory_space<vmem_shared>>)
        %add3A_589 = arith.constant 1 : i32
        %add3A_590 = arith.addi %scan3A_233, %add3A_589 : i32
        %mul3A_591 = arith.constant 8 : i32
        %mul3A_592 = arith.muli %add3A_590, %mul3A_591 : i32
        %add3A_593 = arith.constant 3 : i32
        %add3A_594 = arith.addi %mul3A_592, %add3A_593 : i32
        %dma_start3A_595 = arith.constant 3 : i32
        %dma_start3A_596 = arith.constant 0 : i32
        %dma_start3A_597 = arith.constant 0 : i32
        %dma_start3A_598 = tpu.memref_slice %arg8[%dma_start3A_595, %dma_start3A_596, %dma_start3A_597] : memref<8x128x16xf32, #tpu.memory_space<vmem>> -> memref<1x128x16xf32, #tpu.memory_space<vmem>>
        %dma_start3A_599 = tpu.memref_squeeze %dma_start3A_598 : memref<1x128x16xf32, #tpu.memory_space<vmem>> -> memref<128x16xf32, #tpu.memory_space<vmem>>
        %dma_start3A_600 = arith.constant 0 : i32
        %dma_start3A_601 = tpu.memref_slice %arg6[%add3A_594, %dma_start3A_600] : memref<80x128xi32, #tpu.memory_space<vmem>> -> memref<1x128xi32, #tpu.memory_space<vmem>>
        %dma_start3A_602 = tpu.memref_squeeze %dma_start3A_601 : memref<1x128xi32, #tpu.memory_space<vmem>> -> memref<128xi32, #tpu.memory_space<vmem>>
        %dma_start3A_603 = arith.constant 0 : i32
        %dma_start3A_604 = arith.constant 0 : i32
        %dma_start3A_605 = tpu.memref_slice %arg10[%dma_start3A_603, %dma_start3A_604] : memref<10240x16xf32, #tpu.memory_space<vmem_shared>> -> memref<10240x16xf32, #tpu.memory_space<vmem_shared>>
        tpu.enqueue_indirect_dma source(%dma_start3A_605 : memref<10240x16xf32, #tpu.memory_space<vmem_shared>>) target(%dma_start3A_599 : memref<128x16xf32, #tpu.memory_space<vmem>>) offsets(%dma_start3A_602 : memref<128xi32, #tpu.memory_space<vmem>>) semaphore(%arg15 : memref<!tpu.dma_semaphore, #tpu.memory_space<semaphore_mem>>)
        %mul3A_606 = arith.constant 8 : i32
        %mul3A_607 = arith.muli %scan3A_233, %mul3A_606 : i32
        %add3A_608 = arith.constant 4 : i32
        %add3A_609 = arith.addi %mul3A_607, %add3A_608 : i32
        %dma_wait3A_610 = arith.constant 4 : i32
        %dma_wait3A_611 = arith.constant 0 : i32
        %dma_wait3A_612 = arith.constant 0 : i32
        %dma_wait3A_613 = tpu.memref_slice %arg8[%dma_wait3A_610, %dma_wait3A_611, %dma_wait3A_612] : memref<8x128x16xf32, #tpu.memory_space<vmem>> -> memref<1x128x16xf32, #tpu.memory_space<vmem>>
        %dma_wait3A_614 = tpu.memref_squeeze %dma_wait3A_613 : memref<1x128x16xf32, #tpu.memory_space<vmem>> -> memref<128x16xf32, #tpu.memory_space<vmem>>
        %dma_wait3A_615 = arith.constant 0 : i32
        %dma_wait3A_616 = tpu.memref_slice %arg7[%add3A_609, %dma_wait3A_615] : memref<80x128xi32, #tpu.memory_space<vmem>> -> memref<1x128xi32, #tpu.memory_space<vmem>>
        %dma_wait3A_617 = tpu.memref_squeeze %dma_wait3A_616 : memref<1x128xi32, #tpu.memory_space<vmem>> -> memref<128xi32, #tpu.memory_space<vmem>>
        %dma_wait3A_618 = arith.constant 0 : i32
        %dma_wait3A_619 = arith.constant 0 : i32
        %dma_wait3A_620 = tpu.memref_slice %arg11[%dma_wait3A_618, %dma_wait3A_619] : memref<10240x16xf32, #tpu.memory_space<vmem_shared>> -> memref<10240x16xf32, #tpu.memory_space<vmem_shared>>
        tpu.wait_indirect_dma semaphore(%arg24 : memref<!tpu.dma_semaphore, #tpu.memory_space<semaphore_mem>>) src(%dma_wait3A_614 : memref<128x16xf32, #tpu.memory_space<vmem>>) dst(%dma_wait3A_620 : memref<10240x16xf32, #tpu.memory_space<vmem_shared>>)
        %add3A_621 = arith.constant 1 : i32
        %add3A_622 = arith.addi %scan3A_233, %add3A_621 : i32
        %mul3A_623 = arith.constant 8 : i32
        %mul3A_624 = arith.muli %add3A_622, %mul3A_623 : i32
        %add3A_625 = arith.constant 4 : i32
        %add3A_626 = arith.addi %mul3A_624, %add3A_625 : i32
        %dma_start3A_627 = arith.constant 4 : i32
        %dma_start3A_628 = arith.constant 0 : i32
        %dma_start3A_629 = arith.constant 0 : i32
        %dma_start3A_630 = tpu.memref_slice %arg8[%dma_start3A_627, %dma_start3A_628, %dma_start3A_629] : memref<8x128x16xf32, #tpu.memory_space<vmem>> -> memref<1x128x16xf32, #tpu.memory_space<vmem>>
        %dma_start3A_631 = tpu.memref_squeeze %dma_start3A_630 : memref<1x128x16xf32, #tpu.memory_space<vmem>> -> memref<128x16xf32, #tpu.memory_space<vmem>>
        %dma_start3A_632 = arith.constant 0 : i32
        %dma_start3A_633 = tpu.memref_slice %arg6[%add3A_626, %dma_start3A_632] : memref<80x128xi32, #tpu.memory_space<vmem>> -> memref<1x128xi32, #tpu.memory_space<vmem>>
        %dma_start3A_634 = tpu.memref_squeeze %dma_start3A_633 : memref<1x128xi32, #tpu.memory_space<vmem>> -> memref<128xi32, #tpu.memory_space<vmem>>
        %dma_start3A_635 = arith.constant 0 : i32
        %dma_start3A_636 = arith.constant 0 : i32
        %dma_start3A_637 = tpu.memref_slice %arg10[%dma_start3A_635, %dma_start3A_636] : memref<10240x16xf32, #tpu.memory_space<vmem_shared>> -> memref<10240x16xf32, #tpu.memory_space<vmem_shared>>
        tpu.enqueue_indirect_dma source(%dma_start3A_637 : memref<10240x16xf32, #tpu.memory_space<vmem_shared>>) target(%dma_start3A_631 : memref<128x16xf32, #tpu.memory_space<vmem>>) offsets(%dma_start3A_634 : memref<128xi32, #tpu.memory_space<vmem>>) semaphore(%arg16 : memref<!tpu.dma_semaphore, #tpu.memory_space<semaphore_mem>>)
        %mul3A_638 = arith.constant 8 : i32
        %mul3A_639 = arith.muli %scan3A_233, %mul3A_638 : i32
        %add3A_640 = arith.constant 5 : i32
        %add3A_641 = arith.addi %mul3A_639, %add3A_640 : i32
        %dma_wait3A_642 = arith.constant 5 : i32
        %dma_wait3A_643 = arith.constant 0 : i32
        %dma_wait3A_644 = arith.constant 0 : i32
        %dma_wait3A_645 = tpu.memref_slice %arg8[%dma_wait3A_642, %dma_wait3A_643, %dma_wait3A_644] : memref<8x128x16xf32, #tpu.memory_space<vmem>> -> memref<1x128x16xf32, #tpu.memory_space<vmem>>
        %dma_wait3A_646 = tpu.memref_squeeze %dma_wait3A_645 : memref<1x128x16xf32, #tpu.memory_space<vmem>> -> memref<128x16xf32, #tpu.memory_space<vmem>>
        %dma_wait3A_647 = arith.constant 0 : i32
        %dma_wait3A_648 = tpu.memref_slice %arg7[%add3A_641, %dma_wait3A_647] : memref<80x128xi32, #tpu.memory_space<vmem>> -> memref<1x128xi32, #tpu.memory_space<vmem>>
        %dma_wait3A_649 = tpu.memref_squeeze %dma_wait3A_648 : memref<1x128xi32, #tpu.memory_space<vmem>> -> memref<128xi32, #tpu.memory_space<vmem>>
        %dma_wait3A_650 = arith.constant 0 : i32
        %dma_wait3A_651 = arith.constant 0 : i32
        %dma_wait3A_652 = tpu.memref_slice %arg11[%dma_wait3A_650, %dma_wait3A_651] : memref<10240x16xf32, #tpu.memory_space<vmem_shared>> -> memref<10240x16xf32, #tpu.memory_space<vmem_shared>>
        tpu.wait_indirect_dma semaphore(%arg25 : memref<!tpu.dma_semaphore, #tpu.memory_space<semaphore_mem>>) src(%dma_wait3A_646 : memref<128x16xf32, #tpu.memory_space<vmem>>) dst(%dma_wait3A_652 : memref<10240x16xf32, #tpu.memory_space<vmem_shared>>)
        %add3A_653 = arith.constant 1 : i32
        %add3A_654 = arith.addi %scan3A_233, %add3A_653 : i32
        %mul3A_655 = arith.constant 8 : i32
        %mul3A_656 = arith.muli %add3A_654, %mul3A_655 : i32
        %add3A_657 = arith.constant 5 : i32
        %add3A_658 = arith.addi %mul3A_656, %add3A_657 : i32
        %dma_start3A_659 = arith.constant 5 : i32
        %dma_start3A_660 = arith.constant 0 : i32
        %dma_start3A_661 = arith.constant 0 : i32
        %dma_start3A_662 = tpu.memref_slice %arg8[%dma_start3A_659, %dma_start3A_660, %dma_start3A_661] : memref<8x128x16xf32, #tpu.memory_space<vmem>> -> memref<1x128x16xf32, #tpu.memory_space<vmem>>
        %dma_start3A_663 = tpu.memref_squeeze %dma_start3A_662 : memref<1x128x16xf32, #tpu.memory_space<vmem>> -> memref<128x16xf32, #tpu.memory_space<vmem>>
        %dma_start3A_664 = arith.constant 0 : i32
        %dma_start3A_665 = tpu.memref_slice %arg6[%add3A_658, %dma_start3A_664] : memref<80x128xi32, #tpu.memory_space<vmem>> -> memref<1x128xi32, #tpu.memory_space<vmem>>
        %dma_start3A_666 = tpu.memref_squeeze %dma_start3A_665 : memref<1x128xi32, #tpu.memory_space<vmem>> -> memref<128xi32, #tpu.memory_space<vmem>>
        %dma_start3A_667 = arith.constant 0 : i32
        %dma_start3A_668 = arith.constant 0 : i32
        %dma_start3A_669 = tpu.memref_slice %arg10[%dma_start3A_667, %dma_start3A_668] : memref<10240x16xf32, #tpu.memory_space<vmem_shared>> -> memref<10240x16xf32, #tpu.memory_space<vmem_shared>>
        tpu.enqueue_indirect_dma source(%dma_start3A_669 : memref<10240x16xf32, #tpu.memory_space<vmem_shared>>) target(%dma_start3A_663 : memref<128x16xf32, #tpu.memory_space<vmem>>) offsets(%dma_start3A_666 : memref<128xi32, #tpu.memory_space<vmem>>) semaphore(%arg17 : memref<!tpu.dma_semaphore, #tpu.memory_space<semaphore_mem>>)
        %mul3A_670 = arith.constant 8 : i32
        %mul3A_671 = arith.muli %scan3A_233, %mul3A_670 : i32
        %add3A_672 = arith.constant 6 : i32
        %add3A_673 = arith.addi %mul3A_671, %add3A_672 : i32
        %dma_wait3A_674 = arith.constant 6 : i32
        %dma_wait3A_675 = arith.constant 0 : i32
        %dma_wait3A_676 = arith.constant 0 : i32
        %dma_wait3A_677 = tpu.memref_slice %arg8[%dma_wait3A_674, %dma_wait3A_675, %dma_wait3A_676] : memref<8x128x16xf32, #tpu.memory_space<vmem>> -> memref<1x128x16xf32, #tpu.memory_space<vmem>>
        %dma_wait3A_678 = tpu.memref_squeeze %dma_wait3A_677 : memref<1x128x16xf32, #tpu.memory_space<vmem>> -> memref<128x16xf32, #tpu.memory_space<vmem>>
        %dma_wait3A_679 = arith.constant 0 : i32
        %dma_wait3A_680 = tpu.memref_slice %arg7[%add3A_673, %dma_wait3A_679] : memref<80x128xi32, #tpu.memory_space<vmem>> -> memref<1x128xi32, #tpu.memory_space<vmem>>
        %dma_wait3A_681 = tpu.memref_squeeze %dma_wait3A_680 : memref<1x128xi32, #tpu.memory_space<vmem>> -> memref<128xi32, #tpu.memory_space<vmem>>
        %dma_wait3A_682 = arith.constant 0 : i32
        %dma_wait3A_683 = arith.constant 0 : i32
        %dma_wait3A_684 = tpu.memref_slice %arg11[%dma_wait3A_682, %dma_wait3A_683] : memref<10240x16xf32, #tpu.memory_space<vmem_shared>> -> memref<10240x16xf32, #tpu.memory_space<vmem_shared>>
        tpu.wait_indirect_dma semaphore(%arg26 : memref<!tpu.dma_semaphore, #tpu.memory_space<semaphore_mem>>) src(%dma_wait3A_678 : memref<128x16xf32, #tpu.memory_space<vmem>>) dst(%dma_wait3A_684 : memref<10240x16xf32, #tpu.memory_space<vmem_shared>>)
        %add3A_685 = arith.constant 1 : i32
        %add3A_686 = arith.addi %scan3A_233, %add3A_685 : i32
        %mul3A_687 = arith.constant 8 : i32
        %mul3A_688 = arith.muli %add3A_686, %mul3A_687 : i32
        %add3A_689 = arith.constant 6 : i32
        %add3A_690 = arith.addi %mul3A_688, %add3A_689 : i32
        %dma_start3A_691 = arith.constant 6 : i32
        %dma_start3A_692 = arith.constant 0 : i32
        %dma_start3A_693 = arith.constant 0 : i32
        %dma_start3A_694 = tpu.memref_slice %arg8[%dma_start3A_691, %dma_start3A_692, %dma_start3A_693] : memref<8x128x16xf32, #tpu.memory_space<vmem>> -> memref<1x128x16xf32, #tpu.memory_space<vmem>>
        %dma_start3A_695 = tpu.memref_squeeze %dma_start3A_694 : memref<1x128x16xf32, #tpu.memory_space<vmem>> -> memref<128x16xf32, #tpu.memory_space<vmem>>
        %dma_start3A_696 = arith.constant 0 : i32
        %dma_start3A_697 = tpu.memref_slice %arg6[%add3A_690, %dma_start3A_696] : memref<80x128xi32, #tpu.memory_space<vmem>> -> memref<1x128xi32, #tpu.memory_space<vmem>>
        %dma_start3A_698 = tpu.memref_squeeze %dma_start3A_697 : memref<1x128xi32, #tpu.memory_space<vmem>> -> memref<128xi32, #tpu.memory_space<vmem>>
        %dma_start3A_699 = arith.constant 0 : i32
        %dma_start3A_700 = arith.constant 0 : i32
        %dma_start3A_701 = tpu.memref_slice %arg10[%dma_start3A_699, %dma_start3A_700] : memref<10240x16xf32, #tpu.memory_space<vmem_shared>> -> memref<10240x16xf32, #tpu.memory_space<vmem_shared>>
        tpu.enqueue_indirect_dma source(%dma_start3A_701 : memref<10240x16xf32, #tpu.memory_space<vmem_shared>>) target(%dma_start3A_695 : memref<128x16xf32, #tpu.memory_space<vmem>>) offsets(%dma_start3A_698 : memref<128xi32, #tpu.memory_space<vmem>>) semaphore(%arg18 : memref<!tpu.dma_semaphore, #tpu.memory_space<semaphore_mem>>)
        %mul3A_702 = arith.constant 8 : i32
        %mul3A_703 = arith.muli %scan3A_233, %mul3A_702 : i32
        %add3A_704 = arith.constant 7 : i32
        %add3A_705 = arith.addi %mul3A_703, %add3A_704 : i32
        %dma_wait3A_706 = arith.constant 7 : i32
        %dma_wait3A_707 = arith.constant 0 : i32
        %dma_wait3A_708 = arith.constant 0 : i32
        %dma_wait3A_709 = tpu.memref_slice %arg8[%dma_wait3A_706, %dma_wait3A_707, %dma_wait3A_708] : memref<8x128x16xf32, #tpu.memory_space<vmem>> -> memref<1x128x16xf32, #tpu.memory_space<vmem>>
        %dma_wait3A_710 = tpu.memref_squeeze %dma_wait3A_709 : memref<1x128x16xf32, #tpu.memory_space<vmem>> -> memref<128x16xf32, #tpu.memory_space<vmem>>
        %dma_wait3A_711 = arith.constant 0 : i32
        %dma_wait3A_712 = tpu.memref_slice %arg7[%add3A_705, %dma_wait3A_711] : memref<80x128xi32, #tpu.memory_space<vmem>> -> memref<1x128xi32, #tpu.memory_space<vmem>>
        %dma_wait3A_713 = tpu.memref_squeeze %dma_wait3A_712 : memref<1x128xi32, #tpu.memory_space<vmem>> -> memref<128xi32, #tpu.memory_space<vmem>>
        %dma_wait3A_714 = arith.constant 0 : i32
        %dma_wait3A_715 = arith.constant 0 : i32
        %dma_wait3A_716 = tpu.memref_slice %arg11[%dma_wait3A_714, %dma_wait3A_715] : memref<10240x16xf32, #tpu.memory_space<vmem_shared>> -> memref<10240x16xf32, #tpu.memory_space<vmem_shared>>
        tpu.wait_indirect_dma semaphore(%arg27 : memref<!tpu.dma_semaphore, #tpu.memory_space<semaphore_mem>>) src(%dma_wait3A_710 : memref<128x16xf32, #tpu.memory_space<vmem>>) dst(%dma_wait3A_716 : memref<10240x16xf32, #tpu.memory_space<vmem_shared>>)
        %add3A_717 = arith.constant 1 : i32
        %add3A_718 = arith.addi %scan3A_233, %add3A_717 : i32
        %mul3A_719 = arith.constant 8 : i32
        %mul3A_720 = arith.muli %add3A_718, %mul3A_719 : i32
        %add3A_721 = arith.constant 7 : i32
        %add3A_722 = arith.addi %mul3A_720, %add3A_721 : i32
        %dma_start3A_723 = arith.constant 7 : i32
        %dma_start3A_724 = arith.constant 0 : i32
        %dma_start3A_725 = arith.constant 0 : i32
        %dma_start3A_726 = tpu.memref_slice %arg8[%dma_start3A_723, %dma_start3A_724, %dma_start3A_725] : memref<8x128x16xf32, #tpu.memory_space<vmem>> -> memref<1x128x16xf32, #tpu.memory_space<vmem>>
        %dma_start3A_727 = tpu.memref_squeeze %dma_start3A_726 : memref<1x128x16xf32, #tpu.memory_space<vmem>> -> memref<128x16xf32, #tpu.memory_space<vmem>>
        %dma_start3A_728 = arith.constant 0 : i32
        %dma_start3A_729 = tpu.memref_slice %arg6[%add3A_722, %dma_start3A_728] : memref<80x128xi32, #tpu.memory_space<vmem>> -> memref<1x128xi32, #tpu.memory_space<vmem>>
        %dma_start3A_730 = tpu.memref_squeeze %dma_start3A_729 : memref<1x128xi32, #tpu.memory_space<vmem>> -> memref<128xi32, #tpu.memory_space<vmem>>
        %dma_start3A_731 = arith.constant 0 : i32
        %dma_start3A_732 = arith.constant 0 : i32
        %dma_start3A_733 = tpu.memref_slice %arg10[%dma_start3A_731, %dma_start3A_732] : memref<10240x16xf32, #tpu.memory_space<vmem_shared>> -> memref<10240x16xf32, #tpu.memory_space<vmem_shared>>
        tpu.enqueue_indirect_dma source(%dma_start3A_733 : memref<10240x16xf32, #tpu.memory_space<vmem_shared>>) target(%dma_start3A_727 : memref<128x16xf32, #tpu.memory_space<vmem>>) offsets(%dma_start3A_730 : memref<128xi32, #tpu.memory_space<vmem>>) semaphore(%arg19 : memref<!tpu.dma_semaphore, #tpu.memory_space<semaphore_mem>>)
      } else {
      }
      %scan3A_477 = arith.constant 0 : i32
      scf.yield %scan3A_477 : i32
    }
    %scan3A_132 = arith.constant 10 : i32
    %dma_wait3A = arith.constant 0 : i32
    %dma_wait3A_133 = arith.constant 0 : i32
    %dma_wait3A_134 = arith.constant 0 : i32
    %dma_wait3A_135 = arith.constant 0 : i32
    %dma_wait3A_136 = tpu.memref_slice %arg8[%dma_wait3A, %dma_wait3A_134, %dma_wait3A_135] : memref<8x128x16xf32, #tpu.memory_space<vmem>> -> memref<1x128x16xf32, #tpu.memory_space<vmem>>
    %dma_wait3A_137 = tpu.memref_squeeze %dma_wait3A_136 : memref<1x128x16xf32, #tpu.memory_space<vmem>> -> memref<128x16xf32, #tpu.memory_space<vmem>>
    %dma_wait3A_138 = arith.constant 0 : i32
    %dma_wait3A_139 = tpu.memref_slice %arg7[%dma_wait3A_133, %dma_wait3A_138] : memref<80x128xi32, #tpu.memory_space<vmem>> -> memref<1x128xi32, #tpu.memory_space<vmem>>
    %dma_wait3A_140 = tpu.memref_squeeze %dma_wait3A_139 : memref<1x128xi32, #tpu.memory_space<vmem>> -> memref<128xi32, #tpu.memory_space<vmem>>
    %dma_wait3A_141 = arith.constant 0 : i32
    %dma_wait3A_142 = arith.constant 0 : i32
    %dma_wait3A_143 = tpu.memref_slice %arg11[%dma_wait3A_141, %dma_wait3A_142] : memref<10240x16xf32, #tpu.memory_space<vmem_shared>> -> memref<10240x16xf32, #tpu.memory_space<vmem_shared>>
    tpu.wait_indirect_dma semaphore(%arg20 : memref<!tpu.dma_semaphore, #tpu.memory_space<semaphore_mem>>) src(%dma_wait3A_137 : memref<128x16xf32, #tpu.memory_space<vmem>>) dst(%dma_wait3A_143 : memref<10240x16xf32, #tpu.memory_space<vmem_shared>>)
    %dma_wait3A_144 = arith.constant 1 : i32
    %dma_wait3A_145 = arith.constant 1 : i32
    %dma_wait3A_146 = arith.constant 0 : i32
    %dma_wait3A_147 = arith.constant 0 : i32
    %dma_wait3A_148 = tpu.memref_slice %arg8[%dma_wait3A_144, %dma_wait3A_146, %dma_wait3A_147] : memref<8x128x16xf32, #tpu.memory_space<vmem>> -> memref<1x128x16xf32, #tpu.memory_space<vmem>>
    %dma_wait3A_149 = tpu.memref_squeeze %dma_wait3A_148 : memref<1x128x16xf32, #tpu.memory_space<vmem>> -> memref<128x16xf32, #tpu.memory_space<vmem>>
    %dma_wait3A_150 = arith.constant 0 : i32
    %dma_wait3A_151 = tpu.memref_slice %arg7[%dma_wait3A_145, %dma_wait3A_150] : memref<80x128xi32, #tpu.memory_space<vmem>> -> memref<1x128xi32, #tpu.memory_space<vmem>>
    %dma_wait3A_152 = tpu.memref_squeeze %dma_wait3A_151 : memref<1x128xi32, #tpu.memory_space<vmem>> -> memref<128xi32, #tpu.memory_space<vmem>>
    %dma_wait3A_153 = arith.constant 0 : i32
    %dma_wait3A_154 = arith.constant 0 : i32
    %dma_wait3A_155 = tpu.memref_slice %arg11[%dma_wait3A_153, %dma_wait3A_154] : memref<10240x16xf32, #tpu.memory_space<vmem_shared>> -> memref<10240x16xf32, #tpu.memory_space<vmem_shared>>
    tpu.wait_indirect_dma semaphore(%arg21 : memref<!tpu.dma_semaphore, #tpu.memory_space<semaphore_mem>>) src(%dma_wait3A_149 : memref<128x16xf32, #tpu.memory_space<vmem>>) dst(%dma_wait3A_155 : memref<10240x16xf32, #tpu.memory_space<vmem_shared>>)
    %dma_wait3A_156 = arith.constant 2 : i32
    %dma_wait3A_157 = arith.constant 2 : i32
    %dma_wait3A_158 = arith.constant 0 : i32
    %dma_wait3A_159 = arith.constant 0 : i32
    %dma_wait3A_160 = tpu.memref_slice %arg8[%dma_wait3A_156, %dma_wait3A_158, %dma_wait3A_159] : memref<8x128x16xf32, #tpu.memory_space<vmem>> -> memref<1x128x16xf32, #tpu.memory_space<vmem>>
    %dma_wait3A_161 = tpu.memref_squeeze %dma_wait3A_160 : memref<1x128x16xf32, #tpu.memory_space<vmem>> -> memref<128x16xf32, #tpu.memory_space<vmem>>
    %dma_wait3A_162 = arith.constant 0 : i32
    %dma_wait3A_163 = tpu.memref_slice %arg7[%dma_wait3A_157, %dma_wait3A_162] : memref<80x128xi32, #tpu.memory_space<vmem>> -> memref<1x128xi32, #tpu.memory_space<vmem>>
    %dma_wait3A_164 = tpu.memref_squeeze %dma_wait3A_163 : memref<1x128xi32, #tpu.memory_space<vmem>> -> memref<128xi32, #tpu.memory_space<vmem>>
    %dma_wait3A_165 = arith.constant 0 : i32
    %dma_wait3A_166 = arith.constant 0 : i32
    %dma_wait3A_167 = tpu.memref_slice %arg11[%dma_wait3A_165, %dma_wait3A_166] : memref<10240x16xf32, #tpu.memory_space<vmem_shared>> -> memref<10240x16xf32, #tpu.memory_space<vmem_shared>>
    tpu.wait_indirect_dma semaphore(%arg22 : memref<!tpu.dma_semaphore, #tpu.memory_space<semaphore_mem>>) src(%dma_wait3A_161 : memref<128x16xf32, #tpu.memory_space<vmem>>) dst(%dma_wait3A_167 : memref<10240x16xf32, #tpu.memory_space<vmem_shared>>)
    %dma_wait3A_168 = arith.constant 3 : i32
    %dma_wait3A_169 = arith.constant 3 : i32
    %dma_wait3A_170 = arith.constant 0 : i32
    %dma_wait3A_171 = arith.constant 0 : i32
    %dma_wait3A_172 = tpu.memref_slice %arg8[%dma_wait3A_168, %dma_wait3A_170, %dma_wait3A_171] : memref<8x128x16xf32, #tpu.memory_space<vmem>> -> memref<1x128x16xf32, #tpu.memory_space<vmem>>
    %dma_wait3A_173 = tpu.memref_squeeze %dma_wait3A_172 : memref<1x128x16xf32, #tpu.memory_space<vmem>> -> memref<128x16xf32, #tpu.memory_space<vmem>>
    %dma_wait3A_174 = arith.constant 0 : i32
    %dma_wait3A_175 = tpu.memref_slice %arg7[%dma_wait3A_169, %dma_wait3A_174] : memref<80x128xi32, #tpu.memory_space<vmem>> -> memref<1x128xi32, #tpu.memory_space<vmem>>
    %dma_wait3A_176 = tpu.memref_squeeze %dma_wait3A_175 : memref<1x128xi32, #tpu.memory_space<vmem>> -> memref<128xi32, #tpu.memory_space<vmem>>
    %dma_wait3A_177 = arith.constant 0 : i32
    %dma_wait3A_178 = arith.constant 0 : i32
    %dma_wait3A_179 = tpu.memref_slice %arg11[%dma_wait3A_177, %dma_wait3A_178] : memref<10240x16xf32, #tpu.memory_space<vmem_shared>> -> memref<10240x16xf32, #tpu.memory_space<vmem_shared>>
    tpu.wait_indirect_dma semaphore(%arg23 : memref<!tpu.dma_semaphore, #tpu.memory_space<semaphore_mem>>) src(%dma_wait3A_173 : memref<128x16xf32, #tpu.memory_space<vmem>>) dst(%dma_wait3A_179 : memref<10240x16xf32, #tpu.memory_space<vmem_shared>>)
    %dma_wait3A_180 = arith.constant 4 : i32
    %dma_wait3A_181 = arith.constant 4 : i32
    %dma_wait3A_182 = arith.constant 0 : i32
    %dma_wait3A_183 = arith.constant 0 : i32
    %dma_wait3A_184 = tpu.memref_slice %arg8[%dma_wait3A_180, %dma_wait3A_182, %dma_wait3A_183] : memref<8x128x16xf32, #tpu.memory_space<vmem>> -> memref<1x128x16xf32, #tpu.memory_space<vmem>>
    %dma_wait3A_185 = tpu.memref_squeeze %dma_wait3A_184 : memref<1x128x16xf32, #tpu.memory_space<vmem>> -> memref<128x16xf32, #tpu.memory_space<vmem>>
    %dma_wait3A_186 = arith.constant 0 : i32
    %dma_wait3A_187 = tpu.memref_slice %arg7[%dma_wait3A_181, %dma_wait3A_186] : memref<80x128xi32, #tpu.memory_space<vmem>> -> memref<1x128xi32, #tpu.memory_space<vmem>>
    %dma_wait3A_188 = tpu.memref_squeeze %dma_wait3A_187 : memref<1x128xi32, #tpu.memory_space<vmem>> -> memref<128xi32, #tpu.memory_space<vmem>>
    %dma_wait3A_189 = arith.constant 0 : i32
    %dma_wait3A_190 = arith.constant 0 : i32
    %dma_wait3A_191 = tpu.memref_slice %arg11[%dma_wait3A_189, %dma_wait3A_190] : memref<10240x16xf32, #tpu.memory_space<vmem_shared>> -> memref<10240x16xf32, #tpu.memory_space<vmem_shared>>
    tpu.wait_indirect_dma semaphore(%arg24 : memref<!tpu.dma_semaphore, #tpu.memory_space<semaphore_mem>>) src(%dma_wait3A_185 : memref<128x16xf32, #tpu.memory_space<vmem>>) dst(%dma_wait3A_191 : memref<10240x16xf32, #tpu.memory_space<vmem_shared>>)
    %dma_wait3A_192 = arith.constant 5 : i32
    %dma_wait3A_193 = arith.constant 5 : i32
    %dma_wait3A_194 = arith.constant 0 : i32
    %dma_wait3A_195 = arith.constant 0 : i32
    %dma_wait3A_196 = tpu.memref_slice %arg8[%dma_wait3A_192, %dma_wait3A_194, %dma_wait3A_195] : memref<8x128x16xf32, #tpu.memory_space<vmem>> -> memref<1x128x16xf32, #tpu.memory_space<vmem>>
    %dma_wait3A_197 = tpu.memref_squeeze %dma_wait3A_196 : memref<1x128x16xf32, #tpu.memory_space<vmem>> -> memref<128x16xf32, #tpu.memory_space<vmem>>
    %dma_wait3A_198 = arith.constant 0 : i32
    %dma_wait3A_199 = tpu.memref_slice %arg7[%dma_wait3A_193, %dma_wait3A_198] : memref<80x128xi32, #tpu.memory_space<vmem>> -> memref<1x128xi32, #tpu.memory_space<vmem>>
    %dma_wait3A_200 = tpu.memref_squeeze %dma_wait3A_199 : memref<1x128xi32, #tpu.memory_space<vmem>> -> memref<128xi32, #tpu.memory_space<vmem>>
    %dma_wait3A_201 = arith.constant 0 : i32
    %dma_wait3A_202 = arith.constant 0 : i32
    %dma_wait3A_203 = tpu.memref_slice %arg11[%dma_wait3A_201, %dma_wait3A_202] : memref<10240x16xf32, #tpu.memory_space<vmem_shared>> -> memref<10240x16xf32, #tpu.memory_space<vmem_shared>>
    tpu.wait_indirect_dma semaphore(%arg25 : memref<!tpu.dma_semaphore, #tpu.memory_space<semaphore_mem>>) src(%dma_wait3A_197 : memref<128x16xf32, #tpu.memory_space<vmem>>) dst(%dma_wait3A_203 : memref<10240x16xf32, #tpu.memory_space<vmem_shared>>)
    %dma_wait3A_204 = arith.constant 6 : i32
    %dma_wait3A_205 = arith.constant 6 : i32
    %dma_wait3A_206 = arith.constant 0 : i32
    %dma_wait3A_207 = arith.constant 0 : i32
    %dma_wait3A_208 = tpu.memref_slice %arg8[%dma_wait3A_204, %dma_wait3A_206, %dma_wait3A_207] : memref<8x128x16xf32, #tpu.memory_space<vmem>> -> memref<1x128x16xf32, #tpu.memory_space<vmem>>
    %dma_wait3A_209 = tpu.memref_squeeze %dma_wait3A_208 : memref<1x128x16xf32, #tpu.memory_space<vmem>> -> memref<128x16xf32, #tpu.memory_space<vmem>>
    %dma_wait3A_210 = arith.constant 0 : i32
    %dma_wait3A_211 = tpu.memref_slice %arg7[%dma_wait3A_205, %dma_wait3A_210] : memref<80x128xi32, #tpu.memory_space<vmem>> -> memref<1x128xi32, #tpu.memory_space<vmem>>
    %dma_wait3A_212 = tpu.memref_squeeze %dma_wait3A_211 : memref<1x128xi32, #tpu.memory_space<vmem>> -> memref<128xi32, #tpu.memory_space<vmem>>
    %dma_wait3A_213 = arith.constant 0 : i32
    %dma_wait3A_214 = arith.constant 0 : i32
    %dma_wait3A_215 = tpu.memref_slice %arg11[%dma_wait3A_213, %dma_wait3A_214] : memref<10240x16xf32, #tpu.memory_space<vmem_shared>> -> memref<10240x16xf32, #tpu.memory_space<vmem_shared>>
    tpu.wait_indirect_dma semaphore(%arg26 : memref<!tpu.dma_semaphore, #tpu.memory_space<semaphore_mem>>) src(%dma_wait3A_209 : memref<128x16xf32, #tpu.memory_space<vmem>>) dst(%dma_wait3A_215 : memref<10240x16xf32, #tpu.memory_space<vmem_shared>>)
    %dma_wait3A_216 = arith.constant 7 : i32
    %dma_wait3A_217 = arith.constant 7 : i32
    %dma_wait3A_218 = arith.constant 0 : i32
    %dma_wait3A_219 = arith.constant 0 : i32
    %dma_wait3A_220 = tpu.memref_slice %arg8[%dma_wait3A_216, %dma_wait3A_218, %dma_wait3A_219] : memref<8x128x16xf32, #tpu.memory_space<vmem>> -> memref<1x128x16xf32, #tpu.memory_space<vmem>>
    %dma_wait3A_221 = tpu.memref_squeeze %dma_wait3A_220 : memref<1x128x16xf32, #tpu.memory_space<vmem>> -> memref<128x16xf32, #tpu.memory_space<vmem>>
    %dma_wait3A_222 = arith.constant 0 : i32
    %dma_wait3A_223 = tpu.memref_slice %arg7[%dma_wait3A_217, %dma_wait3A_222] : memref<80x128xi32, #tpu.memory_space<vmem>> -> memref<1x128xi32, #tpu.memory_space<vmem>>
    %dma_wait3A_224 = tpu.memref_squeeze %dma_wait3A_223 : memref<1x128xi32, #tpu.memory_space<vmem>> -> memref<128xi32, #tpu.memory_space<vmem>>
    %dma_wait3A_225 = arith.constant 0 : i32
    %dma_wait3A_226 = arith.constant 0 : i32
    %dma_wait3A_227 = tpu.memref_slice %arg11[%dma_wait3A_225, %dma_wait3A_226] : memref<10240x16xf32, #tpu.memory_space<vmem_shared>> -> memref<10240x16xf32, #tpu.memory_space<vmem_shared>>
    tpu.wait_indirect_dma semaphore(%arg27 : memref<!tpu.dma_semaphore, #tpu.memory_space<semaphore_mem>>) src(%dma_wait3A_221 : memref<128x16xf32, #tpu.memory_space<vmem>>) dst(%dma_wait3A_227 : memref<10240x16xf32, #tpu.memory_space<vmem_shared>>)
    %barrier3A_228 = arith.constant 0 : index
    tpu.barrier barrier_id(%barrier3A_228)
    %mul3A_229 = arith.constant 640 : i32
    %mul3A_230 = arith.muli %arg1, %mul3A_229 : i32
    %mul3A_231 = arith.constant 640 : i32
    %mul3A_232 = arith.muli %arg1, %mul3A_231 : i32
    "tpu.region"() ({
      %run_scoped3A = tpu.sem_alloc : memref<!tpu.dma_semaphore, #tpu.memory_space<semaphore_mem>>
      %dma_start3A_233 = arith.constant 0 : i32
      %dma_start3A_234 = tpu.memref_slice %arg5[%arg0, %mul3A_232, %dma_start3A_233] : memref<2x10240x16xf32, #tpu.memory_space<hbm>> -> memref<1x640x16xf32, #tpu.memory_space<hbm>>
      %dma_start3A_235 = tpu.memref_squeeze %dma_start3A_234 : memref<1x640x16xf32, #tpu.memory_space<hbm>> -> memref<640x16xf32, #tpu.memory_space<hbm>>
      %dma_start3A_236 = arith.constant 0 : i32
      %dma_start3A_237 = tpu.memref_slice %arg11[%mul3A_230, %dma_start3A_236] : memref<10240x16xf32, #tpu.memory_space<vmem_shared>> -> memref<640x16xf32, #tpu.memory_space<vmem_shared>>
      tpu.enqueue_dma source(%dma_start3A_237 : memref<640x16xf32, #tpu.memory_space<vmem_shared>>) target(%dma_start3A_235 : memref<640x16xf32, #tpu.memory_space<hbm>>) target_semaphore(%run_scoped3A : memref<!tpu.dma_semaphore, #tpu.memory_space<semaphore_mem>>)
      %dma_wait3A_238 = arith.constant 0 : i32
      %dma_wait3A_239 = tpu.memref_slice %arg5[%arg0, %mul3A_232, %dma_wait3A_238] : memref<2x10240x16xf32, #tpu.memory_space<hbm>> -> memref<1x640x16xf32, #tpu.memory_space<hbm>>
      %dma_wait3A_240 = tpu.memref_squeeze %dma_wait3A_239 : memref<1x640x16xf32, #tpu.memory_space<hbm>> -> memref<640x16xf32, #tpu.memory_space<hbm>>
      %dma_wait3A_241 = arith.constant 0 : i32
      %dma_wait3A_242 = tpu.memref_slice %arg11[%mul3A_230, %dma_wait3A_241] : memref<10240x16xf32, #tpu.memory_space<vmem_shared>> -> memref<640x16xf32, #tpu.memory_space<vmem_shared>>
      tpu.wait_dma2 semaphore(%run_scoped3A : memref<!tpu.dma_semaphore, #tpu.memory_space<semaphore_mem>>) src(%dma_wait3A_242 : memref<640x16xf32, #tpu.memory_space<vmem_shared>>) dst(%dma_wait3A_240 : memref<640x16xf32, #tpu.memory_space<hbm>>)
      tpu.yield
    }) : () -> ()
    return
  }
}

#map = affine_map<(d0, d1) -> (0, 0, 0)>
#map1 = affine_map<(d0, d1) -> (0, 0)>
module attributes {stable_mosaic.version = 14 : i64} {
  func.func @_deg_body(%arg0: i32, %arg1: i32, %arg2: memref<32x80x128xi32, #tpu.memory_space<hbm>>, %arg3: memref<2x10240xf32, #tpu.memory_space<hbm>>, %arg4: memref<80x128xi32, #tpu.memory_space<vmem>>, %arg5: memref<128xf32, #tpu.memory_space<vmem>>, %arg6: memref<640xf32, #tpu.memory_space<vmem>>, %arg7: memref<10240xf32, #tpu.memory_space<vmem_shared>>, %arg8: memref<!tpu.dma_semaphore, #tpu.memory_space<semaphore_mem>>) attributes {dimension_semantics = [#tpu.dimension_semantics<core_parallel>, #tpu.dimension_semantics<subcore_parallel>], iteration_bounds = array<i64: 2, 16>, scalar_prefetch = 0 : i64, scratch_operands = 5 : i64, tpu.core_type = #tpu.core_type<sc_vector_subcore>, window_params = [{transform_indices = #map}, {transform_indices = #map1}]} {
    %mul3A = arith.constant 16 : i32
    %mul3A_0 = arith.muli %arg0, %mul3A : i32
    %add3A = arith.addi %mul3A_0, %arg1 : i32
    %scan3A = arith.constant 0 : i32
    %scan3A_1 = arith.constant 0 : i32
    %scan3A_2 = arith.constant 40 : i32
    %scan3A_3 = arith.addi %scan3A_1, %scan3A_2 : i32
    %scan3A_4 = arith.constant 1 : i32
    %scan3A_5 = scf.for %scan3A_28 = %scan3A_1 to %scan3A_3 step %scan3A_4 iter_args(%scan3A_29 = %scan3A) -> (i32)  : i32 {
      %broadcast_in_dim3A = arith.constant 0.000000e+00 : f32
      %broadcast_in_dim3A_30 = vector.broadcast %broadcast_in_dim3A : f32 to vector<16xf32>
      %mul3A_31 = arith.constant 16 : i32
      %mul3A_32 = arith.muli %scan3A_28, %mul3A_31 : i32
      %swap3A = arith.index_cast %mul3A_32 : i32 to index
      %swap3A_33 = tpu.vector_load %arg6[%swap3A] {strides = array<i32>} : memref<640xf32, #tpu.memory_space<vmem>>, vector<16xf32>,
      tpu.vector_store %arg6[%swap3A], %broadcast_in_dim3A_30 {strides = array<i32>} : memref<640xf32, #tpu.memory_space<vmem>>, vector<16xf32>,
      %scan3A_34 = arith.constant 0 : i32
      scf.yield %scan3A_34 : i32
    }
    %scan3A_6 = arith.constant 40 : i32
    %scan3A_7 = arith.constant 0 : i32
    %scan3A_8 = arith.constant 0 : i32
    %scan3A_9 = arith.constant 8 : i32
    %scan3A_10 = arith.addi %scan3A_8, %scan3A_9 : i32
    %scan3A_11 = arith.constant 1 : i32
    %scan3A_12 = scf.for %scan3A_28 = %scan3A_8 to %scan3A_10 step %scan3A_11 iter_args(%scan3A_29 = %scan3A_7) -> (i32)  : i32 {
      %broadcast_in_dim3A = arith.constant 1.000000e+00 : f32
      %broadcast_in_dim3A_30 = vector.broadcast %broadcast_in_dim3A : f32 to vector<16xf32>
      %mul3A_31 = arith.constant 16 : i32
      %mul3A_32 = arith.muli %scan3A_28, %mul3A_31 : i32
      %swap3A = arith.index_cast %mul3A_32 : i32 to index
      %swap3A_33 = tpu.vector_load %arg5[%swap3A] {strides = array<i32>} : memref<128xf32, #tpu.memory_space<vmem>>, vector<16xf32>,
      tpu.vector_store %arg5[%swap3A], %broadcast_in_dim3A_30 {strides = array<i32>} : memref<128xf32, #tpu.memory_space<vmem>>, vector<16xf32>,
      %scan3A_34 = arith.constant 0 : i32
      scf.yield %scan3A_34 : i32
    }
    %scan3A_13 = arith.constant 8 : i32
    %mul3A_14 = arith.constant 640 : i32
    %mul3A_15 = arith.muli %arg1, %mul3A_14 : i32
    "tpu.region"() ({
      %run_scoped3A = tpu.sem_alloc : memref<!tpu.dma_semaphore, #tpu.memory_space<semaphore_mem>>
      %dma_start3A = tpu.memref_slice %arg7[%mul3A_15] : memref<10240xf32, #tpu.memory_space<vmem_shared>> -> memref<640xf32, #tpu.memory_space<vmem_shared>>
      %dma_start3A_28 = tpu.memref_slice %arg7[%mul3A_15] : memref<10240xf32, #tpu.memory_space<vmem_shared>> -> memref<640xf32, #tpu.memory_space<vmem_shared>>
      tpu.enqueue_dma source(%arg6 : memref<640xf32, #tpu.memory_space<vmem>>) target(%dma_start3A_28 : memref<640xf32, #tpu.memory_space<vmem_shared>>) target_semaphore(%run_scoped3A : memref<!tpu.dma_semaphore, #tpu.memory_space<semaphore_mem>>)
      %dma_wait3A = tpu.memref_slice %arg7[%mul3A_15] : memref<10240xf32, #tpu.memory_space<vmem_shared>> -> memref<640xf32, #tpu.memory_space<vmem_shared>>
      %dma_wait3A_29 = tpu.memref_slice %arg7[%mul3A_15] : memref<10240xf32, #tpu.memory_space<vmem_shared>> -> memref<640xf32, #tpu.memory_space<vmem_shared>>
      tpu.wait_dma2 semaphore(%run_scoped3A : memref<!tpu.dma_semaphore, #tpu.memory_space<semaphore_mem>>) src(%arg6 : memref<640xf32, #tpu.memory_space<vmem>>) dst(%dma_wait3A_29 : memref<640xf32, #tpu.memory_space<vmem_shared>>)
      tpu.yield
    }) : () -> ()
    %barrier3A = arith.constant 0 : index
    tpu.barrier barrier_id(%barrier3A)
    "tpu.region"() ({
      %run_scoped3A = tpu.sem_alloc : memref<!tpu.dma_semaphore, #tpu.memory_space<semaphore_mem>>
      %dma_start3A = arith.constant 0 : i32
      %dma_start3A_28 = arith.constant 0 : i32
      %dma_start3A_29 = tpu.memref_slice %arg2[%add3A, %dma_start3A, %dma_start3A_28] : memref<32x80x128xi32, #tpu.memory_space<hbm>> -> memref<1x80x128xi32, #tpu.memory_space<hbm>>
      %dma_start3A_30 = tpu.memref_squeeze %dma_start3A_29 : memref<1x80x128xi32, #tpu.memory_space<hbm>> -> memref<80x128xi32, #tpu.memory_space<hbm>>
      %dma_start3A_31 = arith.constant 0 : i32
      %dma_start3A_32 = arith.constant 0 : i32
      %dma_start3A_33 = tpu.memref_slice %arg2[%add3A, %dma_start3A_31, %dma_start3A_32] : memref<32x80x128xi32, #tpu.memory_space<hbm>> -> memref<1x80x128xi32, #tpu.memory_space<hbm>>
      %dma_start3A_34 = tpu.memref_squeeze %dma_start3A_33 : memref<1x80x128xi32, #tpu.memory_space<hbm>> -> memref<80x128xi32, #tpu.memory_space<hbm>>
      tpu.enqueue_dma source(%dma_start3A_34 : memref<80x128xi32, #tpu.memory_space<hbm>>) target(%arg4 : memref<80x128xi32, #tpu.memory_space<vmem>>) target_semaphore(%run_scoped3A : memref<!tpu.dma_semaphore, #tpu.memory_space<semaphore_mem>>)
      %dma_wait3A = arith.constant 0 : i32
      %dma_wait3A_35 = arith.constant 0 : i32
      %dma_wait3A_36 = tpu.memref_slice %arg2[%add3A, %dma_wait3A, %dma_wait3A_35] : memref<32x80x128xi32, #tpu.memory_space<hbm>> -> memref<1x80x128xi32, #tpu.memory_space<hbm>>
      %dma_wait3A_37 = tpu.memref_squeeze %dma_wait3A_36 : memref<1x80x128xi32, #tpu.memory_space<hbm>> -> memref<80x128xi32, #tpu.memory_space<hbm>>
      %dma_wait3A_38 = arith.constant 0 : i32
      %dma_wait3A_39 = arith.constant 0 : i32
      %dma_wait3A_40 = tpu.memref_slice %arg2[%add3A, %dma_wait3A_38, %dma_wait3A_39] : memref<32x80x128xi32, #tpu.memory_space<hbm>> -> memref<1x80x128xi32, #tpu.memory_space<hbm>>
      %dma_wait3A_41 = tpu.memref_squeeze %dma_wait3A_40 : memref<1x80x128xi32, #tpu.memory_space<hbm>> -> memref<80x128xi32, #tpu.memory_space<hbm>>
      tpu.wait_dma2 semaphore(%run_scoped3A : memref<!tpu.dma_semaphore, #tpu.memory_space<semaphore_mem>>) src(%dma_wait3A_41 : memref<80x128xi32, #tpu.memory_space<hbm>>) dst(%arg4 : memref<80x128xi32, #tpu.memory_space<vmem>>)
      tpu.yield
    }) : () -> ()
    %scan3A_16 = arith.constant 0 : i32
    %scan3A_17 = arith.constant 0 : i32
    %scan3A_18 = arith.constant 2 : i32
    %scan3A_19 = arith.addi %scan3A_17, %scan3A_18 : i32
    %scan3A_20 = arith.constant 1 : i32
    %scan3A_21 = scf.for %scan3A_28 = %scan3A_17 to %scan3A_19 step %scan3A_20 iter_args(%scan3A_29 = %scan3A_16) -> (i32)  : i32 {
      %scan3A_30 = arith.constant 0 : i32
      %scan3A_31 = arith.constant 0 : i32
      %scan3A_32 = arith.constant 40 : i32
      %scan3A_33 = arith.addi %scan3A_31, %scan3A_32 : i32
      %scan3A_34 = arith.constant 1 : i32
      %scan3A_35 = scf.for %scan3A_45 = %scan3A_31 to %scan3A_33 step %scan3A_34 iter_args(%scan3A_46 = %scan3A_30) -> (i32)  : i32 {
        %mul3A_47 = arith.constant 40 : i32
        %mul3A_48 = arith.muli %scan3A_28, %mul3A_47 : i32
        %add3A_49 = arith.addi %mul3A_48, %scan3A_45 : i32
        %dma_start3A = arith.constant 0 : i32
        %dma_start3A_50 = tpu.memref_slice %arg4[%add3A_49, %dma_start3A] : memref<80x128xi32, #tpu.memory_space<vmem>> -> memref<1x128xi32, #tpu.memory_space<vmem>>
        %dma_start3A_51 = tpu.memref_squeeze %dma_start3A_50 : memref<1x128xi32, #tpu.memory_space<vmem>> -> memref<128xi32, #tpu.memory_space<vmem>>
        %dma_start3A_52 = arith.constant 0 : i32
        %dma_start3A_53 = tpu.memref_slice %arg7[%dma_start3A_52] : memref<10240xf32, #tpu.memory_space<vmem_shared>> -> memref<10240xf32, #tpu.memory_space<vmem_shared>>
        tpu.enqueue_indirect_dma source(%arg5 : memref<128xf32, #tpu.memory_space<vmem>>) target(%dma_start3A_53 : memref<10240xf32, #tpu.memory_space<vmem_shared>>) offsets(%dma_start3A_51 : memref<128xi32, #tpu.memory_space<vmem>>) semaphore(%arg8 : memref<!tpu.dma_semaphore, #tpu.memory_space<semaphore_mem>>) {add = true}
        %scan3A_54 = arith.constant 0 : i32
        scf.yield %scan3A_54 : i32
      }
      %scan3A_36 = arith.constant 40 : i32
      %scan3A_37 = arith.constant 0 : i32
      %scan3A_38 = arith.constant 0 : i32
      %scan3A_39 = arith.constant 40 : i32
      %scan3A_40 = arith.addi %scan3A_38, %scan3A_39 : i32
      %scan3A_41 = arith.constant 1 : i32
      %scan3A_42 = scf.for %scan3A_45 = %scan3A_38 to %scan3A_40 step %scan3A_41 iter_args(%scan3A_46 = %scan3A_37) -> (i32)  : i32 {
        %dma_wait3A = arith.constant 0 : i32
        %dma_wait3A_47 = arith.constant 0 : i32
        %dma_wait3A_48 = tpu.memref_slice %arg4[%dma_wait3A, %dma_wait3A_47] : memref<80x128xi32, #tpu.memory_space<vmem>> -> memref<1x128xi32, #tpu.memory_space<vmem>>
        %dma_wait3A_49 = tpu.memref_squeeze %dma_wait3A_48 : memref<1x128xi32, #tpu.memory_space<vmem>> -> memref<128xi32, #tpu.memory_space<vmem>>
        %dma_wait3A_50 = arith.constant 0 : i32
        %dma_wait3A_51 = tpu.memref_slice %arg7[%dma_wait3A_50] : memref<10240xf32, #tpu.memory_space<vmem_shared>> -> memref<10240xf32, #tpu.memory_space<vmem_shared>>
        tpu.wait_indirect_dma semaphore(%arg8 : memref<!tpu.dma_semaphore, #tpu.memory_space<semaphore_mem>>) src(%arg5 : memref<128xf32, #tpu.memory_space<vmem>>) dst(%dma_wait3A_51 : memref<10240xf32, #tpu.memory_space<vmem_shared>>)
        %scan3A_52 = arith.constant 0 : i32
        scf.yield %scan3A_52 : i32
      }
      %scan3A_43 = arith.constant 40 : i32
      %scan3A_44 = arith.constant 0 : i32
      scf.yield %scan3A_44 : i32
    }
    %scan3A_22 = arith.constant 2 : i32
    %barrier3A_23 = arith.constant 0 : index
    tpu.barrier barrier_id(%barrier3A_23)
    %mul3A_24 = arith.constant 640 : i32
    %mul3A_25 = arith.muli %arg1, %mul3A_24 : i32
    %mul3A_26 = arith.constant 640 : i32
    %mul3A_27 = arith.muli %arg1, %mul3A_26 : i32
    "tpu.region"() ({
      %run_scoped3A = tpu.sem_alloc : memref<!tpu.dma_semaphore, #tpu.memory_space<semaphore_mem>>
      %dma_start3A = tpu.memref_slice %arg3[%arg0, %mul3A_27] : memref<2x10240xf32, #tpu.memory_space<hbm>> -> memref<1x640xf32, #tpu.memory_space<hbm>>
      %dma_start3A_28 = tpu.memref_squeeze %dma_start3A : memref<1x640xf32, #tpu.memory_space<hbm>> -> memref<640xf32, #tpu.memory_space<hbm>>
      %dma_start3A_29 = tpu.memref_slice %arg7[%mul3A_25] : memref<10240xf32, #tpu.memory_space<vmem_shared>> -> memref<640xf32, #tpu.memory_space<vmem_shared>>
      tpu.enqueue_dma source(%dma_start3A_29 : memref<640xf32, #tpu.memory_space<vmem_shared>>) target(%dma_start3A_28 : memref<640xf32, #tpu.memory_space<hbm>>) target_semaphore(%run_scoped3A : memref<!tpu.dma_semaphore, #tpu.memory_space<semaphore_mem>>)
      %dma_wait3A = tpu.memref_slice %arg3[%arg0, %mul3A_27] : memref<2x10240xf32, #tpu.memory_space<hbm>> -> memref<1x640xf32, #tpu.memory_space<hbm>>
      %dma_wait3A_30 = tpu.memref_squeeze %dma_wait3A : memref<1x640xf32, #tpu.memory_space<hbm>> -> memref<640xf32, #tpu.memory_space<hbm>>
      %dma_wait3A_31 = tpu.memref_slice %arg7[%mul3A_25] : memref<10240xf32, #tpu.memory_space<vmem_shared>> -> memref<640xf32, #tpu.memory_space<vmem_shared>>
      tpu.wait_dma2 semaphore(%run_scoped3A : memref<!tpu.dma_semaphore, #tpu.memory_space<semaphore_mem>>) src(%dma_wait3A_31 : memref<640xf32, #tpu.memory_space<vmem_shared>>) dst(%dma_wait3A_30 : memref<640xf32, #tpu.memory_space<hbm>>)
      tpu.yield
    }) : () -> ()
    return
  }
}

#map = affine_map<(d0, d1) -> (0, 0)>
#map1 = affine_map<(d0, d1) -> (0, 0, 0)>
module attributes {stable_mosaic.version = 14 : i64} {
  func.func @body(%arg0: i32, %arg1: i32, %arg2: memref<10240x48xf32, #tpu.memory_space<hbm>>, %arg3: memref<32x80x128xi32, #tpu.memory_space<hbm>>, %arg4: memref<32x80x128xi32, #tpu.memory_space<hbm>>, %arg5: memref<2x10240xf32, #tpu.memory_space<hbm>>, %arg6: memref<2x10240x48xf32, #tpu.memory_space<hbm>>, %arg7: memref<2x10240xf32, #tpu.memory_space<hbm>>, %arg8: memref<80x128xi32, #tpu.memory_space<vmem>>, %arg9: memref<80x128xi32, #tpu.memory_space<vmem>>, %arg10: memref<5x128x48xf32, #tpu.memory_space<vmem>>, %arg11: memref<128x48xf32, #tpu.memory_space<vmem>>, %arg12: memref<640xf32, #tpu.memory_space<vmem>>, %arg13: memref<640xf32, #tpu.memory_space<vmem>>, %arg14: memref<640xf32, #tpu.memory_space<vmem>>, %arg15: memref<128x48xf32, #tpu.memory_space<vmem>>, %arg16: memref<10240x48xf32, #tpu.memory_space<vmem_shared>>, %arg17: memref<10240x48xf32, #tpu.memory_space<vmem_shared>>, %arg18: memref<!tpu.dma_semaphore, #tpu.memory_space<semaphore_mem>>, %arg19: memref<!tpu.dma_semaphore, #tpu.memory_space<semaphore_mem>>, %arg20: memref<!tpu.dma_semaphore, #tpu.memory_space<semaphore_mem>>, %arg21: memref<!tpu.dma_semaphore, #tpu.memory_space<semaphore_mem>>, %arg22: memref<!tpu.dma_semaphore, #tpu.memory_space<semaphore_mem>>, %arg23: memref<!tpu.dma_semaphore, #tpu.memory_space<semaphore_mem>>, %arg24: memref<!tpu.dma_semaphore, #tpu.memory_space<semaphore_mem>>, %arg25: memref<!tpu.dma_semaphore, #tpu.memory_space<semaphore_mem>>, %arg26: memref<!tpu.dma_semaphore, #tpu.memory_space<semaphore_mem>>, %arg27: memref<!tpu.dma_semaphore, #tpu.memory_space<semaphore_mem>>) attributes {dimension_semantics = [#tpu.dimension_semantics<core_parallel>, #tpu.dimension_semantics<subcore_parallel>], iteration_bounds = array<i64: 2, 16>, scalar_prefetch = 0 : i64, scratch_operands = 20 : i64, tpu.core_type = #tpu.core_type<sc_vector_subcore>, window_params = [{transform_indices = #map}, {transform_indices = #map1}, {transform_indices = #map1}, {transform_indices = #map}, {transform_indices = #map1}, {transform_indices = #map}]} {
    %mul3A = arith.constant 16 : i32
    %mul3A_0 = arith.muli %arg0, %mul3A : i32
    %add3A = arith.addi %mul3A_0, %arg1 : i32
    %scan3A = arith.constant 0 : i32
    %scan3A_1 = arith.constant 0 : i32
    %scan3A_2 = arith.constant 128 : i32
    %scan3A_3 = arith.addi %scan3A_1, %scan3A_2 : i32
    %scan3A_4 = arith.constant 1 : i32
    %scan3A_5 = scf.for %scan3A_178 = %scan3A_1 to %scan3A_3 step %scan3A_4 iter_args(%scan3A_179 = %scan3A) -> (i32)  : i32 {
      %broadcast_in_dim3A = arith.constant 0.000000e+00 : f32
      %broadcast_in_dim3A_180 = vector.broadcast %broadcast_in_dim3A : f32 to vector<16xf32>
      %swap3A = arith.index_cast %scan3A_178 : i32 to index
      %swap3A_181 = arith.constant 0 : index
      %swap3A_182 = tpu.vector_load %arg11[%swap3A, %swap3A_181] {strides = array<i32>} : memref<128x48xf32, #tpu.memory_space<vmem>>, vector<16xf32>,
      tpu.vector_store %arg11[%swap3A, %swap3A_181], %broadcast_in_dim3A_180 {strides = array<i32>} : memref<128x48xf32, #tpu.memory_space<vmem>>, vector<16xf32>,
      %broadcast_in_dim3A_183 = arith.constant 0.000000e+00 : f32
      %broadcast_in_dim3A_184 = vector.broadcast %broadcast_in_dim3A_183 : f32 to vector<16xf32>
      %swap3A_185 = arith.index_cast %scan3A_178 : i32 to index
      %swap3A_186 = arith.constant 16 : index
      %swap3A_187 = tpu.vector_load %arg11[%swap3A_185, %swap3A_186] {strides = array<i32>} : memref<128x48xf32, #tpu.memory_space<vmem>>, vector<16xf32>,
      tpu.vector_store %arg11[%swap3A_185, %swap3A_186], %broadcast_in_dim3A_184 {strides = array<i32>} : memref<128x48xf32, #tpu.memory_space<vmem>>, vector<16xf32>,
      %broadcast_in_dim3A_188 = arith.constant 0.000000e+00 : f32
      %broadcast_in_dim3A_189 = vector.broadcast %broadcast_in_dim3A_188 : f32 to vector<16xf32>
      %swap3A_190 = arith.index_cast %scan3A_178 : i32 to index
      %swap3A_191 = arith.constant 32 : index
      %swap3A_192 = tpu.vector_load %arg11[%swap3A_190, %swap3A_191] {strides = array<i32>} : memref<128x48xf32, #tpu.memory_space<vmem>>, vector<16xf32>,
      tpu.vector_store %arg11[%swap3A_190, %swap3A_191], %broadcast_in_dim3A_189 {strides = array<i32>} : memref<128x48xf32, #tpu.memory_space<vmem>>, vector<16xf32>,
      %scan3A_193 = arith.constant 0 : i32
      scf.yield %scan3A_193 : i32
    }
    %scan3A_6 = arith.constant 128 : i32
    %mul3A_7 = arith.constant 640 : i32
    %mul3A_8 = arith.muli %arg1, %mul3A_7 : i32
    %add3A_9 = arith.constant 0 : i32
    %add3A_10 = arith.addi %mul3A_8, %add3A_9 : i32
    "tpu.region"() ({
      %run_scoped3A_178 = tpu.sem_alloc : memref<!tpu.dma_semaphore, #tpu.memory_space<semaphore_mem>>
      %dma_start3A_179 = arith.constant 0 : i32
      %dma_start3A_180 = tpu.memref_slice %arg17[%add3A_10, %dma_start3A_179] : memref<10240x48xf32, #tpu.memory_space<vmem_shared>> -> memref<128x48xf32, #tpu.memory_space<vmem_shared>>
      %dma_start3A_181 = arith.constant 0 : i32
      %dma_start3A_182 = tpu.memref_slice %arg17[%add3A_10, %dma_start3A_181] : memref<10240x48xf32, #tpu.memory_space<vmem_shared>> -> memref<128x48xf32, #tpu.memory_space<vmem_shared>>
      tpu.enqueue_dma source(%arg11 : memref<128x48xf32, #tpu.memory_space<vmem>>) target(%dma_start3A_182 : memref<128x48xf32, #tpu.memory_space<vmem_shared>>) target_semaphore(%run_scoped3A_178 : memref<!tpu.dma_semaphore, #tpu.memory_space<semaphore_mem>>)
      %dma_wait3A_183 = arith.constant 0 : i32
      %dma_wait3A_184 = tpu.memref_slice %arg17[%add3A_10, %dma_wait3A_183] : memref<10240x48xf32, #tpu.memory_space<vmem_shared>> -> memref<128x48xf32, #tpu.memory_space<vmem_shared>>
      %dma_wait3A_185 = arith.constant 0 : i32
      %dma_wait3A_186 = tpu.memref_slice %arg17[%add3A_10, %dma_wait3A_185] : memref<10240x48xf32, #tpu.memory_space<vmem_shared>> -> memref<128x48xf32, #tpu.memory_space<vmem_shared>>
      tpu.wait_dma2 semaphore(%run_scoped3A_178 : memref<!tpu.dma_semaphore, #tpu.memory_space<semaphore_mem>>) src(%arg11 : memref<128x48xf32, #tpu.memory_space<vmem>>) dst(%dma_wait3A_186 : memref<128x48xf32, #tpu.memory_space<vmem_shared>>)
      tpu.yield
    }) : () -> ()
    %mul3A_11 = arith.constant 640 : i32
    %mul3A_12 = arith.muli %arg1, %mul3A_11 : i32
    %add3A_13 = arith.constant 128 : i32
    %add3A_14 = arith.addi %mul3A_12, %add3A_13 : i32
    "tpu.region"() ({
      %run_scoped3A_178 = tpu.sem_alloc : memref<!tpu.dma_semaphore, #tpu.memory_space<semaphore_mem>>
      %dma_start3A_179 = arith.constant 0 : i32
      %dma_start3A_180 = tpu.memref_slice %arg17[%add3A_14, %dma_start3A_179] : memref<10240x48xf32, #tpu.memory_space<vmem_shared>> -> memref<128x48xf32, #tpu.memory_space<vmem_shared>>
      %dma_start3A_181 = arith.constant 0 : i32
      %dma_start3A_182 = tpu.memref_slice %arg17[%add3A_14, %dma_start3A_181] : memref<10240x48xf32, #tpu.memory_space<vmem_shared>> -> memref<128x48xf32, #tpu.memory_space<vmem_shared>>
      tpu.enqueue_dma source(%arg11 : memref<128x48xf32, #tpu.memory_space<vmem>>) target(%dma_start3A_182 : memref<128x48xf32, #tpu.memory_space<vmem_shared>>) target_semaphore(%run_scoped3A_178 : memref<!tpu.dma_semaphore, #tpu.memory_space<semaphore_mem>>)
      %dma_wait3A_183 = arith.constant 0 : i32
      %dma_wait3A_184 = tpu.memref_slice %arg17[%add3A_14, %dma_wait3A_183] : memref<10240x48xf32, #tpu.memory_space<vmem_shared>> -> memref<128x48xf32, #tpu.memory_space<vmem_shared>>
      %dma_wait3A_185 = arith.constant 0 : i32
      %dma_wait3A_186 = tpu.memref_slice %arg17[%add3A_14, %dma_wait3A_185] : memref<10240x48xf32, #tpu.memory_space<vmem_shared>> -> memref<128x48xf32, #tpu.memory_space<vmem_shared>>
      tpu.wait_dma2 semaphore(%run_scoped3A_178 : memref<!tpu.dma_semaphore, #tpu.memory_space<semaphore_mem>>) src(%arg11 : memref<128x48xf32, #tpu.memory_space<vmem>>) dst(%dma_wait3A_186 : memref<128x48xf32, #tpu.memory_space<vmem_shared>>)
      tpu.yield
    }) : () -> ()
    %mul3A_15 = arith.constant 640 : i32
    %mul3A_16 = arith.muli %arg1, %mul3A_15 : i32
    %add3A_17 = arith.constant 256 : i32
    %add3A_18 = arith.addi %mul3A_16, %add3A_17 : i32
    "tpu.region"() ({
      %run_scoped3A_178 = tpu.sem_alloc : memref<!tpu.dma_semaphore, #tpu.memory_space<semaphore_mem>>
      %dma_start3A_179 = arith.constant 0 : i32
      %dma_start3A_180 = tpu.memref_slice %arg17[%add3A_18, %dma_start3A_179] : memref<10240x48xf32, #tpu.memory_space<vmem_shared>> -> memref<128x48xf32, #tpu.memory_space<vmem_shared>>
      %dma_start3A_181 = arith.constant 0 : i32
      %dma_start3A_182 = tpu.memref_slice %arg17[%add3A_18, %dma_start3A_181] : memref<10240x48xf32, #tpu.memory_space<vmem_shared>> -> memref<128x48xf32, #tpu.memory_space<vmem_shared>>
      tpu.enqueue_dma source(%arg11 : memref<128x48xf32, #tpu.memory_space<vmem>>) target(%dma_start3A_182 : memref<128x48xf32, #tpu.memory_space<vmem_shared>>) target_semaphore(%run_scoped3A_178 : memref<!tpu.dma_semaphore, #tpu.memory_space<semaphore_mem>>)
      %dma_wait3A_183 = arith.constant 0 : i32
      %dma_wait3A_184 = tpu.memref_slice %arg17[%add3A_18, %dma_wait3A_183] : memref<10240x48xf32, #tpu.memory_space<vmem_shared>> -> memref<128x48xf32, #tpu.memory_space<vmem_shared>>
      %dma_wait3A_185 = arith.constant 0 : i32
      %dma_wait3A_186 = tpu.memref_slice %arg17[%add3A_18, %dma_wait3A_185] : memref<10240x48xf32, #tpu.memory_space<vmem_shared>> -> memref<128x48xf32, #tpu.memory_space<vmem_shared>>
      tpu.wait_dma2 semaphore(%run_scoped3A_178 : memref<!tpu.dma_semaphore, #tpu.memory_space<semaphore_mem>>) src(%arg11 : memref<128x48xf32, #tpu.memory_space<vmem>>) dst(%dma_wait3A_186 : memref<128x48xf32, #tpu.memory_space<vmem_shared>>)
      tpu.yield
    }) : () -> ()
    %mul3A_19 = arith.constant 640 : i32
    %mul3A_20 = arith.muli %arg1, %mul3A_19 : i32
    %add3A_21 = arith.constant 384 : i32
    %add3A_22 = arith.addi %mul3A_20, %add3A_21 : i32
    "tpu.region"() ({
      %run_scoped3A_178 = tpu.sem_alloc : memref<!tpu.dma_semaphore, #tpu.memory_space<semaphore_mem>>
      %dma_start3A_179 = arith.constant 0 : i32
      %dma_start3A_180 = tpu.memref_slice %arg17[%add3A_22, %dma_start3A_179] : memref<10240x48xf32, #tpu.memory_space<vmem_shared>> -> memref<128x48xf32, #tpu.memory_space<vmem_shared>>
      %dma_start3A_181 = arith.constant 0 : i32
      %dma_start3A_182 = tpu.memref_slice %arg17[%add3A_22, %dma_start3A_181] : memref<10240x48xf32, #tpu.memory_space<vmem_shared>> -> memref<128x48xf32, #tpu.memory_space<vmem_shared>>
      tpu.enqueue_dma source(%arg11 : memref<128x48xf32, #tpu.memory_space<vmem>>) target(%dma_start3A_182 : memref<128x48xf32, #tpu.memory_space<vmem_shared>>) target_semaphore(%run_scoped3A_178 : memref<!tpu.dma_semaphore, #tpu.memory_space<semaphore_mem>>)
      %dma_wait3A_183 = arith.constant 0 : i32
      %dma_wait3A_184 = tpu.memref_slice %arg17[%add3A_22, %dma_wait3A_183] : memref<10240x48xf32, #tpu.memory_space<vmem_shared>> -> memref<128x48xf32, #tpu.memory_space<vmem_shared>>
      %dma_wait3A_185 = arith.constant 0 : i32
      %dma_wait3A_186 = tpu.memref_slice %arg17[%add3A_22, %dma_wait3A_185] : memref<10240x48xf32, #tpu.memory_space<vmem_shared>> -> memref<128x48xf32, #tpu.memory_space<vmem_shared>>
      tpu.wait_dma2 semaphore(%run_scoped3A_178 : memref<!tpu.dma_semaphore, #tpu.memory_space<semaphore_mem>>) src(%arg11 : memref<128x48xf32, #tpu.memory_space<vmem>>) dst(%dma_wait3A_186 : memref<128x48xf32, #tpu.memory_space<vmem_shared>>)
      tpu.yield
    }) : () -> ()
    %mul3A_23 = arith.constant 640 : i32
    %mul3A_24 = arith.muli %arg1, %mul3A_23 : i32
    %add3A_25 = arith.constant 512 : i32
    %add3A_26 = arith.addi %mul3A_24, %add3A_25 : i32
    "tpu.region"() ({
      %run_scoped3A_178 = tpu.sem_alloc : memref<!tpu.dma_semaphore, #tpu.memory_space<semaphore_mem>>
      %dma_start3A_179 = arith.constant 0 : i32
      %dma_start3A_180 = tpu.memref_slice %arg17[%add3A_26, %dma_start3A_179] : memref<10240x48xf32, #tpu.memory_space<vmem_shared>> -> memref<128x48xf32, #tpu.memory_space<vmem_shared>>
      %dma_start3A_181 = arith.constant 0 : i32
      %dma_start3A_182 = tpu.memref_slice %arg17[%add3A_26, %dma_start3A_181] : memref<10240x48xf32, #tpu.memory_space<vmem_shared>> -> memref<128x48xf32, #tpu.memory_space<vmem_shared>>
      tpu.enqueue_dma source(%arg11 : memref<128x48xf32, #tpu.memory_space<vmem>>) target(%dma_start3A_182 : memref<128x48xf32, #tpu.memory_space<vmem_shared>>) target_semaphore(%run_scoped3A_178 : memref<!tpu.dma_semaphore, #tpu.memory_space<semaphore_mem>>)
      %dma_wait3A_183 = arith.constant 0 : i32
      %dma_wait3A_184 = tpu.memref_slice %arg17[%add3A_26, %dma_wait3A_183] : memref<10240x48xf32, #tpu.memory_space<vmem_shared>> -> memref<128x48xf32, #tpu.memory_space<vmem_shared>>
      %dma_wait3A_185 = arith.constant 0 : i32
      %dma_wait3A_186 = tpu.memref_slice %arg17[%add3A_26, %dma_wait3A_185] : memref<10240x48xf32, #tpu.memory_space<vmem_shared>> -> memref<128x48xf32, #tpu.memory_space<vmem_shared>>
      tpu.wait_dma2 semaphore(%run_scoped3A_178 : memref<!tpu.dma_semaphore, #tpu.memory_space<semaphore_mem>>) src(%arg11 : memref<128x48xf32, #tpu.memory_space<vmem>>) dst(%dma_wait3A_186 : memref<128x48xf32, #tpu.memory_space<vmem_shared>>)
      tpu.yield
    }) : () -> ()
    %mul3A_27 = arith.constant 640 : i32
    %mul3A_28 = arith.muli %arg1, %mul3A_27 : i32
    %run_scoped3A = arith.constant 0 : i32
    "tpu.region"() ({
      %run_scoped3A_178 = tpu.sem_alloc : memref<!tpu.dma_semaphore, #tpu.memory_space<semaphore_mem>>
      %dma_start3A_179 = tpu.memref_slice %arg5[%run_scoped3A, %mul3A_28] : memref<2x10240xf32, #tpu.memory_space<hbm>> -> memref<1x640xf32, #tpu.memory_space<hbm>>
      %dma_start3A_180 = tpu.memref_squeeze %dma_start3A_179 : memref<1x640xf32, #tpu.memory_space<hbm>> -> memref<640xf32, #tpu.memory_space<hbm>>
      %dma_start3A_181 = tpu.memref_slice %arg5[%run_scoped3A, %mul3A_28] : memref<2x10240xf32, #tpu.memory_space<hbm>> -> memref<1x640xf32, #tpu.memory_space<hbm>>
      %dma_start3A_182 = tpu.memref_squeeze %dma_start3A_181 : memref<1x640xf32, #tpu.memory_space<hbm>> -> memref<640xf32, #tpu.memory_space<hbm>>
      tpu.enqueue_dma source(%dma_start3A_182 : memref<640xf32, #tpu.memory_space<hbm>>) target(%arg12 : memref<640xf32, #tpu.memory_space<vmem>>) target_semaphore(%run_scoped3A_178 : memref<!tpu.dma_semaphore, #tpu.memory_space<semaphore_mem>>)
      %dma_wait3A_183 = tpu.memref_slice %arg5[%run_scoped3A, %mul3A_28] : memref<2x10240xf32, #tpu.memory_space<hbm>> -> memref<1x640xf32, #tpu.memory_space<hbm>>
      %dma_wait3A_184 = tpu.memref_squeeze %dma_wait3A_183 : memref<1x640xf32, #tpu.memory_space<hbm>> -> memref<640xf32, #tpu.memory_space<hbm>>
      %dma_wait3A_185 = tpu.memref_slice %arg5[%run_scoped3A, %mul3A_28] : memref<2x10240xf32, #tpu.memory_space<hbm>> -> memref<1x640xf32, #tpu.memory_space<hbm>>
      %dma_wait3A_186 = tpu.memref_squeeze %dma_wait3A_185 : memref<1x640xf32, #tpu.memory_space<hbm>> -> memref<640xf32, #tpu.memory_space<hbm>>
      tpu.wait_dma2 semaphore(%run_scoped3A_178 : memref<!tpu.dma_semaphore, #tpu.memory_space<semaphore_mem>>) src(%dma_wait3A_186 : memref<640xf32, #tpu.memory_space<hbm>>) dst(%arg12 : memref<640xf32, #tpu.memory_space<vmem>>)
      tpu.yield
    }) : () -> ()
    %mul3A_29 = arith.constant 640 : i32
    %mul3A_30 = arith.muli %arg1, %mul3A_29 : i32
    %run_scoped3A_31 = arith.constant 1 : i32
    "tpu.region"() ({
      %run_scoped3A_178 = tpu.sem_alloc : memref<!tpu.dma_semaphore, #tpu.memory_space<semaphore_mem>>
      %dma_start3A_179 = tpu.memref_slice %arg5[%run_scoped3A_31, %mul3A_30] : memref<2x10240xf32, #tpu.memory_space<hbm>> -> memref<1x640xf32, #tpu.memory_space<hbm>>
      %dma_start3A_180 = tpu.memref_squeeze %dma_start3A_179 : memref<1x640xf32, #tpu.memory_space<hbm>> -> memref<640xf32, #tpu.memory_space<hbm>>
      %dma_start3A_181 = tpu.memref_slice %arg5[%run_scoped3A_31, %mul3A_30] : memref<2x10240xf32, #tpu.memory_space<hbm>> -> memref<1x640xf32, #tpu.memory_space<hbm>>
      %dma_start3A_182 = tpu.memref_squeeze %dma_start3A_181 : memref<1x640xf32, #tpu.memory_space<hbm>> -> memref<640xf32, #tpu.memory_space<hbm>>
      tpu.enqueue_dma source(%dma_start3A_182 : memref<640xf32, #tpu.memory_space<hbm>>) target(%arg13 : memref<640xf32, #tpu.memory_space<vmem>>) target_semaphore(%run_scoped3A_178 : memref<!tpu.dma_semaphore, #tpu.memory_space<semaphore_mem>>)
      %dma_wait3A_183 = tpu.memref_slice %arg5[%run_scoped3A_31, %mul3A_30] : memref<2x10240xf32, #tpu.memory_space<hbm>> -> memref<1x640xf32, #tpu.memory_space<hbm>>
      %dma_wait3A_184 = tpu.memref_squeeze %dma_wait3A_183 : memref<1x640xf32, #tpu.memory_space<hbm>> -> memref<640xf32, #tpu.memory_space<hbm>>
      %dma_wait3A_185 = tpu.memref_slice %arg5[%run_scoped3A_31, %mul3A_30] : memref<2x10240xf32, #tpu.memory_space<hbm>> -> memref<1x640xf32, #tpu.memory_space<hbm>>
      %dma_wait3A_186 = tpu.memref_squeeze %dma_wait3A_185 : memref<1x640xf32, #tpu.memory_space<hbm>> -> memref<640xf32, #tpu.memory_space<hbm>>
      tpu.wait_dma2 semaphore(%run_scoped3A_178 : memref<!tpu.dma_semaphore, #tpu.memory_space<semaphore_mem>>) src(%dma_wait3A_186 : memref<640xf32, #tpu.memory_space<hbm>>) dst(%arg13 : memref<640xf32, #tpu.memory_space<vmem>>)
      tpu.yield
    }) : () -> ()
    %scan3A_32 = arith.constant 0 : i32
    %scan3A_33 = arith.constant 0 : i32
    %scan3A_34 = arith.constant 40 : i32
    %scan3A_35 = arith.addi %scan3A_33, %scan3A_34 : i32
    %scan3A_36 = arith.constant 1 : i32
    %scan3A_37 = scf.for %scan3A_178 = %scan3A_33 to %scan3A_35 step %scan3A_36 iter_args(%scan3A_179 = %scan3A_32) -> (i32)  : i32 {
      %mul3A_180 = arith.constant 16 : i32
      %mul3A_181 = arith.muli %scan3A_178, %mul3A_180 : i32
      %get3A = arith.index_cast %mul3A_181 : i32 to index
      %get3A_182 = tpu.vector_load %arg12[%get3A] {strides = array<i32>} : memref<640xf32, #tpu.memory_space<vmem>>, vector<16xf32>,
      %mul3A_183 = arith.constant 16 : i32
      %mul3A_184 = arith.muli %scan3A_178, %mul3A_183 : i32
      %get3A_185 = arith.index_cast %mul3A_184 : i32 to index
      %get3A_186 = tpu.vector_load %arg13[%get3A_185] {strides = array<i32>} : memref<640xf32, #tpu.memory_space<vmem>>, vector<16xf32>,
      %add3A_187 = arith.addf %get3A_182, %get3A_186 : vector<16xf32>
      %add3A_188 = arith.constant 1.000000e+00 : f32
      %add3A_189 = vector.broadcast %add3A_188 : f32 to vector<16xf32>
      %add3A_190 = arith.addf %add3A_187, %add3A_189 : vector<16xf32>
      %bitcast3A = vector.bitcast %add3A_190 : vector<16xf32> to vector<16xi32>
      %shift_right_arithmetic3A = arith.constant 1 : i32
      %shift_right_arithmetic3A_191 = vector.broadcast %shift_right_arithmetic3A : i32 to vector<16xi32>
      %shift_right_arithmetic3A_192 = arith.shrsi %bitcast3A, %shift_right_arithmetic3A_191 : vector<16xi32>
      %sub3A = arith.constant 1597463007 : i32
      %sub3A_193 = vector.broadcast %sub3A : i32 to vector<16xi32>
      %sub3A_194 = arith.subi %sub3A_193, %shift_right_arithmetic3A_192 : vector<16xi32>
      %bitcast3A_195 = vector.bitcast %sub3A_194 : vector<16xi32> to vector<16xf32>
      %mul3A_196 = arith.constant 5.000000e-01 : f32
      %mul3A_197 = vector.broadcast %mul3A_196 : f32 to vector<16xf32>
      %mul3A_198 = arith.mulf %mul3A_197, %add3A_190 : vector<16xf32>
      %mul3A_199 = arith.mulf %mul3A_198, %bitcast3A_195 : vector<16xf32>
      %mul3A_200 = arith.mulf %mul3A_199, %bitcast3A_195 : vector<16xf32>
      %sub3A_201 = arith.constant 1.500000e+00 : f32
      %sub3A_202 = vector.broadcast %sub3A_201 : f32 to vector<16xf32>
      %sub3A_203 = arith.subf %sub3A_202, %mul3A_200 : vector<16xf32>
      %mul3A_204 = arith.mulf %bitcast3A_195, %sub3A_203 : vector<16xf32>
      %mul3A_205 = arith.constant 5.000000e-01 : f32
      %mul3A_206 = vector.broadcast %mul3A_205 : f32 to vector<16xf32>
      %mul3A_207 = arith.mulf %mul3A_206, %add3A_190 : vector<16xf32>
      %mul3A_208 = arith.mulf %mul3A_207, %mul3A_204 : vector<16xf32>
      %mul3A_209 = arith.mulf %mul3A_208, %mul3A_204 : vector<16xf32>
      %sub3A_210 = arith.constant 1.500000e+00 : f32
      %sub3A_211 = vector.broadcast %sub3A_210 : f32 to vector<16xf32>
      %sub3A_212 = arith.subf %sub3A_211, %mul3A_209 : vector<16xf32>
      %mul3A_213 = arith.mulf %mul3A_204, %sub3A_212 : vector<16xf32>
      %mul3A_214 = arith.constant 5.000000e-01 : f32
      %mul3A_215 = vector.broadcast %mul3A_214 : f32 to vector<16xf32>
      %mul3A_216 = arith.mulf %mul3A_215, %add3A_190 : vector<16xf32>
      %mul3A_217 = arith.mulf %mul3A_216, %mul3A_213 : vector<16xf32>
      %mul3A_218 = arith.mulf %mul3A_217, %mul3A_213 : vector<16xf32>
      %sub3A_219 = arith.constant 1.500000e+00 : f32
      %sub3A_220 = vector.broadcast %sub3A_219 : f32 to vector<16xf32>
      %sub3A_221 = arith.subf %sub3A_220, %mul3A_218 : vector<16xf32>
      %mul3A_222 = arith.mulf %mul3A_213, %sub3A_221 : vector<16xf32>
      %mul3A_223 = arith.constant 16 : i32
      %mul3A_224 = arith.muli %scan3A_178, %mul3A_223 : i32
      %swap3A = arith.index_cast %mul3A_224 : i32 to index
      %swap3A_225 = tpu.vector_load %arg14[%swap3A] {strides = array<i32>} : memref<640xf32, #tpu.memory_space<vmem>>, vector<16xf32>,
      tpu.vector_store %arg14[%swap3A], %mul3A_222 {strides = array<i32>} : memref<640xf32, #tpu.memory_space<vmem>>, vector<16xf32>,
      %scan3A_226 = arith.constant 0 : i32
      scf.yield %scan3A_226 : i32
    }
    %scan3A_38 = arith.constant 40 : i32
    %mul3A_39 = arith.constant 640 : i32
    %mul3A_40 = arith.muli %arg1, %mul3A_39 : i32
    "tpu.region"() ({
      %run_scoped3A_178 = tpu.sem_alloc : memref<!tpu.dma_semaphore, #tpu.memory_space<semaphore_mem>>
      %dma_start3A_179 = tpu.memref_slice %arg7[%arg0, %mul3A_40] : memref<2x10240xf32, #tpu.memory_space<hbm>> -> memref<1x640xf32, #tpu.memory_space<hbm>>
      %dma_start3A_180 = tpu.memref_squeeze %dma_start3A_179 : memref<1x640xf32, #tpu.memory_space<hbm>> -> memref<640xf32, #tpu.memory_space<hbm>>
      %dma_start3A_181 = tpu.memref_slice %arg7[%arg0, %mul3A_40] : memref<2x10240xf32, #tpu.memory_space<hbm>> -> memref<1x640xf32, #tpu.memory_space<hbm>>
      %dma_start3A_182 = tpu.memref_squeeze %dma_start3A_181 : memref<1x640xf32, #tpu.memory_space<hbm>> -> memref<640xf32, #tpu.memory_space<hbm>>
      tpu.enqueue_dma source(%arg14 : memref<640xf32, #tpu.memory_space<vmem>>) target(%dma_start3A_182 : memref<640xf32, #tpu.memory_space<hbm>>) target_semaphore(%run_scoped3A_178 : memref<!tpu.dma_semaphore, #tpu.memory_space<semaphore_mem>>)
      %dma_wait3A_183 = tpu.memref_slice %arg7[%arg0, %mul3A_40] : memref<2x10240xf32, #tpu.memory_space<hbm>> -> memref<1x640xf32, #tpu.memory_space<hbm>>
      %dma_wait3A_184 = tpu.memref_squeeze %dma_wait3A_183 : memref<1x640xf32, #tpu.memory_space<hbm>> -> memref<640xf32, #tpu.memory_space<hbm>>
      %dma_wait3A_185 = tpu.memref_slice %arg7[%arg0, %mul3A_40] : memref<2x10240xf32, #tpu.memory_space<hbm>> -> memref<1x640xf32, #tpu.memory_space<hbm>>
      %dma_wait3A_186 = tpu.memref_squeeze %dma_wait3A_185 : memref<1x640xf32, #tpu.memory_space<hbm>> -> memref<640xf32, #tpu.memory_space<hbm>>
      tpu.wait_dma2 semaphore(%run_scoped3A_178 : memref<!tpu.dma_semaphore, #tpu.memory_space<semaphore_mem>>) src(%arg14 : memref<640xf32, #tpu.memory_space<vmem>>) dst(%dma_wait3A_186 : memref<640xf32, #tpu.memory_space<hbm>>)
      tpu.yield
    }) : () -> ()
    %scan3A_41 = arith.constant 0 : i32
    %scan3A_42 = arith.constant 0 : i32
    %scan3A_43 = arith.constant 5 : i32
    %scan3A_44 = arith.addi %scan3A_42, %scan3A_43 : i32
    %scan3A_45 = arith.constant 1 : i32
    %scan3A_46 = scf.for %scan3A_178 = %scan3A_42 to %scan3A_44 step %scan3A_45 iter_args(%scan3A_179 = %scan3A_41) -> (i32)  : i32 {
      %mul3A_180 = arith.constant 640 : i32
      %mul3A_181 = arith.muli %arg1, %mul3A_180 : i32
      %mul3A_182 = arith.constant 128 : i32
      %mul3A_183 = arith.muli %scan3A_178, %mul3A_182 : i32
      %add3A_184 = arith.addi %mul3A_181, %mul3A_183 : i32
      "tpu.region"() ({
        %run_scoped3A_193 = tpu.sem_alloc : memref<!tpu.dma_semaphore, #tpu.memory_space<semaphore_mem>>
        %dma_start3A_194 = arith.constant 0 : i32
        %dma_start3A_195 = tpu.memref_slice %arg2[%add3A_184, %dma_start3A_194] : memref<10240x48xf32, #tpu.memory_space<hbm>> -> memref<128x48xf32, #tpu.memory_space<hbm>>
        %dma_start3A_196 = arith.constant 0 : i32
        %dma_start3A_197 = tpu.memref_slice %arg2[%add3A_184, %dma_start3A_196] : memref<10240x48xf32, #tpu.memory_space<hbm>> -> memref<128x48xf32, #tpu.memory_space<hbm>>
        tpu.enqueue_dma source(%dma_start3A_197 : memref<128x48xf32, #tpu.memory_space<hbm>>) target(%arg15 : memref<128x48xf32, #tpu.memory_space<vmem>>) target_semaphore(%run_scoped3A_193 : memref<!tpu.dma_semaphore, #tpu.memory_space<semaphore_mem>>)
        %dma_wait3A_198 = arith.constant 0 : i32
        %dma_wait3A_199 = tpu.memref_slice %arg2[%add3A_184, %dma_wait3A_198] : memref<10240x48xf32, #tpu.memory_space<hbm>> -> memref<128x48xf32, #tpu.memory_space<hbm>>
        %dma_wait3A_200 = arith.constant 0 : i32
        %dma_wait3A_201 = tpu.memref_slice %arg2[%add3A_184, %dma_wait3A_200] : memref<10240x48xf32, #tpu.memory_space<hbm>> -> memref<128x48xf32, #tpu.memory_space<hbm>>
        tpu.wait_dma2 semaphore(%run_scoped3A_193 : memref<!tpu.dma_semaphore, #tpu.memory_space<semaphore_mem>>) src(%dma_wait3A_201 : memref<128x48xf32, #tpu.memory_space<hbm>>) dst(%arg15 : memref<128x48xf32, #tpu.memory_space<vmem>>)
        tpu.yield
      }) : () -> ()
      %scan3A_185 = arith.constant 0 : i32
      %scan3A_186 = arith.constant 0 : i32
      %scan3A_187 = arith.constant 128 : i32
      %scan3A_188 = arith.addi %scan3A_186, %scan3A_187 : i32
      %scan3A_189 = arith.constant 1 : i32
      %scan3A_190 = scf.for %scan3A_193 = %scan3A_186 to %scan3A_188 step %scan3A_189 iter_args(%scan3A_194 = %scan3A_185) -> (i32)  : i32 {
        %mul3A_195 = arith.constant 128 : i32
        %mul3A_196 = arith.muli %scan3A_178, %mul3A_195 : i32
        %add3A_197 = arith.addi %mul3A_196, %scan3A_193 : i32
        %broadcast_in_dim3A = vector.broadcast %add3A_197 : i32 to vector<16xi32>
        %gather3A = tpu.vector_load_idx %arg14[%broadcast_in_dim3A] : memref<640xf32, #tpu.memory_space<vmem>>[vector<16xi32>], vector<16xf32>,
        %get3A = arith.index_cast %scan3A_193 : i32 to index
        %get3A_198 = arith.constant 0 : index
        %get3A_199 = tpu.vector_load %arg15[%get3A, %get3A_198] {strides = array<i32>} : memref<128x48xf32, #tpu.memory_space<vmem>>, vector<16xf32>,
        %mul3A_200 = arith.mulf %get3A_199, %gather3A : vector<16xf32>
        %swap3A = arith.index_cast %scan3A_193 : i32 to index
        %swap3A_201 = arith.constant 0 : index
        %swap3A_202 = tpu.vector_load %arg15[%swap3A, %swap3A_201] {strides = array<i32>} : memref<128x48xf32, #tpu.memory_space<vmem>>, vector<16xf32>,
        tpu.vector_store %arg15[%swap3A, %swap3A_201], %mul3A_200 {strides = array<i32>} : memref<128x48xf32, #tpu.memory_space<vmem>>, vector<16xf32>,
        %get3A_203 = arith.index_cast %scan3A_193 : i32 to index
        %get3A_204 = arith.constant 16 : index
        %get3A_205 = tpu.vector_load %arg15[%get3A_203, %get3A_204] {strides = array<i32>} : memref<128x48xf32, #tpu.memory_space<vmem>>, vector<16xf32>,
        %mul3A_206 = arith.mulf %get3A_205, %gather3A : vector<16xf32>
        %swap3A_207 = arith.index_cast %scan3A_193 : i32 to index
        %swap3A_208 = arith.constant 16 : index
        %swap3A_209 = tpu.vector_load %arg15[%swap3A_207, %swap3A_208] {strides = array<i32>} : memref<128x48xf32, #tpu.memory_space<vmem>>, vector<16xf32>,
        tpu.vector_store %arg15[%swap3A_207, %swap3A_208], %mul3A_206 {strides = array<i32>} : memref<128x48xf32, #tpu.memory_space<vmem>>, vector<16xf32>,
        %get3A_210 = arith.index_cast %scan3A_193 : i32 to index
        %get3A_211 = arith.constant 32 : index
        %get3A_212 = tpu.vector_load %arg15[%get3A_210, %get3A_211] {strides = array<i32>} : memref<128x48xf32, #tpu.memory_space<vmem>>, vector<16xf32>,
        %mul3A_213 = arith.mulf %get3A_212, %gather3A : vector<16xf32>
        %swap3A_214 = arith.index_cast %scan3A_193 : i32 to index
        %swap3A_215 = arith.constant 32 : index
        %swap3A_216 = tpu.vector_load %arg15[%swap3A_214, %swap3A_215] {strides = array<i32>} : memref<128x48xf32, #tpu.memory_space<vmem>>, vector<16xf32>,
        tpu.vector_store %arg15[%swap3A_214, %swap3A_215], %mul3A_213 {strides = array<i32>} : memref<128x48xf32, #tpu.memory_space<vmem>>, vector<16xf32>,
        %scan3A_217 = arith.constant 0 : i32
        scf.yield %scan3A_217 : i32
      }
      %scan3A_191 = arith.constant 128 : i32
      "tpu.region"() ({
        %run_scoped3A_193 = tpu.sem_alloc : memref<!tpu.dma_semaphore, #tpu.memory_space<semaphore_mem>>
        %dma_start3A_194 = arith.constant 0 : i32
        %dma_start3A_195 = tpu.memref_slice %arg16[%add3A_184, %dma_start3A_194] : memref<10240x48xf32, #tpu.memory_space<vmem_shared>> -> memref<128x48xf32, #tpu.memory_space<vmem_shared>>
        %dma_start3A_196 = arith.constant 0 : i32
        %dma_start3A_197 = tpu.memref_slice %arg16[%add3A_184, %dma_start3A_196] : memref<10240x48xf32, #tpu.memory_space<vmem_shared>> -> memref<128x48xf32, #tpu.memory_space<vmem_shared>>
        tpu.enqueue_dma source(%arg15 : memref<128x48xf32, #tpu.memory_space<vmem>>) target(%dma_start3A_197 : memref<128x48xf32, #tpu.memory_space<vmem_shared>>) target_semaphore(%run_scoped3A_193 : memref<!tpu.dma_semaphore, #tpu.memory_space<semaphore_mem>>)
        %dma_wait3A_198 = arith.constant 0 : i32
        %dma_wait3A_199 = tpu.memref_slice %arg16[%add3A_184, %dma_wait3A_198] : memref<10240x48xf32, #tpu.memory_space<vmem_shared>> -> memref<128x48xf32, #tpu.memory_space<vmem_shared>>
        %dma_wait3A_200 = arith.constant 0 : i32
        %dma_wait3A_201 = tpu.memref_slice %arg16[%add3A_184, %dma_wait3A_200] : memref<10240x48xf32, #tpu.memory_space<vmem_shared>> -> memref<128x48xf32, #tpu.memory_space<vmem_shared>>
        tpu.wait_dma2 semaphore(%run_scoped3A_193 : memref<!tpu.dma_semaphore, #tpu.memory_space<semaphore_mem>>) src(%arg15 : memref<128x48xf32, #tpu.memory_space<vmem>>) dst(%dma_wait3A_201 : memref<128x48xf32, #tpu.memory_space<vmem_shared>>)
        tpu.yield
      }) : () -> ()
      %scan3A_192 = arith.constant 0 : i32
      scf.yield %scan3A_192 : i32
    }
    %scan3A_47 = arith.constant 5 : i32
    %barrier3A = arith.constant 0 : index
    tpu.barrier barrier_id(%barrier3A)
    "tpu.region"() ({
      %run_scoped3A_178 = tpu.sem_alloc : memref<!tpu.dma_semaphore, #tpu.memory_space<semaphore_mem>>
      %dma_start3A_179 = arith.constant 0 : i32
      %dma_start3A_180 = arith.constant 0 : i32
      %dma_start3A_181 = tpu.memref_slice %arg3[%add3A, %dma_start3A_179, %dma_start3A_180] : memref<32x80x128xi32, #tpu.memory_space<hbm>> -> memref<1x80x128xi32, #tpu.memory_space<hbm>>
      %dma_start3A_182 = tpu.memref_squeeze %dma_start3A_181 : memref<1x80x128xi32, #tpu.memory_space<hbm>> -> memref<80x128xi32, #tpu.memory_space<hbm>>
      %dma_start3A_183 = arith.constant 0 : i32
      %dma_start3A_184 = arith.constant 0 : i32
      %dma_start3A_185 = tpu.memref_slice %arg3[%add3A, %dma_start3A_183, %dma_start3A_184] : memref<32x80x128xi32, #tpu.memory_space<hbm>> -> memref<1x80x128xi32, #tpu.memory_space<hbm>>
      %dma_start3A_186 = tpu.memref_squeeze %dma_start3A_185 : memref<1x80x128xi32, #tpu.memory_space<hbm>> -> memref<80x128xi32, #tpu.memory_space<hbm>>
      tpu.enqueue_dma source(%dma_start3A_186 : memref<80x128xi32, #tpu.memory_space<hbm>>) target(%arg8 : memref<80x128xi32, #tpu.memory_space<vmem>>) target_semaphore(%run_scoped3A_178 : memref<!tpu.dma_semaphore, #tpu.memory_space<semaphore_mem>>)
      %dma_wait3A_187 = arith.constant 0 : i32
      %dma_wait3A_188 = arith.constant 0 : i32
      %dma_wait3A_189 = tpu.memref_slice %arg3[%add3A, %dma_wait3A_187, %dma_wait3A_188] : memref<32x80x128xi32, #tpu.memory_space<hbm>> -> memref<1x80x128xi32, #tpu.memory_space<hbm>>
      %dma_wait3A_190 = tpu.memref_squeeze %dma_wait3A_189 : memref<1x80x128xi32, #tpu.memory_space<hbm>> -> memref<80x128xi32, #tpu.memory_space<hbm>>
      %dma_wait3A_191 = arith.constant 0 : i32
      %dma_wait3A_192 = arith.constant 0 : i32
      %dma_wait3A_193 = tpu.memref_slice %arg3[%add3A, %dma_wait3A_191, %dma_wait3A_192] : memref<32x80x128xi32, #tpu.memory_space<hbm>> -> memref<1x80x128xi32, #tpu.memory_space<hbm>>
      %dma_wait3A_194 = tpu.memref_squeeze %dma_wait3A_193 : memref<1x80x128xi32, #tpu.memory_space<hbm>> -> memref<80x128xi32, #tpu.memory_space<hbm>>
      tpu.wait_dma2 semaphore(%run_scoped3A_178 : memref<!tpu.dma_semaphore, #tpu.memory_space<semaphore_mem>>) src(%dma_wait3A_194 : memref<80x128xi32, #tpu.memory_space<hbm>>) dst(%arg8 : memref<80x128xi32, #tpu.memory_space<vmem>>)
      tpu.yield
    }) : () -> ()
    "tpu.region"() ({
      %run_scoped3A_178 = tpu.sem_alloc : memref<!tpu.dma_semaphore, #tpu.memory_space<semaphore_mem>>
      %dma_start3A_179 = arith.constant 0 : i32
      %dma_start3A_180 = arith.constant 0 : i32
      %dma_start3A_181 = tpu.memref_slice %arg4[%add3A, %dma_start3A_179, %dma_start3A_180] : memref<32x80x128xi32, #tpu.memory_space<hbm>> -> memref<1x80x128xi32, #tpu.memory_space<hbm>>
      %dma_start3A_182 = tpu.memref_squeeze %dma_start3A_181 : memref<1x80x128xi32, #tpu.memory_space<hbm>> -> memref<80x128xi32, #tpu.memory_space<hbm>>
      %dma_start3A_183 = arith.constant 0 : i32
      %dma_start3A_184 = arith.constant 0 : i32
      %dma_start3A_185 = tpu.memref_slice %arg4[%add3A, %dma_start3A_183, %dma_start3A_184] : memref<32x80x128xi32, #tpu.memory_space<hbm>> -> memref<1x80x128xi32, #tpu.memory_space<hbm>>
      %dma_start3A_186 = tpu.memref_squeeze %dma_start3A_185 : memref<1x80x128xi32, #tpu.memory_space<hbm>> -> memref<80x128xi32, #tpu.memory_space<hbm>>
      tpu.enqueue_dma source(%dma_start3A_186 : memref<80x128xi32, #tpu.memory_space<hbm>>) target(%arg9 : memref<80x128xi32, #tpu.memory_space<vmem>>) target_semaphore(%run_scoped3A_178 : memref<!tpu.dma_semaphore, #tpu.memory_space<semaphore_mem>>)
      %dma_wait3A_187 = arith.constant 0 : i32
      %dma_wait3A_188 = arith.constant 0 : i32
      %dma_wait3A_189 = tpu.memref_slice %arg4[%add3A, %dma_wait3A_187, %dma_wait3A_188] : memref<32x80x128xi32, #tpu.memory_space<hbm>> -> memref<1x80x128xi32, #tpu.memory_space<hbm>>
      %dma_wait3A_190 = tpu.memref_squeeze %dma_wait3A_189 : memref<1x80x128xi32, #tpu.memory_space<hbm>> -> memref<80x128xi32, #tpu.memory_space<hbm>>
      %dma_wait3A_191 = arith.constant 0 : i32
      %dma_wait3A_192 = arith.constant 0 : i32
      %dma_wait3A_193 = tpu.memref_slice %arg4[%add3A, %dma_wait3A_191, %dma_wait3A_192] : memref<32x80x128xi32, #tpu.memory_space<hbm>> -> memref<1x80x128xi32, #tpu.memory_space<hbm>>
      %dma_wait3A_194 = tpu.memref_squeeze %dma_wait3A_193 : memref<1x80x128xi32, #tpu.memory_space<hbm>> -> memref<80x128xi32, #tpu.memory_space<hbm>>
      tpu.wait_dma2 semaphore(%run_scoped3A_178 : memref<!tpu.dma_semaphore, #tpu.memory_space<semaphore_mem>>) src(%dma_wait3A_194 : memref<80x128xi32, #tpu.memory_space<hbm>>) dst(%arg9 : memref<80x128xi32, #tpu.memory_space<vmem>>)
      tpu.yield
    }) : () -> ()
    %dma_start3A = arith.constant 0 : i32
    %dma_start3A_48 = arith.constant 0 : i32
    %dma_start3A_49 = arith.constant 0 : i32
    %dma_start3A_50 = arith.constant 0 : i32
    %dma_start3A_51 = tpu.memref_slice %arg10[%dma_start3A_48, %dma_start3A_49, %dma_start3A_50] : memref<5x128x48xf32, #tpu.memory_space<vmem>> -> memref<1x128x48xf32, #tpu.memory_space<vmem>>
    %dma_start3A_52 = tpu.memref_squeeze %dma_start3A_51 : memref<1x128x48xf32, #tpu.memory_space<vmem>> -> memref<128x48xf32, #tpu.memory_space<vmem>>
    %dma_start3A_53 = arith.constant 0 : i32
    %dma_start3A_54 = tpu.memref_slice %arg8[%dma_start3A, %dma_start3A_53] : memref<80x128xi32, #tpu.memory_space<vmem>> -> memref<1x128xi32, #tpu.memory_space<vmem>>
    %dma_start3A_55 = tpu.memref_squeeze %dma_start3A_54 : memref<1x128xi32, #tpu.memory_space<vmem>> -> memref<128xi32, #tpu.memory_space<vmem>>
    %dma_start3A_56 = arith.constant 0 : i32
    %dma_start3A_57 = arith.constant 0 : i32
    %dma_start3A_58 = tpu.memref_slice %arg16[%dma_start3A_56, %dma_start3A_57] : memref<10240x48xf32, #tpu.memory_space<vmem_shared>> -> memref<10240x48xf32, #tpu.memory_space<vmem_shared>>
    tpu.enqueue_indirect_dma source(%dma_start3A_58 : memref<10240x48xf32, #tpu.memory_space<vmem_shared>>) target(%dma_start3A_52 : memref<128x48xf32, #tpu.memory_space<vmem>>) offsets(%dma_start3A_55 : memref<128xi32, #tpu.memory_space<vmem>>) semaphore(%arg18 : memref<!tpu.dma_semaphore, #tpu.memory_space<semaphore_mem>>)
    %dma_start3A_59 = arith.constant 1 : i32
    %dma_start3A_60 = arith.constant 1 : i32
    %dma_start3A_61 = arith.constant 0 : i32
    %dma_start3A_62 = arith.constant 0 : i32
    %dma_start3A_63 = tpu.memref_slice %arg10[%dma_start3A_60, %dma_start3A_61, %dma_start3A_62] : memref<5x128x48xf32, #tpu.memory_space<vmem>> -> memref<1x128x48xf32, #tpu.memory_space<vmem>>
    %dma_start3A_64 = tpu.memref_squeeze %dma_start3A_63 : memref<1x128x48xf32, #tpu.memory_space<vmem>> -> memref<128x48xf32, #tpu.memory_space<vmem>>
    %dma_start3A_65 = arith.constant 0 : i32
    %dma_start3A_66 = tpu.memref_slice %arg8[%dma_start3A_59, %dma_start3A_65] : memref<80x128xi32, #tpu.memory_space<vmem>> -> memref<1x128xi32, #tpu.memory_space<vmem>>
    %dma_start3A_67 = tpu.memref_squeeze %dma_start3A_66 : memref<1x128xi32, #tpu.memory_space<vmem>> -> memref<128xi32, #tpu.memory_space<vmem>>
    %dma_start3A_68 = arith.constant 0 : i32
    %dma_start3A_69 = arith.constant 0 : i32
    %dma_start3A_70 = tpu.memref_slice %arg16[%dma_start3A_68, %dma_start3A_69] : memref<10240x48xf32, #tpu.memory_space<vmem_shared>> -> memref<10240x48xf32, #tpu.memory_space<vmem_shared>>
    tpu.enqueue_indirect_dma source(%dma_start3A_70 : memref<10240x48xf32, #tpu.memory_space<vmem_shared>>) target(%dma_start3A_64 : memref<128x48xf32, #tpu.memory_space<vmem>>) offsets(%dma_start3A_67 : memref<128xi32, #tpu.memory_space<vmem>>) semaphore(%arg19 : memref<!tpu.dma_semaphore, #tpu.memory_space<semaphore_mem>>)
    %dma_start3A_71 = arith.constant 2 : i32
    %dma_start3A_72 = arith.constant 2 : i32
    %dma_start3A_73 = arith.constant 0 : i32
    %dma_start3A_74 = arith.constant 0 : i32
    %dma_start3A_75 = tpu.memref_slice %arg10[%dma_start3A_72, %dma_start3A_73, %dma_start3A_74] : memref<5x128x48xf32, #tpu.memory_space<vmem>> -> memref<1x128x48xf32, #tpu.memory_space<vmem>>
    %dma_start3A_76 = tpu.memref_squeeze %dma_start3A_75 : memref<1x128x48xf32, #tpu.memory_space<vmem>> -> memref<128x48xf32, #tpu.memory_space<vmem>>
    %dma_start3A_77 = arith.constant 0 : i32
    %dma_start3A_78 = tpu.memref_slice %arg8[%dma_start3A_71, %dma_start3A_77] : memref<80x128xi32, #tpu.memory_space<vmem>> -> memref<1x128xi32, #tpu.memory_space<vmem>>
    %dma_start3A_79 = tpu.memref_squeeze %dma_start3A_78 : memref<1x128xi32, #tpu.memory_space<vmem>> -> memref<128xi32, #tpu.memory_space<vmem>>
    %dma_start3A_80 = arith.constant 0 : i32
    %dma_start3A_81 = arith.constant 0 : i32
    %dma_start3A_82 = tpu.memref_slice %arg16[%dma_start3A_80, %dma_start3A_81] : memref<10240x48xf32, #tpu.memory_space<vmem_shared>> -> memref<10240x48xf32, #tpu.memory_space<vmem_shared>>
    tpu.enqueue_indirect_dma source(%dma_start3A_82 : memref<10240x48xf32, #tpu.memory_space<vmem_shared>>) target(%dma_start3A_76 : memref<128x48xf32, #tpu.memory_space<vmem>>) offsets(%dma_start3A_79 : memref<128xi32, #tpu.memory_space<vmem>>) semaphore(%arg20 : memref<!tpu.dma_semaphore, #tpu.memory_space<semaphore_mem>>)
    %dma_start3A_83 = arith.constant 3 : i32
    %dma_start3A_84 = arith.constant 3 : i32
    %dma_start3A_85 = arith.constant 0 : i32
    %dma_start3A_86 = arith.constant 0 : i32
    %dma_start3A_87 = tpu.memref_slice %arg10[%dma_start3A_84, %dma_start3A_85, %dma_start3A_86] : memref<5x128x48xf32, #tpu.memory_space<vmem>> -> memref<1x128x48xf32, #tpu.memory_space<vmem>>
    %dma_start3A_88 = tpu.memref_squeeze %dma_start3A_87 : memref<1x128x48xf32, #tpu.memory_space<vmem>> -> memref<128x48xf32, #tpu.memory_space<vmem>>
    %dma_start3A_89 = arith.constant 0 : i32
    %dma_start3A_90 = tpu.memref_slice %arg8[%dma_start3A_83, %dma_start3A_89] : memref<80x128xi32, #tpu.memory_space<vmem>> -> memref<1x128xi32, #tpu.memory_space<vmem>>
    %dma_start3A_91 = tpu.memref_squeeze %dma_start3A_90 : memref<1x128xi32, #tpu.memory_space<vmem>> -> memref<128xi32, #tpu.memory_space<vmem>>
    %dma_start3A_92 = arith.constant 0 : i32
    %dma_start3A_93 = arith.constant 0 : i32
    %dma_start3A_94 = tpu.memref_slice %arg16[%dma_start3A_92, %dma_start3A_93] : memref<10240x48xf32, #tpu.memory_space<vmem_shared>> -> memref<10240x48xf32, #tpu.memory_space<vmem_shared>>
    tpu.enqueue_indirect_dma source(%dma_start3A_94 : memref<10240x48xf32, #tpu.memory_space<vmem_shared>>) target(%dma_start3A_88 : memref<128x48xf32, #tpu.memory_space<vmem>>) offsets(%dma_start3A_91 : memref<128xi32, #tpu.memory_space<vmem>>) semaphore(%arg21 : memref<!tpu.dma_semaphore, #tpu.memory_space<semaphore_mem>>)
    %dma_start3A_95 = arith.constant 4 : i32
    %dma_start3A_96 = arith.constant 4 : i32
    %dma_start3A_97 = arith.constant 0 : i32
    %dma_start3A_98 = arith.constant 0 : i32
    %dma_start3A_99 = tpu.memref_slice %arg10[%dma_start3A_96, %dma_start3A_97, %dma_start3A_98] : memref<5x128x48xf32, #tpu.memory_space<vmem>> -> memref<1x128x48xf32, #tpu.memory_space<vmem>>
    %dma_start3A_100 = tpu.memref_squeeze %dma_start3A_99 : memref<1x128x48xf32, #tpu.memory_space<vmem>> -> memref<128x48xf32, #tpu.memory_space<vmem>>
    %dma_start3A_101 = arith.constant 0 : i32
    %dma_start3A_102 = tpu.memref_slice %arg8[%dma_start3A_95, %dma_start3A_101] : memref<80x128xi32, #tpu.memory_space<vmem>> -> memref<1x128xi32, #tpu.memory_space<vmem>>
    %dma_start3A_103 = tpu.memref_squeeze %dma_start3A_102 : memref<1x128xi32, #tpu.memory_space<vmem>> -> memref<128xi32, #tpu.memory_space<vmem>>
    %dma_start3A_104 = arith.constant 0 : i32
    %dma_start3A_105 = arith.constant 0 : i32
    %dma_start3A_106 = tpu.memref_slice %arg16[%dma_start3A_104, %dma_start3A_105] : memref<10240x48xf32, #tpu.memory_space<vmem_shared>> -> memref<10240x48xf32, #tpu.memory_space<vmem_shared>>
    tpu.enqueue_indirect_dma source(%dma_start3A_106 : memref<10240x48xf32, #tpu.memory_space<vmem_shared>>) target(%dma_start3A_100 : memref<128x48xf32, #tpu.memory_space<vmem>>) offsets(%dma_start3A_103 : memref<128xi32, #tpu.memory_space<vmem>>) semaphore(%arg22 : memref<!tpu.dma_semaphore, #tpu.memory_space<semaphore_mem>>)
    %scan3A_107 = arith.constant 0 : i32
    %scan3A_108 = arith.constant 0 : i32
    %scan3A_109 = arith.constant 16 : i32
    %scan3A_110 = arith.addi %scan3A_108, %scan3A_109 : i32
    %scan3A_111 = arith.constant 1 : i32
    %scan3A_112 = scf.for %scan3A_178 = %scan3A_108 to %scan3A_110 step %scan3A_111 iter_args(%scan3A_179 = %scan3A_107) -> (i32)  : i32 {
      %mul3A_180 = arith.constant 5 : i32
      %mul3A_181 = arith.muli %scan3A_178, %mul3A_180 : i32
      %add3A_182 = arith.constant 0 : i32
      %add3A_183 = arith.addi %mul3A_181, %add3A_182 : i32
      %dma_wait3A_184 = arith.constant 0 : i32
      %dma_wait3A_185 = arith.constant 0 : i32
      %dma_wait3A_186 = arith.constant 0 : i32
      %dma_wait3A_187 = tpu.memref_slice %arg10[%dma_wait3A_184, %dma_wait3A_185, %dma_wait3A_186] : memref<5x128x48xf32, #tpu.memory_space<vmem>> -> memref<1x128x48xf32, #tpu.memory_space<vmem>>
      %dma_wait3A_188 = tpu.memref_squeeze %dma_wait3A_187 : memref<1x128x48xf32, #tpu.memory_space<vmem>> -> memref<128x48xf32, #tpu.memory_space<vmem>>
      %dma_wait3A_189 = arith.constant 0 : i32
      %dma_wait3A_190 = tpu.memref_slice %arg8[%add3A_183, %dma_wait3A_189] : memref<80x128xi32, #tpu.memory_space<vmem>> -> memref<1x128xi32, #tpu.memory_space<vmem>>
      %dma_wait3A_191 = tpu.memref_squeeze %dma_wait3A_190 : memref<1x128xi32, #tpu.memory_space<vmem>> -> memref<128xi32, #tpu.memory_space<vmem>>
      %dma_wait3A_192 = arith.constant 0 : i32
      %dma_wait3A_193 = arith.constant 0 : i32
      %dma_wait3A_194 = tpu.memref_slice %arg16[%dma_wait3A_192, %dma_wait3A_193] : memref<10240x48xf32, #tpu.memory_space<vmem_shared>> -> memref<10240x48xf32, #tpu.memory_space<vmem_shared>>
      tpu.wait_indirect_dma semaphore(%arg18 : memref<!tpu.dma_semaphore, #tpu.memory_space<semaphore_mem>>) src(%dma_wait3A_194 : memref<10240x48xf32, #tpu.memory_space<vmem_shared>>) dst(%dma_wait3A_188 : memref<128x48xf32, #tpu.memory_space<vmem>>)
      %mul3A_195 = arith.constant 5 : i32
      %mul3A_196 = arith.muli %scan3A_178, %mul3A_195 : i32
      %add3A_197 = arith.constant 0 : i32
      %add3A_198 = arith.addi %mul3A_196, %add3A_197 : i32
      %dma_start3A_199 = arith.constant 0 : i32
      %dma_start3A_200 = arith.constant 0 : i32
      %dma_start3A_201 = arith.constant 0 : i32
      %dma_start3A_202 = tpu.memref_slice %arg10[%dma_start3A_199, %dma_start3A_200, %dma_start3A_201] : memref<5x128x48xf32, #tpu.memory_space<vmem>> -> memref<1x128x48xf32, #tpu.memory_space<vmem>>
      %dma_start3A_203 = tpu.memref_squeeze %dma_start3A_202 : memref<1x128x48xf32, #tpu.memory_space<vmem>> -> memref<128x48xf32, #tpu.memory_space<vmem>>
      %dma_start3A_204 = arith.constant 0 : i32
      %dma_start3A_205 = tpu.memref_slice %arg9[%add3A_198, %dma_start3A_204] : memref<80x128xi32, #tpu.memory_space<vmem>> -> memref<1x128xi32, #tpu.memory_space<vmem>>
      %dma_start3A_206 = tpu.memref_squeeze %dma_start3A_205 : memref<1x128xi32, #tpu.memory_space<vmem>> -> memref<128xi32, #tpu.memory_space<vmem>>
      %dma_start3A_207 = arith.constant 0 : i32
      %dma_start3A_208 = arith.constant 0 : i32
      %dma_start3A_209 = tpu.memref_slice %arg17[%dma_start3A_207, %dma_start3A_208] : memref<10240x48xf32, #tpu.memory_space<vmem_shared>> -> memref<10240x48xf32, #tpu.memory_space<vmem_shared>>
      tpu.enqueue_indirect_dma source(%dma_start3A_203 : memref<128x48xf32, #tpu.memory_space<vmem>>) target(%dma_start3A_209 : memref<10240x48xf32, #tpu.memory_space<vmem_shared>>) offsets(%dma_start3A_206 : memref<128xi32, #tpu.memory_space<vmem>>) semaphore(%arg23 : memref<!tpu.dma_semaphore, #tpu.memory_space<semaphore_mem>>) {add = true}
      %mul3A_210 = arith.constant 5 : i32
      %mul3A_211 = arith.muli %scan3A_178, %mul3A_210 : i32
      %add3A_212 = arith.constant 1 : i32
      %add3A_213 = arith.addi %mul3A_211, %add3A_212 : i32
      %dma_wait3A_214 = arith.constant 1 : i32
      %dma_wait3A_215 = arith.constant 0 : i32
      %dma_wait3A_216 = arith.constant 0 : i32
      %dma_wait3A_217 = tpu.memref_slice %arg10[%dma_wait3A_214, %dma_wait3A_215, %dma_wait3A_216] : memref<5x128x48xf32, #tpu.memory_space<vmem>> -> memref<1x128x48xf32, #tpu.memory_space<vmem>>
      %dma_wait3A_218 = tpu.memref_squeeze %dma_wait3A_217 : memref<1x128x48xf32, #tpu.memory_space<vmem>> -> memref<128x48xf32, #tpu.memory_space<vmem>>
      %dma_wait3A_219 = arith.constant 0 : i32
      %dma_wait3A_220 = tpu.memref_slice %arg8[%add3A_213, %dma_wait3A_219] : memref<80x128xi32, #tpu.memory_space<vmem>> -> memref<1x128xi32, #tpu.memory_space<vmem>>
      %dma_wait3A_221 = tpu.memref_squeeze %dma_wait3A_220 : memref<1x128xi32, #tpu.memory_space<vmem>> -> memref<128xi32, #tpu.memory_space<vmem>>
      %dma_wait3A_222 = arith.constant 0 : i32
      %dma_wait3A_223 = arith.constant 0 : i32
      %dma_wait3A_224 = tpu.memref_slice %arg16[%dma_wait3A_222, %dma_wait3A_223] : memref<10240x48xf32, #tpu.memory_space<vmem_shared>> -> memref<10240x48xf32, #tpu.memory_space<vmem_shared>>
      tpu.wait_indirect_dma semaphore(%arg19 : memref<!tpu.dma_semaphore, #tpu.memory_space<semaphore_mem>>) src(%dma_wait3A_224 : memref<10240x48xf32, #tpu.memory_space<vmem_shared>>) dst(%dma_wait3A_218 : memref<128x48xf32, #tpu.memory_space<vmem>>)
      %mul3A_225 = arith.constant 5 : i32
      %mul3A_226 = arith.muli %scan3A_178, %mul3A_225 : i32
      %add3A_227 = arith.constant 1 : i32
      %add3A_228 = arith.addi %mul3A_226, %add3A_227 : i32
      %dma_start3A_229 = arith.constant 1 : i32
      %dma_start3A_230 = arith.constant 0 : i32
      %dma_start3A_231 = arith.constant 0 : i32
      %dma_start3A_232 = tpu.memref_slice %arg10[%dma_start3A_229, %dma_start3A_230, %dma_start3A_231] : memref<5x128x48xf32, #tpu.memory_space<vmem>> -> memref<1x128x48xf32, #tpu.memory_space<vmem>>
      %dma_start3A_233 = tpu.memref_squeeze %dma_start3A_232 : memref<1x128x48xf32, #tpu.memory_space<vmem>> -> memref<128x48xf32, #tpu.memory_space<vmem>>
      %dma_start3A_234 = arith.constant 0 : i32
      %dma_start3A_235 = tpu.memref_slice %arg9[%add3A_228, %dma_start3A_234] : memref<80x128xi32, #tpu.memory_space<vmem>> -> memref<1x128xi32, #tpu.memory_space<vmem>>
      %dma_start3A_236 = tpu.memref_squeeze %dma_start3A_235 : memref<1x128xi32, #tpu.memory_space<vmem>> -> memref<128xi32, #tpu.memory_space<vmem>>
      %dma_start3A_237 = arith.constant 0 : i32
      %dma_start3A_238 = arith.constant 0 : i32
      %dma_start3A_239 = tpu.memref_slice %arg17[%dma_start3A_237, %dma_start3A_238] : memref<10240x48xf32, #tpu.memory_space<vmem_shared>> -> memref<10240x48xf32, #tpu.memory_space<vmem_shared>>
      tpu.enqueue_indirect_dma source(%dma_start3A_233 : memref<128x48xf32, #tpu.memory_space<vmem>>) target(%dma_start3A_239 : memref<10240x48xf32, #tpu.memory_space<vmem_shared>>) offsets(%dma_start3A_236 : memref<128xi32, #tpu.memory_space<vmem>>) semaphore(%arg24 : memref<!tpu.dma_semaphore, #tpu.memory_space<semaphore_mem>>) {add = true}
      %mul3A_240 = arith.constant 5 : i32
      %mul3A_241 = arith.muli %scan3A_178, %mul3A_240 : i32
      %add3A_242 = arith.constant 2 : i32
      %add3A_243 = arith.addi %mul3A_241, %add3A_242 : i32
      %dma_wait3A_244 = arith.constant 2 : i32
      %dma_wait3A_245 = arith.constant 0 : i32
      %dma_wait3A_246 = arith.constant 0 : i32
      %dma_wait3A_247 = tpu.memref_slice %arg10[%dma_wait3A_244, %dma_wait3A_245, %dma_wait3A_246] : memref<5x128x48xf32, #tpu.memory_space<vmem>> -> memref<1x128x48xf32, #tpu.memory_space<vmem>>
      %dma_wait3A_248 = tpu.memref_squeeze %dma_wait3A_247 : memref<1x128x48xf32, #tpu.memory_space<vmem>> -> memref<128x48xf32, #tpu.memory_space<vmem>>
      %dma_wait3A_249 = arith.constant 0 : i32
      %dma_wait3A_250 = tpu.memref_slice %arg8[%add3A_243, %dma_wait3A_249] : memref<80x128xi32, #tpu.memory_space<vmem>> -> memref<1x128xi32, #tpu.memory_space<vmem>>
      %dma_wait3A_251 = tpu.memref_squeeze %dma_wait3A_250 : memref<1x128xi32, #tpu.memory_space<vmem>> -> memref<128xi32, #tpu.memory_space<vmem>>
      %dma_wait3A_252 = arith.constant 0 : i32
      %dma_wait3A_253 = arith.constant 0 : i32
      %dma_wait3A_254 = tpu.memref_slice %arg16[%dma_wait3A_252, %dma_wait3A_253] : memref<10240x48xf32, #tpu.memory_space<vmem_shared>> -> memref<10240x48xf32, #tpu.memory_space<vmem_shared>>
      tpu.wait_indirect_dma semaphore(%arg20 : memref<!tpu.dma_semaphore, #tpu.memory_space<semaphore_mem>>) src(%dma_wait3A_254 : memref<10240x48xf32, #tpu.memory_space<vmem_shared>>) dst(%dma_wait3A_248 : memref<128x48xf32, #tpu.memory_space<vmem>>)
      %mul3A_255 = arith.constant 5 : i32
      %mul3A_256 = arith.muli %scan3A_178, %mul3A_255 : i32
      %add3A_257 = arith.constant 2 : i32
      %add3A_258 = arith.addi %mul3A_256, %add3A_257 : i32
      %dma_start3A_259 = arith.constant 2 : i32
      %dma_start3A_260 = arith.constant 0 : i32
      %dma_start3A_261 = arith.constant 0 : i32
      %dma_start3A_262 = tpu.memref_slice %arg10[%dma_start3A_259, %dma_start3A_260, %dma_start3A_261] : memref<5x128x48xf32, #tpu.memory_space<vmem>> -> memref<1x128x48xf32, #tpu.memory_space<vmem>>
      %dma_start3A_263 = tpu.memref_squeeze %dma_start3A_262 : memref<1x128x48xf32, #tpu.memory_space<vmem>> -> memref<128x48xf32, #tpu.memory_space<vmem>>
      %dma_start3A_264 = arith.constant 0 : i32
      %dma_start3A_265 = tpu.memref_slice %arg9[%add3A_258, %dma_start3A_264] : memref<80x128xi32, #tpu.memory_space<vmem>> -> memref<1x128xi32, #tpu.memory_space<vmem>>
      %dma_start3A_266 = tpu.memref_squeeze %dma_start3A_265 : memref<1x128xi32, #tpu.memory_space<vmem>> -> memref<128xi32, #tpu.memory_space<vmem>>
      %dma_start3A_267 = arith.constant 0 : i32
      %dma_start3A_268 = arith.constant 0 : i32
      %dma_start3A_269 = tpu.memref_slice %arg17[%dma_start3A_267, %dma_start3A_268] : memref<10240x48xf32, #tpu.memory_space<vmem_shared>> -> memref<10240x48xf32, #tpu.memory_space<vmem_shared>>
      tpu.enqueue_indirect_dma source(%dma_start3A_263 : memref<128x48xf32, #tpu.memory_space<vmem>>) target(%dma_start3A_269 : memref<10240x48xf32, #tpu.memory_space<vmem_shared>>) offsets(%dma_start3A_266 : memref<128xi32, #tpu.memory_space<vmem>>) semaphore(%arg25 : memref<!tpu.dma_semaphore, #tpu.memory_space<semaphore_mem>>) {add = true}
      %mul3A_270 = arith.constant 5 : i32
      %mul3A_271 = arith.muli %scan3A_178, %mul3A_270 : i32
      %add3A_272 = arith.constant 3 : i32
      %add3A_273 = arith.addi %mul3A_271, %add3A_272 : i32
      %dma_wait3A_274 = arith.constant 3 : i32
      %dma_wait3A_275 = arith.constant 0 : i32
      %dma_wait3A_276 = arith.constant 0 : i32
      %dma_wait3A_277 = tpu.memref_slice %arg10[%dma_wait3A_274, %dma_wait3A_275, %dma_wait3A_276] : memref<5x128x48xf32, #tpu.memory_space<vmem>> -> memref<1x128x48xf32, #tpu.memory_space<vmem>>
      %dma_wait3A_278 = tpu.memref_squeeze %dma_wait3A_277 : memref<1x128x48xf32, #tpu.memory_space<vmem>> -> memref<128x48xf32, #tpu.memory_space<vmem>>
      %dma_wait3A_279 = arith.constant 0 : i32
      %dma_wait3A_280 = tpu.memref_slice %arg8[%add3A_273, %dma_wait3A_279] : memref<80x128xi32, #tpu.memory_space<vmem>> -> memref<1x128xi32, #tpu.memory_space<vmem>>
      %dma_wait3A_281 = tpu.memref_squeeze %dma_wait3A_280 : memref<1x128xi32, #tpu.memory_space<vmem>> -> memref<128xi32, #tpu.memory_space<vmem>>
      %dma_wait3A_282 = arith.constant 0 : i32
      %dma_wait3A_283 = arith.constant 0 : i32
      %dma_wait3A_284 = tpu.memref_slice %arg16[%dma_wait3A_282, %dma_wait3A_283] : memref<10240x48xf32, #tpu.memory_space<vmem_shared>> -> memref<10240x48xf32, #tpu.memory_space<vmem_shared>>
      tpu.wait_indirect_dma semaphore(%arg21 : memref<!tpu.dma_semaphore, #tpu.memory_space<semaphore_mem>>) src(%dma_wait3A_284 : memref<10240x48xf32, #tpu.memory_space<vmem_shared>>) dst(%dma_wait3A_278 : memref<128x48xf32, #tpu.memory_space<vmem>>)
      %mul3A_285 = arith.constant 5 : i32
      %mul3A_286 = arith.muli %scan3A_178, %mul3A_285 : i32
      %add3A_287 = arith.constant 3 : i32
      %add3A_288 = arith.addi %mul3A_286, %add3A_287 : i32
      %dma_start3A_289 = arith.constant 3 : i32
      %dma_start3A_290 = arith.constant 0 : i32
      %dma_start3A_291 = arith.constant 0 : i32
      %dma_start3A_292 = tpu.memref_slice %arg10[%dma_start3A_289, %dma_start3A_290, %dma_start3A_291] : memref<5x128x48xf32, #tpu.memory_space<vmem>> -> memref<1x128x48xf32, #tpu.memory_space<vmem>>
      %dma_start3A_293 = tpu.memref_squeeze %dma_start3A_292 : memref<1x128x48xf32, #tpu.memory_space<vmem>> -> memref<128x48xf32, #tpu.memory_space<vmem>>
      %dma_start3A_294 = arith.constant 0 : i32
      %dma_start3A_295 = tpu.memref_slice %arg9[%add3A_288, %dma_start3A_294] : memref<80x128xi32, #tpu.memory_space<vmem>> -> memref<1x128xi32, #tpu.memory_space<vmem>>
      %dma_start3A_296 = tpu.memref_squeeze %dma_start3A_295 : memref<1x128xi32, #tpu.memory_space<vmem>> -> memref<128xi32, #tpu.memory_space<vmem>>
      %dma_start3A_297 = arith.constant 0 : i32
      %dma_start3A_298 = arith.constant 0 : i32
      %dma_start3A_299 = tpu.memref_slice %arg17[%dma_start3A_297, %dma_start3A_298] : memref<10240x48xf32, #tpu.memory_space<vmem_shared>> -> memref<10240x48xf32, #tpu.memory_space<vmem_shared>>
      tpu.enqueue_indirect_dma source(%dma_start3A_293 : memref<128x48xf32, #tpu.memory_space<vmem>>) target(%dma_start3A_299 : memref<10240x48xf32, #tpu.memory_space<vmem_shared>>) offsets(%dma_start3A_296 : memref<128xi32, #tpu.memory_space<vmem>>) semaphore(%arg26 : memref<!tpu.dma_semaphore, #tpu.memory_space<semaphore_mem>>) {add = true}
      %mul3A_300 = arith.constant 5 : i32
      %mul3A_301 = arith.muli %scan3A_178, %mul3A_300 : i32
      %add3A_302 = arith.constant 4 : i32
      %add3A_303 = arith.addi %mul3A_301, %add3A_302 : i32
      %dma_wait3A_304 = arith.constant 4 : i32
      %dma_wait3A_305 = arith.constant 0 : i32
      %dma_wait3A_306 = arith.constant 0 : i32
      %dma_wait3A_307 = tpu.memref_slice %arg10[%dma_wait3A_304, %dma_wait3A_305, %dma_wait3A_306] : memref<5x128x48xf32, #tpu.memory_space<vmem>> -> memref<1x128x48xf32, #tpu.memory_space<vmem>>
      %dma_wait3A_308 = tpu.memref_squeeze %dma_wait3A_307 : memref<1x128x48xf32, #tpu.memory_space<vmem>> -> memref<128x48xf32, #tpu.memory_space<vmem>>
      %dma_wait3A_309 = arith.constant 0 : i32
      %dma_wait3A_310 = tpu.memref_slice %arg8[%add3A_303, %dma_wait3A_309] : memref<80x128xi32, #tpu.memory_space<vmem>> -> memref<1x128xi32, #tpu.memory_space<vmem>>
      %dma_wait3A_311 = tpu.memref_squeeze %dma_wait3A_310 : memref<1x128xi32, #tpu.memory_space<vmem>> -> memref<128xi32, #tpu.memory_space<vmem>>
      %dma_wait3A_312 = arith.constant 0 : i32
      %dma_wait3A_313 = arith.constant 0 : i32
      %dma_wait3A_314 = tpu.memref_slice %arg16[%dma_wait3A_312, %dma_wait3A_313] : memref<10240x48xf32, #tpu.memory_space<vmem_shared>> -> memref<10240x48xf32, #tpu.memory_space<vmem_shared>>
      tpu.wait_indirect_dma semaphore(%arg22 : memref<!tpu.dma_semaphore, #tpu.memory_space<semaphore_mem>>) src(%dma_wait3A_314 : memref<10240x48xf32, #tpu.memory_space<vmem_shared>>) dst(%dma_wait3A_308 : memref<128x48xf32, #tpu.memory_space<vmem>>)
      %mul3A_315 = arith.constant 5 : i32
      %mul3A_316 = arith.muli %scan3A_178, %mul3A_315 : i32
      %add3A_317 = arith.constant 4 : i32
      %add3A_318 = arith.addi %mul3A_316, %add3A_317 : i32
      %dma_start3A_319 = arith.constant 4 : i32
      %dma_start3A_320 = arith.constant 0 : i32
      %dma_start3A_321 = arith.constant 0 : i32
      %dma_start3A_322 = tpu.memref_slice %arg10[%dma_start3A_319, %dma_start3A_320, %dma_start3A_321] : memref<5x128x48xf32, #tpu.memory_space<vmem>> -> memref<1x128x48xf32, #tpu.memory_space<vmem>>
      %dma_start3A_323 = tpu.memref_squeeze %dma_start3A_322 : memref<1x128x48xf32, #tpu.memory_space<vmem>> -> memref<128x48xf32, #tpu.memory_space<vmem>>
      %dma_start3A_324 = arith.constant 0 : i32
      %dma_start3A_325 = tpu.memref_slice %arg9[%add3A_318, %dma_start3A_324] : memref<80x128xi32, #tpu.memory_space<vmem>> -> memref<1x128xi32, #tpu.memory_space<vmem>>
      %dma_start3A_326 = tpu.memref_squeeze %dma_start3A_325 : memref<1x128xi32, #tpu.memory_space<vmem>> -> memref<128xi32, #tpu.memory_space<vmem>>
      %dma_start3A_327 = arith.constant 0 : i32
      %dma_start3A_328 = arith.constant 0 : i32
      %dma_start3A_329 = tpu.memref_slice %arg17[%dma_start3A_327, %dma_start3A_328] : memref<10240x48xf32, #tpu.memory_space<vmem_shared>> -> memref<10240x48xf32, #tpu.memory_space<vmem_shared>>
      tpu.enqueue_indirect_dma source(%dma_start3A_323 : memref<128x48xf32, #tpu.memory_space<vmem>>) target(%dma_start3A_329 : memref<10240x48xf32, #tpu.memory_space<vmem_shared>>) offsets(%dma_start3A_326 : memref<128xi32, #tpu.memory_space<vmem>>) semaphore(%arg27 : memref<!tpu.dma_semaphore, #tpu.memory_space<semaphore_mem>>) {add = true}
      %lt3A = arith.constant 15 : i32
      %lt3A_330 = arith.cmpi slt, %scan3A_178, %lt3A : i32
      %convert_element_type3A = arith.extui %lt3A_330 : i1 to i32
      %cond3A = arith.constant 0 : i32
      %cond3A_331 = arith.cmpi ne, %convert_element_type3A, %cond3A : i32
      scf.if %cond3A_331 {
        %mul3A_333 = arith.constant 5 : i32
        %mul3A_334 = arith.muli %scan3A_178, %mul3A_333 : i32
        %add3A_335 = arith.constant 0 : i32
        %add3A_336 = arith.addi %mul3A_334, %add3A_335 : i32
        %dma_wait3A_337 = arith.constant 0 : i32
        %dma_wait3A_338 = arith.constant 0 : i32
        %dma_wait3A_339 = arith.constant 0 : i32
        %dma_wait3A_340 = tpu.memref_slice %arg10[%dma_wait3A_337, %dma_wait3A_338, %dma_wait3A_339] : memref<5x128x48xf32, #tpu.memory_space<vmem>> -> memref<1x128x48xf32, #tpu.memory_space<vmem>>
        %dma_wait3A_341 = tpu.memref_squeeze %dma_wait3A_340 : memref<1x128x48xf32, #tpu.memory_space<vmem>> -> memref<128x48xf32, #tpu.memory_space<vmem>>
        %dma_wait3A_342 = arith.constant 0 : i32
        %dma_wait3A_343 = tpu.memref_slice %arg9[%add3A_336, %dma_wait3A_342] : memref<80x128xi32, #tpu.memory_space<vmem>> -> memref<1x128xi32, #tpu.memory_space<vmem>>
        %dma_wait3A_344 = tpu.memref_squeeze %dma_wait3A_343 : memref<1x128xi32, #tpu.memory_space<vmem>> -> memref<128xi32, #tpu.memory_space<vmem>>
        %dma_wait3A_345 = arith.constant 0 : i32
        %dma_wait3A_346 = arith.constant 0 : i32
        %dma_wait3A_347 = tpu.memref_slice %arg17[%dma_wait3A_345, %dma_wait3A_346] : memref<10240x48xf32, #tpu.memory_space<vmem_shared>> -> memref<10240x48xf32, #tpu.memory_space<vmem_shared>>
        tpu.wait_indirect_dma semaphore(%arg23 : memref<!tpu.dma_semaphore, #tpu.memory_space<semaphore_mem>>) src(%dma_wait3A_341 : memref<128x48xf32, #tpu.memory_space<vmem>>) dst(%dma_wait3A_347 : memref<10240x48xf32, #tpu.memory_space<vmem_shared>>)
        %add3A_348 = arith.constant 1 : i32
        %add3A_349 = arith.addi %scan3A_178, %add3A_348 : i32
        %mul3A_350 = arith.constant 5 : i32
        %mul3A_351 = arith.muli %add3A_349, %mul3A_350 : i32
        %add3A_352 = arith.constant 0 : i32
        %add3A_353 = arith.addi %mul3A_351, %add3A_352 : i32
        %dma_start3A_354 = arith.constant 0 : i32
        %dma_start3A_355 = arith.constant 0 : i32
        %dma_start3A_356 = arith.constant 0 : i32
        %dma_start3A_357 = tpu.memref_slice %arg10[%dma_start3A_354, %dma_start3A_355, %dma_start3A_356] : memref<5x128x48xf32, #tpu.memory_space<vmem>> -> memref<1x128x48xf32, #tpu.memory_space<vmem>>
        %dma_start3A_358 = tpu.memref_squeeze %dma_start3A_357 : memref<1x128x48xf32, #tpu.memory_space<vmem>> -> memref<128x48xf32, #tpu.memory_space<vmem>>
        %dma_start3A_359 = arith.constant 0 : i32
        %dma_start3A_360 = tpu.memref_slice %arg8[%add3A_353, %dma_start3A_359] : memref<80x128xi32, #tpu.memory_space<vmem>> -> memref<1x128xi32, #tpu.memory_space<vmem>>
        %dma_start3A_361 = tpu.memref_squeeze %dma_start3A_360 : memref<1x128xi32, #tpu.memory_space<vmem>> -> memref<128xi32, #tpu.memory_space<vmem>>
        %dma_start3A_362 = arith.constant 0 : i32
        %dma_start3A_363 = arith.constant 0 : i32
        %dma_start3A_364 = tpu.memref_slice %arg16[%dma_start3A_362, %dma_start3A_363] : memref<10240x48xf32, #tpu.memory_space<vmem_shared>> -> memref<10240x48xf32, #tpu.memory_space<vmem_shared>>
        tpu.enqueue_indirect_dma source(%dma_start3A_364 : memref<10240x48xf32, #tpu.memory_space<vmem_shared>>) target(%dma_start3A_358 : memref<128x48xf32, #tpu.memory_space<vmem>>) offsets(%dma_start3A_361 : memref<128xi32, #tpu.memory_space<vmem>>) semaphore(%arg18 : memref<!tpu.dma_semaphore, #tpu.memory_space<semaphore_mem>>)
        %mul3A_365 = arith.constant 5 : i32
        %mul3A_366 = arith.muli %scan3A_178, %mul3A_365 : i32
        %add3A_367 = arith.constant 1 : i32
        %add3A_368 = arith.addi %mul3A_366, %add3A_367 : i32
        %dma_wait3A_369 = arith.constant 1 : i32
        %dma_wait3A_370 = arith.constant 0 : i32
        %dma_wait3A_371 = arith.constant 0 : i32
        %dma_wait3A_372 = tpu.memref_slice %arg10[%dma_wait3A_369, %dma_wait3A_370, %dma_wait3A_371] : memref<5x128x48xf32, #tpu.memory_space<vmem>> -> memref<1x128x48xf32, #tpu.memory_space<vmem>>
        %dma_wait3A_373 = tpu.memref_squeeze %dma_wait3A_372 : memref<1x128x48xf32, #tpu.memory_space<vmem>> -> memref<128x48xf32, #tpu.memory_space<vmem>>
        %dma_wait3A_374 = arith.constant 0 : i32
        %dma_wait3A_375 = tpu.memref_slice %arg9[%add3A_368, %dma_wait3A_374] : memref<80x128xi32, #tpu.memory_space<vmem>> -> memref<1x128xi32, #tpu.memory_space<vmem>>
        %dma_wait3A_376 = tpu.memref_squeeze %dma_wait3A_375 : memref<1x128xi32, #tpu.memory_space<vmem>> -> memref<128xi32, #tpu.memory_space<vmem>>
        %dma_wait3A_377 = arith.constant 0 : i32
        %dma_wait3A_378 = arith.constant 0 : i32
        %dma_wait3A_379 = tpu.memref_slice %arg17[%dma_wait3A_377, %dma_wait3A_378] : memref<10240x48xf32, #tpu.memory_space<vmem_shared>> -> memref<10240x48xf32, #tpu.memory_space<vmem_shared>>
        tpu.wait_indirect_dma semaphore(%arg24 : memref<!tpu.dma_semaphore, #tpu.memory_space<semaphore_mem>>) src(%dma_wait3A_373 : memref<128x48xf32, #tpu.memory_space<vmem>>) dst(%dma_wait3A_379 : memref<10240x48xf32, #tpu.memory_space<vmem_shared>>)
        %add3A_380 = arith.constant 1 : i32
        %add3A_381 = arith.addi %scan3A_178, %add3A_380 : i32
        %mul3A_382 = arith.constant 5 : i32
        %mul3A_383 = arith.muli %add3A_381, %mul3A_382 : i32
        %add3A_384 = arith.constant 1 : i32
        %add3A_385 = arith.addi %mul3A_383, %add3A_384 : i32
        %dma_start3A_386 = arith.constant 1 : i32
        %dma_start3A_387 = arith.constant 0 : i32
        %dma_start3A_388 = arith.constant 0 : i32
        %dma_start3A_389 = tpu.memref_slice %arg10[%dma_start3A_386, %dma_start3A_387, %dma_start3A_388] : memref<5x128x48xf32, #tpu.memory_space<vmem>> -> memref<1x128x48xf32, #tpu.memory_space<vmem>>
        %dma_start3A_390 = tpu.memref_squeeze %dma_start3A_389 : memref<1x128x48xf32, #tpu.memory_space<vmem>> -> memref<128x48xf32, #tpu.memory_space<vmem>>
        %dma_start3A_391 = arith.constant 0 : i32
        %dma_start3A_392 = tpu.memref_slice %arg8[%add3A_385, %dma_start3A_391] : memref<80x128xi32, #tpu.memory_space<vmem>> -> memref<1x128xi32, #tpu.memory_space<vmem>>
        %dma_start3A_393 = tpu.memref_squeeze %dma_start3A_392 : memref<1x128xi32, #tpu.memory_space<vmem>> -> memref<128xi32, #tpu.memory_space<vmem>>
        %dma_start3A_394 = arith.constant 0 : i32
        %dma_start3A_395 = arith.constant 0 : i32
        %dma_start3A_396 = tpu.memref_slice %arg16[%dma_start3A_394, %dma_start3A_395] : memref<10240x48xf32, #tpu.memory_space<vmem_shared>> -> memref<10240x48xf32, #tpu.memory_space<vmem_shared>>
        tpu.enqueue_indirect_dma source(%dma_start3A_396 : memref<10240x48xf32, #tpu.memory_space<vmem_shared>>) target(%dma_start3A_390 : memref<128x48xf32, #tpu.memory_space<vmem>>) offsets(%dma_start3A_393 : memref<128xi32, #tpu.memory_space<vmem>>) semaphore(%arg19 : memref<!tpu.dma_semaphore, #tpu.memory_space<semaphore_mem>>)
        %mul3A_397 = arith.constant 5 : i32
        %mul3A_398 = arith.muli %scan3A_178, %mul3A_397 : i32
        %add3A_399 = arith.constant 2 : i32
        %add3A_400 = arith.addi %mul3A_398, %add3A_399 : i32
        %dma_wait3A_401 = arith.constant 2 : i32
        %dma_wait3A_402 = arith.constant 0 : i32
        %dma_wait3A_403 = arith.constant 0 : i32
        %dma_wait3A_404 = tpu.memref_slice %arg10[%dma_wait3A_401, %dma_wait3A_402, %dma_wait3A_403] : memref<5x128x48xf32, #tpu.memory_space<vmem>> -> memref<1x128x48xf32, #tpu.memory_space<vmem>>
        %dma_wait3A_405 = tpu.memref_squeeze %dma_wait3A_404 : memref<1x128x48xf32, #tpu.memory_space<vmem>> -> memref<128x48xf32, #tpu.memory_space<vmem>>
        %dma_wait3A_406 = arith.constant 0 : i32
        %dma_wait3A_407 = tpu.memref_slice %arg9[%add3A_400, %dma_wait3A_406] : memref<80x128xi32, #tpu.memory_space<vmem>> -> memref<1x128xi32, #tpu.memory_space<vmem>>
        %dma_wait3A_408 = tpu.memref_squeeze %dma_wait3A_407 : memref<1x128xi32, #tpu.memory_space<vmem>> -> memref<128xi32, #tpu.memory_space<vmem>>
        %dma_wait3A_409 = arith.constant 0 : i32
        %dma_wait3A_410 = arith.constant 0 : i32
        %dma_wait3A_411 = tpu.memref_slice %arg17[%dma_wait3A_409, %dma_wait3A_410] : memref<10240x48xf32, #tpu.memory_space<vmem_shared>> -> memref<10240x48xf32, #tpu.memory_space<vmem_shared>>
        tpu.wait_indirect_dma semaphore(%arg25 : memref<!tpu.dma_semaphore, #tpu.memory_space<semaphore_mem>>) src(%dma_wait3A_405 : memref<128x48xf32, #tpu.memory_space<vmem>>) dst(%dma_wait3A_411 : memref<10240x48xf32, #tpu.memory_space<vmem_shared>>)
        %add3A_412 = arith.constant 1 : i32
        %add3A_413 = arith.addi %scan3A_178, %add3A_412 : i32
        %mul3A_414 = arith.constant 5 : i32
        %mul3A_415 = arith.muli %add3A_413, %mul3A_414 : i32
        %add3A_416 = arith.constant 2 : i32
        %add3A_417 = arith.addi %mul3A_415, %add3A_416 : i32
        %dma_start3A_418 = arith.constant 2 : i32
        %dma_start3A_419 = arith.constant 0 : i32
        %dma_start3A_420 = arith.constant 0 : i32
        %dma_start3A_421 = tpu.memref_slice %arg10[%dma_start3A_418, %dma_start3A_419, %dma_start3A_420] : memref<5x128x48xf32, #tpu.memory_space<vmem>> -> memref<1x128x48xf32, #tpu.memory_space<vmem>>
        %dma_start3A_422 = tpu.memref_squeeze %dma_start3A_421 : memref<1x128x48xf32, #tpu.memory_space<vmem>> -> memref<128x48xf32, #tpu.memory_space<vmem>>
        %dma_start3A_423 = arith.constant 0 : i32
        %dma_start3A_424 = tpu.memref_slice %arg8[%add3A_417, %dma_start3A_423] : memref<80x128xi32, #tpu.memory_space<vmem>> -> memref<1x128xi32, #tpu.memory_space<vmem>>
        %dma_start3A_425 = tpu.memref_squeeze %dma_start3A_424 : memref<1x128xi32, #tpu.memory_space<vmem>> -> memref<128xi32, #tpu.memory_space<vmem>>
        %dma_start3A_426 = arith.constant 0 : i32
        %dma_start3A_427 = arith.constant 0 : i32
        %dma_start3A_428 = tpu.memref_slice %arg16[%dma_start3A_426, %dma_start3A_427] : memref<10240x48xf32, #tpu.memory_space<vmem_shared>> -> memref<10240x48xf32, #tpu.memory_space<vmem_shared>>
        tpu.enqueue_indirect_dma source(%dma_start3A_428 : memref<10240x48xf32, #tpu.memory_space<vmem_shared>>) target(%dma_start3A_422 : memref<128x48xf32, #tpu.memory_space<vmem>>) offsets(%dma_start3A_425 : memref<128xi32, #tpu.memory_space<vmem>>) semaphore(%arg20 : memref<!tpu.dma_semaphore, #tpu.memory_space<semaphore_mem>>)
        %mul3A_429 = arith.constant 5 : i32
        %mul3A_430 = arith.muli %scan3A_178, %mul3A_429 : i32
        %add3A_431 = arith.constant 3 : i32
        %add3A_432 = arith.addi %mul3A_430, %add3A_431 : i32
        %dma_wait3A_433 = arith.constant 3 : i32
        %dma_wait3A_434 = arith.constant 0 : i32
        %dma_wait3A_435 = arith.constant 0 : i32
        %dma_wait3A_436 = tpu.memref_slice %arg10[%dma_wait3A_433, %dma_wait3A_434, %dma_wait3A_435] : memref<5x128x48xf32, #tpu.memory_space<vmem>> -> memref<1x128x48xf32, #tpu.memory_space<vmem>>
        %dma_wait3A_437 = tpu.memref_squeeze %dma_wait3A_436 : memref<1x128x48xf32, #tpu.memory_space<vmem>> -> memref<128x48xf32, #tpu.memory_space<vmem>>
        %dma_wait3A_438 = arith.constant 0 : i32
        %dma_wait3A_439 = tpu.memref_slice %arg9[%add3A_432, %dma_wait3A_438] : memref<80x128xi32, #tpu.memory_space<vmem>> -> memref<1x128xi32, #tpu.memory_space<vmem>>
        %dma_wait3A_440 = tpu.memref_squeeze %dma_wait3A_439 : memref<1x128xi32, #tpu.memory_space<vmem>> -> memref<128xi32, #tpu.memory_space<vmem>>
        %dma_wait3A_441 = arith.constant 0 : i32
        %dma_wait3A_442 = arith.constant 0 : i32
        %dma_wait3A_443 = tpu.memref_slice %arg17[%dma_wait3A_441, %dma_wait3A_442] : memref<10240x48xf32, #tpu.memory_space<vmem_shared>> -> memref<10240x48xf32, #tpu.memory_space<vmem_shared>>
        tpu.wait_indirect_dma semaphore(%arg26 : memref<!tpu.dma_semaphore, #tpu.memory_space<semaphore_mem>>) src(%dma_wait3A_437 : memref<128x48xf32, #tpu.memory_space<vmem>>) dst(%dma_wait3A_443 : memref<10240x48xf32, #tpu.memory_space<vmem_shared>>)
        %add3A_444 = arith.constant 1 : i32
        %add3A_445 = arith.addi %scan3A_178, %add3A_444 : i32
        %mul3A_446 = arith.constant 5 : i32
        %mul3A_447 = arith.muli %add3A_445, %mul3A_446 : i32
        %add3A_448 = arith.constant 3 : i32
        %add3A_449 = arith.addi %mul3A_447, %add3A_448 : i32
        %dma_start3A_450 = arith.constant 3 : i32
        %dma_start3A_451 = arith.constant 0 : i32
        %dma_start3A_452 = arith.constant 0 : i32
        %dma_start3A_453 = tpu.memref_slice %arg10[%dma_start3A_450, %dma_start3A_451, %dma_start3A_452] : memref<5x128x48xf32, #tpu.memory_space<vmem>> -> memref<1x128x48xf32, #tpu.memory_space<vmem>>
        %dma_start3A_454 = tpu.memref_squeeze %dma_start3A_453 : memref<1x128x48xf32, #tpu.memory_space<vmem>> -> memref<128x48xf32, #tpu.memory_space<vmem>>
        %dma_start3A_455 = arith.constant 0 : i32
        %dma_start3A_456 = tpu.memref_slice %arg8[%add3A_449, %dma_start3A_455] : memref<80x128xi32, #tpu.memory_space<vmem>> -> memref<1x128xi32, #tpu.memory_space<vmem>>
        %dma_start3A_457 = tpu.memref_squeeze %dma_start3A_456 : memref<1x128xi32, #tpu.memory_space<vmem>> -> memref<128xi32, #tpu.memory_space<vmem>>
        %dma_start3A_458 = arith.constant 0 : i32
        %dma_start3A_459 = arith.constant 0 : i32
        %dma_start3A_460 = tpu.memref_slice %arg16[%dma_start3A_458, %dma_start3A_459] : memref<10240x48xf32, #tpu.memory_space<vmem_shared>> -> memref<10240x48xf32, #tpu.memory_space<vmem_shared>>
        tpu.enqueue_indirect_dma source(%dma_start3A_460 : memref<10240x48xf32, #tpu.memory_space<vmem_shared>>) target(%dma_start3A_454 : memref<128x48xf32, #tpu.memory_space<vmem>>) offsets(%dma_start3A_457 : memref<128xi32, #tpu.memory_space<vmem>>) semaphore(%arg21 : memref<!tpu.dma_semaphore, #tpu.memory_space<semaphore_mem>>)
        %mul3A_461 = arith.constant 5 : i32
        %mul3A_462 = arith.muli %scan3A_178, %mul3A_461 : i32
        %add3A_463 = arith.constant 4 : i32
        %add3A_464 = arith.addi %mul3A_462, %add3A_463 : i32
        %dma_wait3A_465 = arith.constant 4 : i32
        %dma_wait3A_466 = arith.constant 0 : i32
        %dma_wait3A_467 = arith.constant 0 : i32
        %dma_wait3A_468 = tpu.memref_slice %arg10[%dma_wait3A_465, %dma_wait3A_466, %dma_wait3A_467] : memref<5x128x48xf32, #tpu.memory_space<vmem>> -> memref<1x128x48xf32, #tpu.memory_space<vmem>>
        %dma_wait3A_469 = tpu.memref_squeeze %dma_wait3A_468 : memref<1x128x48xf32, #tpu.memory_space<vmem>> -> memref<128x48xf32, #tpu.memory_space<vmem>>
        %dma_wait3A_470 = arith.constant 0 : i32
        %dma_wait3A_471 = tpu.memref_slice %arg9[%add3A_464, %dma_wait3A_470] : memref<80x128xi32, #tpu.memory_space<vmem>> -> memref<1x128xi32, #tpu.memory_space<vmem>>
        %dma_wait3A_472 = tpu.memref_squeeze %dma_wait3A_471 : memref<1x128xi32, #tpu.memory_space<vmem>> -> memref<128xi32, #tpu.memory_space<vmem>>
        %dma_wait3A_473 = arith.constant 0 : i32
        %dma_wait3A_474 = arith.constant 0 : i32
        %dma_wait3A_475 = tpu.memref_slice %arg17[%dma_wait3A_473, %dma_wait3A_474] : memref<10240x48xf32, #tpu.memory_space<vmem_shared>> -> memref<10240x48xf32, #tpu.memory_space<vmem_shared>>
        tpu.wait_indirect_dma semaphore(%arg27 : memref<!tpu.dma_semaphore, #tpu.memory_space<semaphore_mem>>) src(%dma_wait3A_469 : memref<128x48xf32, #tpu.memory_space<vmem>>) dst(%dma_wait3A_475 : memref<10240x48xf32, #tpu.memory_space<vmem_shared>>)
        %add3A_476 = arith.constant 1 : i32
        %add3A_477 = arith.addi %scan3A_178, %add3A_476 : i32
        %mul3A_478 = arith.constant 5 : i32
        %mul3A_479 = arith.muli %add3A_477, %mul3A_478 : i32
        %add3A_480 = arith.constant 4 : i32
        %add3A_481 = arith.addi %mul3A_479, %add3A_480 : i32
        %dma_start3A_482 = arith.constant 4 : i32
        %dma_start3A_483 = arith.constant 0 : i32
        %dma_start3A_484 = arith.constant 0 : i32
        %dma_start3A_485 = tpu.memref_slice %arg10[%dma_start3A_482, %dma_start3A_483, %dma_start3A_484] : memref<5x128x48xf32, #tpu.memory_space<vmem>> -> memref<1x128x48xf32, #tpu.memory_space<vmem>>
        %dma_start3A_486 = tpu.memref_squeeze %dma_start3A_485 : memref<1x128x48xf32, #tpu.memory_space<vmem>> -> memref<128x48xf32, #tpu.memory_space<vmem>>
        %dma_start3A_487 = arith.constant 0 : i32
        %dma_start3A_488 = tpu.memref_slice %arg8[%add3A_481, %dma_start3A_487] : memref<80x128xi32, #tpu.memory_space<vmem>> -> memref<1x128xi32, #tpu.memory_space<vmem>>
        %dma_start3A_489 = tpu.memref_squeeze %dma_start3A_488 : memref<1x128xi32, #tpu.memory_space<vmem>> -> memref<128xi32, #tpu.memory_space<vmem>>
        %dma_start3A_490 = arith.constant 0 : i32
        %dma_start3A_491 = arith.constant 0 : i32
        %dma_start3A_492 = tpu.memref_slice %arg16[%dma_start3A_490, %dma_start3A_491] : memref<10240x48xf32, #tpu.memory_space<vmem_shared>> -> memref<10240x48xf32, #tpu.memory_space<vmem_shared>>
        tpu.enqueue_indirect_dma source(%dma_start3A_492 : memref<10240x48xf32, #tpu.memory_space<vmem_shared>>) target(%dma_start3A_486 : memref<128x48xf32, #tpu.memory_space<vmem>>) offsets(%dma_start3A_489 : memref<128xi32, #tpu.memory_space<vmem>>) semaphore(%arg22 : memref<!tpu.dma_semaphore, #tpu.memory_space<semaphore_mem>>)
      } else {
      }
      %scan3A_332 = arith.constant 0 : i32
      scf.yield %scan3A_332 : i32
    }
    %scan3A_113 = arith.constant 16 : i32
    %dma_wait3A = arith.constant 0 : i32
    %dma_wait3A_114 = arith.constant 0 : i32
    %dma_wait3A_115 = arith.constant 0 : i32
    %dma_wait3A_116 = arith.constant 0 : i32
    %dma_wait3A_117 = tpu.memref_slice %arg10[%dma_wait3A, %dma_wait3A_115, %dma_wait3A_116] : memref<5x128x48xf32, #tpu.memory_space<vmem>> -> memref<1x128x48xf32, #tpu.memory_space<vmem>>
    %dma_wait3A_118 = tpu.memref_squeeze %dma_wait3A_117 : memref<1x128x48xf32, #tpu.memory_space<vmem>> -> memref<128x48xf32, #tpu.memory_space<vmem>>
    %dma_wait3A_119 = arith.constant 0 : i32
    %dma_wait3A_120 = tpu.memref_slice %arg9[%dma_wait3A_114, %dma_wait3A_119] : memref<80x128xi32, #tpu.memory_space<vmem>> -> memref<1x128xi32, #tpu.memory_space<vmem>>
    %dma_wait3A_121 = tpu.memref_squeeze %dma_wait3A_120 : memref<1x128xi32, #tpu.memory_space<vmem>> -> memref<128xi32, #tpu.memory_space<vmem>>
    %dma_wait3A_122 = arith.constant 0 : i32
    %dma_wait3A_123 = arith.constant 0 : i32
    %dma_wait3A_124 = tpu.memref_slice %arg17[%dma_wait3A_122, %dma_wait3A_123] : memref<10240x48xf32, #tpu.memory_space<vmem_shared>> -> memref<10240x48xf32, #tpu.memory_space<vmem_shared>>
    tpu.wait_indirect_dma semaphore(%arg23 : memref<!tpu.dma_semaphore, #tpu.memory_space<semaphore_mem>>) src(%dma_wait3A_118 : memref<128x48xf32, #tpu.memory_space<vmem>>) dst(%dma_wait3A_124 : memref<10240x48xf32, #tpu.memory_space<vmem_shared>>)
    %dma_wait3A_125 = arith.constant 1 : i32
    %dma_wait3A_126 = arith.constant 1 : i32
    %dma_wait3A_127 = arith.constant 0 : i32
    %dma_wait3A_128 = arith.constant 0 : i32
    %dma_wait3A_129 = tpu.memref_slice %arg10[%dma_wait3A_125, %dma_wait3A_127, %dma_wait3A_128] : memref<5x128x48xf32, #tpu.memory_space<vmem>> -> memref<1x128x48xf32, #tpu.memory_space<vmem>>
    %dma_wait3A_130 = tpu.memref_squeeze %dma_wait3A_129 : memref<1x128x48xf32, #tpu.memory_space<vmem>> -> memref<128x48xf32, #tpu.memory_space<vmem>>
    %dma_wait3A_131 = arith.constant 0 : i32
    %dma_wait3A_132 = tpu.memref_slice %arg9[%dma_wait3A_126, %dma_wait3A_131] : memref<80x128xi32, #tpu.memory_space<vmem>> -> memref<1x128xi32, #tpu.memory_space<vmem>>
    %dma_wait3A_133 = tpu.memref_squeeze %dma_wait3A_132 : memref<1x128xi32, #tpu.memory_space<vmem>> -> memref<128xi32, #tpu.memory_space<vmem>>
    %dma_wait3A_134 = arith.constant 0 : i32
    %dma_wait3A_135 = arith.constant 0 : i32
    %dma_wait3A_136 = tpu.memref_slice %arg17[%dma_wait3A_134, %dma_wait3A_135] : memref<10240x48xf32, #tpu.memory_space<vmem_shared>> -> memref<10240x48xf32, #tpu.memory_space<vmem_shared>>
    tpu.wait_indirect_dma semaphore(%arg24 : memref<!tpu.dma_semaphore, #tpu.memory_space<semaphore_mem>>) src(%dma_wait3A_130 : memref<128x48xf32, #tpu.memory_space<vmem>>) dst(%dma_wait3A_136 : memref<10240x48xf32, #tpu.memory_space<vmem_shared>>)
    %dma_wait3A_137 = arith.constant 2 : i32
    %dma_wait3A_138 = arith.constant 2 : i32
    %dma_wait3A_139 = arith.constant 0 : i32
    %dma_wait3A_140 = arith.constant 0 : i32
    %dma_wait3A_141 = tpu.memref_slice %arg10[%dma_wait3A_137, %dma_wait3A_139, %dma_wait3A_140] : memref<5x128x48xf32, #tpu.memory_space<vmem>> -> memref<1x128x48xf32, #tpu.memory_space<vmem>>
    %dma_wait3A_142 = tpu.memref_squeeze %dma_wait3A_141 : memref<1x128x48xf32, #tpu.memory_space<vmem>> -> memref<128x48xf32, #tpu.memory_space<vmem>>
    %dma_wait3A_143 = arith.constant 0 : i32
    %dma_wait3A_144 = tpu.memref_slice %arg9[%dma_wait3A_138, %dma_wait3A_143] : memref<80x128xi32, #tpu.memory_space<vmem>> -> memref<1x128xi32, #tpu.memory_space<vmem>>
    %dma_wait3A_145 = tpu.memref_squeeze %dma_wait3A_144 : memref<1x128xi32, #tpu.memory_space<vmem>> -> memref<128xi32, #tpu.memory_space<vmem>>
    %dma_wait3A_146 = arith.constant 0 : i32
    %dma_wait3A_147 = arith.constant 0 : i32
    %dma_wait3A_148 = tpu.memref_slice %arg17[%dma_wait3A_146, %dma_wait3A_147] : memref<10240x48xf32, #tpu.memory_space<vmem_shared>> -> memref<10240x48xf32, #tpu.memory_space<vmem_shared>>
    tpu.wait_indirect_dma semaphore(%arg25 : memref<!tpu.dma_semaphore, #tpu.memory_space<semaphore_mem>>) src(%dma_wait3A_142 : memref<128x48xf32, #tpu.memory_space<vmem>>) dst(%dma_wait3A_148 : memref<10240x48xf32, #tpu.memory_space<vmem_shared>>)
    %dma_wait3A_149 = arith.constant 3 : i32
    %dma_wait3A_150 = arith.constant 3 : i32
    %dma_wait3A_151 = arith.constant 0 : i32
    %dma_wait3A_152 = arith.constant 0 : i32
    %dma_wait3A_153 = tpu.memref_slice %arg10[%dma_wait3A_149, %dma_wait3A_151, %dma_wait3A_152] : memref<5x128x48xf32, #tpu.memory_space<vmem>> -> memref<1x128x48xf32, #tpu.memory_space<vmem>>
    %dma_wait3A_154 = tpu.memref_squeeze %dma_wait3A_153 : memref<1x128x48xf32, #tpu.memory_space<vmem>> -> memref<128x48xf32, #tpu.memory_space<vmem>>
    %dma_wait3A_155 = arith.constant 0 : i32
    %dma_wait3A_156 = tpu.memref_slice %arg9[%dma_wait3A_150, %dma_wait3A_155] : memref<80x128xi32, #tpu.memory_space<vmem>> -> memref<1x128xi32, #tpu.memory_space<vmem>>
    %dma_wait3A_157 = tpu.memref_squeeze %dma_wait3A_156 : memref<1x128xi32, #tpu.memory_space<vmem>> -> memref<128xi32, #tpu.memory_space<vmem>>
    %dma_wait3A_158 = arith.constant 0 : i32
    %dma_wait3A_159 = arith.constant 0 : i32
    %dma_wait3A_160 = tpu.memref_slice %arg17[%dma_wait3A_158, %dma_wait3A_159] : memref<10240x48xf32, #tpu.memory_space<vmem_shared>> -> memref<10240x48xf32, #tpu.memory_space<vmem_shared>>
    tpu.wait_indirect_dma semaphore(%arg26 : memref<!tpu.dma_semaphore, #tpu.memory_space<semaphore_mem>>) src(%dma_wait3A_154 : memref<128x48xf32, #tpu.memory_space<vmem>>) dst(%dma_wait3A_160 : memref<10240x48xf32, #tpu.memory_space<vmem_shared>>)
    %dma_wait3A_161 = arith.constant 4 : i32
    %dma_wait3A_162 = arith.constant 4 : i32
    %dma_wait3A_163 = arith.constant 0 : i32
    %dma_wait3A_164 = arith.constant 0 : i32
    %dma_wait3A_165 = tpu.memref_slice %arg10[%dma_wait3A_161, %dma_wait3A_163, %dma_wait3A_164] : memref<5x128x48xf32, #tpu.memory_space<vmem>> -> memref<1x128x48xf32, #tpu.memory_space<vmem>>
    %dma_wait3A_166 = tpu.memref_squeeze %dma_wait3A_165 : memref<1x128x48xf32, #tpu.memory_space<vmem>> -> memref<128x48xf32, #tpu.memory_space<vmem>>
    %dma_wait3A_167 = arith.constant 0 : i32
    %dma_wait3A_168 = tpu.memref_slice %arg9[%dma_wait3A_162, %dma_wait3A_167] : memref<80x128xi32, #tpu.memory_space<vmem>> -> memref<1x128xi32, #tpu.memory_space<vmem>>
    %dma_wait3A_169 = tpu.memref_squeeze %dma_wait3A_168 : memref<1x128xi32, #tpu.memory_space<vmem>> -> memref<128xi32, #tpu.memory_space<vmem>>
    %dma_wait3A_170 = arith.constant 0 : i32
    %dma_wait3A_171 = arith.constant 0 : i32
    %dma_wait3A_172 = tpu.memref_slice %arg17[%dma_wait3A_170, %dma_wait3A_171] : memref<10240x48xf32, #tpu.memory_space<vmem_shared>> -> memref<10240x48xf32, #tpu.memory_space<vmem_shared>>
    tpu.wait_indirect_dma semaphore(%arg27 : memref<!tpu.dma_semaphore, #tpu.memory_space<semaphore_mem>>) src(%dma_wait3A_166 : memref<128x48xf32, #tpu.memory_space<vmem>>) dst(%dma_wait3A_172 : memref<10240x48xf32, #tpu.memory_space<vmem_shared>>)
    %barrier3A_173 = arith.constant 0 : index
    tpu.barrier barrier_id(%barrier3A_173)
    %mul3A_174 = arith.constant 640 : i32
    %mul3A_175 = arith.muli %arg1, %mul3A_174 : i32
    %mul3A_176 = arith.constant 640 : i32
    %mul3A_177 = arith.muli %arg1, %mul3A_176 : i32
    "tpu.region"() ({
      %run_scoped3A_178 = tpu.sem_alloc : memref<!tpu.dma_semaphore, #tpu.memory_space<semaphore_mem>>
      %dma_start3A_179 = arith.constant 0 : i32
      %dma_start3A_180 = tpu.memref_slice %arg6[%arg0, %mul3A_177, %dma_start3A_179] : memref<2x10240x48xf32, #tpu.memory_space<hbm>> -> memref<1x640x48xf32, #tpu.memory_space<hbm>>
      %dma_start3A_181 = tpu.memref_squeeze %dma_start3A_180 : memref<1x640x48xf32, #tpu.memory_space<hbm>> -> memref<640x48xf32, #tpu.memory_space<hbm>>
      %dma_start3A_182 = arith.constant 0 : i32
      %dma_start3A_183 = tpu.memref_slice %arg17[%mul3A_175, %dma_start3A_182] : memref<10240x48xf32, #tpu.memory_space<vmem_shared>> -> memref<640x48xf32, #tpu.memory_space<vmem_shared>>
      tpu.enqueue_dma source(%dma_start3A_183 : memref<640x48xf32, #tpu.memory_space<vmem_shared>>) target(%dma_start3A_181 : memref<640x48xf32, #tpu.memory_space<hbm>>) target_semaphore(%run_scoped3A_178 : memref<!tpu.dma_semaphore, #tpu.memory_space<semaphore_mem>>)
      %dma_wait3A_184 = arith.constant 0 : i32
      %dma_wait3A_185 = tpu.memref_slice %arg6[%arg0, %mul3A_177, %dma_wait3A_184] : memref<2x10240x48xf32, #tpu.memory_space<hbm>> -> memref<1x640x48xf32, #tpu.memory_space<hbm>>
      %dma_wait3A_186 = tpu.memref_squeeze %dma_wait3A_185 : memref<1x640x48xf32, #tpu.memory_space<hbm>> -> memref<640x48xf32, #tpu.memory_space<hbm>>
      %dma_wait3A_187 = arith.constant 0 : i32
      %dma_wait3A_188 = tpu.memref_slice %arg17[%mul3A_175, %dma_wait3A_187] : memref<10240x48xf32, #tpu.memory_space<vmem_shared>> -> memref<640x48xf32, #tpu.memory_space<vmem_shared>>
      tpu.wait_dma2 semaphore(%run_scoped3A_178 : memref<!tpu.dma_semaphore, #tpu.memory_space<semaphore_mem>>) src(%dma_wait3A_188 : memref<640x48xf32, #tpu.memory_space<vmem_shared>>) dst(%dma_wait3A_186 : memref<640x48xf32, #tpu.memory_space<hbm>>)
      tpu.yield
    }) : () -> ()
    return
  }
}

module attributes {stable_mosaic.version = 14 : i64} {
  func.func @_tc_b(%arg0: i32, %arg1: memref<2048x128xf32, #tpu.memory_space<vmem>>, %arg2: memref<128x48xf32, #tpu.memory_space<vmem>>, %arg3: memref<2048x48xf32, #tpu.memory_space<vmem>>) attributes {dimension_semantics = [#tpu.dimension_semantics<arbitrary>], iteration_bounds = array<i64: 5>, scalar_prefetch = 0 : i64, scratch_operands = 0 : i64, tpu.core_type = #tpu.core_type<tc>, window_params = [{transform_indices = @transform_0, window_bounds = array<i64: 2048, 128>}, {pipeline_mode = #tpu.pipeline_mode<synchronous>, transform_indices = @transform_1, window_bounds = array<i64: 128, 48>}, {transform_indices = @transform_2, window_bounds = array<i64: 2048, 48>}]} {
    %get3A = arith.constant 0 : index
    %get3A_0 = arith.constant 0 : index
    %get3A_1 = vector.load %arg1[%get3A, %get3A_0] : memref<2048x128xf32, #tpu.memory_space<vmem>>, vector<2048x128xf32>
    %get3A_2 = arith.constant 0 : index
    %get3A_3 = arith.constant 0 : index
    %get3A_4 = vector.load %arg2[%get3A_2, %get3A_3] : memref<128x48xf32, #tpu.memory_space<vmem>>, vector<128x48xf32>
    %dot_general3A = arith.constant dense<0.000000e+00> : vector<2048x48xf32>
    %dot_general3A_5 = tpu.matmul %get3A_1, %get3A_4, %dot_general3A {dimension_numbers = #tpu.dot_dimension_numbers<[1], [0], [0], [1], [0, 0, 1, 1], [], []>, transpose_lhs_hint = false} : vector<2048x128xf32>, vector<128x48xf32>, vector<2048x48xf32> -> vector<2048x48xf32>
    %swap3A = arith.constant 0 : index
    %swap3A_6 = arith.constant 0 : index
    %swap3A_7 = vector.load %arg3[%swap3A, %swap3A_6] : memref<2048x48xf32, #tpu.memory_space<vmem>>, vector<2048x48xf32>
    tpu.vector_store %arg3[%swap3A, %swap3A_6], %dot_general3A_5 {strides = array<i32>} : memref<2048x48xf32, #tpu.memory_space<vmem>>, vector<2048x48xf32>,
    return
  }
  func.func @transform_0(%arg0: i32) -> (i32, i32) {
    %c0_i32 = arith.constant 0 : i32
    %c0_i32_0 = arith.constant 0 : i32
    return %arg0, %c0_i32 : i32, i32
  }
  func.func @transform_1(%arg0: i32) -> (i32, i32) {
    %c0_i32 = arith.constant 0 : i32
    %c0_i32_0 = arith.constant 0 : i32
    %c0_i32_1 = arith.constant 0 : i32
    return %c0_i32, %c0_i32_0 : i32, i32
  }
  func.func @transform_2(%arg0: i32) -> (i32, i32) {
    %c0_i32 = arith.constant 0 : i32
    %c0_i32_0 = arith.constant 0 : i32
    return %arg0, %c0_i32 : i32, i32
  }
}

module attributes {stable_mosaic.version = 14 : i64} {
  func.func @_tc_d(%arg0: i32, %arg1: memref<2x2048x48xf32, #tpu.memory_space<vmem>>, %arg2: memref<2048x48xf32, #tpu.memory_space<vmem>>, %arg3: memref<2048x1xf32, #tpu.memory_space<vmem>>, %arg4: memref<1x48xf32, #tpu.memory_space<vmem>>, %arg5: memref<48x16xf32, #tpu.memory_space<vmem>>, %arg6: memref<2048x16xf32, #tpu.memory_space<vmem>>) attributes {dimension_semantics = [#tpu.dimension_semantics<arbitrary>], iteration_bounds = array<i64: 5>, scalar_prefetch = 0 : i64, scratch_operands = 0 : i64, tpu.core_type = #tpu.core_type<tc>, window_params = [{transform_indices = @transform_0, window_bounds = array<i64: 2, 2048, 48>}, {transform_indices = @transform_1, window_bounds = array<i64: 2048, 48>}, {transform_indices = @transform_2, window_bounds = array<i64: 2048, 1>}, {pipeline_mode = #tpu.pipeline_mode<synchronous>, transform_indices = @transform_3, window_bounds = array<i64: 1, 48>}, {pipeline_mode = #tpu.pipeline_mode<synchronous>, transform_indices = @transform_4, window_bounds = array<i64: 48, 16>}, {transform_indices = @transform_5, window_bounds = array<i64: 2048, 16>}]} {
    %get3A = arith.constant 0 : index
    %get3A_0 = arith.constant 0 : index
    %get3A_1 = arith.constant 0 : index
    %get3A_2 = vector.load %arg1[%get3A, %get3A_0, %get3A_1] : memref<2x2048x48xf32, #tpu.memory_space<vmem>>, vector<2x2048x48xf32>
    %get3A_3 = arith.constant 0 : index
    %get3A_4 = arith.constant 0 : index
    %get3A_5 = vector.load %arg3[%get3A_3, %get3A_4] : memref<2048x1xf32, #tpu.memory_space<vmem>>, vector<2048x1xf32>
    %slice3A = vector.extract_strided_slice %get3A_2 {offsets = [0, 0, 0], sizes = [1, 2048, 48], strides = [1, 1, 1]} : vector<2x2048x48xf32> to vector<1x2048x48xf32>
    %squeeze3A = vector.shape_cast %slice3A : vector<1x2048x48xf32> to vector<2048x48xf32>
    %slice3A_6 = vector.extract_strided_slice %get3A_2 {offsets = [1, 0, 0], sizes = [1, 2048, 48], strides = [1, 1, 1]} : vector<2x2048x48xf32> to vector<1x2048x48xf32>
    %squeeze3A_7 = vector.shape_cast %slice3A_6 : vector<1x2048x48xf32> to vector<2048x48xf32>
    %add3A = arith.addf %squeeze3A, %squeeze3A_7 : vector<2048x48xf32>
    %get3A_8 = arith.constant 0 : index
    %get3A_9 = arith.constant 0 : index
    %get3A_10 = vector.load %arg2[%get3A_8, %get3A_9] : memref<2048x48xf32, #tpu.memory_space<vmem>>, vector<2048x48xf32>
    %mul3A = vector.broadcast %get3A_5 : vector<2048x1xf32> to vector<2048x48xf32>
    %mul3A_11 = arith.mulf %get3A_10, %mul3A : vector<2048x48xf32>
    %add3A_12 = arith.addf %add3A, %mul3A_11 : vector<2048x48xf32>
    %mul3A_13 = vector.broadcast %get3A_5 : vector<2048x1xf32> to vector<2048x48xf32>
    %mul3A_14 = arith.mulf %add3A_12, %mul3A_13 : vector<2048x48xf32>
    %get3A_15 = arith.constant 0 : index
    %get3A_16 = arith.constant 0 : index
    %get3A_17 = vector.load %arg4[%get3A_15, %get3A_16] : memref<1x48xf32, #tpu.memory_space<vmem>>, vector<1x48xf32>
    %add3A_18 = vector.broadcast %get3A_17 : vector<1x48xf32> to vector<2048x48xf32>
    %add3A_19 = arith.addf %mul3A_14, %add3A_18 : vector<2048x48xf32>
    %max3A = arith.constant 0.000000e+00 : f32
    %max3A_20 = vector.broadcast %max3A : f32 to vector<2048x48xf32>
    %max3A_21 = arith.maximumf %add3A_19, %max3A_20 : vector<2048x48xf32>
    %get3A_22 = arith.constant 0 : index
    %get3A_23 = arith.constant 0 : index
    %get3A_24 = vector.load %arg5[%get3A_22, %get3A_23] : memref<48x16xf32, #tpu.memory_space<vmem>>, vector<48x16xf32>
    %dot_general3A = arith.constant dense<0.000000e+00> : vector<2048x16xf32>
    %dot_general3A_25 = tpu.matmul %max3A_21, %get3A_24, %dot_general3A {dimension_numbers = #tpu.dot_dimension_numbers<[1], [0], [0], [1], [0, 0, 1, 1], [], []>, transpose_lhs_hint = false} : vector<2048x48xf32>, vector<48x16xf32>, vector<2048x16xf32> -> vector<2048x16xf32>
    %mul3A_26 = vector.broadcast %get3A_5 : vector<2048x1xf32> to vector<2048x16xf32>
    %mul3A_27 = arith.mulf %dot_general3A_25, %mul3A_26 : vector<2048x16xf32>
    %swap3A = arith.constant 0 : index
    %swap3A_28 = arith.constant 0 : index
    %swap3A_29 = vector.load %arg6[%swap3A, %swap3A_28] : memref<2048x16xf32, #tpu.memory_space<vmem>>, vector<2048x16xf32>
    tpu.vector_store %arg6[%swap3A, %swap3A_28], %mul3A_27 {strides = array<i32>} : memref<2048x16xf32, #tpu.memory_space<vmem>>, vector<2048x16xf32>,
    return
  }
  func.func @transform_0(%arg0: i32) -> (i32, i32, i32) {
    %c0_i32 = arith.constant 0 : i32
    %c0_i32_0 = arith.constant 0 : i32
    %c0_i32_1 = arith.constant 0 : i32
    return %c0_i32, %arg0, %c0_i32_0 : i32, i32, i32
  }
  func.func @transform_1(%arg0: i32) -> (i32, i32) {
    %c0_i32 = arith.constant 0 : i32
    %c0_i32_0 = arith.constant 0 : i32
    return %arg0, %c0_i32 : i32, i32
  }
  func.func @transform_2(%arg0: i32) -> (i32, i32) {
    %c0_i32 = arith.constant 0 : i32
    %c0_i32_0 = arith.constant 0 : i32
    return %arg0, %c0_i32 : i32, i32
  }
  func.func @transform_3(%arg0: i32) -> (i32, i32) {
    %c0_i32 = arith.constant 0 : i32
    %c0_i32_0 = arith.constant 0 : i32
    %c0_i32_1 = arith.constant 0 : i32
    return %c0_i32, %c0_i32_0 : i32, i32
  }
  func.func @transform_4(%arg0: i32) -> (i32, i32) {
    %c0_i32 = arith.constant 0 : i32
    %c0_i32_0 = arith.constant 0 : i32
    %c0_i32_1 = arith.constant 0 : i32
    return %c0_i32, %c0_i32_0 : i32, i32
  }
  func.func @transform_5(%arg0: i32) -> (i32, i32) {
    %c0_i32 = arith.constant 0 : i32
    %c0_i32_0 = arith.constant 0 : i32
    return %arg0, %c0_i32 : i32, i32
  }
}

module attributes {stable_mosaic.version = 14 : i64} {
  func.func @_tc_f(%arg0: i32, %arg1: memref<2x2048x16xf32, #tpu.memory_space<vmem>>, %arg2: memref<2048x16xf32, #tpu.memory_space<vmem>>, %arg3: memref<2048x1xf32, #tpu.memory_space<vmem>>, %arg4: memref<1x16xf32, #tpu.memory_space<vmem>>, %arg5: memref<2048x2xf32, #tpu.memory_space<vmem>>) attributes {dimension_semantics = [#tpu.dimension_semantics<arbitrary>], iteration_bounds = array<i64: 5>, scalar_prefetch = 0 : i64, scratch_operands = 0 : i64, tpu.core_type = #tpu.core_type<tc>, window_params = [{transform_indices = @transform_0, window_bounds = array<i64: 2, 2048, 16>}, {transform_indices = @transform_1, window_bounds = array<i64: 2048, 16>}, {transform_indices = @transform_2, window_bounds = array<i64: 2048, 1>}, {pipeline_mode = #tpu.pipeline_mode<synchronous>, transform_indices = @transform_3, window_bounds = array<i64: 1, 16>}, {transform_indices = @transform_4, window_bounds = array<i64: 2048, 2>}]} {
    %get3A = arith.constant 0 : index
    %get3A_0 = arith.constant 0 : index
    %get3A_1 = arith.constant 0 : index
    %get3A_2 = vector.load %arg1[%get3A, %get3A_0, %get3A_1] : memref<2x2048x16xf32, #tpu.memory_space<vmem>>, vector<2x2048x16xf32>
    %slice3A = vector.extract_strided_slice %get3A_2 {offsets = [0, 0, 0], sizes = [1, 2048, 16], strides = [1, 1, 1]} : vector<2x2048x16xf32> to vector<1x2048x16xf32>
    %squeeze3A = vector.shape_cast %slice3A : vector<1x2048x16xf32> to vector<2048x16xf32>
    %slice3A_3 = vector.extract_strided_slice %get3A_2 {offsets = [1, 0, 0], sizes = [1, 2048, 16], strides = [1, 1, 1]} : vector<2x2048x16xf32> to vector<1x2048x16xf32>
    %squeeze3A_4 = vector.shape_cast %slice3A_3 : vector<1x2048x16xf32> to vector<2048x16xf32>
    %add3A = arith.addf %squeeze3A, %squeeze3A_4 : vector<2048x16xf32>
    %get3A_5 = arith.constant 0 : index
    %get3A_6 = arith.constant 0 : index
    %get3A_7 = vector.load %arg2[%get3A_5, %get3A_6] : memref<2048x16xf32, #tpu.memory_space<vmem>>, vector<2048x16xf32>
    %add3A_8 = arith.addf %add3A, %get3A_7 : vector<2048x16xf32>
    %get3A_9 = arith.constant 0 : index
    %get3A_10 = arith.constant 0 : index
    %get3A_11 = vector.load %arg3[%get3A_9, %get3A_10] : memref<2048x1xf32, #tpu.memory_space<vmem>>, vector<2048x1xf32>
    %mul3A = vector.broadcast %get3A_11 : vector<2048x1xf32> to vector<2048x16xf32>
    %mul3A_12 = arith.mulf %add3A_8, %mul3A : vector<2048x16xf32>
    %get3A_13 = arith.constant 0 : index
    %get3A_14 = arith.constant 0 : index
    %get3A_15 = vector.load %arg4[%get3A_13, %get3A_14] : memref<1x16xf32, #tpu.memory_space<vmem>>, vector<1x16xf32>
    %add3A_16 = vector.broadcast %get3A_15 : vector<1x16xf32> to vector<2048x16xf32>
    %add3A_17 = arith.addf %mul3A_12, %add3A_16 : vector<2048x16xf32>
    %slice3A_18 = vector.extract_strided_slice %add3A_17 {offsets = [0, 0], sizes = [2048, 1], strides = [1, 1]} : vector<2048x16xf32> to vector<2048x1xf32>
    %slice3A_19 = vector.extract_strided_slice %add3A_17 {offsets = [0, 1], sizes = [2048, 1], strides = [1, 1]} : vector<2048x16xf32> to vector<2048x1xf32>
    %max3A = arith.maximumf %slice3A_18, %slice3A_19 : vector<2048x1xf32>
    %sub3A = arith.subf %slice3A_18, %max3A : vector<2048x1xf32>
    %exp3A = math.exp %sub3A : vector<2048x1xf32>
    %sub3A_20 = arith.subf %slice3A_19, %max3A : vector<2048x1xf32>
    %exp3A_21 = math.exp %sub3A_20 : vector<2048x1xf32>
    %add3A_22 = arith.addf %exp3A, %exp3A_21 : vector<2048x1xf32>
    %log3A = math.log %add3A_22 : vector<2048x1xf32>
    %add3A_23 = arith.addf %max3A, %log3A : vector<2048x1xf32>
    %slice3A_24 = vector.extract_strided_slice %add3A_17 {offsets = [0, 0], sizes = [2048, 2], strides = [1, 1]} : vector<2048x16xf32> to vector<2048x2xf32>
    %sub3A_25 = vector.broadcast %add3A_23 : vector<2048x1xf32> to vector<2048x2xf32>
    %sub3A_26 = arith.subf %slice3A_24, %sub3A_25 : vector<2048x2xf32>
    %swap3A = arith.constant 0 : index
    %swap3A_27 = arith.constant 0 : index
    %swap3A_28 = vector.load %arg5[%swap3A, %swap3A_27] : memref<2048x2xf32, #tpu.memory_space<vmem>>, vector<2048x2xf32>
    tpu.vector_store %arg5[%swap3A, %swap3A_27], %sub3A_26 {strides = array<i32>} : memref<2048x2xf32, #tpu.memory_space<vmem>>, vector<2048x2xf32>,
    return
  }
  func.func @transform_0(%arg0: i32) -> (i32, i32, i32) {
    %c0_i32 = arith.constant 0 : i32
    %c0_i32_0 = arith.constant 0 : i32
    %c0_i32_1 = arith.constant 0 : i32
    return %c0_i32, %arg0, %c0_i32_0 : i32, i32, i32
  }
  func.func @transform_1(%arg0: i32) -> (i32, i32) {
    %c0_i32 = arith.constant 0 : i32
    %c0_i32_0 = arith.constant 0 : i32
    return %arg0, %c0_i32 : i32, i32
  }
  func.func @transform_2(%arg0: i32) -> (i32, i32) {
    %c0_i32 = arith.constant 0 : i32
    %c0_i32_0 = arith.constant 0 : i32
    return %arg0, %c0_i32 : i32, i32
  }
  func.func @transform_3(%arg0: i32) -> (i32, i32) {
    %c0_i32 = arith.constant 0 : i32
    %c0_i32_0 = arith.constant 0 : i32
    %c0_i32_1 = arith.constant 0 : i32
    return %c0_i32, %c0_i32_0 : i32, i32
  }
  func.func @transform_4(%arg0: i32) -> (i32, i32) {
    %c0_i32 = arith.constant 0 : i32
    %c0_i32_0 = arith.constant 0 : i32
    return %arg0, %c0_i32 : i32, i32
  }
}

</mosaic_0001>

<sc_bundles>
// kernel: kernel.11.cloned.1.call-start
scs
__scs_entry_jumppad:
0x0: {  	(pc) =	sbr.rel $0x88, $3  }
0x1: {  	(tag) =	ssettag $0x0;
	lr =	simm.s32 $0x1  }
0x2: {  	[smem:$0x3F9B] =	sst lr;
	_ =	strace $0xD0000000  }
0x3: {  	_ = 	snop  }
0x4: {  	_ = 	snop  }
0x5: {  	_ = 	snop  }
0x6: {  	_ = 	snop  }
0x7: {  	_ = 	snop  }
__scs_overlays_trampoline_lowered:
0x8: {  	[smem:$0x3FAA] =	sst s0  }
0x9: {  	[smem:$0x3FAB] =	sst s1  }
0xa: {  	[smem:$0x3FAC] =	sst s2  }
0xb: {  	[smem:$0x3FAD] =	sst s3  }
0xc: {  	[smem:$0x3FAE] =	sst s4  }
0xd: {  	[smem:$0x3FAF] =	sst s5  }
0xe: {  	[smem:$0x3FB0] =	sst s6  }
0xf: {  	[smem:$0x3FB1] =	sst s7  }
0x10: {  	[smem:$0x3FB2] =	sst s8  }
0x11: {  	[smem:$0x3FB3] =	sst s9;
	s0 =	simm.s32 @!p0 $0x0  }
0x12: {  	s1 =	sld [smem:$0x3F99];
	s0 =	simm.s32 @p0 $0x1  }
0x13: {  	[smem:$0x3FB4] =	sst s0;
	s0 =	simm.s32 @!p1 $0x0  }
0x14: {  	s2 =	sld [smem:$0x3F98];
	s0 =	simm.s32 @p1 $0x1  }
0x15: {  	[smem:$0x3FB5] =	sst s0;
	s0 =	simm.s32 @!p2 $0x0  }
0x16: {  	s3 =	sld [smem:$0x3FDB];
	s0 =	simm.s32 @p2 $0x1  }
0x17: {  	s4 =	simm.s32 $0x1BF5;
	[smem:$0x3FB7] =	sst s0  }
0x18: {  	s0 =	sld [smem:$0x3F9A];
	_ =	swait.ge [sflag:s4], $0x0  }
0x19: {  	s7 =	sld [smem:$0x3F9B]  }
0x1a: {  	s8 =	sadd.s32 $0xFFFFE003, lr  }
0x1b: {  	s9 =	sadd.s32 $0xFFFFFEF7, lr;
	s5 =	simm.s32 $0xFFFFFFFF;
	p2 =	slt.u32 s8, $0xFFFFF086  }
0x1c: {  	p1 =	slt.u32 s9, $0xF7A;
	s5 =	simm.s32 @!p2 $0x0  }
0x1d: {  	s5 =	simm.s32 @p1 $0x1;
	p0 =	seq.s32 s7, s2  }
0x1e: {  	s7 =	smul.u32 @!p0 $0xF7A, s2;
	p2 =	seq.s32 @!p0 s5, $0x0  }
0x1f: {  	s9 =	smul.u32 $0xF7A, s1;
	s8 =	simm.s32 @!p0 $0x1BF5;
	p2 =	por !p2, p0  }
0x20: {  	[sflag:s8] =	ssyncset.s32 @!p0 $0xFFFFF086;
	s6 =	sadd.s32 @!p0 s3, s7;
	s7 =	simm.s32 @!p0 $0x108  }
0x21: {  	s3 =	sadd.s32 s3, s9;
	s6 =	sadd.s32 @!p0 $0x88, s6;
	s7 =	simm.s32 @p2 $0x1082  }
0x22: {  	[simem:s7], [sflag:s8] =	dma.local @!p0 [hbm:s6], $0xF7A  }
0x23: {  	s9 =	sor.u32 $0xD0000000, s2;
	s6 =	simm.s32 $0x108;
	_ =	swait.ge @!p0 [sflag:s8], $0x0  }
0x24: {  	s3 =	sadd.s32 $0x88, s3;
	s6 =	simm.s32 @!p1 $0x1082;
	[sflag:s4] =	ssyncset.s32 $0xFFFFF086  }
0x25: {  	[simem:s6], [sflag:s4] =	dma.local [hbm:s3], $0xF7A  }
0x26: {  	[smem:$0x3F9B] =	sst s1;
	(tag) =	ssettag s2;
	_ =	strace s9  }
0x27: {  	s1 =	sld [smem:$0x3FAB]  }
0x28: {  	s2 =	sld [smem:$0x3FAC]  }
0x29: {  	s4 =	sld [smem:$0x3FAE]  }
0x2a: {  	p0 =	seq.s32 s5, $0x0;
	s5 =	sld [smem:$0x3FAF]  }
0x2b: {  	s6 =	sld [smem:$0x3FB0]  }
0x2c: {  	s7 =	sld [smem:$0x3FB1]  }
0x2d: {  	s3 =	simm.s32 $0x108;
	s8 =	sld [smem:$0x3FB2]  }
0x2e: {  	s3 =	simm.s32 @!p0 $0x1082;
	s9 =	sld [smem:$0x3FB3]  }
0x2f: {  	lr =	sadd.s32 s0, s3;
	s0 =	sld [smem:$0x3FAA]  }
0x30: {  	s3 =	sld [smem:$0x3FAD]  }
0x31: {  	[smem:$0x3FB6] =	sst s10  }
0x32: {  	s10 =	sld [smem:$0x3FB4];
	_ =	sdelay $0x3  }
0x33: {  	p0 =	seq.s32 s10, $0x1;
	s10 =	sld [smem:$0x3FB6];
	_ =	sdelay $0x3  }
0x34: {  	[smem:$0x3FB6] =	sst s10  }
0x35: {  	s10 =	sld [smem:$0x3FB5];
	_ =	sdelay $0x3  }
0x36: {  	p1 =	seq.s32 s10, $0x1;
	s10 =	sld [smem:$0x3FB6];
	_ =	sdelay $0x3  }
0x37: {  	[smem:$0x3FB6] =	sst s10  }
0x38: {  	s10 =	sld [smem:$0x3FB7]  }
0x39: {  	_ = 	snop;
	(pc) =	sbr.ind lr, $3  }
0x3a: {  	_ = 	snop  }
0x3b: {  	_ = 	snop  }
0x3c: {  	p2 =	seq.s32 s10, $0x1;
	s10 =	sld [smem:$0x3FB6]  }
0x3d: {  	_ =	shalt  }
0x3e: {  	_ =	shalt  }
0x3f: {  	_ =	shalt  }
0x40: {  	_ =	shalt  }
0x41: {  	_ =	shalt  }
0x42: {  	_ =	shalt  }
0x43: {  	_ =	shalt  }
0x44: {  	_ =	shalt  }
0x45: {  	_ =	shalt  }
0x46: {  	_ =	shalt  }
0x47: {  	_ =	shalt  }
0x48: {  	_ =	shalt  }
0x49: {  	_ =	shalt  }
0x4a: {  	_ =	shalt  }
0x4b: {  	_ =	shalt  }
0x4c: {  	_ =	shalt  }
0x4d: {  	_ =	shalt  }
0x4e: {  	_ =	shalt  }
0x4f: {  	_ =	shalt  }
0x50: {  	_ =	shalt  }
0x51: {  	_ =	shalt  }
0x52: {  	_ =	shalt  }
0x53: {  	_ =	shalt  }
0x54: {  	_ =	shalt  }
0x55: {  	_ =	shalt  }
0x56: {  	_ =	shalt  }
0x57: {  	_ =	shalt  }
0x58: {  	_ =	shalt  }
0x59: {  	_ =	shalt  }
0x5a: {  	_ =	shalt  }
0x5b: {  	_ =	shalt  }
0x5c: {  	_ =	shalt  }
0x5d: {  	_ =	shalt  }
0x5e: {  	_ =	shalt  }
0x5f: {  	_ =	shalt  }
0x60: {  	_ =	shalt  }
0x61: {  	_ =	shalt  }
0x62: {  	_ =	shalt  }
0x63: {  	_ =	shalt  }
0x64: {  	_ =	shalt  }
0x65: {  	_ =	shalt  }
0x66: {  	_ =	shalt  }
0x67: {  	_ =	shalt  }
0x68: {  	_ =	shalt  }
0x69: {  	_ =	shalt  }
0x6a: {  	_ =	shalt  }
0x6b: {  	_ =	shalt  }
0x6c: {  	_ =	shalt  }
0x6d: {  	_ =	shalt  }
0x6e: {  	_ =	shalt  }
0x6f: {  	_ =	shalt  }
0x70: {  	_ =	shalt  }
0x71: {  	_ =	shalt  }
0x72: {  	_ =	shalt  }
0x73: {  	_ =	shalt  }
0x74: {  	_ =	shalt  }
0x75: {  	_ =	shalt  }
0x76: {  	_ =	shalt  }
0x77: {  	_ =	shalt  }
0x78: {  	_ =	shalt  }
0x79: {  	_ =	shalt  }
0x7a: {  	_ =	shalt  }
0x7b: {  	_ =	shalt  }
0x7c: {  	_ =	shalt  }
0x7d: {  	_ =	shalt  }
0x7e: {  	_ =	shalt  }
0x7f: {  	_ =	shalt  }
0x80: {  	_ =	shalt  }
0x81: {  	_ =	shalt  }
0x82: {  	_ =	shalt  }
0x83: {  	_ =	shalt  }
0x84: {  	_ =	shalt  }
0x85: {  	_ =	shalt  }
0x86: {  	_ =	shalt  }
0x87: {  	_ =	shalt  }
.Lfunc_end0:
.L_simem_size_0:
called_computation.1_lowered:
.L_overlay_start_0:
0x88: {  	s2 =	sld [smem:$0x3FD9]  }
0x89: {  	s3 =	sld [smem:$0x3FFE];
	_ =	sdelay $0x1  }
0x8a: {  	s1 =	srdreg.scid  }
0x8b: {  	s0 =	sand.u32 $0x1, s1  }
0x8c: {  	s16 =	sshll.u32 s0, $0xA;
	s2 =	sadd.s32 s3, s2  }
0x8d: {  	s2 =	sadd.s32 s2, s16  }
0x8e: {  	[smem:$0x3FC2] =	sst s2  }
0x8f: {  	_ = 	snop  }
0x90: {  	(tm) =	ssettm $0x1  }
0x91: {  	s17 =	sld [smem:$0x3FFB];
	_ =	sdelay $0x3  }
0x92: {  	_ =	strace s17  }
0x93: {  	s2 =	sld [smem:$0x3FFC];
	_ =	sdelay $0x3  }
0x94: {  	_ =	strace s2  }
0x95: {  	s2 =	sld [smem:$0x3FFD];
	_ =	sdelay $0x3  }
0x96: {  	_ =	strace s2  }
0x97: {  	_ =	strace $0x8FFFFFFF  }
0x98: {  	s18 =	sld [smem:$0x3FDB];
	_ =	sdelay $0x1  }
0x99: {  	s19 =	simm.s32 $_scs_section_size  }
0x9a: {  	s4 =	simm.s32 $_size__tile_overlayer_lowered;
	s5 =	simm.s32 $_tile_overlayer_lowered  }
0x9b: {  	s22 =	simm.s32 $0x1BFF;
	s21 =	sshll.u32 s5, $0x1;
	s2 =	sadd.s32 s19, s18  }
0x9c: {  	s6 =	simm.s32 $0x0;
	s20 =	sshll.u32 s4, $0x1;
	s4 =	sadd.s32 s21, s2  }
0x9d: {  	[timem:s6], [sflag:s22] =	dma.local [hbm:s4], s20  }
0x9e: {  	_ =	swait.ge [sflag:s22], s20  }
0x9f: {  	s3 =	ssub.s32 $0x0, s20;
	[sflag:s22] =	ssyncset.done $0x0  }
0xa0: {  	[sflag:s22] =	ssyncadd.s32 s3;
	_ =	sdelay $0x1  }
0xa1: {  	s23 =	simm.s32 $0x1B8B  }
0xa2: {  	_ =	swait.ge [sflag:s23], $0x1  }
0xa3: {  	[sflag:s23] =	ssyncset.done $0x0  }
0xa4: {  	s25 =	simm.s32 $0x1B8E;
	s24 =	sld [smem:$0x3FFE];
	[sflag:s23] =	ssyncadd.s32 $0xFFFFFFFF  }
0xa5: {  	s26 =	simm.s32 $execute0_lowered;
	[smem:$0x3FD2] =	sst s25  }
0xa6: {  	s4 =	sshll.u32 s26, $0x1;
	_ =	strace $0x80000049;
	[dreg:$0x1] =	wrdreg $0xFFFFFFFF  }
0xa7: {  	s28 =	simm.s32 $_size_execute0_lowered;
	s2 =	sadd.s32 s2, s4;
	[dreg:$0x0] =	wrdreg $0x0  }
0xa8: {  	s4 =	sshll.u32 s28, $0x1;
	[dreg:$0x2] =	wrdreg s2  }
0xa9: {  	[dreg:$0x3] =	wrdreg s4  }
0xaa: {  	[dreg:$0x4] =	wrdreg $0xC0  }
0xab: {  	_ =	task [dreg:s6], $0x5FFFF  }
0xac: {  	[dreg:$0x1] =	wrdreg $0xFFFFFFFF  }
0xad: {  	[dreg:$0x0] =	wrdreg $0x60  }
0xae: {  	[dreg:$0x2] =	wrdreg s24  }
0xaf: {  	[dreg:$0x3] =	wrdreg $0x177800  }
0xb0: {  	[dreg:$0x4] =	wrdreg $0xFF800  }
0xb1: {  	[dreg:$0x5] =	wrdreg $0x9  }
0xb2: {  	_ =	task.clear_ibuf [dreg:s6], $0x6FFFF;
	_ =	strace $0x90000049  }
0xb3: {  	s29 =	simm.s32 $0x9;
	_ =	strace $0x8000004B  }
0xb4: {  	_ =	swait.ge [sflag:s29], $0x1  }
0xb5: {  	[sflag:s29] =	ssyncadd.s32 $0xFFFFFFFF  }
0xb6: {  	_ =	strace $0x9000004B  }
0xb7: {  	_ =	sfence  }
0xb8: {  	s30 =	sld [smem:$0x0];
	_ =	sdelay $0x2  }
0xb9: {  	s31 =	sshll.u32 s1, $0xD;
	s1 =	sshrl.u32 s1, $0x2  }
0xba: {  	s3 =	sand.u32 $0x4000, s31;
	s1 =	sadd.s32 s1, s30  }
0xbb: {  	s0 =	sor.u32 s3, s0;
	s1 =	sshll.u32 s1, $0x11  }
0xbc: {  	s0 =	sor.u32 s1, s0  }
0xbd: {  	s0 =	sadd.s32 $0x8F2B, s0  }
0xbe: {  	[sflag:s0] =	ssyncadd.remote.s32 $0x1  }
0xbf: {  	_ =	sfence.sel $0xFFFF  }
0xc0: {  	[dreg:$0x0] =	wrdreg $0xFFFFFFFF;
	(pc) =	sbr.abs _section_cstart, $3  }
0xc1: {  	[dreg:$0x1] =	wrdreg $0xFFFFFFFF  }
0xc2: {  	_ =	task.clear_ibuf [dreg:s6], $0x2FFFF;
	_ =	strace $0x9FFFFFFF  }
0xc3: {  	(tm) =	ssettm $0x7FFFFFFF  }
tec
execute0_lowered:
.L_overlay_start_1:
0x0: {  	(tag) =	ssettag $0x1  }
0x1: {  	s0 =	srdreg.scid;
	s1 =	rddreg [dreg:$0x0]  }
0x2: {  	s5 =	stileid.u32;
	s2 =	rddreg [dreg:$0x1];
	s14 =	simm.s32 $0x0  }
0x3: {  	s28 =	simm.s32 $0x5000;
	s29 =	simm.s32 $0x6800;
	s11 =	smul.u32 $0x280, s5  }
0x4: {  	s31 =	simm.s32 $0x8000;
	s30 =	simm.s32 $0x1;
	s7 =	smul.u32 $0x7800, s5  }
0x5: {  	s12 =	simm.s32 $0x9;
	s0 =	sand.u32 $0x1, s0;
	s15 =	smul.u32 $0x1E000, s5  }
0x6: {  	s13 =	simm.s32 $0xA;
	[smem:$0x7FF] =	sst s14;
	s8 =	smul.u32 $0x78000, s0  }
0x7: {  	s6 =	sadd.s32 $0x16400, s1;
	s3 =	sshll.u32 s0, $0x4;
	s10 =	smul.u32 $0x2800, s0  }
0x8: {  	s0 =	ssub.s32 $0x2, s0;
	s4 =	sor.u32 s5, s3;
	s3 =	rddreg [dreg:$0x2]  }
0x9: {  	_ =	strace $0x8000004A;
	[dreg:$0x5] =	wrdreg s6;
	s9 =	sshrl.u32 s11, $0x3  }
0xa: {  	s6 =	smov.u32 s11;
	s16 =	sshrl.u32 s0, $0x1;
	s4 =	smul.u32 $0x500, s4  }
0xb: {  	s9 =	sadd.s32 s9, s1;
	s8 =	sadd.s32 s7, s8;
	s10 =	sadd.s32 s11, s10  }
0xc: {  	s11 =	sshrl.u32 s15, $0x2;
	s0 =	ssub.s32 s0, s16;
	s15 =	sadd.s32 s7, s2  }
0xd: {  	s8 =	sshrl.u32 s8, $0x3;
	s10 =	sshrl.u32 s10, $0x3;
	s17 =	sadd.s32 s11, s2  }
0xe: {  	s22 =	sadd.s32 $0xBA00, s9;
	s23 =	sadd.s32 $0xBF00, s9;
	[dreg:$0x6] =	wrdreg s15  }
0xf: {  	s0 =	smax.u32 s0, $0x1;
	s9 =	simm.s32 $0x6;
	[dreg:$0xb] =	wrdreg s22  }
0x10: {  	s11 =	simm.s32 $0x8;
	s4 =	sadd.s32 s4, s1;
	[dreg:$0xc] =	wrdreg s23  }
0x11: {  	s8 =	sadd.s32 s8, s1;
	s18 =	sadd.s32 $0x1800, s17;
	[dreg:$0x11] =	wrdreg s0  }
0x12: {  	s1 =	sadd.s32 s10, s1;
	s19 =	sadd.s32 $0x3000, s17;
	[dreg:$0x7] =	wrdreg s18  }
0x13: {  	s20 =	sadd.s32 $0x4800, s17;
	s21 =	sadd.s32 $0x6000, s17;
	[dreg:$0x8] =	wrdreg s19  }
0x14: {  	s23 =	simm.s32 $0xE500;
	s22 =	simm.s32 $0x3;
	[dreg:$0x9] =	wrdreg s20  }
0x15: {  	s0 =	simm.s32 $0x4;
	[dreg:$0xa] =	wrdreg s21;
	s1 =	sadd.s32 $0x25400, s1  }
0x16: {  	s10 =	simm.s32 $0x7;
	s24 =	sadd.s32 $0xC400, s4;
	[dreg:$0xd] =	wrdreg s1  }
0x17: {  	s25 =	sadd.s32 $0x1A00, s4;
	s26 =	sadd.s32 $0x25E00, s8;
	[dreg:$0xe] =	wrdreg s24  }
0x18: {  	s20 =	simm.s32 $0xB;
	s21 =	simm.s32 $0x9800;
	[dreg:$0xf] =	wrdreg s25  }
0x19: {  	s8 =	simm.s32 $0x5;
	[dreg:$0x10] =	wrdreg s26;
	s24 =	simm.s32 $0xE780  }
0x1a: {  	v0 =	vimm.f32 $0.0e+00;
	s26 =	simm.s32 $0x80;
	s25 =	simm.s32 $0xB000;
	s1 =	simm.s32 $0x2  }
.LBB2_1:
0x1b: {  	[dreg:$0x4] =	wrdreg s14;
	s4 =	simm.s32 $0xC0;
	s7 =	simm.s32 $0x0  }
.LBB2_2:
0x1c: {  	p0 =	sne.s32 s4, $0x5F40;
	[tilespmem:s7+$0xC820] =	vst v0;
	s14 =	smov.u32 s4;
	s4 =	sadd.s32 $0xC0, s4  }
.Ltmp0:
0x1d: {  	[tilespmem:s7+$0xC800] =	vst v0;
	(pc) =	sbr.rel @p0 .LBB2_2-.Ltmp0, $2  }
0x1e: {  	[tilespmem:s7+$0xC810] =	vst v0;
	_ =	sdelay $0x2  }
0x1f: {  	s7 =	sshra.s32 s14, $0x2  }
0x20: {  	[tilespmem:s7+$0xC820] =	vst v0  }
0x21: {  	[tilespmem:s7+$0xC800] =	vst v0  }
0x22: {  	[tilespmem:s7+$0xC810] =	vst v0;
	s5 =	simm.s32 $0xC800  }
0x23: {  	[spmem:s15] =	stream.linear.scatter [tilespmem:s5], [sflag:$0xB], $0x1800, $0x38;
	[tilespmem:$0x1EF80] =	vst v63  }
0x24: {  	_ =	swait.ge [sflag:s20], $0x1800  }
0x25: {  	[sflag:s20] =	ssyncset.done $0x0  }
0x26: {  	s4 =	rddreg [dreg:$0x7];
	[sflag:s20] =	ssyncadd.s32 $0xFFFFE800  }
0x27: {  	[spmem:s4] =	stream.linear.scatter [tilespmem:s5], [sflag:$0xB], $0x1800, $0x38;
	[tilespmem:$0x1EF80] =	vst v63  }
0x28: {  	_ =	swait.ge [sflag:s20], $0x1800  }
0x29: {  	[sflag:s20] =	ssyncset.done $0x0  }
0x2a: {  	s19 =	rddreg [dreg:$0x8];
	[sflag:s20] =	ssyncadd.s32 $0xFFFFE800  }
0x2b: {  	[spmem:s19] =	stream.linear.scatter [tilespmem:s5], [sflag:$0xB], $0x1800, $0x38;
	[tilespmem:$0x1EF80] =	vst v63  }
0x2c: {  	_ =	swait.ge [sflag:s20], $0x1800  }
0x2d: {  	[sflag:s20] =	ssyncset.done $0x0  }
0x2e: {  	s7 =	rddreg [dreg:$0x9];
	[sflag:s20] =	ssyncadd.s32 $0xFFFFE800  }
0x2f: {  	[spmem:s7] =	stream.linear.scatter [tilespmem:s5], [sflag:$0xB], $0x1800, $0x38;
	[tilespmem:$0x1EF80] =	vst v63  }
0x30: {  	_ =	swait.ge [sflag:s20], $0x1800  }
0x31: {  	[sflag:s20] =	ssyncset.done $0x0  }
0x32: {  	s14 =	rddreg [dreg:$0xa];
	[sflag:s20] =	ssyncadd.s32 $0xFFFFE800  }
0x33: {  	[spmem:s14] =	stream.linear.scatter [tilespmem:s5], [sflag:$0xB], $0x1800, $0x38;
	[tilespmem:$0x1EF80] =	vst v63  }
0x34: {  	_ =	swait.ge [sflag:s20], $0x1800  }
0x35: {  	s17 =	simm.s32 $0xE000;
	[sflag:s20] =	ssyncset.done $0x0  }
0x36: {  	s15 =	simm.s32 $0x0;
	s16 =	rddreg [dreg:$0xb];
	[sflag:s20] =	ssyncadd.s32 $0xFFFFE800  }
0x37: {  	[tilespmem:s17], [sflag:$0xB] =	stream.linear.gather [hbm4b:s16+s15], $0x280, $0x38;
	[tilespmem:$0x1EF80] =	vst v63  }
0x38: {  	_ =	swait.ge [sflag:s20], $0x280  }
0x39: {  	[sflag:s20] =	ssyncset.done $0x0  }
0x3a: {  	s19 =	simm.s32 $0xE280;
	s18 =	rddreg [dreg:$0xc];
	[sflag:s20] =	ssyncadd.s32 $0xFFFFFD80  }
0x3b: {  	[tilespmem:s19], [sflag:$0xB] =	stream.linear.gather [hbm4b:s18+s15], $0x280, $0x38;
	[tilespmem:$0x1EF80] =	vst v63  }
0x3c: {  	_ =	swait.ge [sflag:s20], $0x280  }
0x3d: {  	[sflag:s20] =	ssyncset.done $0x0  }
0x3e: {  	s15 =	simm.s32 $0x0;
	[sflag:s20] =	ssyncadd.s32 $0xFFFFFD80  }
0x3f: {  	v1 =	vld [tilespmem:s15+$0xE280]  }
0x40: {  	v2 =	vld [tilespmem:s15+$0xE000];
	_ =	sdelay $0x2  }
0x41: {  	s14 =	simm.s32 $0x10  }
0x42: {  	v3 =	vld [tilespmem:s14+$0xE280]  }
0x43: {  	v1 =	vadd.f32 v1, v2;
	v2 =	vld [tilespmem:s14+$0xE000];
	_ =	sdelay $0x1  }
0x44: {  	v1 =	vadd.f32 $1.000000000e+00, v1;
	_ =	sdelay $0x1  }
0x45: {  	s16 =	simm.s32 $0x20;
	v4 =	vshra.s32 v1, $0x1;
	v5 =	vmul.f32 $5.000000000e-01, v1  }
0x46: {  	v6 =	vld [tilespmem:s16+$0xE000];
	v1 =	vsub.s32 $0x5F3759DF, v4;
	v2 =	vadd.f32 v3, v2  }
0x47: {  	v4 =	vld [tilespmem:s16+$0xE280];
	v3 =	vmul.f32 v1, v5  }
0x48: {  	v2 =	vadd.f32 $1.000000000e+00, v2  }
0x49: {  	v3 =	vmul.f32 v1, v3  }
0x4a: {  	s17 =	simm.s32 $0x30;
	v7 =	vshra.s32 v2, $0x1;
	v9 =	vmul.f32 $5.000000000e-01, v2  }
0x4b: {  	v8 =	vld [tilespmem:s17+$0xE000];
	v2 =	vsub.f32 $1.500000000e+00, v3;
	v3 =	vsub.s32 $0x5F3759DF, v7  }
0x4c: {  	v7 =	vld [tilespmem:s17+$0xE280];
	v4 =	vadd.f32 v4, v6;
	v6 =	vmul.f32 v3, v9  }
0x4d: {  	s18 =	simm.s32 $0x40;
	v2 =	vmul.f32 v1, v2  }
0x4e: {  	v11 =	vld [tilespmem:s18+$0xE280];
	v1 =	vadd.f32 $1.000000000e+00, v4;
	v4 =	vmul.f32 v3, v6  }
0x4f: {  	v12 =	vld [tilespmem:s18+$0xE000];
	v6 =	vmul.f32 v2, v5  }
0x50: {  	v10 =	vshra.s32 v1, $0x1;
	v1 =	vmul.f32 $5.000000000e-01, v1;
	v4 =	vsub.f32 $1.500000000e+00, v4  }
0x51: {  	v10 =	vsub.s32 $0x5F3759DF, v10;
	v7 =	vadd.f32 v7, v8;
	v6 =	vmul.f32 v6, v2  }
0x52: {  	v8 =	vmul.f32 v10, v1;
	v3 =	vmul.f32 v3, v4  }
0x53: {  	v4 =	vsub.f32 $1.500000000e+00, v6;
	v6 =	vadd.f32 $1.000000000e+00, v7  }
0x54: {  	v11 =	vadd.f32 v11, v12;
	v7 =	vmul.f32 v10, v8;
	v8 =	vmul.f32 v3, v9  }
0x55: {  	v4 =	vmul.f32 v4, v2;
	v13 =	vshra.s32 v6, $0x1;
	v2 =	vmul.f32 $5.000000000e-01, v6  }
0x56: {  	s7 =	simm.s32 $0x50;
	v7 =	vsub.f32 $1.500000000e+00, v7;
	v6 =	vsub.s32 $0x5F3759DF, v13;
	v8 =	vmul.f32 v8, v3  }
0x57: {  	v14 =	vld [tilespmem:s7+$0xE000];
	v13 =	vmul.f32 v4, v5;
	v12 =	vmul.f32 v6, v2  }
0x58: {  	v11 =	vadd.f32 $1.000000000e+00, v11;
	v5 =	vmul.f32 v10, v7;
	v10 =	vld [tilespmem:s7+$0xE280];
	v7 =	vsub.f32 $1.500000000e+00, v8  }
0x59: {  	v8 =	vmul.f32 v13, v4;
	v12 =	vmul.f32 v6, v12  }
0x5a: {  	v16 =	vshra.s32 v11, $0x1;
	v15 =	vmul.f32 v5, v1;
	v3 =	vmul.f32 v7, v3  }
0x5b: {  	v7 =	vmul.f32 $5.000000000e-01, v11;
	v8 =	vsub.f32 $1.500000000e+00, v8;
	v13 =	vsub.f32 $1.500000000e+00, v12  }
0x5c: {  	s4 =	simm.s32 $0x1C0;
	s19 =	simm.s32 $0x60;
	v12 =	vsub.s32 $0x5F3759DF, v16;
	v11 =	vmul.f32 v15, v5;
	v9 =	vmul.f32 v3, v9  }
.LBB2_4:
0x5d: {  	s5 =	sshra.s32 s4, $0x2;
	p0 =	sne.s32 s4, $0x9C0;
	s4 =	sadd.s32 $0x40, s4;
	v15 =	vadd.f32 v10, v14;
	v10 =	vld [tilespmem:s19+$0xE280];
	v16 =	vmul.f32 v12, v7;
	v13 =	vmul.f32 v6, v13;
	v17 =	vmovc v7  }
.Ltmp1:
0x5e: {  	v6 =	vmovc v12;
	v14 =	vld [tilespmem:s19+$0xE000];
	v7 =	vsub.f32 $1.500000000e+00, v11;
	v9 =	vmul.f32 v9, v3;
	v11 =	vmul.f32 v8, v4;
	v4 =	vmovc v3;
	(pc) =	sbr.rel @p0 .LBB2_4-.Ltmp1, $4  }
0x5f: {  	v12 =	vadd.f32 $1.000000000e+00, v15;
	v15 =	vmul.f32 v6, v16;
	v16 =	vmul.f32 v13, v2  }
0x60: {  	v3 =	vmul.f32 v7, v5;
	v8 =	vsub.f32 $1.500000000e+00, v9;
	[tilespmem:s15+$0xE500] =	vst v11;
	v5 =	vmov v13;
	s15 =	smov.u32 s14;
	s14 =	smov.u32 s16;
	s16 =	smov.u32 s17  }
0x61: {  	s17 =	smov.u32 s18;
	s18 =	smov.u32 s7;
	s7 =	smov.u32 s19;
	v9 =	vshra.s32 v12, $0x1;
	v7 =	vmul.f32 $5.000000000e-01, v12;
	v13 =	vsub.f32 $1.500000000e+00, v15  }
0x62: {  	s19 =	smov.u32 s5;
	v11 =	vmul.f32 v16, v5;
	v12 =	vsub.s32 $0x5F3759DF, v9;
	v9 =	vmul.f32 v3, v1;
	v1 =	vmovc v2;
	v2 =	vmovc v17  }
0x63: {  	v15 =	vld [tilespmem:s19+$0xE280]  }
0x64: {  	v16 =	vld [tilespmem:s19+$0xE000];
	_ =	sdelay $0x3  }
0x65: {  	v10 =	vadd.f32 v10, v14  }
0x66: {  	v47 =	vadd.f32 v15, v16  }
0x67: {  	v10 =	vadd.f32 $1.000000000e+00, v10  }
0x68: {  	v14 =	vadd.f32 $1.000000000e+00, v47  }
0x69: {  	v48 =	vmul.f32 v12, v7;
	v49 =	vshra.s32 v10, $0x1;
	v10 =	vmul.f32 $5.000000000e-01, v10  }
0x6a: {  	v16 =	vsub.s32 $0x5F3759DF, v49;
	v17 =	vshra.s32 v14, $0x1;
	v14 =	vmul.f32 $5.000000000e-01, v14  }
0x6b: {  	v18 =	vmul.f32 v16, v10;
	v17 =	vsub.s32 $0x5F3759DF, v17  }
0x6c: {  	v15 =	vmul.f32 v12, v48;
	v19 =	vmul.f32 v17, v14  }
0x6d: {  	v18 =	vmul.f32 v16, v18  }
0x6e: {  	v6 =	vmul.f32 v6, v13;
	v15 =	vsub.f32 $1.500000000e+00, v15;
	v50 =	vmul.f32 v17, v19  }
0x6f: {  	v4 =	vmul.f32 v8, v4;
	v11 =	vsub.f32 $1.500000000e+00, v11;
	v52 =	vsub.f32 $1.500000000e+00, v18  }
0x70: {  	v53 =	vmul.f32 v6, v2;
	v51 =	vmul.f32 v12, v15;
	v13 =	vsub.f32 $1.500000000e+00, v50  }
0x71: {  	v5 =	vmul.f32 v11, v5;
	v15 =	vmul.f32 v16, v52  }
0x72: {  	v54 =	vmul.f32 v51, v7;
	v13 =	vmul.f32 v17, v13  }
0x73: {  	v8 =	vmul.f32 v53, v6;
	v55 =	vmul.f32 v15, v10  }
0x74: {  	v16 =	vmul.f32 v54, v51;
	v56 =	vmul.f32 v13, v14  }
0x75: {  	v8 =	vsub.f32 $1.500000000e+00, v8;
	v17 =	vmul.f32 v55, v15  }
0x76: {  	v1 =	vmul.f32 v5, v1;
	v16 =	vsub.f32 $1.500000000e+00, v16;
	v11 =	vmul.f32 v56, v13  }
0x77: {  	v9 =	vmul.f32 v9, v3;
	v6 =	vmul.f32 v8, v6;
	v58 =	vsub.f32 $1.500000000e+00, v17  }
0x78: {  	v1 =	vmul.f32 v1, v5;
	v57 =	vmul.f32 v16, v51;
	v11 =	vsub.f32 $1.500000000e+00, v11  }
0x79: {  	v2 =	vmul.f32 v6, v2;
	v12 =	vmul.f32 v58, v15  }
0x7a: {  	v59 =	vmul.f32 v57, v7;
	v11 =	vmul.f32 v11, v13  }
0x7b: {  	v9 =	vsub.f32 $1.500000000e+00, v9;
	v2 =	vmul.f32 v2, v6;
	v10 =	vmul.f32 v12, v10  }
0x7c: {  	v1 =	vsub.f32 $1.500000000e+00, v1;
	v7 =	vmul.f32 v59, v57;
	v13 =	vmul.f32 v11, v14  }
0x7d: {  	v3 =	vmul.f32 v9, v3;
	v2 =	vsub.f32 $1.500000000e+00, v2;
	v60 =	vmul.f32 v10, v12  }
0x7e: {  	[tilespmem:s15+$0xE500] =	vst v4;
	v1 =	vmul.f32 v1, v5;
	v61 =	vsub.f32 $1.500000000e+00, v7;
	v62 =	vmul.f32 v13, v11  }
0x7f: {  	[tilespmem:s14+$0xE500] =	vst v3;
	v2 =	vmul.f32 v2, v6;
	v3 =	vsub.f32 $1.500000000e+00, v60  }
0x80: {  	[tilespmem:s16+$0xE500] =	vst v1;
	v1 =	vmul.f32 v61, v57;
	v63 =	vsub.f32 $1.500000000e+00, v62  }
0x81: {  	[tilespmem:s17+$0xE500] =	vst v2;
	v2 =	vmul.f32 v3, v12  }
0x82: {  	[tilespmem:s18+$0xE500] =	vst v1;
	v1 =	vmul.f32 v63, v11  }
0x83: {  	[tilespmem:s7+$0xE500] =	vst v2  }
0x84: {  	s4 =	rddreg [dreg:$0xd];
	s7 =	simm.s32 $0x0;
	[tilespmem:s19+$0xE500] =	vst v1  }
0x85: {  	[hbm4b:s4+s7] =	stream.linear.scatter [tilespmem:s23], [sflag:$0xB], $0x280, $0x38;
	[tilespmem:$0x1EF80] =	vst v63  }
0x86: {  	_ =	swait.ge [sflag:s20], $0x280  }
0x87: {  	[sflag:s20] =	ssyncset.done $0x0  }
0x88: {  	s15 =	simm.s32 $0x0;
	s14 =	simm.s32 $0x0;
	[sflag:s20] =	ssyncadd.s32 $0xFFFFFD80  }
.LBB2_6:
0x89: {  	s4 =	sshll.u32 s15, $0x7  }
0x8a: {  	s4 =	sadd.s32 s6, s4  }
0x8b: {  	s16 =	smul.u32 $0x30, s4;
	_ =	sdelay $0x1  }
0x8c: {  	s5 =	rddreg [dreg:$0x5];
	s4 =	sshrl.u32 s16, $0x3  }
0x8d: {  	s19 =	sadd.s32 $0x0, s14;
	s4 =	sadd.s32 s5, s4  }
0x8e: {  	v2 =	vmov s19;
	[tilespmem:s24], [sflag:$0xB] =	stream.linear.gather [hbm4b:s4+s7], $0x1800, $0x38;
	[tilespmem:$0x1EF80] =	vst v63  }
0x8f: {  	_ =	swait.ge [sflag:s20], $0x1800  }
0x90: {  	[sflag:s20] =	ssyncset.done $0x0  }
0x91: {  	s4 =	simm.s32 $0xE7A0;
	[sflag:s20] =	ssyncadd.s32 $0xFFFFE800  }
0x92: {  	v1 =	vld [tilespmem:s4+$0xFFFFFFF0]  }
0x93: {  	v2 =	vld.idx.msk [tilespmem:v2+s23+$0x0], $0xffff  }
0x94: {  	v4 =	vld [tilespmem:s4+$0xFFFFFFE0]  }
0x95: {  	v3 =	vld [tilespmem:s4+$0x0];
	_ =	sdelay $0x2  }
0x96: {  	s18 =	simm.s32 $0x2;
	s17 =	simm.s32 $0xE7A0;
	s19 =	sadd.s32 $0x1, s14  }
.LBB2_7:
0x97: {  	p0 =	sne.s32 s18, $0x7F;
	v5 =	vmov s19;
	v4 =	vmul.f32 v4, v2;
	v1 =	vmul.f32 v1, v2  }
0x98: {  	v2 =	vmul.f32 v3, v2  }
0x99: {  	[tilespmem:s4+$0xFFFFFFE0] =	vst v4  }
0x9a: {  	s4 =	sadd.s32 $0x30, s4;
	[tilespmem:s17+$0xFFFFFFF0] =	vst v1  }
0x9b: {  	v1 =	vld [tilespmem:s4+$0xFFFFFFF0];
	[tilespmem:s17+$0x0] =	vst v2;
	s17 =	smov.u32 s4  }
0x9c: {  	v2 =	vld.idx.msk [tilespmem:v5+s23+$0x0], $0xffff  }
.Ltmp2:
0x9d: {  	v4 =	vld [tilespmem:s4+$0xFFFFFFE0];
	(pc) =	sbr.rel @p0 .LBB2_7-.Ltmp2, $2  }
0x9e: {  	v3 =	vld [tilespmem:s4+$0x0];
	_ =	sdelay $0x2  }
0x9f: {  	s19 =	sadd.s32 s18, s14;
	s18 =	sadd.s32 $0x1, s18  }
0xa0: {  	v4 =	vmul.f32 v4, v2;
	v5 =	vmov s19  }
0xa1: {  	v1 =	vmul.f32 v1, v2  }
0xa2: {  	v2 =	vmul.f32 v3, v2;
	[tilespmem:s4+$0xFFFFFFE0] =	vst v4  }
0xa3: {  	s18 =	sadd.s32 $0x30, s4;
	[tilespmem:s17+$0xFFFFFFF0] =	vst v1  }
0xa4: {  	v1 =	vld [tilespmem:s18+$0xFFFFFFF0];
	[tilespmem:s17+$0x0] =	vst v2  }
0xa5: {  	v2 =	vld.idx.msk [tilespmem:v5+s23+$0x0], $0xffff  }
0xa6: {  	v3 =	vld [tilespmem:s18+$0xFFFFFFE0];
	_ =	sdelay $0x1  }
0xa7: {  	v4 =	vld [tilespmem:s18+$0x0];
	_ =	sdelay $0x2  }
0xa8: {  	v3 =	vmul.f32 v3, v2  }
0xa9: {  	v1 =	vmul.f32 v1, v2  }
0xaa: {  	s15 =	sadd.s32 $0x1, s15;
	v2 =	vmul.f32 v4, v2;
	[tilespmem:s18+$0xFFFFFFE0] =	vst v3  }
0xab: {  	p0 =	sne.s32 s15, $0x5;
	[tilespmem:s18+$0xFFFFFFF0] =	vst v1  }
.Ltmp3:
0xac: {  	s19 =	sadd.s32 s16, s3;
	[tilespmem:s18+$0x0] =	vst v2;
	(pc) =	sbr.rel @p0 .LBB2_6-.Ltmp3, $4  }
0xad: {  	[spmem:s19] =	stream.linear.scatter [tilespmem:s24], [sflag:$0xB], $0x1800, $0x38;
	[tilespmem:$0x1EF80] =	vst v63  }
0xae: {  	_ =	swait.ge [sflag:s20], $0x1800  }
0xaf: {  	[sflag:s20] =	ssyncset.done $0x0  }
0xb0: {  	s14 =	sadd.s32 $0x80, s14;
	[sflag:s20] =	ssyncadd.s32 $0xFFFFE800  }
0xb1: {  	[bflag:$0x0] =	sbarrier.arrive $0xFFFF  }
0xb2: {  	s4 =	simm.s32 $0x0;
	s5 =	rddreg [dreg:$0xe]  }
0xb3: {  	[tilespmem:s4], [sflag:$0xB] =	stream.linear.gather [hbm4b:s5+s4], $0x2800, $0x38;
	[tilespmem:$0x1EF80] =	vst v63  }
0xb4: {  	_ =	swait.ge [sflag:s20], $0x2800  }
0xb5: {  	[sflag:s20] =	ssyncset.done $0x0  }
0xb6: {  	s7 =	simm.s32 $0x2800;
	s15 =	rddreg [dreg:$0xf];
	[sflag:s20] =	ssyncadd.s32 $0xFFFFD800  }
0xb7: {  	[tilespmem:s7], [sflag:$0xB] =	stream.linear.gather [hbm4b:s15+s4], $0x2800, $0x38;
	[tilespmem:$0x1EF80] =	vst v63  }
0xb8: {  	_ =	swait.ge [sflag:s20], $0x2800  }
0xb9: {  	[sflag:s20] =	ssyncset.done $0x0  }
0xba: {  	[sflag:s20] =	ssyncadd.s32 $0xFFFFD800  }
0xbb: {  	[tilespmem:s28], [sflag:$0x1] =	stream.indirect.gather [spmem:s3], $0x30, s4, s26, $0xb8;
	[tilespmem:$0x1EF80] =	vst v63  }
0xbc: {  	_ = 	snop  }
0xbd: {  	[tilespmem:s29], [sflag:$0x2] =	stream.indirect.gather [spmem:s3], $0x30, s26, s26, $0xb8;
	[tilespmem:$0x1EF80] =	vst v63  }
0xbe: {  	s16 =	simm.s32 $0x100  }
0xbf: {  	[tilespmem:s31], [sflag:$0x3] =	stream.indirect.gather [spmem:s3], $0x30, s16, s26, $0xb8;
	[tilespmem:$0x1EF80] =	vst v63  }
0xc0: {  	s17 =	simm.s32 $0x180  }
0xc1: {  	[tilespmem:s21], [sflag:$0x4] =	stream.indirect.gather [spmem:s3], $0x30, s17, s26, $0xb8;
	[tilespmem:$0x1EF80] =	vst v63  }
0xc2: {  	s18 =	simm.s32 $0x200  }
0xc3: {  	[tilespmem:s25], [sflag:$0x5] =	stream.indirect.gather [spmem:s3], $0x30, s18, s26, $0xb8;
	[tilespmem:$0x1EF80] =	vst v63  }
0xc4: {  	_ =	swait.ge [sflag:s30], $0x1800  }
0xc5: {  	[sflag:s30] =	ssyncset.done $0x0  }
0xc6: {  	s19 =	simm.s32 $0x2800;
	[sflag:s30] =	ssyncadd.s32 $0xFFFFE800  }
0xc7: {  	[spmem:s2] =	stream.indirect.scatter.add.f32 [tilespmem:s28], [sflag:$0x6], $0x30, s19, s26, $0xb8;
	[tilespmem:$0x1EF80] =	vst v63  }
0xc8: {  	_ =	swait.ge [sflag:s1], $0x1800  }
0xc9: {  	[sflag:s1] =	ssyncset.done $0x0  }
0xca: {  	s5 =	simm.s32 $0x2880;
	[sflag:s1] =	ssyncadd.s32 $0xFFFFE800  }
0xcb: {  	[spmem:s2] =	stream.indirect.scatter.add.f32 [tilespmem:s29], [sflag:$0x7], $0x30, s5, s26, $0xb8;
	[tilespmem:$0x1EF80] =	vst v63  }
0xcc: {  	_ =	swait.ge [sflag:s22], $0x1800  }
0xcd: {  	[sflag:s22] =	ssyncset.done $0x0  }
0xce: {  	s7 =	simm.s32 $0x2900;
	[sflag:s22] =	ssyncadd.s32 $0xFFFFE800  }
0xcf: {  	[spmem:s2] =	stream.indirect.scatter.add.f32 [tilespmem:s31], [sflag:$0x8], $0x30, s7, s26, $0xb8;
	[tilespmem:$0x1EF80] =	vst v63  }
0xd0: {  	_ =	swait.ge [sflag:s0], $0x1800  }
0xd1: {  	[sflag:s0] =	ssyncset.done $0x0  }
0xd2: {  	s14 =	simm.s32 $0x2980;
	[sflag:s0] =	ssyncadd.s32 $0xFFFFE800  }
0xd3: {  	[spmem:s2] =	stream.indirect.scatter.add.f32 [tilespmem:s21], [sflag:$0x9], $0x30, s14, s26, $0xb8;
	[tilespmem:$0x1EF80] =	vst v63  }
0xd4: {  	_ =	swait.ge [sflag:s8], $0x1800  }
0xd5: {  	[sflag:s8] =	ssyncset.done $0x0  }
0xd6: {  	s15 =	simm.s32 $0x2A00;
	[sflag:s8] =	ssyncadd.s32 $0xFFFFE800  }
0xd7: {  	[spmem:s2] =	stream.indirect.scatter.add.f32 [tilespmem:s25], [sflag:$0xA], $0x30, s15, s26, $0xb8;
	[tilespmem:$0x1EF80] =	vst v63  }
0xd8: {  	_ =	swait.ge [sflag:s9], $0x1800  }
0xd9: {  	[sflag:s9] =	ssyncset.done $0x0  }
0xda: {  	s16 =	simm.s32 $0x280;
	[sflag:s9] =	ssyncadd.s32 $0xFFFFE800  }
0xdb: {  	[tilespmem:s28], [sflag:$0x1] =	stream.indirect.gather [spmem:s3], $0x30, s16, s26, $0xb8;
	[tilespmem:$0x1EF80] =	vst v63  }
0xdc: {  	_ =	swait.ge [sflag:s10], $0x1800  }
0xdd: {  	[sflag:s10] =	ssyncset.done $0x0  }
0xde: {  	s17 =	simm.s32 $0x300;
	[sflag:s10] =	ssyncadd.s32 $0xFFFFE800  }
0xdf: {  	[tilespmem:s29], [sflag:$0x2] =	stream.indirect.gather [spmem:s3], $0x30, s17, s26, $0xb8;
	[tilespmem:$0x1EF80] =	vst v63  }
0xe0: {  	_ =	swait.ge [sflag:s11], $0x1800  }
0xe1: {  	[sflag:s11] =	ssyncset.done $0x0  }
0xe2: {  	s18 =	simm.s32 $0x380;
	[sflag:s11] =	ssyncadd.s32 $0xFFFFE800  }
0xe3: {  	[tilespmem:s31], [sflag:$0x3] =	stream.indirect.gather [spmem:s3], $0x30, s18, s26, $0xb8;
	[tilespmem:$0x1EF80] =	vst v63  }
0xe4: {  	_ =	swait.ge [sflag:s12], $0x1800  }
0xe5: {  	[sflag:s12] =	ssyncset.done $0x0  }
0xe6: {  	s19 =	simm.s32 $0x400;
	[sflag:s12] =	ssyncadd.s32 $0xFFFFE800  }
0xe7: {  	[tilespmem:s21], [sflag:$0x4] =	stream.indirect.gather [spmem:s3], $0x30, s19, s26, $0xb8;
	[tilespmem:$0x1EF80] =	vst v63  }
0xe8: {  	_ =	swait.ge [sflag:s13], $0x1800  }
0xe9: {  	[sflag:s13] =	ssyncset.done $0x0  }
0xea: {  	s4 =	simm.s32 $0x480;
	s7 =	simm.s32 $0xA00;
	[sflag:s13] =	ssyncadd.s32 $0xFFFFE800  }
.LBB2_10:
0xeb: {  	[tilespmem:s25], [sflag:$0x5] =	stream.indirect.gather [spmem:s3], $0x30, s4, s26, $0xb8;
	[tilespmem:$0x1EF80] =	vst v63  }
0xec: {  	s4 =	smov.u32 s7  }
0xed: {  	p0 =	sne.s32 s7, $0x8C00;
	s7 =	sadd.s32 $0xA00, s7;
	_ =	swait.ge [sflag:s30], $0x1800  }
0xee: {  	s14 =	sshra.s32 s4, $0x2;
	[sflag:s30] =	ssyncset.done $0x0  }
0xef: {  	s4 =	sadd.s32 $0x2800, s14;
	[sflag:s30] =	ssyncadd.s32 $0xFFFFE800  }
0xf0: {  	[spmem:s2] =	stream.indirect.scatter.add.f32 [tilespmem:s28], [sflag:$0x6], $0x30, s4, s26, $0xb8;
	[tilespmem:$0x1EF80] =	vst v63  }
0xf1: {  	_ =	swait.ge [sflag:s1], $0x1800  }
0xf2: {  	[sflag:s1] =	ssyncset.done $0x0  }
0xf3: {  	s4 =	sadd.s32 $0x2880, s14;
	[sflag:s1] =	ssyncadd.s32 $0xFFFFE800  }
0xf4: {  	[spmem:s2] =	stream.indirect.scatter.add.f32 [tilespmem:s29], [sflag:$0x7], $0x30, s4, s26, $0xb8;
	[tilespmem:$0x1EF80] =	vst v63  }
0xf5: {  	_ =	swait.ge [sflag:s22], $0x1800  }
0xf6: {  	[sflag:s22] =	ssyncset.done $0x0  }
0xf7: {  	s4 =	sadd.s32 $0x2900, s14;
	[sflag:s22] =	ssyncadd.s32 $0xFFFFE800  }
0xf8: {  	[spmem:s2] =	stream.indirect.scatter.add.f32 [tilespmem:s31], [sflag:$0x8], $0x30, s4, s26, $0xb8;
	[tilespmem:$0x1EF80] =	vst v63  }
0xf9: {  	_ =	swait.ge [sflag:s0], $0x1800  }
0xfa: {  	[sflag:s0] =	ssyncset.done $0x0  }
0xfb: {  	s4 =	sadd.s32 $0x2980, s14;
	[sflag:s0] =	ssyncadd.s32 $0xFFFFE800  }
0xfc: {  	[spmem:s2] =	stream.indirect.scatter.add.f32 [tilespmem:s21], [sflag:$0x9], $0x30, s4, s26, $0xb8;
	[tilespmem:$0x1EF80] =	vst v63  }
0xfd: {  	_ =	swait.ge [sflag:s8], $0x1800  }
0xfe: {  	[sflag:s8] =	ssyncset.done $0x0  }
0xff: {  	s4 =	sadd.s32 $0x2A00, s14;
	[sflag:s8] =	ssyncadd.s32 $0xFFFFE800  }
0x100: {  	[spmem:s2] =	stream.indirect.scatter.add.f32 [tilespmem:s25], [sflag:$0xA], $0x30, s4, s26, $0xb8;
	[tilespmem:$0x1EF80] =	vst v63  }
0x101: {  	_ =	swait.ge [sflag:s9], $0x1800  }
0x102: {  	[sflag:s9] =	ssyncset.done $0x0  }
0x103: {  	s4 =	sadd.s32 $0x280, s14;
	[sflag:s9] =	ssyncadd.s32 $0xFFFFE800  }
0x104: {  	[tilespmem:s28], [sflag:$0x1] =	stream.indirect.gather [spmem:s3], $0x30, s4, s26, $0xb8;
	[tilespmem:$0x1EF80] =	vst v63  }
0x105: {  	_ =	swait.ge [sflag:s10], $0x1800  }
0x106: {  	[sflag:s10] =	ssyncset.done $0x0  }
0x107: {  	s4 =	sadd.s32 $0x300, s14;
	[sflag:s10] =	ssyncadd.s32 $0xFFFFE800  }
0x108: {  	[tilespmem:s29], [sflag:$0x2] =	stream.indirect.gather [spmem:s3], $0x30, s4, s26, $0xb8;
	[tilespmem:$0x1EF80] =	vst v63  }
0x109: {  	_ =	swait.ge [sflag:s11], $0x1800  }
0x10a: {  	[sflag:s11] =	ssyncset.done $0x0  }
0x10b: {  	s4 =	sadd.s32 $0x380, s14;
	[sflag:s11] =	ssyncadd.s32 $0xFFFFE800  }
0x10c: {  	[tilespmem:s31], [sflag:$0x3] =	stream.indirect.gather [spmem:s3], $0x30, s4, s26, $0xb8;
	[tilespmem:$0x1EF80] =	vst v63  }
0x10d: {  	_ =	swait.ge [sflag:s12], $0x1800  }
0x10e: {  	[sflag:s12] =	ssyncset.done $0x0  }
.Ltmp4:
0x10f: {  	s4 =	sadd.s32 $0x400, s14;
	[sflag:s12] =	ssyncadd.s32 $0xFFFFE800;
	(pc) =	sbr.rel @p0 .LBB2_10-.Ltmp4, $4  }
0x110: {  	[tilespmem:s21], [sflag:$0x4] =	stream.indirect.gather [spmem:s3], $0x30, s4, s26, $0xb8;
	[tilespmem:$0x1EF80] =	vst v63  }
0x111: {  	_ =	swait.ge [sflag:s13], $0x1800  }
0x112: {  	[sflag:s13] =	ssyncset.done $0x0  }
0x113: {  	s4 =	sadd.s32 $0x480, s14;
	[sflag:s13] =	ssyncadd.s32 $0xFFFFE800  }
0x114: {  	[tilespmem:s25], [sflag:$0x5] =	stream.indirect.gather [spmem:s3], $0x30, s4, s26, $0xb8;
	[tilespmem:$0x1EF80] =	vst v63  }
0x115: {  	_ =	swait.ge [sflag:s30], $0x1800  }
0x116: {  	[sflag:s30] =	ssyncset.done $0x0  }
0x117: {  	s7 =	simm.s32 $0x4D80;
	[sflag:s30] =	ssyncadd.s32 $0xFFFFE800  }
0x118: {  	[spmem:s2] =	stream.indirect.scatter.add.f32 [tilespmem:s28], [sflag:$0x6], $0x30, s7, s26, $0xb8;
	[tilespmem:$0x1EF80] =	vst v63  }
0x119: {  	_ =	swait.ge [sflag:s1], $0x1800  }
0x11a: {  	[sflag:s1] =	ssyncset.done $0x0  }
0x11b: {  	s14 =	simm.s32 $0x4E00;
	[sflag:s1] =	ssyncadd.s32 $0xFFFFE800  }
0x11c: {  	[spmem:s2] =	stream.indirect.scatter.add.f32 [tilespmem:s29], [sflag:$0x7], $0x30, s14, s26, $0xb8;
	[tilespmem:$0x1EF80] =	vst v63  }
0x11d: {  	_ =	swait.ge [sflag:s22], $0x1800  }
0x11e: {  	[sflag:s22] =	ssyncset.done $0x0  }
0x11f: {  	s15 =	simm.s32 $0x4E80;
	[sflag:s22] =	ssyncadd.s32 $0xFFFFE800  }
0x120: {  	[spmem:s2] =	stream.indirect.scatter.add.f32 [tilespmem:s31], [sflag:$0x8], $0x30, s15, s26, $0xb8;
	[tilespmem:$0x1EF80] =	vst v63  }
0x121: {  	_ =	swait.ge [sflag:s0], $0x1800  }
0x122: {  	[sflag:s0] =	ssyncset.done $0x0  }
0x123: {  	s16 =	simm.s32 $0x4F00;
	[sflag:s0] =	ssyncadd.s32 $0xFFFFE800  }
0x124: {  	[spmem:s2] =	stream.indirect.scatter.add.f32 [tilespmem:s21], [sflag:$0x9], $0x30, s16, s26, $0xb8;
	[tilespmem:$0x1EF80] =	vst v63  }
0x125: {  	_ =	swait.ge [sflag:s8], $0x1800  }
0x126: {  	[sflag:s8] =	ssyncset.done $0x0  }
0x127: {  	s17 =	simm.s32 $0x4F80;
	[sflag:s8] =	ssyncadd.s32 $0xFFFFE800  }
0x128: {  	[spmem:s2] =	stream.indirect.scatter.add.f32 [tilespmem:s25], [sflag:$0xA], $0x30, s17, s26, $0xb8;
	[tilespmem:$0x1EF80] =	vst v63  }
0x129: {  	_ =	swait.ge [sflag:s9], $0x1800  }
0x12a: {  	[sflag:s9] =	ssyncset.done $0x0  }
0x12b: {  	[sflag:s9] =	ssyncadd.s32 $0xFFFFE800  }
0x12c: {  	_ =	swait.ge [sflag:s10], $0x1800  }
0x12d: {  	[sflag:s10] =	ssyncset.done $0x0  }
0x12e: {  	[sflag:s10] =	ssyncadd.s32 $0xFFFFE800  }
0x12f: {  	_ =	swait.ge [sflag:s11], $0x1800  }
0x130: {  	[sflag:s11] =	ssyncset.done $0x0  }
0x131: {  	[sflag:s11] =	ssyncadd.s32 $0xFFFFE800  }
0x132: {  	_ =	swait.ge [sflag:s12], $0x1800  }
0x133: {  	[sflag:s12] =	ssyncset.done $0x0  }
0x134: {  	[sflag:s12] =	ssyncadd.s32 $0xFFFFE800  }
0x135: {  	_ =	swait.ge [sflag:s13], $0x1800  }
0x136: {  	[sflag:s13] =	ssyncset.done $0x0  }
0x137: {  	[sflag:s13] =	ssyncadd.s32 $0xFFFFE800  }
0x138: {  	s18 =	stileid.u32;
	[bflag:$0x0] =	sbarrier.arrive $0xFFFF  }
0x139: {  	s4 =	sshll.u32 s18, $0x6;
	s15 =	rddreg [dreg:$0x6]  }
0x13a: {  	s4 =	sor.u32 $0x1C0B, s4;
	s7 =	rddreg [dreg:$0x10];
	s5 =	sshrl.u32 s15, $0x3  }
0x13b: {  	[hbm:s7], [sflag:s4] =	dma.local [spmem:s5], $0xF00  }
0x13c: {  	_ =	swait.ge [sflag:s20], $0xF00  }
0x13d: {  	s14 =	rddreg [dreg:$0x4]  }
0x13e: {  	s19 =	rddreg [dreg:$0x11];
	s14 =	sadd.s32 $0x1, s14  }
0x13f: {  	p0 =	sne.s32 s14, s19  }
.Ltmp5:
0x140: {  	_ = 	snop;
	(pc) =	sbr.rel @p0 .LBB2_1-.Ltmp5, $3  }
0x141: {  	_ =	sdelay $0x1  }
0x142: {  	[sflag:s20] =	ssyncset.done $0x0  }
0x143: {  	[sflag:s20] =	ssyncadd.s32 $0xFFFFF100  }
0x144: {  	_ =	sfence.sel $0x180000  }
0x145: {  	[bflag:$0x0] =	sbarrier.arrive $0xFFFF  }
0x146: {  	_ =	strace $0x9000004A  }
0x147: {  	s0 =	stileid.u32;
	[bflag:$0x2] =	sbarrier.arrive $0xFFFF  }
0x148: {  	p0 =	sne.s32 s0, $0x0;
	s0 =	rddreg [dreg:$0x3]  }
0x149: {  	s0 =	sadd.s32 @!p0 $0x100000, s0  }
0x14a: {  	[sflag:s0] =	ssyncadd.tile.s32 @!p0 $0x1;
	_ =	shalt  }
.Lfunc_end2:
_tile_overlayer_lowered:
.L_overlay_start_2:
0x14b: {  	(tag) =	ssettag $0x2  }
0x14c: {  	s0 =	rddreg [dreg:$0x0];
	s2 =	stileid.u32  }
0x14d: {  	s1 =	rddreg [dreg:$0x1];
	p0 =	sne.s32 s2, $0x0  }
0x14e: {  	s3 =	rddreg [dreg:$0x2];
	[bflag:$0x3] =	sbarrier.arrive $0xFFFF;
	s2 =	simm.s32 @!p0 $0x1C0B  }
0x14f: {  	[timem:s3], [sflag:s2] =	dma.local @!p0 [hbm:s0], s1  }
0x150: {  	s0 =	simm.s32 @!p0 $0xB  }
0x151: {  	_ =	swait.ge @!p0 [sflag:s0], s1  }
0x152: {  	s1 =	ssub.s32 @!p0 $0x0, s1;
	[sflag:s0] =	ssyncset.done @!p0 $0x0  }
0x153: {  	[sflag:s0] =	ssyncadd.s32 @!p0 s1  }
0x154: {  	[bflag:$0x3] =	sbarrier.arrive $0xFFFF  }
0x155: {  	_ =	shalt  }

// kernel: kernel.14.cloned.1.call-start
scs
__scs_entry_jumppad:
0x0: {  	(pc) =	sbr.rel $0x88, $3  }
0x1: {  	(tag) =	ssettag $0x0;
	lr =	simm.s32 $0x1  }
0x2: {  	[smem:$0x3F9B] =	sst lr;
	_ =	strace $0xD0000000  }
0x3: {  	_ = 	snop  }
0x4: {  	_ = 	snop  }
0x5: {  	_ = 	snop  }
0x6: {  	_ = 	snop  }
0x7: {  	_ = 	snop  }
__scs_overlays_trampoline_lowered:
0x8: {  	[smem:$0x3FAA] =	sst s0  }
0x9: {  	[smem:$0x3FAB] =	sst s1  }
0xa: {  	[smem:$0x3FAC] =	sst s2  }
0xb: {  	[smem:$0x3FAD] =	sst s3  }
0xc: {  	[smem:$0x3FAE] =	sst s4  }
0xd: {  	[smem:$0x3FAF] =	sst s5  }
0xe: {  	[smem:$0x3FB0] =	sst s6  }
0xf: {  	[smem:$0x3FB1] =	sst s7  }
0x10: {  	[smem:$0x3FB2] =	sst s8  }
0x11: {  	[smem:$0x3FB3] =	sst s9;
	s0 =	simm.s32 @!p0 $0x0  }
0x12: {  	s1 =	sld [smem:$0x3F99];
	s0 =	simm.s32 @p0 $0x1  }
0x13: {  	[smem:$0x3FB4] =	sst s0;
	s0 =	simm.s32 @!p1 $0x0  }
0x14: {  	s2 =	sld [smem:$0x3F98];
	s0 =	simm.s32 @p1 $0x1  }
0x15: {  	[smem:$0x3FB5] =	sst s0;
	s0 =	simm.s32 @!p2 $0x0  }
0x16: {  	s3 =	sld [smem:$0x3FDB];
	s0 =	simm.s32 @p2 $0x1  }
0x17: {  	s4 =	simm.s32 $0x1BF5;
	[smem:$0x3FB7] =	sst s0  }
0x18: {  	s0 =	sld [smem:$0x3F9A];
	_ =	swait.ge [sflag:s4], $0x0  }
0x19: {  	s7 =	sld [smem:$0x3F9B]  }
0x1a: {  	s8 =	sadd.s32 $0xFFFFE003, lr  }
0x1b: {  	s9 =	sadd.s32 $0xFFFFFEF7, lr;
	s5 =	simm.s32 $0xFFFFFFFF;
	p2 =	slt.u32 s8, $0xFFFFF086  }
0x1c: {  	p1 =	slt.u32 s9, $0xF7A;
	s5 =	simm.s32 @!p2 $0x0  }
0x1d: {  	s5 =	simm.s32 @p1 $0x1;
	p0 =	seq.s32 s7, s2  }
0x1e: {  	s7 =	smul.u32 @!p0 $0xF7A, s2;
	p2 =	seq.s32 @!p0 s5, $0x0  }
0x1f: {  	s9 =	smul.u32 $0xF7A, s1;
	s8 =	simm.s32 @!p0 $0x1BF5;
	p2 =	por !p2, p0  }
0x20: {  	[sflag:s8] =	ssyncset.s32 @!p0 $0xFFFFF086;
	s6 =	sadd.s32 @!p0 s3, s7;
	s7 =	simm.s32 @!p0 $0x108  }
0x21: {  	s3 =	sadd.s32 s3, s9;
	s6 =	sadd.s32 @!p0 $0x88, s6;
	s7 =	simm.s32 @p2 $0x1082  }
0x22: {  	[simem:s7], [sflag:s8] =	dma.local @!p0 [hbm:s6], $0xF7A  }
0x23: {  	s9 =	sor.u32 $0xD0000000, s2;
	s6 =	simm.s32 $0x108;
	_ =	swait.ge @!p0 [sflag:s8], $0x0  }
0x24: {  	s3 =	sadd.s32 $0x88, s3;
	s6 =	simm.s32 @!p1 $0x1082;
	[sflag:s4] =	ssyncset.s32 $0xFFFFF086  }
0x25: {  	[simem:s6], [sflag:s4] =	dma.local [hbm:s3], $0xF7A  }
0x26: {  	[smem:$0x3F9B] =	sst s1;
	(tag) =	ssettag s2;
	_ =	strace s9  }
0x27: {  	s1 =	sld [smem:$0x3FAB]  }
0x28: {  	s2 =	sld [smem:$0x3FAC]  }
0x29: {  	s4 =	sld [smem:$0x3FAE]  }
0x2a: {  	p0 =	seq.s32 s5, $0x0;
	s5 =	sld [smem:$0x3FAF]  }
0x2b: {  	s6 =	sld [smem:$0x3FB0]  }
0x2c: {  	s7 =	sld [smem:$0x3FB1]  }
0x2d: {  	s3 =	simm.s32 $0x108;
	s8 =	sld [smem:$0x3FB2]  }
0x2e: {  	s3 =	simm.s32 @!p0 $0x1082;
	s9 =	sld [smem:$0x3FB3]  }
0x2f: {  	lr =	sadd.s32 s0, s3;
	s0 =	sld [smem:$0x3FAA]  }
0x30: {  	s3 =	sld [smem:$0x3FAD]  }
0x31: {  	[smem:$0x3FB6] =	sst s10  }
0x32: {  	s10 =	sld [smem:$0x3FB4];
	_ =	sdelay $0x3  }
0x33: {  	p0 =	seq.s32 s10, $0x1;
	s10 =	sld [smem:$0x3FB6];
	_ =	sdelay $0x3  }
0x34: {  	[smem:$0x3FB6] =	sst s10  }
0x35: {  	s10 =	sld [smem:$0x3FB5];
	_ =	sdelay $0x3  }
0x36: {  	p1 =	seq.s32 s10, $0x1;
	s10 =	sld [smem:$0x3FB6];
	_ =	sdelay $0x3  }
0x37: {  	[smem:$0x3FB6] =	sst s10  }
0x38: {  	s10 =	sld [smem:$0x3FB7]  }
0x39: {  	_ = 	snop;
	(pc) =	sbr.ind lr, $3  }
0x3a: {  	_ = 	snop  }
0x3b: {  	_ = 	snop  }
0x3c: {  	p2 =	seq.s32 s10, $0x1;
	s10 =	sld [smem:$0x3FB6]  }
0x3d: {  	_ =	shalt  }
0x3e: {  	_ =	shalt  }
0x3f: {  	_ =	shalt  }
0x40: {  	_ =	shalt  }
0x41: {  	_ =	shalt  }
0x42: {  	_ =	shalt  }
0x43: {  	_ =	shalt  }
0x44: {  	_ =	shalt  }
0x45: {  	_ =	shalt  }
0x46: {  	_ =	shalt  }
0x47: {  	_ =	shalt  }
0x48: {  	_ =	shalt  }
0x49: {  	_ =	shalt  }
0x4a: {  	_ =	shalt  }
0x4b: {  	_ =	shalt  }
0x4c: {  	_ =	shalt  }
0x4d: {  	_ =	shalt  }
0x4e: {  	_ =	shalt  }
0x4f: {  	_ =	shalt  }
0x50: {  	_ =	shalt  }
0x51: {  	_ =	shalt  }
0x52: {  	_ =	shalt  }
0x53: {  	_ =	shalt  }
0x54: {  	_ =	shalt  }
0x55: {  	_ =	shalt  }
0x56: {  	_ =	shalt  }
0x57: {  	_ =	shalt  }
0x58: {  	_ =	shalt  }
0x59: {  	_ =	shalt  }
0x5a: {  	_ =	shalt  }
0x5b: {  	_ =	shalt  }
0x5c: {  	_ =	shalt  }
0x5d: {  	_ =	shalt  }
0x5e: {  	_ =	shalt  }
0x5f: {  	_ =	shalt  }
0x60: {  	_ =	shalt  }
0x61: {  	_ =	shalt  }
0x62: {  	_ =	shalt  }
0x63: {  	_ =	shalt  }
0x64: {  	_ =	shalt  }
0x65: {  	_ =	shalt  }
0x66: {  	_ =	shalt  }
0x67: {  	_ =	shalt  }
0x68: {  	_ =	shalt  }
0x69: {  	_ =	shalt  }
0x6a: {  	_ =	shalt  }
0x6b: {  	_ =	shalt  }
0x6c: {  	_ =	shalt  }
0x6d: {  	_ =	shalt  }
0x6e: {  	_ =	shalt  }
0x6f: {  	_ =	shalt  }
0x70: {  	_ =	shalt  }
0x71: {  	_ =	shalt  }
0x72: {  	_ =	shalt  }
0x73: {  	_ =	shalt  }
0x74: {  	_ =	shalt  }
0x75: {  	_ =	shalt  }
0x76: {  	_ =	shalt  }
0x77: {  	_ =	shalt  }
0x78: {  	_ =	shalt  }
0x79: {  	_ =	shalt  }
0x7a: {  	_ =	shalt  }
0x7b: {  	_ =	shalt  }
0x7c: {  	_ =	shalt  }
0x7d: {  	_ =	shalt  }
0x7e: {  	_ =	shalt  }
0x7f: {  	_ =	shalt  }
0x80: {  	_ =	shalt  }
0x81: {  	_ =	shalt  }
0x82: {  	_ =	shalt  }
0x83: {  	_ =	shalt  }
0x84: {  	_ =	shalt  }
0x85: {  	_ =	shalt  }
0x86: {  	_ =	shalt  }
0x87: {  	_ =	shalt  }
.Lfunc_end0:
.L_simem_size_0:
called_computation.2_lowered:
.L_overlay_start_0:
0x88: {  	s2 =	sld [smem:$0x3FD9]  }
0x89: {  	s3 =	sld [smem:$0x3FFE];
	_ =	sdelay $0x1  }
0x8a: {  	s1 =	srdreg.scid  }
0x8b: {  	s0 =	sand.u32 $0x1, s1  }
0x8c: {  	s16 =	sshll.u32 s0, $0xA;
	s2 =	sadd.s32 s3, s2  }
0x8d: {  	s2 =	sadd.s32 s2, s16  }
0x8e: {  	[smem:$0x3FC2] =	sst s2  }
0x8f: {  	_ = 	snop  }
0x90: {  	(tm) =	ssettm $0x1  }
0x91: {  	s17 =	sld [smem:$0x3FFB];
	_ =	sdelay $0x3  }
0x92: {  	_ =	strace s17  }
0x93: {  	s2 =	sld [smem:$0x3FFC];
	_ =	sdelay $0x3  }
0x94: {  	_ =	strace s2  }
0x95: {  	s2 =	sld [smem:$0x3FFD];
	_ =	sdelay $0x3  }
0x96: {  	_ =	strace s2  }
0x97: {  	_ =	strace $0x8FFFFFFF  }
0x98: {  	s18 =	sld [smem:$0x3FDB];
	_ =	sdelay $0x1  }
0x99: {  	s19 =	simm.s32 $_scs_section_size  }
0x9a: {  	s4 =	simm.s32 $_size__tile_overlayer_lowered;
	s5 =	simm.s32 $_tile_overlayer_lowered  }
0x9b: {  	s22 =	simm.s32 $0x1BFF;
	s21 =	sshll.u32 s5, $0x1;
	s2 =	sadd.s32 s19, s18  }
0x9c: {  	s6 =	simm.s32 $0x0;
	s20 =	sshll.u32 s4, $0x1;
	s4 =	sadd.s32 s21, s2  }
0x9d: {  	[timem:s6], [sflag:s22] =	dma.local [hbm:s4], s20  }
0x9e: {  	_ =	swait.ge [sflag:s22], s20  }
0x9f: {  	s3 =	ssub.s32 $0x0, s20;
	[sflag:s22] =	ssyncset.done $0x0  }
0xa0: {  	[sflag:s22] =	ssyncadd.s32 s3;
	_ =	sdelay $0x1  }
0xa1: {  	s23 =	simm.s32 $0x1B8B  }
0xa2: {  	_ =	swait.ge [sflag:s23], $0x1  }
0xa3: {  	[sflag:s23] =	ssyncset.done $0x0  }
0xa4: {  	s25 =	simm.s32 $0x1B8E;
	s24 =	sld [smem:$0x3FFE];
	[sflag:s23] =	ssyncadd.s32 $0xFFFFFFFF  }
0xa5: {  	s26 =	simm.s32 $execute0_lowered;
	[smem:$0x3FD2] =	sst s25  }
0xa6: {  	s4 =	sshll.u32 s26, $0x1;
	_ =	strace $0x8000004C;
	[dreg:$0x1] =	wrdreg $0xFFFFFFFF  }
0xa7: {  	s28 =	simm.s32 $_size_execute0_lowered;
	s2 =	sadd.s32 s2, s4;
	[dreg:$0x0] =	wrdreg $0x0  }
0xa8: {  	s4 =	sshll.u32 s28, $0x1;
	[dreg:$0x2] =	wrdreg s2  }
0xa9: {  	[dreg:$0x3] =	wrdreg s4  }
0xaa: {  	[dreg:$0x4] =	wrdreg $0xC0  }
0xab: {  	_ =	task [dreg:s6], $0x5FFFF  }
0xac: {  	[dreg:$0x1] =	wrdreg $0xFFFFFFFF  }
0xad: {  	[dreg:$0x0] =	wrdreg $0x60  }
0xae: {  	[dreg:$0x2] =	wrdreg s24  }
0xaf: {  	[dreg:$0x3] =	wrdreg $0xC0000  }
0xb0: {  	[dreg:$0x4] =	wrdreg $0x98000  }
0xb1: {  	[dreg:$0x5] =	wrdreg $0x9  }
0xb2: {  	_ =	task.clear_ibuf [dreg:s6], $0x6FFFF;
	_ =	strace $0x9000004C  }
0xb3: {  	s29 =	simm.s32 $0x9;
	_ =	strace $0x8000004E  }
0xb4: {  	_ =	swait.ge [sflag:s29], $0x1  }
0xb5: {  	[sflag:s29] =	ssyncadd.s32 $0xFFFFFFFF  }
0xb6: {  	_ =	strace $0x9000004E  }
0xb7: {  	_ =	sfence  }
0xb8: {  	s30 =	sld [smem:$0x0];
	_ =	sdelay $0x2  }
0xb9: {  	s31 =	sshll.u32 s1, $0xD;
	s1 =	sshrl.u32 s1, $0x2  }
0xba: {  	s3 =	sand.u32 $0x4000, s31;
	s1 =	sadd.s32 s1, s30  }
0xbb: {  	s0 =	sor.u32 s3, s0;
	s1 =	sshll.u32 s1, $0x11  }
0xbc: {  	s0 =	sor.u32 s1, s0  }
0xbd: {  	s0 =	sadd.s32 $0x8F2B, s0  }
0xbe: {  	[sflag:s0] =	ssyncadd.remote.s32 $0x1  }
0xbf: {  	_ =	sfence.sel $0xFFFF  }
0xc0: {  	[dreg:$0x0] =	wrdreg $0xFFFFFFFF;
	(pc) =	sbr.abs _section_cstart, $3  }
0xc1: {  	[dreg:$0x1] =	wrdreg $0xFFFFFFFF  }
0xc2: {  	_ =	task.clear_ibuf [dreg:s6], $0x2FFFF;
	_ =	strace $0x9FFFFFFF  }
0xc3: {  	(tm) =	ssettm $0x7FFFFFFF  }
tec
execute0_lowered:
.L_overlay_start_1:
0x0: {  	(tag) =	ssettag $0x1  }
0x1: {  	s1 =	rddreg [dreg:$0x0]  }
0x2: {  	s0 =	srdreg.scid;
	s2 =	rddreg [dreg:$0x1]  }
0x3: {  	s10 =	stileid.u32;
	s3 =	rddreg [dreg:$0x2];
	s16 =	simm.s32 $0x11  }
0x4: {  	s29 =	simm.s32 $0x7000;
	s31 =	simm.s32 $0x7800;
	s28 =	simm.s32 $0x2  }
0x5: {  	s30 =	simm.s32 $0x3;
	s11 =	simm.s32 $0xB;
	s12 =	simm.s32 $0xC  }
0x6: {  	s13 =	simm.s32 $0xD;
	s14 =	simm.s32 $0xE;
	s5 =	smul.u32 $0x2800, s10  }
0x7: {  	s0 =	sand.u32 $0x1, s0;
	s9 =	smul.u32 $0xA000, s10;
	s25 =	sshll.u32 s10, $0x6  }
0x8: {  	s4 =	sshll.u32 s0, $0x4;
	s7 =	smul.u32 $0x28000, s0;
	s0 =	ssub.s32 $0x2, s0  }
0x9: {  	s6 =	sor.u32 s10, s4;
	s4 =	simm.s32 $0x0;
	s8 =	sshrl.u32 s5, $0x3  }
0xa: {  	s9 =	sshrl.u32 s9, $0x2;
	s17 =	sshrl.u32 s0, $0x1;
	s18 =	sadd.s32 s5, s2  }
0xb: {  	s10 =	simm.s32 $0xA;
	s6 =	smul.u32 $0x500, s6;
	[smem:$0x7FF] =	sst s4  }
0xc: {  	s8 =	sadd.s32 s8, s1;
	s7 =	sadd.s32 s5, s7;
	s9 =	sadd.s32 s9, s2  }
0xd: {  	s0 =	ssub.s32 s0, s17;
	s5 =	sadd.s32 s5, s3;
	_ =	strace $0x8000004D  }
0xe: {  	s7 =	sshrl.u32 s7, $0x3;
	[dreg:$0x5] =	wrdreg s18;
	s19 =	sadd.s32 $0x800, s9  }
0xf: {  	s20 =	sadd.s32 $0x1000, s9;
	s21 =	sadd.s32 $0x1800, s9;
	[dreg:$0x6] =	wrdreg s19  }
0x10: {  	s22 =	sadd.s32 $0x2000, s9;
	s23 =	sadd.s32 $0x16400, s8;
	[dreg:$0x7] =	wrdreg s20  }
0x11: {  	s0 =	smax.u32 s0, $0x1;
	s26 =	sshrl.u32 s5, $0x3;
	[dreg:$0x8] =	wrdreg s21  }
0x12: {  	s8 =	simm.s32 $0x8;
	s9 =	simm.s32 $0x9;
	[dreg:$0x9] =	wrdreg s22  }
0x13: {  	s18 =	simm.s32 $0xF;
	s5 =	simm.s32 $0x10;
	[dreg:$0xa] =	wrdreg s23  }
0x14: {  	s6 =	sadd.s32 s6, s1;
	s1 =	sadd.s32 s7, s1;
	[dreg:$0xe] =	wrdreg s0  }
0x15: {  	s0 =	sor.u32 $0x1C11, s25;
	[dreg:$0x10] =	wrdreg s26;
	s20 =	simm.s32 $0x80  }
0x16: {  	s21 =	simm.s32 $0x5000;
	s22 =	simm.s32 $0x5800;
	s26 =	simm.s32 $0x6800  }
0x17: {  	s23 =	simm.s32 $0x8800;
	s24 =	sadd.s32 $0xC400, s6;
	[dreg:$0xf] =	wrdreg s0  }
0x18: {  	s25 =	simm.s32 $0x1;
	s6 =	sadd.s32 $0x1A00, s6;
	[dreg:$0xb] =	wrdreg s24  }
0x19: {  	s19 =	simm.s32 $0x5;
	s1 =	sadd.s32 $0x1B400, s1;
	[dreg:$0xc] =	wrdreg s6  }
0x1a: {  	s7 =	simm.s32 $0x7;
	s0 =	simm.s32 $0x8000;
	[dreg:$0xd] =	wrdreg s1  }
0x1b: {  	v0 =	vimm.f32 $0.0e+00;
	s24 =	simm.s32 $0x6000;
	s1 =	simm.s32 $0x4;
	s6 =	simm.s32 $0x6  }
.LBB2_1:
0x1c: {  	s15 =	simm.s32 $0x40;
	s17 =	simm.s32 $0x0  }
.LBB2_2:
0x1d: {  	p0 =	sne.s32 s15, $0x1FC0;
	[tilespmem:s17+$0x9000] =	vst v0;
	s17 =	smov.u32 s15;
	s15 =	sadd.s32 $0x40, s15  }
.Ltmp0:
0x1e: {  	(pc) =	sbr.rel @p0 .LBB2_2-.Ltmp0, $2  }
0x1f: {  	_ =	sdelay $0x2  }
0x20: {  	s17 =	sshra.s32 s17, $0x2  }
0x21: {  	[dreg:$0x4] =	wrdreg s4  }
0x22: {  	[tilespmem:s17+$0x9000] =	vst v0;
	s17 =	rddreg [dreg:$0x5];
	s15 =	simm.s32 $0x9000  }
0x23: {  	[spmem:s17] =	stream.linear.scatter [tilespmem:s15], [sflag:$0x11], $0x800, $0x38;
	[tilespmem:$0xE800] =	vst v63  }
0x24: {  	_ =	swait.ge [sflag:s16], $0x800  }
0x25: {  	[sflag:s16] =	ssyncset.done $0x0  }
0x26: {  	s17 =	rddreg [dreg:$0x6];
	[sflag:s16] =	ssyncadd.s32 $0xFFFFF800  }
0x27: {  	[spmem:s17] =	stream.linear.scatter [tilespmem:s15], [sflag:$0x11], $0x800, $0x38;
	[tilespmem:$0xE800] =	vst v63  }
0x28: {  	_ =	swait.ge [sflag:s16], $0x800  }
0x29: {  	[sflag:s16] =	ssyncset.done $0x0  }
0x2a: {  	s17 =	rddreg [dreg:$0x7];
	[sflag:s16] =	ssyncadd.s32 $0xFFFFF800  }
0x2b: {  	[spmem:s17] =	stream.linear.scatter [tilespmem:s15], [sflag:$0x11], $0x800, $0x38;
	[tilespmem:$0xE800] =	vst v63  }
0x2c: {  	_ =	swait.ge [sflag:s16], $0x800  }
0x2d: {  	[sflag:s16] =	ssyncset.done $0x0  }
0x2e: {  	s17 =	rddreg [dreg:$0x8];
	[sflag:s16] =	ssyncadd.s32 $0xFFFFF800  }
0x2f: {  	[spmem:s17] =	stream.linear.scatter [tilespmem:s15], [sflag:$0x11], $0x800, $0x38;
	[tilespmem:$0xE800] =	vst v63  }
0x30: {  	_ =	swait.ge [sflag:s16], $0x800  }
0x31: {  	[sflag:s16] =	ssyncset.done $0x0  }
0x32: {  	s17 =	rddreg [dreg:$0x9];
	[sflag:s16] =	ssyncadd.s32 $0xFFFFF800  }
0x33: {  	[spmem:s17] =	stream.linear.scatter [tilespmem:s15], [sflag:$0x11], $0x800, $0x38;
	[tilespmem:$0xE800] =	vst v63  }
0x34: {  	_ =	swait.ge [sflag:s16], $0x800  }
0x35: {  	s4 =	rddreg [dreg:$0xa]  }
0x36: {  	[sflag:s16] =	ssyncset.done $0x0;
	s15 =	rddreg [dreg:$0xf]  }
0x37: {  	s17 =	rddreg [dreg:$0x10];
	[sflag:s16] =	ssyncadd.s32 $0xFFFFF800  }
0x38: {  	[spmem:s17], [sflag:s15] =	dma.local [hbm:s4], $0x500  }
0x39: {  	_ =	swait.ge [sflag:s16], $0x500  }
0x3a: {  	[sflag:s16] =	ssyncset.done $0x0  }
0x3b: {  	[sflag:s16] =	ssyncadd.s32 $0xFFFFFB00  }
0x3c: {  	[bflag:$0x0] =	sbarrier.arrive $0xFFFF  }
0x3d: {  	s15 =	simm.s32 $0x0;
	s17 =	rddreg [dreg:$0xb]  }
0x3e: {  	[tilespmem:s15], [sflag:$0x11] =	stream.linear.gather [hbm4b:s17+s15], $0x2800, $0x38;
	[tilespmem:$0xE800] =	vst v63  }
0x3f: {  	_ =	swait.ge [sflag:s16], $0x2800  }
0x40: {  	[sflag:s16] =	ssyncset.done $0x0  }
0x41: {  	s17 =	simm.s32 $0x2800;
	s4 =	rddreg [dreg:$0xc];
	[sflag:s16] =	ssyncadd.s32 $0xFFFFD800  }
0x42: {  	[tilespmem:s17], [sflag:$0x11] =	stream.linear.gather [hbm4b:s4+s15], $0x2800, $0x38;
	[tilespmem:$0xE800] =	vst v63  }
0x43: {  	_ =	swait.ge [sflag:s16], $0x2800  }
0x44: {  	[sflag:s16] =	ssyncset.done $0x0  }
0x45: {  	[sflag:s16] =	ssyncadd.s32 $0xFFFFD800  }
0x46: {  	[tilespmem:s21], [sflag:$0x1] =	stream.indirect.gather [spmem:s3], $0x10, s15, s20, $0xb8;
	[tilespmem:$0xE800] =	vst v63  }
0x47: {  	_ = 	snop  }
0x48: {  	[tilespmem:s22], [sflag:$0x2] =	stream.indirect.gather [spmem:s3], $0x10, s20, s20, $0xb8;
	[tilespmem:$0xE800] =	vst v63  }
0x49: {  	s17 =	simm.s32 $0x100  }
0x4a: {  	[tilespmem:s24], [sflag:$0x3] =	stream.indirect.gather [spmem:s3], $0x10, s17, s20, $0xb8;
	[tilespmem:$0xE800] =	vst v63  }
0x4b: {  	s15 =	simm.s32 $0x180  }
0x4c: {  	[tilespmem:s26], [sflag:$0x4] =	stream.indirect.gather [spmem:s3], $0x10, s15, s20, $0xb8;
	[tilespmem:$0xE800] =	vst v63  }
0x4d: {  	s17 =	simm.s32 $0x200  }
0x4e: {  	[tilespmem:s29], [sflag:$0x5] =	stream.indirect.gather [spmem:s3], $0x10, s17, s20, $0xb8;
	[tilespmem:$0xE800] =	vst v63  }
0x4f: {  	s15 =	simm.s32 $0x280  }
0x50: {  	[tilespmem:s31], [sflag:$0x6] =	stream.indirect.gather [spmem:s3], $0x10, s15, s20, $0xb8;
	[tilespmem:$0xE800] =	vst v63  }
0x51: {  	s17 =	simm.s32 $0x300  }
0x52: {  	[tilespmem:s0], [sflag:$0x7] =	stream.indirect.gather [spmem:s3], $0x10, s17, s20, $0xb8;
	[tilespmem:$0xE800] =	vst v63  }
0x53: {  	s15 =	simm.s32 $0x380  }
0x54: {  	[tilespmem:s23], [sflag:$0x8] =	stream.indirect.gather [spmem:s3], $0x10, s15, s20, $0xb8;
	[tilespmem:$0xE800] =	vst v63  }
0x55: {  	_ =	swait.ge [sflag:s25], $0x800  }
0x56: {  	[sflag:s25] =	ssyncset.done $0x0  }
0x57: {  	s17 =	simm.s32 $0x2800;
	[sflag:s25] =	ssyncadd.s32 $0xFFFFF800  }
0x58: {  	[spmem:s2] =	stream.indirect.scatter.add.f32 [tilespmem:s21], [sflag:$0x9], $0x10, s17, s20, $0xb8;
	[tilespmem:$0xE800] =	vst v63  }
0x59: {  	_ =	swait.ge [sflag:s28], $0x800  }
0x5a: {  	[sflag:s28] =	ssyncset.done $0x0  }
0x5b: {  	s4 =	simm.s32 $0x2880;
	[sflag:s28] =	ssyncadd.s32 $0xFFFFF800  }
0x5c: {  	[spmem:s2] =	stream.indirect.scatter.add.f32 [tilespmem:s22], [sflag:$0xA], $0x10, s4, s20, $0xb8;
	[tilespmem:$0xE800] =	vst v63  }
0x5d: {  	_ =	swait.ge [sflag:s30], $0x800  }
0x5e: {  	[sflag:s30] =	ssyncset.done $0x0  }
0x5f: {  	s17 =	simm.s32 $0x2900;
	[sflag:s30] =	ssyncadd.s32 $0xFFFFF800  }
0x60: {  	[spmem:s2] =	stream.indirect.scatter.add.f32 [tilespmem:s24], [sflag:$0xB], $0x10, s17, s20, $0xb8;
	[tilespmem:$0xE800] =	vst v63  }
0x61: {  	_ =	swait.ge [sflag:s1], $0x800  }
0x62: {  	[sflag:s1] =	ssyncset.done $0x0  }
0x63: {  	s4 =	simm.s32 $0x2980;
	[sflag:s1] =	ssyncadd.s32 $0xFFFFF800  }
0x64: {  	[spmem:s2] =	stream.indirect.scatter.add.f32 [tilespmem:s26], [sflag:$0xC], $0x10, s4, s20, $0xb8;
	[tilespmem:$0xE800] =	vst v63  }
0x65: {  	_ =	swait.ge [sflag:s19], $0x800  }
0x66: {  	[sflag:s19] =	ssyncset.done $0x0  }
0x67: {  	s17 =	simm.s32 $0x2A00;
	[sflag:s19] =	ssyncadd.s32 $0xFFFFF800  }
0x68: {  	[spmem:s2] =	stream.indirect.scatter.add.f32 [tilespmem:s29], [sflag:$0xD], $0x10, s17, s20, $0xb8;
	[tilespmem:$0xE800] =	vst v63  }
0x69: {  	_ =	swait.ge [sflag:s6], $0x800  }
0x6a: {  	[sflag:s6] =	ssyncset.done $0x0  }
0x6b: {  	s4 =	simm.s32 $0x2A80;
	[sflag:s6] =	ssyncadd.s32 $0xFFFFF800  }
0x6c: {  	[spmem:s2] =	stream.indirect.scatter.add.f32 [tilespmem:s31], [sflag:$0xE], $0x10, s4, s20, $0xb8;
	[tilespmem:$0xE800] =	vst v63  }
0x6d: {  	_ =	swait.ge [sflag:s7], $0x800  }
0x6e: {  	[sflag:s7] =	ssyncset.done $0x0  }
0x6f: {  	s17 =	simm.s32 $0x2B00;
	[sflag:s7] =	ssyncadd.s32 $0xFFFFF800  }
0x70: {  	[spmem:s2] =	stream.indirect.scatter.add.f32 [tilespmem:s0], [sflag:$0xF], $0x10, s17, s20, $0xb8;
	[tilespmem:$0xE800] =	vst v63  }
0x71: {  	_ =	swait.ge [sflag:s8], $0x800  }
0x72: {  	[sflag:s8] =	ssyncset.done $0x0  }
0x73: {  	s4 =	simm.s32 $0x2B80;
	[sflag:s8] =	ssyncadd.s32 $0xFFFFF800  }
0x74: {  	[spmem:s2] =	stream.indirect.scatter.add.f32 [tilespmem:s23], [sflag:$0x10], $0x10, s4, s20, $0xb8;
	[tilespmem:$0xE800] =	vst v63  }
0x75: {  	_ =	swait.ge [sflag:s9], $0x800  }
0x76: {  	[sflag:s9] =	ssyncset.done $0x0  }
0x77: {  	s17 =	simm.s32 $0x400;
	[sflag:s9] =	ssyncadd.s32 $0xFFFFF800  }
0x78: {  	[tilespmem:s21], [sflag:$0x1] =	stream.indirect.gather [spmem:s3], $0x10, s17, s20, $0xb8;
	[tilespmem:$0xE800] =	vst v63  }
0x79: {  	_ =	swait.ge [sflag:s10], $0x800  }
0x7a: {  	[sflag:s10] =	ssyncset.done $0x0  }
0x7b: {  	s4 =	simm.s32 $0x480;
	[sflag:s10] =	ssyncadd.s32 $0xFFFFF800  }
0x7c: {  	[tilespmem:s22], [sflag:$0x2] =	stream.indirect.gather [spmem:s3], $0x10, s4, s20, $0xb8;
	[tilespmem:$0xE800] =	vst v63  }
0x7d: {  	_ =	swait.ge [sflag:s11], $0x800  }
0x7e: {  	[sflag:s11] =	ssyncset.done $0x0  }
0x7f: {  	s17 =	simm.s32 $0x500;
	[sflag:s11] =	ssyncadd.s32 $0xFFFFF800  }
0x80: {  	[tilespmem:s24], [sflag:$0x3] =	stream.indirect.gather [spmem:s3], $0x10, s17, s20, $0xb8;
	[tilespmem:$0xE800] =	vst v63  }
0x81: {  	_ =	swait.ge [sflag:s12], $0x800  }
0x82: {  	[sflag:s12] =	ssyncset.done $0x0  }
0x83: {  	s4 =	simm.s32 $0x580;
	[sflag:s12] =	ssyncadd.s32 $0xFFFFF800  }
0x84: {  	[tilespmem:s26], [sflag:$0x4] =	stream.indirect.gather [spmem:s3], $0x10, s4, s20, $0xb8;
	[tilespmem:$0xE800] =	vst v63  }
0x85: {  	_ =	swait.ge [sflag:s13], $0x800  }
0x86: {  	[sflag:s13] =	ssyncset.done $0x0  }
0x87: {  	s17 =	simm.s32 $0x600;
	[sflag:s13] =	ssyncadd.s32 $0xFFFFF800  }
0x88: {  	[tilespmem:s29], [sflag:$0x5] =	stream.indirect.gather [spmem:s3], $0x10, s17, s20, $0xb8;
	[tilespmem:$0xE800] =	vst v63  }
0x89: {  	_ =	swait.ge [sflag:s14], $0x800  }
0x8a: {  	[sflag:s14] =	ssyncset.done $0x0  }
0x8b: {  	s4 =	simm.s32 $0x680;
	[sflag:s14] =	ssyncadd.s32 $0xFFFFF800  }
0x8c: {  	[tilespmem:s31], [sflag:$0x6] =	stream.indirect.gather [spmem:s3], $0x10, s4, s20, $0xb8;
	[tilespmem:$0xE800] =	vst v63  }
0x8d: {  	_ =	swait.ge [sflag:s18], $0x800  }
0x8e: {  	[sflag:s18] =	ssyncset.done $0x0  }
0x8f: {  	s17 =	simm.s32 $0x700;
	[sflag:s18] =	ssyncadd.s32 $0xFFFFF800  }
0x90: {  	[tilespmem:s0], [sflag:$0x7] =	stream.indirect.gather [spmem:s3], $0x10, s17, s20, $0xb8;
	[tilespmem:$0xE800] =	vst v63  }
0x91: {  	_ =	swait.ge [sflag:s5], $0x800  }
0x92: {  	[sflag:s5] =	ssyncset.done $0x0  }
0x93: {  	s15 =	simm.s32 $0x780;
	s17 =	simm.s32 $0x1000;
	[sflag:s5] =	ssyncadd.s32 $0xFFFFF800  }
.LBB2_4:
0x94: {  	[tilespmem:s23], [sflag:$0x8] =	stream.indirect.gather [spmem:s3], $0x10, s15, s20, $0xb8;
	[tilespmem:$0xE800] =	vst v63  }
0x95: {  	s15 =	smov.u32 s17  }
0x96: {  	p0 =	sne.s32 s17, $0x8000;
	s17 =	sadd.s32 $0x1000, s17;
	_ =	swait.ge [sflag:s25], $0x800  }
0x97: {  	s15 =	sshra.s32 s15, $0x2;
	[sflag:s25] =	ssyncset.done $0x0  }
0x98: {  	s4 =	sadd.s32 $0x2800, s15;
	[sflag:s25] =	ssyncadd.s32 $0xFFFFF800  }
0x99: {  	[spmem:s2] =	stream.indirect.scatter.add.f32 [tilespmem:s21], [sflag:$0x9], $0x10, s4, s20, $0xb8;
	[tilespmem:$0xE800] =	vst v63  }
0x9a: {  	_ =	swait.ge [sflag:s28], $0x800  }
0x9b: {  	[sflag:s28] =	ssyncset.done $0x0  }
0x9c: {  	s4 =	sadd.s32 $0x2880, s15;
	[sflag:s28] =	ssyncadd.s32 $0xFFFFF800  }
0x9d: {  	[spmem:s2] =	stream.indirect.scatter.add.f32 [tilespmem:s22], [sflag:$0xA], $0x10, s4, s20, $0xb8;
	[tilespmem:$0xE800] =	vst v63  }
0x9e: {  	_ =	swait.ge [sflag:s30], $0x800  }
0x9f: {  	[sflag:s30] =	ssyncset.done $0x0  }
0xa0: {  	s4 =	sadd.s32 $0x2900, s15;
	[sflag:s30] =	ssyncadd.s32 $0xFFFFF800  }
0xa1: {  	[spmem:s2] =	stream.indirect.scatter.add.f32 [tilespmem:s24], [sflag:$0xB], $0x10, s4, s20, $0xb8;
	[tilespmem:$0xE800] =	vst v63  }
0xa2: {  	_ =	swait.ge [sflag:s1], $0x800  }
0xa3: {  	[sflag:s1] =	ssyncset.done $0x0  }
0xa4: {  	s4 =	sadd.s32 $0x2980, s15;
	[sflag:s1] =	ssyncadd.s32 $0xFFFFF800  }
0xa5: {  	[spmem:s2] =	stream.indirect.scatter.add.f32 [tilespmem:s26], [sflag:$0xC], $0x10, s4, s20, $0xb8;
	[tilespmem:$0xE800] =	vst v63  }
0xa6: {  	_ =	swait.ge [sflag:s19], $0x800  }
0xa7: {  	[sflag:s19] =	ssyncset.done $0x0  }
0xa8: {  	s4 =	sadd.s32 $0x2A00, s15;
	[sflag:s19] =	ssyncadd.s32 $0xFFFFF800  }
0xa9: {  	[spmem:s2] =	stream.indirect.scatter.add.f32 [tilespmem:s29], [sflag:$0xD], $0x10, s4, s20, $0xb8;
	[tilespmem:$0xE800] =	vst v63  }
0xaa: {  	_ =	swait.ge [sflag:s6], $0x800  }
0xab: {  	[sflag:s6] =	ssyncset.done $0x0  }
0xac: {  	s4 =	sadd.s32 $0x2A80, s15;
	[sflag:s6] =	ssyncadd.s32 $0xFFFFF800  }
0xad: {  	[spmem:s2] =	stream.indirect.scatter.add.f32 [tilespmem:s31], [sflag:$0xE], $0x10, s4, s20, $0xb8;
	[tilespmem:$0xE800] =	vst v63  }
0xae: {  	_ =	swait.ge [sflag:s7], $0x800  }
0xaf: {  	[sflag:s7] =	ssyncset.done $0x0  }
0xb0: {  	s4 =	sadd.s32 $0x2B00, s15;
	[sflag:s7] =	ssyncadd.s32 $0xFFFFF800  }
0xb1: {  	[spmem:s2] =	stream.indirect.scatter.add.f32 [tilespmem:s0], [sflag:$0xF], $0x10, s4, s20, $0xb8;
	[tilespmem:$0xE800] =	vst v63  }
0xb2: {  	_ =	swait.ge [sflag:s8], $0x800  }
0xb3: {  	[sflag:s8] =	ssyncset.done $0x0  }
0xb4: {  	s4 =	sadd.s32 $0x2B80, s15;
	[sflag:s8] =	ssyncadd.s32 $0xFFFFF800  }
0xb5: {  	[spmem:s2] =	stream.indirect.scatter.add.f32 [tilespmem:s23], [sflag:$0x10], $0x10, s4, s20, $0xb8;
	[tilespmem:$0xE800] =	vst v63  }
0xb6: {  	_ =	swait.ge [sflag:s9], $0x800  }
0xb7: {  	[sflag:s9] =	ssyncset.done $0x0  }
0xb8: {  	s4 =	sadd.s32 $0x400, s15;
	[sflag:s9] =	ssyncadd.s32 $0xFFFFF800  }
0xb9: {  	[tilespmem:s21], [sflag:$0x1] =	stream.indirect.gather [spmem:s3], $0x10, s4, s20, $0xb8;
	[tilespmem:$0xE800] =	vst v63  }
0xba: {  	_ =	swait.ge [sflag:s10], $0x800  }
0xbb: {  	[sflag:s10] =	ssyncset.done $0x0  }
0xbc: {  	s4 =	sadd.s32 $0x480, s15;
	[sflag:s10] =	ssyncadd.s32 $0xFFFFF800  }
0xbd: {  	[tilespmem:s22], [sflag:$0x2] =	stream.indirect.gather [spmem:s3], $0x10, s4, s20, $0xb8;
	[tilespmem:$0xE800] =	vst v63  }
0xbe: {  	_ =	swait.ge [sflag:s11], $0x800  }
0xbf: {  	[sflag:s11] =	ssyncset.done $0x0  }
0xc0: {  	s4 =	sadd.s32 $0x500, s15;
	[sflag:s11] =	ssyncadd.s32 $0xFFFFF800  }
0xc1: {  	[tilespmem:s24], [sflag:$0x3] =	stream.indirect.gather [spmem:s3], $0x10, s4, s20, $0xb8;
	[tilespmem:$0xE800] =	vst v63  }
0xc2: {  	_ =	swait.ge [sflag:s12], $0x800  }
0xc3: {  	[sflag:s12] =	ssyncset.done $0x0  }
0xc4: {  	s4 =	sadd.s32 $0x580, s15;
	[sflag:s12] =	ssyncadd.s32 $0xFFFFF800  }
0xc5: {  	[tilespmem:s26], [sflag:$0x4] =	stream.indirect.gather [spmem:s3], $0x10, s4, s20, $0xb8;
	[tilespmem:$0xE800] =	vst v63  }
0xc6: {  	_ =	swait.ge [sflag:s13], $0x800  }
0xc7: {  	[sflag:s13] =	ssyncset.done $0x0  }
0xc8: {  	s4 =	sadd.s32 $0x600, s15;
	[sflag:s13] =	ssyncadd.s32 $0xFFFFF800  }
0xc9: {  	[tilespmem:s29], [sflag:$0x5] =	stream.indirect.gather [spmem:s3], $0x10, s4, s20, $0xb8;
	[tilespmem:$0xE800] =	vst v63  }
0xca: {  	_ =	swait.ge [sflag:s14], $0x800  }
0xcb: {  	[sflag:s14] =	ssyncset.done $0x0  }
0xcc: {  	s4 =	sadd.s32 $0x680, s15;
	[sflag:s14] =	ssyncadd.s32 $0xFFFFF800  }
0xcd: {  	[tilespmem:s31], [sflag:$0x6] =	stream.indirect.gather [spmem:s3], $0x10, s4, s20, $0xb8;
	[tilespmem:$0xE800] =	vst v63  }
0xce: {  	_ =	swait.ge [sflag:s18], $0x800  }
0xcf: {  	[sflag:s18] =	ssyncset.done $0x0  }
.Ltmp1:
0xd0: {  	s4 =	sadd.s32 $0x700, s15;
	[sflag:s18] =	ssyncadd.s32 $0xFFFFF800;
	(pc) =	sbr.rel @p0 .LBB2_4-.Ltmp1, $4  }
0xd1: {  	[tilespmem:s0], [sflag:$0x7] =	stream.indirect.gather [spmem:s3], $0x10, s4, s20, $0xb8;
	[tilespmem:$0xE800] =	vst v63  }
0xd2: {  	_ =	swait.ge [sflag:s5], $0x800  }
0xd3: {  	[sflag:s5] =	ssyncset.done $0x0  }
0xd4: {  	s15 =	sadd.s32 $0x780, s15;
	[sflag:s5] =	ssyncadd.s32 $0xFFFFF800  }
0xd5: {  	[tilespmem:s23], [sflag:$0x8] =	stream.indirect.gather [spmem:s3], $0x10, s15, s20, $0xb8;
	[tilespmem:$0xE800] =	vst v63  }
0xd6: {  	_ =	swait.ge [sflag:s25], $0x800  }
0xd7: {  	[sflag:s25] =	ssyncset.done $0x0  }
0xd8: {  	s4 =	simm.s32 $0x4C00;
	[sflag:s25] =	ssyncadd.s32 $0xFFFFF800  }
0xd9: {  	[spmem:s2] =	stream.indirect.scatter.add.f32 [tilespmem:s21], [sflag:$0x9], $0x10, s4, s20, $0xb8;
	[tilespmem:$0xE800] =	vst v63  }
0xda: {  	_ =	swait.ge [sflag:s28], $0x800  }
0xdb: {  	[sflag:s28] =	ssyncset.done $0x0  }
0xdc: {  	s15 =	simm.s32 $0x4C80;
	[sflag:s28] =	ssyncadd.s32 $0xFFFFF800  }
0xdd: {  	[spmem:s2] =	stream.indirect.scatter.add.f32 [tilespmem:s22], [sflag:$0xA], $0x10, s15, s20, $0xb8;
	[tilespmem:$0xE800] =	vst v63  }
0xde: {  	_ =	swait.ge [sflag:s30], $0x800  }
0xdf: {  	[sflag:s30] =	ssyncset.done $0x0  }
0xe0: {  	s17 =	simm.s32 $0x4D00;
	[sflag:s30] =	ssyncadd.s32 $0xFFFFF800  }
0xe1: {  	[spmem:s2] =	stream.indirect.scatter.add.f32 [tilespmem:s24], [sflag:$0xB], $0x10, s17, s20, $0xb8;
	[tilespmem:$0xE800] =	vst v63  }
0xe2: {  	_ =	swait.ge [sflag:s1], $0x800  }
0xe3: {  	[sflag:s1] =	ssyncset.done $0x0  }
0xe4: {  	s15 =	simm.s32 $0x4D80;
	[sflag:s1] =	ssyncadd.s32 $0xFFFFF800  }
0xe5: {  	[spmem:s2] =	stream.indirect.scatter.add.f32 [tilespmem:s26], [sflag:$0xC], $0x10, s15, s20, $0xb8;
	[tilespmem:$0xE800] =	vst v63  }
0xe6: {  	_ =	swait.ge [sflag:s19], $0x800  }
0xe7: {  	[sflag:s19] =	ssyncset.done $0x0  }
0xe8: {  	s17 =	simm.s32 $0x4E00;
	[sflag:s19] =	ssyncadd.s32 $0xFFFFF800  }
0xe9: {  	[spmem:s2] =	stream.indirect.scatter.add.f32 [tilespmem:s29], [sflag:$0xD], $0x10, s17, s20, $0xb8;
	[tilespmem:$0xE800] =	vst v63  }
0xea: {  	_ =	swait.ge [sflag:s6], $0x800  }
0xeb: {  	[sflag:s6] =	ssyncset.done $0x0  }
0xec: {  	s15 =	simm.s32 $0x4E80;
	[sflag:s6] =	ssyncadd.s32 $0xFFFFF800  }
0xed: {  	[spmem:s2] =	stream.indirect.scatter.add.f32 [tilespmem:s31], [sflag:$0xE], $0x10, s15, s20, $0xb8;
	[tilespmem:$0xE800] =	vst v63  }
0xee: {  	_ =	swait.ge [sflag:s7], $0x800  }
0xef: {  	[sflag:s7] =	ssyncset.done $0x0  }
0xf0: {  	s17 =	simm.s32 $0x4F00;
	[sflag:s7] =	ssyncadd.s32 $0xFFFFF800  }
0xf1: {  	[spmem:s2] =	stream.indirect.scatter.add.f32 [tilespmem:s0], [sflag:$0xF], $0x10, s17, s20, $0xb8;
	[tilespmem:$0xE800] =	vst v63  }
0xf2: {  	_ =	swait.ge [sflag:s8], $0x800  }
0xf3: {  	[sflag:s8] =	ssyncset.done $0x0  }
0xf4: {  	s15 =	simm.s32 $0x4F80;
	[sflag:s8] =	ssyncadd.s32 $0xFFFFF800  }
0xf5: {  	[spmem:s2] =	stream.indirect.scatter.add.f32 [tilespmem:s23], [sflag:$0x10], $0x10, s15, s20, $0xb8;
	[tilespmem:$0xE800] =	vst v63  }
0xf6: {  	_ =	swait.ge [sflag:s9], $0x800  }
0xf7: {  	[sflag:s9] =	ssyncset.done $0x0  }
0xf8: {  	[sflag:s9] =	ssyncadd.s32 $0xFFFFF800  }
0xf9: {  	_ =	swait.ge [sflag:s10], $0x800  }
0xfa: {  	[sflag:s10] =	ssyncset.done $0x0  }
0xfb: {  	[sflag:s10] =	ssyncadd.s32 $0xFFFFF800  }
0xfc: {  	_ =	swait.ge [sflag:s11], $0x800  }
0xfd: {  	[sflag:s11] =	ssyncset.done $0x0  }
0xfe: {  	[sflag:s11] =	ssyncadd.s32 $0xFFFFF800  }
0xff: {  	_ =	swait.ge [sflag:s12], $0x800  }
0x100: {  	[sflag:s12] =	ssyncset.done $0x0  }
0x101: {  	[sflag:s12] =	ssyncadd.s32 $0xFFFFF800  }
0x102: {  	_ =	swait.ge [sflag:s13], $0x800  }
0x103: {  	[sflag:s13] =	ssyncset.done $0x0  }
0x104: {  	[sflag:s13] =	ssyncadd.s32 $0xFFFFF800  }
0x105: {  	_ =	swait.ge [sflag:s14], $0x800  }
0x106: {  	[sflag:s14] =	ssyncset.done $0x0  }
0x107: {  	[sflag:s14] =	ssyncadd.s32 $0xFFFFF800  }
0x108: {  	_ =	swait.ge [sflag:s18], $0x800  }
0x109: {  	[sflag:s18] =	ssyncset.done $0x0  }
0x10a: {  	[sflag:s18] =	ssyncadd.s32 $0xFFFFF800  }
0x10b: {  	_ =	swait.ge [sflag:s5], $0x800  }
0x10c: {  	[sflag:s5] =	ssyncset.done $0x0  }
0x10d: {  	[sflag:s5] =	ssyncadd.s32 $0xFFFFF800  }
0x10e: {  	[bflag:$0x0] =	sbarrier.arrive $0xFFFF  }
0x10f: {  	s17 =	rddreg [dreg:$0x5]  }
0x110: {  	s15 =	rddreg [dreg:$0xd]  }
0x111: {  	s4 =	sshrl.u32 s17, $0x3;
	s17 =	rddreg [dreg:$0xf]  }
0x112: {  	[hbm:s15], [sflag:s17] =	dma.local [spmem:s4], $0x500  }
0x113: {  	_ =	swait.ge [sflag:s16], $0x500  }
0x114: {  	s15 =	rddreg [dreg:$0x4]  }
0x115: {  	s17 =	rddreg [dreg:$0xe];
	s4 =	sadd.s32 $0x1, s15  }
0x116: {  	p0 =	sne.s32 s4, s17  }
.Ltmp2:
0x117: {  	_ = 	snop;
	(pc) =	sbr.rel @p0 .LBB2_1-.Ltmp2, $3  }
0x118: {  	_ =	sdelay $0x1  }
0x119: {  	[sflag:s16] =	ssyncset.done $0x0  }
0x11a: {  	[sflag:s16] =	ssyncadd.s32 $0xFFFFFB00  }
0x11b: {  	_ =	sfence.sel $0x180000  }
0x11c: {  	[bflag:$0x0] =	sbarrier.arrive $0xFFFF  }
0x11d: {  	_ =	strace $0x9000004D  }
0x11e: {  	s0 =	stileid.u32;
	[bflag:$0x2] =	sbarrier.arrive $0xFFFF  }
0x11f: {  	p0 =	sne.s32 s0, $0x0;
	s0 =	rddreg [dreg:$0x3]  }
0x120: {  	s0 =	sadd.s32 @!p0 $0x100000, s0  }
0x121: {  	[sflag:s0] =	ssyncadd.tile.s32 @!p0 $0x1;
	_ =	shalt  }
.Lfunc_end2:
_tile_overlayer_lowered:
.L_overlay_start_2:
0x122: {  	(tag) =	ssettag $0x2  }
0x123: {  	s0 =	rddreg [dreg:$0x0];
	s2 =	stileid.u32  }
0x124: {  	s1 =	rddreg [dreg:$0x1];
	p0 =	sne.s32 s2, $0x0  }
0x125: {  	s3 =	rddreg [dreg:$0x2];
	[bflag:$0x3] =	sbarrier.arrive $0xFFFF;
	s2 =	simm.s32 @!p0 $0x1C11  }
0x126: {  	[timem:s3], [sflag:s2] =	dma.local @!p0 [hbm:s0], s1  }
0x127: {  	s0 =	simm.s32 @!p0 $0x11  }
0x128: {  	_ =	swait.ge @!p0 [sflag:s0], s1  }
0x129: {  	s1 =	ssub.s32 @!p0 $0x0, s1;
	[sflag:s0] =	ssyncset.done @!p0 $0x0  }
0x12a: {  	[sflag:s0] =	ssyncadd.s32 @!p0 s1  }
0x12b: {  	[bflag:$0x3] =	sbarrier.arrive $0xFFFF  }
0x12c: {  	_ =	shalt  }

// kernel: kernel.8.cloned.1.call-start
scs
__scs_entry_jumppad:
0x0: {  	(pc) =	sbr.rel $0x88, $3  }
0x1: {  	(tag) =	ssettag $0x0;
	lr =	simm.s32 $0x1  }
0x2: {  	[smem:$0x3F9B] =	sst lr;
	_ =	strace $0xD0000000  }
0x3: {  	_ = 	snop  }
0x4: {  	_ = 	snop  }
0x5: {  	_ = 	snop  }
0x6: {  	_ = 	snop  }
0x7: {  	_ = 	snop  }
__scs_overlays_trampoline_lowered:
0x8: {  	[smem:$0x3FAA] =	sst s0  }
0x9: {  	[smem:$0x3FAB] =	sst s1  }
0xa: {  	[smem:$0x3FAC] =	sst s2  }
0xb: {  	[smem:$0x3FAD] =	sst s3  }
0xc: {  	[smem:$0x3FAE] =	sst s4  }
0xd: {  	[smem:$0x3FAF] =	sst s5  }
0xe: {  	[smem:$0x3FB0] =	sst s6  }
0xf: {  	[smem:$0x3FB1] =	sst s7  }
0x10: {  	[smem:$0x3FB2] =	sst s8  }
0x11: {  	[smem:$0x3FB3] =	sst s9;
	s0 =	simm.s32 @!p0 $0x0  }
0x12: {  	s1 =	sld [smem:$0x3F99];
	s0 =	simm.s32 @p0 $0x1  }
0x13: {  	[smem:$0x3FB4] =	sst s0;
	s0 =	simm.s32 @!p1 $0x0  }
0x14: {  	s2 =	sld [smem:$0x3F98];
	s0 =	simm.s32 @p1 $0x1  }
0x15: {  	[smem:$0x3FB5] =	sst s0;
	s0 =	simm.s32 @!p2 $0x0  }
0x16: {  	s3 =	sld [smem:$0x3FDB];
	s0 =	simm.s32 @p2 $0x1  }
0x17: {  	s4 =	simm.s32 $0x1BF5;
	[smem:$0x3FB7] =	sst s0  }
0x18: {  	s0 =	sld [smem:$0x3F9A];
	_ =	swait.ge [sflag:s4], $0x0  }
0x19: {  	s7 =	sld [smem:$0x3F9B]  }
0x1a: {  	s8 =	sadd.s32 $0xFFFFE003, lr  }
0x1b: {  	s9 =	sadd.s32 $0xFFFFFEF7, lr;
	s5 =	simm.s32 $0xFFFFFFFF;
	p2 =	slt.u32 s8, $0xFFFFF086  }
0x1c: {  	p1 =	slt.u32 s9, $0xF7A;
	s5 =	simm.s32 @!p2 $0x0  }
0x1d: {  	s5 =	simm.s32 @p1 $0x1;
	p0 =	seq.s32 s7, s2  }
0x1e: {  	s7 =	smul.u32 @!p0 $0xF7A, s2;
	p2 =	seq.s32 @!p0 s5, $0x0  }
0x1f: {  	s9 =	smul.u32 $0xF7A, s1;
	s8 =	simm.s32 @!p0 $0x1BF5;
	p2 =	por !p2, p0  }
0x20: {  	[sflag:s8] =	ssyncset.s32 @!p0 $0xFFFFF086;
	s6 =	sadd.s32 @!p0 s3, s7;
	s7 =	simm.s32 @!p0 $0x108  }
0x21: {  	s3 =	sadd.s32 s3, s9;
	s6 =	sadd.s32 @!p0 $0x88, s6;
	s7 =	simm.s32 @p2 $0x1082  }
0x22: {  	[simem:s7], [sflag:s8] =	dma.local @!p0 [hbm:s6], $0xF7A  }
0x23: {  	s9 =	sor.u32 $0xD0000000, s2;
	s6 =	simm.s32 $0x108;
	_ =	swait.ge @!p0 [sflag:s8], $0x0  }
0x24: {  	s3 =	sadd.s32 $0x88, s3;
	s6 =	simm.s32 @!p1 $0x1082;
	[sflag:s4] =	ssyncset.s32 $0xFFFFF086  }
0x25: {  	[simem:s6], [sflag:s4] =	dma.local [hbm:s3], $0xF7A  }
0x26: {  	[smem:$0x3F9B] =	sst s1;
	(tag) =	ssettag s2;
	_ =	strace s9  }
0x27: {  	s1 =	sld [smem:$0x3FAB]  }
0x28: {  	s2 =	sld [smem:$0x3FAC]  }
0x29: {  	s4 =	sld [smem:$0x3FAE]  }
0x2a: {  	p0 =	seq.s32 s5, $0x0;
	s5 =	sld [smem:$0x3FAF]  }
0x2b: {  	s6 =	sld [smem:$0x3FB0]  }
0x2c: {  	s7 =	sld [smem:$0x3FB1]  }
0x2d: {  	s3 =	simm.s32 $0x108;
	s8 =	sld [smem:$0x3FB2]  }
0x2e: {  	s3 =	simm.s32 @!p0 $0x1082;
	s9 =	sld [smem:$0x3FB3]  }
0x2f: {  	lr =	sadd.s32 s0, s3;
	s0 =	sld [smem:$0x3FAA]  }
0x30: {  	s3 =	sld [smem:$0x3FAD]  }
0x31: {  	[smem:$0x3FB6] =	sst s10  }
0x32: {  	s10 =	sld [smem:$0x3FB4];
	_ =	sdelay $0x3  }
0x33: {  	p0 =	seq.s32 s10, $0x1;
	s10 =	sld [smem:$0x3FB6];
	_ =	sdelay $0x3  }
0x34: {  	[smem:$0x3FB6] =	sst s10  }
0x35: {  	s10 =	sld [smem:$0x3FB5];
	_ =	sdelay $0x3  }
0x36: {  	p1 =	seq.s32 s10, $0x1;
	s10 =	sld [smem:$0x3FB6];
	_ =	sdelay $0x3  }
0x37: {  	[smem:$0x3FB6] =	sst s10  }
0x38: {  	s10 =	sld [smem:$0x3FB7]  }
0x39: {  	_ = 	snop;
	(pc) =	sbr.ind lr, $3  }
0x3a: {  	_ = 	snop  }
0x3b: {  	_ = 	snop  }
0x3c: {  	p2 =	seq.s32 s10, $0x1;
	s10 =	sld [smem:$0x3FB6]  }
0x3d: {  	_ =	shalt  }
0x3e: {  	_ =	shalt  }
0x3f: {  	_ =	shalt  }
0x40: {  	_ =	shalt  }
0x41: {  	_ =	shalt  }
0x42: {  	_ =	shalt  }
0x43: {  	_ =	shalt  }
0x44: {  	_ =	shalt  }
0x45: {  	_ =	shalt  }
0x46: {  	_ =	shalt  }
0x47: {  	_ =	shalt  }
0x48: {  	_ =	shalt  }
0x49: {  	_ =	shalt  }
0x4a: {  	_ =	shalt  }
0x4b: {  	_ =	shalt  }
0x4c: {  	_ =	shalt  }
0x4d: {  	_ =	shalt  }
0x4e: {  	_ =	shalt  }
0x4f: {  	_ =	shalt  }
0x50: {  	_ =	shalt  }
0x51: {  	_ =	shalt  }
0x52: {  	_ =	shalt  }
0x53: {  	_ =	shalt  }
0x54: {  	_ =	shalt  }
0x55: {  	_ =	shalt  }
0x56: {  	_ =	shalt  }
0x57: {  	_ =	shalt  }
0x58: {  	_ =	shalt  }
0x59: {  	_ =	shalt  }
0x5a: {  	_ =	shalt  }
0x5b: {  	_ =	shalt  }
0x5c: {  	_ =	shalt  }
0x5d: {  	_ =	shalt  }
0x5e: {  	_ =	shalt  }
0x5f: {  	_ =	shalt  }
0x60: {  	_ =	shalt  }
0x61: {  	_ =	shalt  }
0x62: {  	_ =	shalt  }
0x63: {  	_ =	shalt  }
0x64: {  	_ =	shalt  }
0x65: {  	_ =	shalt  }
0x66: {  	_ =	shalt  }
0x67: {  	_ =	shalt  }
0x68: {  	_ =	shalt  }
0x69: {  	_ =	shalt  }
0x6a: {  	_ =	shalt  }
0x6b: {  	_ =	shalt  }
0x6c: {  	_ =	shalt  }
0x6d: {  	_ =	shalt  }
0x6e: {  	_ =	shalt  }
0x6f: {  	_ =	shalt  }
0x70: {  	_ =	shalt  }
0x71: {  	_ =	shalt  }
0x72: {  	_ =	shalt  }
0x73: {  	_ =	shalt  }
0x74: {  	_ =	shalt  }
0x75: {  	_ =	shalt  }
0x76: {  	_ =	shalt  }
0x77: {  	_ =	shalt  }
0x78: {  	_ =	shalt  }
0x79: {  	_ =	shalt  }
0x7a: {  	_ =	shalt  }
0x7b: {  	_ =	shalt  }
0x7c: {  	_ =	shalt  }
0x7d: {  	_ =	shalt  }
0x7e: {  	_ =	shalt  }
0x7f: {  	_ =	shalt  }
0x80: {  	_ =	shalt  }
0x81: {  	_ =	shalt  }
0x82: {  	_ =	shalt  }
0x83: {  	_ =	shalt  }
0x84: {  	_ =	shalt  }
0x85: {  	_ =	shalt  }
0x86: {  	_ =	shalt  }
0x87: {  	_ =	shalt  }
.Lfunc_end0:
.L_simem_size_0:
called_computation_lowered:
.L_overlay_start_0:
0x88: {  	s2 =	sld [smem:$0x3FD9]  }
0x89: {  	s3 =	sld [smem:$0x3FFE];
	_ =	sdelay $0x1  }
0x8a: {  	s1 =	srdreg.scid  }
0x8b: {  	s0 =	sand.u32 $0x1, s1  }
0x8c: {  	s16 =	sshll.u32 s0, $0xA;
	s2 =	sadd.s32 s3, s2  }
0x8d: {  	s2 =	sadd.s32 s2, s16  }
0x8e: {  	[smem:$0x3FC2] =	sst s2  }
0x8f: {  	_ = 	snop  }
0x90: {  	(tm) =	ssettm $0x1  }
0x91: {  	s17 =	sld [smem:$0x3FFB];
	_ =	sdelay $0x3  }
0x92: {  	_ =	strace s17  }
0x93: {  	s2 =	sld [smem:$0x3FFC];
	_ =	sdelay $0x3  }
0x94: {  	_ =	strace s2  }
0x95: {  	s2 =	sld [smem:$0x3FFD];
	_ =	sdelay $0x3  }
0x96: {  	_ =	strace s2  }
0x97: {  	_ =	strace $0x8FFFFFFF  }
0x98: {  	s18 =	sld [smem:$0x3FDB];
	_ =	sdelay $0x1  }
0x99: {  	s19 =	simm.s32 $_scs_section_size  }
0x9a: {  	s4 =	simm.s32 $_size__tile_overlayer_lowered;
	s5 =	simm.s32 $_tile_overlayer_lowered  }
0x9b: {  	s22 =	simm.s32 $0x1BFF;
	s21 =	sshll.u32 s5, $0x1;
	s2 =	sadd.s32 s19, s18  }
0x9c: {  	s6 =	simm.s32 $0x0;
	s20 =	sshll.u32 s4, $0x1;
	s4 =	sadd.s32 s21, s2  }
0x9d: {  	[timem:s6], [sflag:s22] =	dma.local [hbm:s4], s20  }
0x9e: {  	_ =	swait.ge [sflag:s22], s20  }
0x9f: {  	s3 =	ssub.s32 $0x0, s20;
	[sflag:s22] =	ssyncset.done $0x0  }
0xa0: {  	[sflag:s22] =	ssyncadd.s32 s3;
	_ =	sdelay $0x1  }
0xa1: {  	s23 =	simm.s32 $0x1B8B  }
0xa2: {  	_ =	swait.ge [sflag:s23], $0x1  }
0xa3: {  	[sflag:s23] =	ssyncset.done $0x0  }
0xa4: {  	s25 =	simm.s32 $0x1B8E;
	s24 =	sld [smem:$0x3FFE];
	[sflag:s23] =	ssyncadd.s32 $0xFFFFFFFF  }
0xa5: {  	s26 =	simm.s32 $execute0_lowered;
	[smem:$0x3FD2] =	sst s25  }
0xa6: {  	s4 =	sshll.u32 s26, $0x1;
	_ =	strace $0x80000046;
	[dreg:$0x1] =	wrdreg $0xFFFFFFFF  }
0xa7: {  	s28 =	simm.s32 $_size_execute0_lowered;
	s2 =	sadd.s32 s2, s4;
	[dreg:$0x0] =	wrdreg $0x0  }
0xa8: {  	s4 =	sshll.u32 s28, $0x1;
	[dreg:$0x2] =	wrdreg s2  }
0xa9: {  	[dreg:$0x3] =	wrdreg s4  }
0xaa: {  	[dreg:$0x4] =	wrdreg $0xC0  }
0xab: {  	_ =	task [dreg:s6], $0x5FFFF  }
0xac: {  	[dreg:$0x1] =	wrdreg $0xFFFFFFFF  }
0xad: {  	[dreg:$0x0] =	wrdreg $0x60  }
0xae: {  	[dreg:$0x2] =	wrdreg s24  }
0xaf: {  	[dreg:$0x3] =	wrdreg $0x2B000  }
0xb0: {  	[dreg:$0x4] =	wrdreg $0x9  }
0xb1: {  	_ =	task.clear_ibuf [dreg:s6], $0x5FFFF;
	_ =	strace $0x90000046  }
0xb2: {  	s29 =	simm.s32 $0x9;
	_ =	strace $0x80000048  }
0xb3: {  	_ =	swait.ge [sflag:s29], $0x1  }
0xb4: {  	[sflag:s29] =	ssyncadd.s32 $0xFFFFFFFF  }
0xb5: {  	_ =	strace $0x90000048  }
0xb6: {  	_ =	sfence  }
0xb7: {  	s30 =	sld [smem:$0x0];
	_ =	sdelay $0x2  }
0xb8: {  	s31 =	sshll.u32 s1, $0xD;
	s1 =	sshrl.u32 s1, $0x2  }
0xb9: {  	s3 =	sand.u32 $0x4000, s31;
	s1 =	sadd.s32 s1, s30  }
0xba: {  	s0 =	sor.u32 s3, s0;
	s1 =	sshll.u32 s1, $0x11  }
0xbb: {  	s0 =	sor.u32 s1, s0  }
0xbc: {  	s0 =	sadd.s32 $0x8F2B, s0  }
0xbd: {  	[sflag:s0] =	ssyncadd.remote.s32 $0x1  }
0xbe: {  	_ =	sfence.sel $0xFFFF  }
0xbf: {  	[dreg:$0x0] =	wrdreg $0xFFFFFFFF;
	(pc) =	sbr.abs _section_cstart, $3  }
0xc0: {  	[dreg:$0x1] =	wrdreg $0xFFFFFFFF  }
0xc1: {  	_ =	task.clear_ibuf [dreg:s6], $0x2FFFF;
	_ =	strace $0x9FFFFFFF  }
0xc2: {  	(tm) =	ssettm $0x7FFFFFFF  }
0xc3: {  	_ =	shalt  }
tec
execute0_lowered:
.L_overlay_start_1:
0x0: {  	(tag) =	ssettag $0x1  }
0x1: {  	s0 =	rddreg [dreg:$0x0];
	s1 =	srdreg.scid  }
0x2: {  	s2 =	rddreg [dreg:$0x1];
	s6 =	stileid.u32;
	s3 =	simm.s32 $0x0  }
0x3: {  	s9 =	simm.s32 $0x2;
	s10 =	simm.s32 $0x80;
	s11 =	simm.s32 $0x2800  }
0x4: {  	s29 =	simm.s32 $0x1;
	s31 =	simm.s32 $0x1F00;
	s8 =	simm.s32 $0x2000  }
0x5: {  	s12 =	simm.s32 $0x2100;
	s13 =	simm.s32 $0x2180;
	s14 =	simm.s32 $0x2200  }
0x6: {  	s15 =	simm.s32 $0x2280;
	s16 =	simm.s32 $0x2300;
	s17 =	simm.s32 $0x2380  }
0x7: {  	s18 =	simm.s32 $0x2400;
	s19 =	simm.s32 $0x2480;
	s20 =	simm.s32 $0x2500  }
0x8: {  	s21 =	simm.s32 $0x2580;
	s22 =	simm.s32 $0x2600;
	s23 =	simm.s32 $0x2680  }
0x9: {  	s24 =	simm.s32 $0x2700;
	s1 =	sand.u32 $0x1, s1;
	s5 =	smul.u32 $0x280, s6  }
0xa: {  	s25 =	simm.s32 $0x2780;
	s4 =	sshll.u32 s1, $0x4;
	s26 =	smul.u32 $0x2800, s1  }
0xb: {  	[smem:$0x7FF] =	sst s3;
	s1 =	ssub.s32 $0x2, s1;
	s4 =	sor.u32 s6, s4  }
0xc: {  	s30 =	sshrl.u32 s1, $0x1;
	s4 =	smul.u32 $0x500, s4;
	s6 =	sadd.s32 s5, s26  }
0xd: {  	_ =	strace $0x80000047;
	s1 =	ssub.s32 s1, s30;
	s28 =	sshrl.u32 s6, $0x3  }
0xe: {  	s26 =	simm.s32 $0x0;
	s7 =	sadd.s32 s4, s0;
	s0 =	sadd.s32 s28, s0  }
0xf: {  	s4 =	sadd.s32 s5, s2;
	s5 =	sadd.s32 $0x1A00, s7;
	s6 =	sadd.s32 $0xBA00, s0  }
0x10: {  	v0 =	vimm.f32 $0.0e+00;
	v1 =	vimm.f32 $1.000000000e+00;
	s7 =	smax.u32 s1, $0x1;
	s0 =	simm.s32 $0x1F80;
	s1 =	simm.s32 $0x2080  }
.LBB2_1:
0x11: {  	[tilespmem:$0x2880] =	vst v0  }
0x12: {  	[tilespmem:$0x2890] =	vst v0  }
0x13: {  	[tilespmem:$0x28A0] =	vst v0  }
0x14: {  	[tilespmem:$0x28B0] =	vst v0  }
0x15: {  	[tilespmem:$0x28C0] =	vst v0  }
0x16: {  	[tilespmem:$0x28D0] =	vst v0  }
0x17: {  	[tilespmem:$0x28E0] =	vst v0  }
0x18: {  	[tilespmem:$0x28F0] =	vst v0  }
0x19: {  	[tilespmem:$0x2900] =	vst v0  }
0x1a: {  	[tilespmem:$0x2910] =	vst v0  }
0x1b: {  	[tilespmem:$0x2920] =	vst v0  }
0x1c: {  	[tilespmem:$0x2930] =	vst v0  }
0x1d: {  	[tilespmem:$0x2940] =	vst v0  }
0x1e: {  	[tilespmem:$0x2950] =	vst v0  }
0x1f: {  	[tilespmem:$0x2960] =	vst v0  }
0x20: {  	[tilespmem:$0x2970] =	vst v0  }
0x21: {  	[tilespmem:$0x2980] =	vst v0  }
0x22: {  	[tilespmem:$0x2990] =	vst v0  }
0x23: {  	[tilespmem:$0x29A0] =	vst v0  }
0x24: {  	[tilespmem:$0x29B0] =	vst v0  }
0x25: {  	[tilespmem:$0x29C0] =	vst v0  }
0x26: {  	[tilespmem:$0x29D0] =	vst v0  }
0x27: {  	[tilespmem:$0x29E0] =	vst v0  }
0x28: {  	[tilespmem:$0x29F0] =	vst v0  }
0x29: {  	[tilespmem:$0x2A00] =	vst v0  }
0x2a: {  	[tilespmem:$0x2A10] =	vst v0  }
0x2b: {  	[tilespmem:$0x2A20] =	vst v0  }
0x2c: {  	[tilespmem:$0x2A30] =	vst v0  }
0x2d: {  	[tilespmem:$0x2A40] =	vst v0  }
0x2e: {  	[tilespmem:$0x2A50] =	vst v0  }
0x2f: {  	[tilespmem:$0x2A60] =	vst v0  }
0x30: {  	[tilespmem:$0x2A70] =	vst v0  }
0x31: {  	[tilespmem:$0x2A80] =	vst v0  }
0x32: {  	[tilespmem:$0x2A90] =	vst v0  }
0x33: {  	[tilespmem:$0x2AA0] =	vst v0  }
0x34: {  	[tilespmem:$0x2AB0] =	vst v0  }
0x35: {  	[tilespmem:$0x2AC0] =	vst v0  }
0x36: {  	[tilespmem:$0x2AD0] =	vst v0  }
0x37: {  	[tilespmem:$0x2AE0] =	vst v0  }
0x38: {  	[tilespmem:$0x2AF0] =	vst v0  }
0x39: {  	[tilespmem:$0x2800] =	vst v1  }
0x3a: {  	[tilespmem:$0x2810] =	vst v1  }
0x3b: {  	[tilespmem:$0x2820] =	vst v1  }
0x3c: {  	[tilespmem:$0x2830] =	vst v1  }
0x3d: {  	[tilespmem:$0x2840] =	vst v1  }
0x3e: {  	[tilespmem:$0x2850] =	vst v1  }
0x3f: {  	[tilespmem:$0x2860] =	vst v1  }
0x40: {  	[tilespmem:$0x2870] =	vst v1;
	s28 =	simm.s32 $0x2880  }
0x41: {  	[spmem:s4] =	stream.linear.scatter [tilespmem:s28], [sflag:$0x2], $0x280, $0x38;
	[tilespmem:$0x2D80] =	vst v63  }
0x42: {  	_ =	swait.ge [sflag:s9], $0x280  }
0x43: {  	[sflag:s9] =	ssyncset.done $0x0  }
0x44: {  	[sflag:s9] =	ssyncadd.s32 $0xFFFFFD80  }
0x45: {  	[bflag:$0x0] =	sbarrier.arrive $0xFFFF  }
0x46: {  	[tilespmem:s3], [sflag:$0x2] =	stream.linear.gather [hbm4b:s5+s3], $0x2800, $0x38;
	[tilespmem:$0x2D80] =	vst v63  }
0x47: {  	_ =	swait.ge [sflag:s9], $0x2800  }
0x48: {  	[sflag:s9] =	ssyncset.done $0x0  }
0x49: {  	[sflag:s9] =	ssyncadd.s32 $0xFFFFD800  }
0x4a: {  	[spmem:s2] =	stream.indirect.scatter.add.f32 [tilespmem:s11], [sflag:$0x1], $0x1, s3, s10, $0xb8;
	[tilespmem:$0x2D80] =	vst v63  }
0x4b: {  	_ = 	snop  }
0x4c: {  	[spmem:s2] =	stream.indirect.scatter.add.f32 [tilespmem:s11], [sflag:$0x1], $0x1, s10, s10, $0xb8;
	[tilespmem:$0x2D80] =	vst v63  }
0x4d: {  	s28 =	simm.s32 $0x100  }
0x4e: {  	[spmem:s2] =	stream.indirect.scatter.add.f32 [tilespmem:s11], [sflag:$0x1], $0x1, s28, s10, $0xb8;
	[tilespmem:$0x2D80] =	vst v63  }
0x4f: {  	s28 =	simm.s32 $0x180  }
0x50: {  	[spmem:s2] =	stream.indirect.scatter.add.f32 [tilespmem:s11], [sflag:$0x1], $0x1, s28, s10, $0xb8;
	[tilespmem:$0x2D80] =	vst v63  }
0x51: {  	s28 =	simm.s32 $0x200  }
0x52: {  	[spmem:s2] =	stream.indirect.scatter.add.f32 [tilespmem:s11], [sflag:$0x1], $0x1, s28, s10, $0xb8;
	[tilespmem:$0x2D80] =	vst v63  }
0x53: {  	s28 =	simm.s32 $0x280  }
0x54: {  	[spmem:s2] =	stream.indirect.scatter.add.f32 [tilespmem:s11], [sflag:$0x1], $0x1, s28, s10, $0xb8;
	[tilespmem:$0x2D80] =	vst v63  }
0x55: {  	s28 =	simm.s32 $0x300  }
0x56: {  	[spmem:s2] =	stream.indirect.scatter.add.f32 [tilespmem:s11], [sflag:$0x1], $0x1, s28, s10, $0xb8;
	[tilespmem:$0x2D80] =	vst v63  }
0x57: {  	s28 =	simm.s32 $0x380  }
0x58: {  	[spmem:s2] =	stream.indirect.scatter.add.f32 [tilespmem:s11], [sflag:$0x1], $0x1, s28, s10, $0xb8;
	[tilespmem:$0x2D80] =	vst v63  }
0x59: {  	s28 =	simm.s32 $0x400  }
0x5a: {  	[spmem:s2] =	stream.indirect.scatter.add.f32 [tilespmem:s11], [sflag:$0x1], $0x1, s28, s10, $0xb8;
	[tilespmem:$0x2D80] =	vst v63  }
0x5b: {  	s28 =	simm.s32 $0x480  }
0x5c: {  	[spmem:s2] =	stream.indirect.scatter.add.f32 [tilespmem:s11], [sflag:$0x1], $0x1, s28, s10, $0xb8;
	[tilespmem:$0x2D80] =	vst v63  }
0x5d: {  	s28 =	simm.s32 $0x500  }
0x5e: {  	[spmem:s2] =	stream.indirect.scatter.add.f32 [tilespmem:s11], [sflag:$0x1], $0x1, s28, s10, $0xb8;
	[tilespmem:$0x2D80] =	vst v63  }
0x5f: {  	s28 =	simm.s32 $0x580  }
0x60: {  	[spmem:s2] =	stream.indirect.scatter.add.f32 [tilespmem:s11], [sflag:$0x1], $0x1, s28, s10, $0xb8;
	[tilespmem:$0x2D80] =	vst v63  }
0x61: {  	s28 =	simm.s32 $0x600  }
0x62: {  	[spmem:s2] =	stream.indirect.scatter.add.f32 [tilespmem:s11], [sflag:$0x1], $0x1, s28, s10, $0xb8;
	[tilespmem:$0x2D80] =	vst v63  }
0x63: {  	s28 =	simm.s32 $0x680  }
0x64: {  	[spmem:s2] =	stream.indirect.scatter.add.f32 [tilespmem:s11], [sflag:$0x1], $0x1, s28, s10, $0xb8;
	[tilespmem:$0x2D80] =	vst v63  }
0x65: {  	s28 =	simm.s32 $0x700  }
0x66: {  	[spmem:s2] =	stream.indirect.scatter.add.f32 [tilespmem:s11], [sflag:$0x1], $0x1, s28, s10, $0xb8;
	[tilespmem:$0x2D80] =	vst v63  }
0x67: {  	s28 =	simm.s32 $0x780  }
0x68: {  	[spmem:s2] =	stream.indirect.scatter.add.f32 [tilespmem:s11], [sflag:$0x1], $0x1, s28, s10, $0xb8;
	[tilespmem:$0x2D80] =	vst v63  }
0x69: {  	s28 =	simm.s32 $0x800  }
0x6a: {  	[spmem:s2] =	stream.indirect.scatter.add.f32 [tilespmem:s11], [sflag:$0x1], $0x1, s28, s10, $0xb8;
	[tilespmem:$0x2D80] =	vst v63  }
0x6b: {  	s28 =	simm.s32 $0x880  }
0x6c: {  	[spmem:s2] =	stream.indirect.scatter.add.f32 [tilespmem:s11], [sflag:$0x1], $0x1, s28, s10, $0xb8;
	[tilespmem:$0x2D80] =	vst v63  }
0x6d: {  	s28 =	simm.s32 $0x900  }
0x6e: {  	[spmem:s2] =	stream.indirect.scatter.add.f32 [tilespmem:s11], [sflag:$0x1], $0x1, s28, s10, $0xb8;
	[tilespmem:$0x2D80] =	vst v63  }
0x6f: {  	s28 =	simm.s32 $0x980  }
0x70: {  	[spmem:s2] =	stream.indirect.scatter.add.f32 [tilespmem:s11], [sflag:$0x1], $0x1, s28, s10, $0xb8;
	[tilespmem:$0x2D80] =	vst v63  }
0x71: {  	s28 =	simm.s32 $0xA00  }
0x72: {  	[spmem:s2] =	stream.indirect.scatter.add.f32 [tilespmem:s11], [sflag:$0x1], $0x1, s28, s10, $0xb8;
	[tilespmem:$0x2D80] =	vst v63  }
0x73: {  	s28 =	simm.s32 $0xA80  }
0x74: {  	[spmem:s2] =	stream.indirect.scatter.add.f32 [tilespmem:s11], [sflag:$0x1], $0x1, s28, s10, $0xb8;
	[tilespmem:$0x2D80] =	vst v63  }
0x75: {  	s28 =	simm.s32 $0xB00  }
0x76: {  	[spmem:s2] =	stream.indirect.scatter.add.f32 [tilespmem:s11], [sflag:$0x1], $0x1, s28, s10, $0xb8;
	[tilespmem:$0x2D80] =	vst v63  }
0x77: {  	s28 =	simm.s32 $0xB80  }
0x78: {  	[spmem:s2] =	stream.indirect.scatter.add.f32 [tilespmem:s11], [sflag:$0x1], $0x1, s28, s10, $0xb8;
	[tilespmem:$0x2D80] =	vst v63  }
0x79: {  	s28 =	simm.s32 $0xC00  }
0x7a: {  	[spmem:s2] =	stream.indirect.scatter.add.f32 [tilespmem:s11], [sflag:$0x1], $0x1, s28, s10, $0xb8;
	[tilespmem:$0x2D80] =	vst v63  }
0x7b: {  	s28 =	simm.s32 $0xC80  }
0x7c: {  	[spmem:s2] =	stream.indirect.scatter.add.f32 [tilespmem:s11], [sflag:$0x1], $0x1, s28, s10, $0xb8;
	[tilespmem:$0x2D80] =	vst v63  }
0x7d: {  	s28 =	simm.s32 $0xD00  }
0x7e: {  	[spmem:s2] =	stream.indirect.scatter.add.f32 [tilespmem:s11], [sflag:$0x1], $0x1, s28, s10, $0xb8;
	[tilespmem:$0x2D80] =	vst v63  }
0x7f: {  	s28 =	simm.s32 $0xD80  }
0x80: {  	[spmem:s2] =	stream.indirect.scatter.add.f32 [tilespmem:s11], [sflag:$0x1], $0x1, s28, s10, $0xb8;
	[tilespmem:$0x2D80] =	vst v63  }
0x81: {  	s28 =	simm.s32 $0xE00  }
0x82: {  	[spmem:s2] =	stream.indirect.scatter.add.f32 [tilespmem:s11], [sflag:$0x1], $0x1, s28, s10, $0xb8;
	[tilespmem:$0x2D80] =	vst v63  }
0x83: {  	s28 =	simm.s32 $0xE80  }
0x84: {  	[spmem:s2] =	stream.indirect.scatter.add.f32 [tilespmem:s11], [sflag:$0x1], $0x1, s28, s10, $0xb8;
	[tilespmem:$0x2D80] =	vst v63  }
0x85: {  	s28 =	simm.s32 $0xF00  }
0x86: {  	[spmem:s2] =	stream.indirect.scatter.add.f32 [tilespmem:s11], [sflag:$0x1], $0x1, s28, s10, $0xb8;
	[tilespmem:$0x2D80] =	vst v63  }
0x87: {  	s28 =	simm.s32 $0xF80  }
0x88: {  	[spmem:s2] =	stream.indirect.scatter.add.f32 [tilespmem:s11], [sflag:$0x1], $0x1, s28, s10, $0xb8;
	[tilespmem:$0x2D80] =	vst v63  }
0x89: {  	s28 =	simm.s32 $0x1000  }
0x8a: {  	[spmem:s2] =	stream.indirect.scatter.add.f32 [tilespmem:s11], [sflag:$0x1], $0x1, s28, s10, $0xb8;
	[tilespmem:$0x2D80] =	vst v63  }
0x8b: {  	s28 =	simm.s32 $0x1080  }
0x8c: {  	[spmem:s2] =	stream.indirect.scatter.add.f32 [tilespmem:s11], [sflag:$0x1], $0x1, s28, s10, $0xb8;
	[tilespmem:$0x2D80] =	vst v63  }
0x8d: {  	s28 =	simm.s32 $0x1100  }
0x8e: {  	[spmem:s2] =	stream.indirect.scatter.add.f32 [tilespmem:s11], [sflag:$0x1], $0x1, s28, s10, $0xb8;
	[tilespmem:$0x2D80] =	vst v63  }
0x8f: {  	s28 =	simm.s32 $0x1180  }
0x90: {  	[spmem:s2] =	stream.indirect.scatter.add.f32 [tilespmem:s11], [sflag:$0x1], $0x1, s28, s10, $0xb8;
	[tilespmem:$0x2D80] =	vst v63  }
0x91: {  	s28 =	simm.s32 $0x1200  }
0x92: {  	[spmem:s2] =	stream.indirect.scatter.add.f32 [tilespmem:s11], [sflag:$0x1], $0x1, s28, s10, $0xb8;
	[tilespmem:$0x2D80] =	vst v63  }
0x93: {  	s28 =	simm.s32 $0x1280  }
0x94: {  	[spmem:s2] =	stream.indirect.scatter.add.f32 [tilespmem:s11], [sflag:$0x1], $0x1, s28, s10, $0xb8;
	[tilespmem:$0x2D80] =	vst v63  }
0x95: {  	s28 =	simm.s32 $0x1300  }
0x96: {  	[spmem:s2] =	stream.indirect.scatter.add.f32 [tilespmem:s11], [sflag:$0x1], $0x1, s28, s10, $0xb8;
	[tilespmem:$0x2D80] =	vst v63  }
0x97: {  	s28 =	simm.s32 $0x1380  }
0x98: {  	[spmem:s2] =	stream.indirect.scatter.add.f32 [tilespmem:s11], [sflag:$0x1], $0x1, s28, s10, $0xb8;
	[tilespmem:$0x2D80] =	vst v63  }
0x99: {  	_ =	swait.ge [sflag:s29], $0x80  }
0x9a: {  	s28 =	simm.s32 $0x27;
	[sflag:s29] =	ssyncset.done $0x0  }
.LBB2_2:
0x9b: {  	p0 =	sne.s32 s28, $0x1;
	s28 =	sadd.s32 $0xFFFFFFFF, s28;
	[sflag:s29] =	ssyncadd.s32 $0xFFFFFF80  }
.Ltmp0:
0x9c: {  	(pc) =	sbr.rel @p0 .LBB2_2-.Ltmp0, $3  }
0x9d: {  	_ =	sdelay $0x1  }
0x9e: {  	_ =	swait.ge [sflag:s29], $0x80  }
0x9f: {  	[sflag:s29] =	ssyncset.done $0x0  }
0xa0: {  	[sflag:s29] =	ssyncadd.s32 $0xFFFFFF80;
	s28 =	simm.s32 $0x1400  }
0xa1: {  	[spmem:s2] =	stream.indirect.scatter.add.f32 [tilespmem:s11], [sflag:$0x1], $0x1, s28, s10, $0xb8;
	[tilespmem:$0x2D80] =	vst v63  }
0xa2: {  	s28 =	simm.s32 $0x1480  }
0xa3: {  	[spmem:s2] =	stream.indirect.scatter.add.f32 [tilespmem:s11], [sflag:$0x1], $0x1, s28, s10, $0xb8;
	[tilespmem:$0x2D80] =	vst v63  }
0xa4: {  	s28 =	simm.s32 $0x1500  }
0xa5: {  	[spmem:s2] =	stream.indirect.scatter.add.f32 [tilespmem:s11], [sflag:$0x1], $0x1, s28, s10, $0xb8;
	[tilespmem:$0x2D80] =	vst v63  }
0xa6: {  	s28 =	simm.s32 $0x1580  }
0xa7: {  	[spmem:s2] =	stream.indirect.scatter.add.f32 [tilespmem:s11], [sflag:$0x1], $0x1, s28, s10, $0xb8;
	[tilespmem:$0x2D80] =	vst v63  }
0xa8: {  	s28 =	simm.s32 $0x1600  }
0xa9: {  	[spmem:s2] =	stream.indirect.scatter.add.f32 [tilespmem:s11], [sflag:$0x1], $0x1, s28, s10, $0xb8;
	[tilespmem:$0x2D80] =	vst v63  }
0xaa: {  	s28 =	simm.s32 $0x1680  }
0xab: {  	[spmem:s2] =	stream.indirect.scatter.add.f32 [tilespmem:s11], [sflag:$0x1], $0x1, s28, s10, $0xb8;
	[tilespmem:$0x2D80] =	vst v63  }
0xac: {  	s28 =	simm.s32 $0x1700  }
0xad: {  	[spmem:s2] =	stream.indirect.scatter.add.f32 [tilespmem:s11], [sflag:$0x1], $0x1, s28, s10, $0xb8;
	[tilespmem:$0x2D80] =	vst v63  }
0xae: {  	s28 =	simm.s32 $0x1780  }
0xaf: {  	[spmem:s2] =	stream.indirect.scatter.add.f32 [tilespmem:s11], [sflag:$0x1], $0x1, s28, s10, $0xb8;
	[tilespmem:$0x2D80] =	vst v63  }
0xb0: {  	s28 =	simm.s32 $0x1800  }
0xb1: {  	[spmem:s2] =	stream.indirect.scatter.add.f32 [tilespmem:s11], [sflag:$0x1], $0x1, s28, s10, $0xb8;
	[tilespmem:$0x2D80] =	vst v63  }
0xb2: {  	s28 =	simm.s32 $0x1880  }
0xb3: {  	[spmem:s2] =	stream.indirect.scatter.add.f32 [tilespmem:s11], [sflag:$0x1], $0x1, s28, s10, $0xb8;
	[tilespmem:$0x2D80] =	vst v63  }
0xb4: {  	s28 =	simm.s32 $0x1900  }
0xb5: {  	[spmem:s2] =	stream.indirect.scatter.add.f32 [tilespmem:s11], [sflag:$0x1], $0x1, s28, s10, $0xb8;
	[tilespmem:$0x2D80] =	vst v63  }
0xb6: {  	s28 =	simm.s32 $0x1980  }
0xb7: {  	[spmem:s2] =	stream.indirect.scatter.add.f32 [tilespmem:s11], [sflag:$0x1], $0x1, s28, s10, $0xb8;
	[tilespmem:$0x2D80] =	vst v63  }
0xb8: {  	s28 =	simm.s32 $0x1A00  }
0xb9: {  	[spmem:s2] =	stream.indirect.scatter.add.f32 [tilespmem:s11], [sflag:$0x1], $0x1, s28, s10, $0xb8;
	[tilespmem:$0x2D80] =	vst v63  }
0xba: {  	s28 =	simm.s32 $0x1A80  }
0xbb: {  	[spmem:s2] =	stream.indirect.scatter.add.f32 [tilespmem:s11], [sflag:$0x1], $0x1, s28, s10, $0xb8;
	[tilespmem:$0x2D80] =	vst v63  }
0xbc: {  	s28 =	simm.s32 $0x1B00  }
0xbd: {  	[spmem:s2] =	stream.indirect.scatter.add.f32 [tilespmem:s11], [sflag:$0x1], $0x1, s28, s10, $0xb8;
	[tilespmem:$0x2D80] =	vst v63  }
0xbe: {  	s28 =	simm.s32 $0x1B80  }
0xbf: {  	[spmem:s2] =	stream.indirect.scatter.add.f32 [tilespmem:s11], [sflag:$0x1], $0x1, s28, s10, $0xb8;
	[tilespmem:$0x2D80] =	vst v63  }
0xc0: {  	s28 =	simm.s32 $0x1C00  }
0xc1: {  	[spmem:s2] =	stream.indirect.scatter.add.f32 [tilespmem:s11], [sflag:$0x1], $0x1, s28, s10, $0xb8;
	[tilespmem:$0x2D80] =	vst v63  }
0xc2: {  	s28 =	simm.s32 $0x1C80  }
0xc3: {  	[spmem:s2] =	stream.indirect.scatter.add.f32 [tilespmem:s11], [sflag:$0x1], $0x1, s28, s10, $0xb8;
	[tilespmem:$0x2D80] =	vst v63  }
0xc4: {  	s28 =	simm.s32 $0x1D00  }
0xc5: {  	[spmem:s2] =	stream.indirect.scatter.add.f32 [tilespmem:s11], [sflag:$0x1], $0x1, s28, s10, $0xb8;
	[tilespmem:$0x2D80] =	vst v63  }
0xc6: {  	s28 =	simm.s32 $0x1D80  }
0xc7: {  	[spmem:s2] =	stream.indirect.scatter.add.f32 [tilespmem:s11], [sflag:$0x1], $0x1, s28, s10, $0xb8;
	[tilespmem:$0x2D80] =	vst v63  }
0xc8: {  	s28 =	simm.s32 $0x1E00  }
0xc9: {  	[spmem:s2] =	stream.indirect.scatter.add.f32 [tilespmem:s11], [sflag:$0x1], $0x1, s28, s10, $0xb8;
	[tilespmem:$0x2D80] =	vst v63  }
0xca: {  	s28 =	simm.s32 $0x1E80  }
0xcb: {  	[spmem:s2] =	stream.indirect.scatter.add.f32 [tilespmem:s11], [sflag:$0x1], $0x1, s28, s10, $0xb8;
	[tilespmem:$0x2D80] =	vst v63  }
0xcc: {  	_ = 	snop  }
0xcd: {  	[spmem:s2] =	stream.indirect.scatter.add.f32 [tilespmem:s11], [sflag:$0x1], $0x1, s31, s10, $0xb8;
	[tilespmem:$0x2D80] =	vst v63  }
0xce: {  	_ = 	snop  }
0xcf: {  	[spmem:s2] =	stream.indirect.scatter.add.f32 [tilespmem:s11], [sflag:$0x1], $0x1, s0, s10, $0xb8;
	[tilespmem:$0x2D80] =	vst v63  }
0xd0: {  	_ = 	snop  }
0xd1: {  	[spmem:s2] =	stream.indirect.scatter.add.f32 [tilespmem:s11], [sflag:$0x1], $0x1, s8, s10, $0xb8;
	[tilespmem:$0x2D80] =	vst v63  }
0xd2: {  	_ = 	snop  }
0xd3: {  	[spmem:s2] =	stream.indirect.scatter.add.f32 [tilespmem:s11], [sflag:$0x1], $0x1, s1, s10, $0xb8;
	[tilespmem:$0x2D80] =	vst v63  }
0xd4: {  	_ = 	snop  }
0xd5: {  	[spmem:s2] =	stream.indirect.scatter.add.f32 [tilespmem:s11], [sflag:$0x1], $0x1, s12, s10, $0xb8;
	[tilespmem:$0x2D80] =	vst v63  }
0xd6: {  	_ = 	snop  }
0xd7: {  	[spmem:s2] =	stream.indirect.scatter.add.f32 [tilespmem:s11], [sflag:$0x1], $0x1, s13, s10, $0xb8;
	[tilespmem:$0x2D80] =	vst v63  }
0xd8: {  	_ = 	snop  }
0xd9: {  	[spmem:s2] =	stream.indirect.scatter.add.f32 [tilespmem:s11], [sflag:$0x1], $0x1, s14, s10, $0xb8;
	[tilespmem:$0x2D80] =	vst v63  }
0xda: {  	_ = 	snop  }
0xdb: {  	[spmem:s2] =	stream.indirect.scatter.add.f32 [tilespmem:s11], [sflag:$0x1], $0x1, s15, s10, $0xb8;
	[tilespmem:$0x2D80] =	vst v63  }
0xdc: {  	_ = 	snop  }
0xdd: {  	[spmem:s2] =	stream.indirect.scatter.add.f32 [tilespmem:s11], [sflag:$0x1], $0x1, s16, s10, $0xb8;
	[tilespmem:$0x2D80] =	vst v63  }
0xde: {  	_ = 	snop  }
0xdf: {  	[spmem:s2] =	stream.indirect.scatter.add.f32 [tilespmem:s11], [sflag:$0x1], $0x1, s17, s10, $0xb8;
	[tilespmem:$0x2D80] =	vst v63  }
0xe0: {  	_ = 	snop  }
0xe1: {  	[spmem:s2] =	stream.indirect.scatter.add.f32 [tilespmem:s11], [sflag:$0x1], $0x1, s18, s10, $0xb8;
	[tilespmem:$0x2D80] =	vst v63  }
0xe2: {  	_ = 	snop  }
0xe3: {  	[spmem:s2] =	stream.indirect.scatter.add.f32 [tilespmem:s11], [sflag:$0x1], $0x1, s19, s10, $0xb8;
	[tilespmem:$0x2D80] =	vst v63  }
0xe4: {  	_ = 	snop  }
0xe5: {  	[spmem:s2] =	stream.indirect.scatter.add.f32 [tilespmem:s11], [sflag:$0x1], $0x1, s20, s10, $0xb8;
	[tilespmem:$0x2D80] =	vst v63  }
0xe6: {  	_ = 	snop  }
0xe7: {  	[spmem:s2] =	stream.indirect.scatter.add.f32 [tilespmem:s11], [sflag:$0x1], $0x1, s21, s10, $0xb8;
	[tilespmem:$0x2D80] =	vst v63  }
0xe8: {  	_ = 	snop  }
0xe9: {  	[spmem:s2] =	stream.indirect.scatter.add.f32 [tilespmem:s11], [sflag:$0x1], $0x1, s22, s10, $0xb8;
	[tilespmem:$0x2D80] =	vst v63  }
0xea: {  	_ = 	snop  }
0xeb: {  	[spmem:s2] =	stream.indirect.scatter.add.f32 [tilespmem:s11], [sflag:$0x1], $0x1, s23, s10, $0xb8;
	[tilespmem:$0x2D80] =	vst v63  }
0xec: {  	_ = 	snop  }
0xed: {  	[spmem:s2] =	stream.indirect.scatter.add.f32 [tilespmem:s11], [sflag:$0x1], $0x1, s24, s10, $0xb8;
	[tilespmem:$0x2D80] =	vst v63  }
0xee: {  	_ = 	snop  }
0xef: {  	[spmem:s2] =	stream.indirect.scatter.add.f32 [tilespmem:s11], [sflag:$0x1], $0x1, s25, s10, $0xb8;
	[tilespmem:$0x2D80] =	vst v63  }
0xf0: {  	_ =	swait.ge [sflag:s29], $0x80  }
0xf1: {  	s28 =	simm.s32 $0x27;
	[sflag:s29] =	ssyncset.done $0x0  }
.LBB2_4:
0xf2: {  	p0 =	sne.s32 s28, $0x1;
	s28 =	sadd.s32 $0xFFFFFFFF, s28;
	[sflag:s29] =	ssyncadd.s32 $0xFFFFFF80  }
.Ltmp1:
0xf3: {  	(pc) =	sbr.rel @p0 .LBB2_4-.Ltmp1, $3  }
0xf4: {  	_ =	sdelay $0x1  }
0xf5: {  	_ =	swait.ge [sflag:s29], $0x80  }
0xf6: {  	[sflag:s29] =	ssyncset.done $0x0  }
0xf7: {  	[sflag:s29] =	ssyncadd.s32 $0xFFFFFF80;
	s28 =	stileid.u32;
	s26 =	sadd.s32 $0x1, s26  }
0xf8: {  	s30 =	sshrl.u32 s4, $0x3;
	s28 =	sshll.u32 s28, $0x6;
	p0 =	sne.s32 s26, s7  }
.Ltmp2:
0xf9: {  	[bflag:$0x0] =	sbarrier.arrive $0xFFFF;
	s28 =	sor.u32 $0x1C02, s28;
	(pc) =	sbr.rel @p0 .LBB2_1-.Ltmp2, $4  }
0xfa: {  	[hbm:s6], [sflag:s28] =	dma.local [spmem:s30], $0x50  }
0xfb: {  	_ =	swait.ge [sflag:s9], $0x50  }
0xfc: {  	[sflag:s9] =	ssyncset.done $0x0  }
0xfd: {  	[sflag:s9] =	ssyncadd.s32 $0xFFFFFFB0  }
0xfe: {  	_ =	sfence.sel $0x180000  }
0xff: {  	[bflag:$0x0] =	sbarrier.arrive $0xFFFF  }
0x100: {  	_ =	strace $0x90000047  }
0x101: {  	s0 =	stileid.u32;
	[bflag:$0x2] =	sbarrier.arrive $0xFFFF  }
0x102: {  	p0 =	sne.s32 s0, $0x0;
	s0 =	rddreg [dreg:$0x2]  }
0x103: {  	s0 =	sadd.s32 @!p0 $0x100000, s0  }
0x104: {  	[sflag:s0] =	ssyncadd.tile.s32 @!p0 $0x1;
	_ =	shalt  }
.Lfunc_end2:
_tile_overlayer_lowered:
.L_overlay_start_2:
0x105: {  	(tag) =	ssettag $0x2  }
0x106: {  	s0 =	rddreg [dreg:$0x0];
	s2 =	stileid.u32  }
0x107: {  	s1 =	rddreg [dreg:$0x1];
	p0 =	sne.s32 s2, $0x0  }
0x108: {  	s3 =	rddreg [dreg:$0x2];
	[bflag:$0x3] =	sbarrier.arrive $0xFFFF;
	s2 =	simm.s32 @!p0 $0x1C02  }
0x109: {  	[timem:s3], [sflag:s2] =	dma.local @!p0 [hbm:s0], s1  }
0x10a: {  	s0 =	simm.s32 @!p0 $0x2  }
0x10b: {  	_ =	swait.ge @!p0 [sflag:s0], s1  }
0x10c: {  	s1 =	ssub.s32 @!p0 $0x0, s1;
	[sflag:s0] =	ssyncset.done @!p0 $0x0  }
0x10d: {  	[sflag:s0] =	ssyncadd.s32 @!p0 s1  }
0x10e: {  	[bflag:$0x3] =	sbarrier.arrive $0xFFFF  }
0x10f: {  	_ =	shalt  }

</sc_bundles>
